<compile_context>
chip_gen: v7x
topology: tpu7x:2x2x1
jax: 0.10.2.dev20260603
libtpu: 0.0.44.dev20260713+nightly
codegen_flags: <defaults>
</compile_context>

<pallas_src>
import jax
import jax.numpy as jnp
from jax import lax
from jax.experimental import pallas as pl
from jax.experimental.pallas import tpu as pltpu
from jax.experimental.pallas import tpu_sc as plsc

_NC = 2
_NS = 16
_L = 16

_T = 200
_D = 64
_ROW = (_T + 1) * _D
_NW = _NC * _NS
_NBUF = 2
_RPB = 1


def _sc_body(x_hbm, tok_hbm, cls_hbm, pos_hbm, out_hbm,
             posv, xv, outb0, outb1, sem0, sem1):
    spw = out_hbm.shape[0] // _NW
    xpw = spw * _RPB * _T
    wid = lax.axis_index("s") * _NC + lax.axis_index("c")
    rb = wid * spw
    outb = (outb0, outb1)
    sems = (sem0, sem1)

    pltpu.sync_copy(pos_hbm, posv.at[pl.ds(0, _ROW)])
    pltpu.sync_copy(tok_hbm, posv.at[pl.ds(_ROW, 2 * _D)])
    pltpu.sync_copy(cls_hbm, posv.at[pl.ds(_ROW + 2 * _D, _D)])
    pltpu.sync_copy(x_hbm.at[pl.ds(wid * xpw, xpw)], xv.at[pl.ds(0, xpw)])

    e0 = [posv[pl.ds(_ROW + c * _L, _L)] for c in range(4)]
    e1 = [posv[pl.ds(_ROW + _D + c * _L, _L)] for c in range(4)]
    clsv = [posv[pl.ds(_ROW + 2 * _D + c * _L, _L)] for c in range(4)]
    diffs = [e1[c] - e0[c] for c in range(4)]

    def fold(t, carry):
        for c in range(4):
            o = t * _D + c * _L
            posv[pl.ds(o, _L)] = posv[pl.ds(o, _L)] + e0[c]
        return carry
    lax.fori_loop(0, _T, fold, 0)
    for c in range(4):
        o = _T * _D + c * _L
        posv[pl.ds(o, _L)] = posv[pl.ds(o, _L)] + clsv[c]

    def emit_token(ob, xf, j, ob_off, pos_off):
        xb = lax.gather(
            xf, jnp.full((_L, 1), j, jnp.int32),
            lax.GatherDimensionNumbers(offset_dims=(), collapsed_slice_dims=(0,),
                                       start_index_map=(0,)),
            (1,), mode=lax.GatherScatterMode.PROMISE_IN_BOUNDS)
        for c in range(4):
            ob[pl.ds(ob_off + c * _L, _L)] = (
                posv[pl.ds(pos_off + c * _L, _L)] + xb * diffs[c])

    def compute_rows(ls, ob):
        for r in range(_RPB):
            xrow = (ls * _RPB + r) * _T
            ob_base = r * _ROW

            def chunk(tc, carry, xrow=xrow, ob_base=ob_base):
                xf = xv[pl.ds(xrow + tc * _L, _L)].astype(jnp.float32)
                for j in range(_L):
                    tb = (tc * _L + j) * _D
                    emit_token(ob, xf, j, ob_base + tb, tb)
                return carry
            lax.fori_loop(0, _T // _L, chunk, 0)
            nfull = (_T // _L) * _L
            xf = xv[pl.ds(xrow + nfull, _L)].astype(jnp.float32)
            for j in range(_T - nfull):
                tb = (nfull + j) * _D
                emit_token(ob, xf, j, ob_base + tb, tb)
            for c in range(4):
                ob[pl.ds(ob_base + _T * _D + c * _L, _L)] = (
                    posv[pl.ds(_T * _D + c * _L, _L)])

    def group(g, carry):
        for k in range(_NBUF):
            ls = g * _NBUF + k

            @pl.when(g > 0)
            def _wait():
                pltpu.make_async_copy(outb[k], out_hbm.at[rb + ls],
                                      sems[k]).wait()

            compute_rows(ls, outb[k])
            pltpu.async_copy(outb[k], out_hbm.at[rb + ls], sems[k])
        return carry

    lax.fori_loop(0, spw // _NBUF, group, 0)
    for k in range(_NBUF):
        pltpu.make_async_copy(outb[k], out_hbm.at[rb], sems[k]).wait()


def kernel(x, token_embedding, cls, position_embedding):
    B, T = x.shape
    D = token_embedding.shape[1]
    xpw = B * _T // _NW
    mesh = plsc.VectorSubcoreMesh(core_axis_name="c", subcore_axis_name="s")
    run = pl.kernel(
        _sc_body,
        mesh=mesh,
        out_type=jax.ShapeDtypeStruct((B // _RPB, _RPB * _ROW), jnp.float32),
        scratch_types=[
            pltpu.VMEM((_ROW + 3 * _D,), jnp.float32),
            pltpu.VMEM((xpw + _L,), jnp.int32),
            pltpu.VMEM((_RPB * _ROW,), jnp.float32),
            pltpu.VMEM((_RPB * _ROW,), jnp.float32),
            pltpu.SemaphoreType.DMA,
            pltpu.SemaphoreType.DMA,
        ],
    )
    out = run(
        x.astype(jnp.int32).reshape(-1),
        token_embedding.reshape(-1),
        cls.reshape(-1),
        position_embedding.reshape(-1),
    )
    return out.reshape(B, T + 1, D)

# --- scband reference (transcript-rebuilt; emitter-appended) ---
"""Pipeline reference for scband-binary-embedding-70643622084882 (READ-ONLY COPY).

The authoritative reference and input builder live on the scoring server;
editing this copy changes nothing except your own understanding.
"""

import jax, jax.numpy as jnp
import numpy as np

T = 200
D = 64
B = 4096

def setup_inputs(seed: int = 0) -> dict:
    key = jax.random.key(seed)
    k1, k2, k3, k4 = jax.random.split(key, 4)
    x = jax.random.randint(k1, (B, T), 0, 2, dtype=jnp.int64)
    token_embedding = jax.random.normal(k2, (2, D), dtype=jnp.float32) * 0.02
    cls = jax.random.normal(k3, (1, 1, D), dtype=jnp.float32) * 0.02
    position_embedding = jax.random.normal(k4, (1, T + 1, D), dtype=jnp.float32) * 0.02
    return {"x": x, "token_embedding": token_embedding, "cls": cls, "position_embedding": position_embedding}

def reference(x, token_embedding, cls, position_embedding):
    Bsz = x.shape[0]
    emb = jnp.take(token_embedding, x, axis=0)  # [B, T, D]
    cls_exp = jnp.broadcast_to(cls, (Bsz, 1, cls.shape[-1]))
    out = jnp.concatenate([emb, cls_exp], axis=1)  # [B, T+1, D]
    out = out + position_embedding
    return out

if __name__ == "__main__":
    import jax
    _d = setup_inputs()
    print(jax.jit(kernel)(*tuple(_d.values())))

</pallas_src>

<mosaic_0001>
#map = affine_map<(d0, d1) -> (0)>
#map1 = affine_map<(d0, d1) -> (0, 0)>
module attributes {stable_mosaic.version = 14 : i64} {
  func.func @_sc_body(%arg0: i32, %arg1: i32, %arg2: memref<819200xi32, #tpu.memory_space<hbm>>, %arg3: memref<128xf32, #tpu.memory_space<hbm>>, %arg4: memref<64xf32, #tpu.memory_space<hbm>>, %arg5: memref<12864xf32, #tpu.memory_space<hbm>>, %arg6: memref<4096x12864xf32, #tpu.memory_space<hbm>>, %arg7: memref<13056xf32, #tpu.memory_space<vmem>>, %arg8: memref<25616xi32, #tpu.memory_space<vmem>>, %arg9: memref<12864xf32, #tpu.memory_space<vmem>>, %arg10: memref<12864xf32, #tpu.memory_space<vmem>>, %arg11: memref<!tpu.dma_semaphore, #tpu.memory_space<semaphore_mem>>, %arg12: memref<!tpu.dma_semaphore, #tpu.memory_space<semaphore_mem>>) attributes {dimension_semantics = [#tpu.dimension_semantics<core_parallel>, #tpu.dimension_semantics<subcore_parallel>], iteration_bounds = array<i64: 2, 16>, scalar_prefetch = 0 : i64, scratch_operands = 6 : i64, tpu.core_type = #tpu.core_type<sc_vector_subcore>, window_params = [{transform_indices = #map}, {transform_indices = #map}, {transform_indices = #map}, {transform_indices = #map}, {transform_indices = #map1}]} {
    %mul3A = arith.constant 2 : i32
    %mul3A_0 = arith.muli %arg1, %mul3A : i32
    %add3A = arith.addi %mul3A_0, %arg0 : i32
    %mul3A_1 = arith.constant 128 : i32
    %mul3A_2 = arith.muli %add3A, %mul3A_1 : i32
    "tpu.region"() ({
      %run_scoped3A = tpu.sem_alloc : memref<!tpu.dma_semaphore, #tpu.memory_space<semaphore_mem>>
      %dma_start3A = arith.constant 0 : i32
      %dma_start3A_96 = tpu.memref_slice %arg7[%dma_start3A] : memref<13056xf32, #tpu.memory_space<vmem>> -> memref<12864xf32, #tpu.memory_space<vmem>>
      %dma_start3A_97 = arith.constant 0 : i32
      %dma_start3A_98 = tpu.memref_slice %arg7[%dma_start3A_97] : memref<13056xf32, #tpu.memory_space<vmem>> -> memref<12864xf32, #tpu.memory_space<vmem>>
      tpu.enqueue_dma source(%arg5 : memref<12864xf32, #tpu.memory_space<hbm>>) target(%dma_start3A_98 : memref<12864xf32, #tpu.memory_space<vmem>>) target_semaphore(%run_scoped3A : memref<!tpu.dma_semaphore, #tpu.memory_space<semaphore_mem>>)
      %dma_wait3A_99 = arith.constant 0 : i32
      %dma_wait3A_100 = tpu.memref_slice %arg7[%dma_wait3A_99] : memref<13056xf32, #tpu.memory_space<vmem>> -> memref<12864xf32, #tpu.memory_space<vmem>>
      %dma_wait3A_101 = arith.constant 0 : i32
      %dma_wait3A_102 = tpu.memref_slice %arg7[%dma_wait3A_101] : memref<13056xf32, #tpu.memory_space<vmem>> -> memref<12864xf32, #tpu.memory_space<vmem>>
      tpu.wait_dma2 semaphore(%run_scoped3A : memref<!tpu.dma_semaphore, #tpu.memory_space<semaphore_mem>>) src(%arg5 : memref<12864xf32, #tpu.memory_space<hbm>>) dst(%dma_wait3A_102 : memref<12864xf32, #tpu.memory_space<vmem>>)
      tpu.yield
    }) : () -> ()
    "tpu.region"() ({
      %run_scoped3A = tpu.sem_alloc : memref<!tpu.dma_semaphore, #tpu.memory_space<semaphore_mem>>
      %dma_start3A = arith.constant 12864 : i32
      %dma_start3A_96 = tpu.memref_slice %arg7[%dma_start3A] : memref<13056xf32, #tpu.memory_space<vmem>> -> memref<128xf32, #tpu.memory_space<vmem>>
      %dma_start3A_97 = arith.constant 12864 : i32
      %dma_start3A_98 = tpu.memref_slice %arg7[%dma_start3A_97] : memref<13056xf32, #tpu.memory_space<vmem>> -> memref<128xf32, #tpu.memory_space<vmem>>
      tpu.enqueue_dma source(%arg3 : memref<128xf32, #tpu.memory_space<hbm>>) target(%dma_start3A_98 : memref<128xf32, #tpu.memory_space<vmem>>) target_semaphore(%run_scoped3A : memref<!tpu.dma_semaphore, #tpu.memory_space<semaphore_mem>>)
      %dma_wait3A_99 = arith.constant 12864 : i32
      %dma_wait3A_100 = tpu.memref_slice %arg7[%dma_wait3A_99] : memref<13056xf32, #tpu.memory_space<vmem>> -> memref<128xf32, #tpu.memory_space<vmem>>
      %dma_wait3A_101 = arith.constant 12864 : i32
      %dma_wait3A_102 = tpu.memref_slice %arg7[%dma_wait3A_101] : memref<13056xf32, #tpu.memory_space<vmem>> -> memref<128xf32, #tpu.memory_space<vmem>>
      tpu.wait_dma2 semaphore(%run_scoped3A : memref<!tpu.dma_semaphore, #tpu.memory_space<semaphore_mem>>) src(%arg3 : memref<128xf32, #tpu.memory_space<hbm>>) dst(%dma_wait3A_102 : memref<128xf32, #tpu.memory_space<vmem>>)
      tpu.yield
    }) : () -> ()
    "tpu.region"() ({
      %run_scoped3A = tpu.sem_alloc : memref<!tpu.dma_semaphore, #tpu.memory_space<semaphore_mem>>
      %dma_start3A = arith.constant 12992 : i32
      %dma_start3A_96 = tpu.memref_slice %arg7[%dma_start3A] : memref<13056xf32, #tpu.memory_space<vmem>> -> memref<64xf32, #tpu.memory_space<vmem>>
      %dma_start3A_97 = arith.constant 12992 : i32
      %dma_start3A_98 = tpu.memref_slice %arg7[%dma_start3A_97] : memref<13056xf32, #tpu.memory_space<vmem>> -> memref<64xf32, #tpu.memory_space<vmem>>
      tpu.enqueue_dma source(%arg4 : memref<64xf32, #tpu.memory_space<hbm>>) target(%dma_start3A_98 : memref<64xf32, #tpu.memory_space<vmem>>) target_semaphore(%run_scoped3A : memref<!tpu.dma_semaphore, #tpu.memory_space<semaphore_mem>>)
      %dma_wait3A_99 = arith.constant 12992 : i32
      %dma_wait3A_100 = tpu.memref_slice %arg7[%dma_wait3A_99] : memref<13056xf32, #tpu.memory_space<vmem>> -> memref<64xf32, #tpu.memory_space<vmem>>
      %dma_wait3A_101 = arith.constant 12992 : i32
      %dma_wait3A_102 = tpu.memref_slice %arg7[%dma_wait3A_101] : memref<13056xf32, #tpu.memory_space<vmem>> -> memref<64xf32, #tpu.memory_space<vmem>>
      tpu.wait_dma2 semaphore(%run_scoped3A : memref<!tpu.dma_semaphore, #tpu.memory_space<semaphore_mem>>) src(%arg4 : memref<64xf32, #tpu.memory_space<hbm>>) dst(%dma_wait3A_102 : memref<64xf32, #tpu.memory_space<vmem>>)
      tpu.yield
    }) : () -> ()
    %mul3A_3 = arith.constant 25600 : i32
    %mul3A_4 = arith.muli %add3A, %mul3A_3 : i32
    "tpu.region"() ({
      %run_scoped3A = tpu.sem_alloc : memref<!tpu.dma_semaphore, #tpu.memory_space<semaphore_mem>>
      %dma_start3A = arith.constant 0 : i32
      %dma_start3A_96 = tpu.memref_slice %arg8[%dma_start3A] : memref<25616xi32, #tpu.memory_space<vmem>> -> memref<25600xi32, #tpu.memory_space<vmem>>
      %dma_start3A_97 = tpu.memref_slice %arg2[%mul3A_4] : memref<819200xi32, #tpu.memory_space<hbm>> -> memref<25600xi32, #tpu.memory_space<hbm>>
      %dma_start3A_98 = arith.constant 0 : i32
      %dma_start3A_99 = tpu.memref_slice %arg8[%dma_start3A_98] : memref<25616xi32, #tpu.memory_space<vmem>> -> memref<25600xi32, #tpu.memory_space<vmem>>
      %dma_start3A_100 = tpu.memref_slice %arg2[%mul3A_4] : memref<819200xi32, #tpu.memory_space<hbm>> -> memref<25600xi32, #tpu.memory_space<hbm>>
      tpu.enqueue_dma source(%dma_start3A_100 : memref<25600xi32, #tpu.memory_space<hbm>>) target(%dma_start3A_99 : memref<25600xi32, #tpu.memory_space<vmem>>) target_semaphore(%run_scoped3A : memref<!tpu.dma_semaphore, #tpu.memory_space<semaphore_mem>>)
      %dma_wait3A_101 = arith.constant 0 : i32
      %dma_wait3A_102 = tpu.memref_slice %arg8[%dma_wait3A_101] : memref<25616xi32, #tpu.memory_space<vmem>> -> memref<25600xi32, #tpu.memory_space<vmem>>
      %dma_wait3A_103 = tpu.memref_slice %arg2[%mul3A_4] : memref<819200xi32, #tpu.memory_space<hbm>> -> memref<25600xi32, #tpu.memory_space<hbm>>
      %dma_wait3A_104 = arith.constant 0 : i32
      %dma_wait3A_105 = tpu.memref_slice %arg8[%dma_wait3A_104] : memref<25616xi32, #tpu.memory_space<vmem>> -> memref<25600xi32, #tpu.memory_space<vmem>>
      %dma_wait3A_106 = tpu.memref_slice %arg2[%mul3A_4] : memref<819200xi32, #tpu.memory_space<hbm>> -> memref<25600xi32, #tpu.memory_space<hbm>>
      tpu.wait_dma2 semaphore(%run_scoped3A : memref<!tpu.dma_semaphore, #tpu.memory_space<semaphore_mem>>) src(%dma_wait3A_106 : memref<25600xi32, #tpu.memory_space<hbm>>) dst(%dma_wait3A_105 : memref<25600xi32, #tpu.memory_space<vmem>>)
      tpu.yield
    }) : () -> ()
    %get3A = arith.constant 12864 : index
    %get3A_5 = tpu.vector_load %arg7[%get3A] {strides = array<i32>} : memref<13056xf32, #tpu.memory_space<vmem>>, vector<16xf32>,
    %get3A_6 = vector.shape_cast %get3A_5 : vector<16xf32> to vector<16xf32>
    %get3A_7 = arith.constant 12880 : index
    %get3A_8 = tpu.vector_load %arg7[%get3A_7] {strides = array<i32>} : memref<13056xf32, #tpu.memory_space<vmem>>, vector<16xf32>,
    %get3A_9 = vector.shape_cast %get3A_8 : vector<16xf32> to vector<16xf32>
    %get3A_10 = arith.constant 12896 : index
    %get3A_11 = tpu.vector_load %arg7[%get3A_10] {strides = array<i32>} : memref<13056xf32, #tpu.memory_space<vmem>>, vector<16xf32>,
    %get3A_12 = vector.shape_cast %get3A_11 : vector<16xf32> to vector<16xf32>
    %get3A_13 = arith.constant 12912 : index
    %get3A_14 = tpu.vector_load %arg7[%get3A_13] {strides = array<i32>} : memref<13056xf32, #tpu.memory_space<vmem>>, vector<16xf32>,
    %get3A_15 = vector.shape_cast %get3A_14 : vector<16xf32> to vector<16xf32>
    %get3A_16 = arith.constant 12928 : index
    %get3A_17 = tpu.vector_load %arg7[%get3A_16] {strides = array<i32>} : memref<13056xf32, #tpu.memory_space<vmem>>, vector<16xf32>,
    %get3A_18 = vector.shape_cast %get3A_17 : vector<16xf32> to vector<16xf32>
    %get3A_19 = arith.constant 12944 : index
    %get3A_20 = tpu.vector_load %arg7[%get3A_19] {strides = array<i32>} : memref<13056xf32, #tpu.memory_space<vmem>>, vector<16xf32>,
    %get3A_21 = vector.shape_cast %get3A_20 : vector<16xf32> to vector<16xf32>
    %get3A_22 = arith.constant 12960 : index
    %get3A_23 = tpu.vector_load %arg7[%get3A_22] {strides = array<i32>} : memref<13056xf32, #tpu.memory_space<vmem>>, vector<16xf32>,
    %get3A_24 = vector.shape_cast %get3A_23 : vector<16xf32> to vector<16xf32>
    %get3A_25 = arith.constant 12976 : index
    %get3A_26 = tpu.vector_load %arg7[%get3A_25] {strides = array<i32>} : memref<13056xf32, #tpu.memory_space<vmem>>, vector<16xf32>,
    %get3A_27 = vector.shape_cast %get3A_26 : vector<16xf32> to vector<16xf32>
    %get3A_28 = arith.constant 12992 : index
    %get3A_29 = tpu.vector_load %arg7[%get3A_28] {strides = array<i32>} : memref<13056xf32, #tpu.memory_space<vmem>>, vector<16xf32>,
    %get3A_30 = vector.shape_cast %get3A_29 : vector<16xf32> to vector<16xf32>
    %get3A_31 = arith.constant 13008 : index
    %get3A_32 = tpu.vector_load %arg7[%get3A_31] {strides = array<i32>} : memref<13056xf32, #tpu.memory_space<vmem>>, vector<16xf32>,
    %get3A_33 = vector.shape_cast %get3A_32 : vector<16xf32> to vector<16xf32>
    %get3A_34 = arith.constant 13024 : index
    %get3A_35 = tpu.vector_load %arg7[%get3A_34] {strides = array<i32>} : memref<13056xf32, #tpu.memory_space<vmem>>, vector<16xf32>,
    %get3A_36 = vector.shape_cast %get3A_35 : vector<16xf32> to vector<16xf32>
    %get3A_37 = arith.constant 13040 : index
    %get3A_38 = tpu.vector_load %arg7[%get3A_37] {strides = array<i32>} : memref<13056xf32, #tpu.memory_space<vmem>>, vector<16xf32>,
    %get3A_39 = vector.shape_cast %get3A_38 : vector<16xf32> to vector<16xf32>
    %sub3A = arith.subf %get3A_18, %get3A_6 : vector<16xf32>
    %sub3A_40 = arith.subf %get3A_21, %get3A_9 : vector<16xf32>
    %sub3A_41 = arith.subf %get3A_24, %get3A_12 : vector<16xf32>
    %sub3A_42 = arith.subf %get3A_27, %get3A_15 : vector<16xf32>
    %scan3A = arith.constant 0 : i32
    %scan3A_43 = arith.constant 0 : i32
    %scan3A_44 = arith.constant 200 : i32
    %scan3A_45 = arith.addi %scan3A_43, %scan3A_44 : i32
    %scan3A_46 = arith.constant 1 : i32
    scf.for %scan3A_96 = %scan3A_43 to %scan3A_45 step %scan3A_46  : i32 {
      %mul3A_97 = arith.constant 64 : i32
      %mul3A_98 = arith.muli %scan3A_96, %mul3A_97 : i32
      %add3A_99 = arith.constant 0 : i32
      %add3A_100 = arith.addi %mul3A_98, %add3A_99 : i32
      %get3A_101 = arith.index_cast %add3A_100 : i32 to index
      %get3A_102 = tpu.vector_load %arg7[%get3A_101] {strides = array<i32>} : memref<13056xf32, #tpu.memory_space<vmem>>, vector<16xf32>,
      %get3A_103 = vector.shape_cast %get3A_102 : vector<16xf32> to vector<16xf32>
      %add3A_104 = arith.addf %get3A_103, %get3A_6 : vector<16xf32>
      %swap3A_105 = arith.index_cast %add3A_100 : i32 to index
      %swap3A_106 = tpu.vector_load %arg7[%swap3A_105] {strides = array<i32>} : memref<13056xf32, #tpu.memory_space<vmem>>, vector<16xf32>,
      %swap3A_107 = vector.shape_cast %swap3A_106 : vector<16xf32> to vector<16xf32>
      %swap3A_108 = vector.shape_cast %add3A_104 : vector<16xf32> to vector<16xf32>
      tpu.vector_store %arg7[%swap3A_105], %swap3A_108 {strides = array<i32>} : memref<13056xf32, #tpu.memory_space<vmem>>, vector<16xf32>,
      %mul3A_109 = arith.constant 64 : i32
      %mul3A_110 = arith.muli %scan3A_96, %mul3A_109 : i32
      %add3A_111 = arith.constant 16 : i32
      %add3A_112 = arith.addi %mul3A_110, %add3A_111 : i32
      %get3A_113 = arith.index_cast %add3A_112 : i32 to index
      %get3A_114 = tpu.vector_load %arg7[%get3A_113] {strides = array<i32>} : memref<13056xf32, #tpu.memory_space<vmem>>, vector<16xf32>,
      %get3A_115 = vector.shape_cast %get3A_114 : vector<16xf32> to vector<16xf32>
      %add3A_116 = arith.addf %get3A_115, %get3A_9 : vector<16xf32>
      %swap3A_117 = arith.index_cast %add3A_112 : i32 to index
      %swap3A_118 = tpu.vector_load %arg7[%swap3A_117] {strides = array<i32>} : memref<13056xf32, #tpu.memory_space<vmem>>, vector<16xf32>,
      %swap3A_119 = vector.shape_cast %swap3A_118 : vector<16xf32> to vector<16xf32>
      %swap3A_120 = vector.shape_cast %add3A_116 : vector<16xf32> to vector<16xf32>
      tpu.vector_store %arg7[%swap3A_117], %swap3A_120 {strides = array<i32>} : memref<13056xf32, #tpu.memory_space<vmem>>, vector<16xf32>,
      %mul3A_121 = arith.constant 64 : i32
      %mul3A_122 = arith.muli %scan3A_96, %mul3A_121 : i32
      %add3A_123 = arith.constant 32 : i32
      %add3A_124 = arith.addi %mul3A_122, %add3A_123 : i32
      %get3A_125 = arith.index_cast %add3A_124 : i32 to index
      %get3A_126 = tpu.vector_load %arg7[%get3A_125] {strides = array<i32>} : memref<13056xf32, #tpu.memory_space<vmem>>, vector<16xf32>,
      %get3A_127 = vector.shape_cast %get3A_126 : vector<16xf32> to vector<16xf32>
      %add3A_128 = arith.addf %get3A_127, %get3A_12 : vector<16xf32>
      %swap3A_129 = arith.index_cast %add3A_124 : i32 to index
      %swap3A_130 = tpu.vector_load %arg7[%swap3A_129] {strides = array<i32>} : memref<13056xf32, #tpu.memory_space<vmem>>, vector<16xf32>,
      %swap3A_131 = vector.shape_cast %swap3A_130 : vector<16xf32> to vector<16xf32>
      %swap3A_132 = vector.shape_cast %add3A_128 : vector<16xf32> to vector<16xf32>
      tpu.vector_store %arg7[%swap3A_129], %swap3A_132 {strides = array<i32>} : memref<13056xf32, #tpu.memory_space<vmem>>, vector<16xf32>,
      %mul3A_133 = arith.constant 64 : i32
      %mul3A_134 = arith.muli %scan3A_96, %mul3A_133 : i32
      %add3A_135 = arith.constant 48 : i32
      %add3A_136 = arith.addi %mul3A_134, %add3A_135 : i32
      %get3A_137 = arith.index_cast %add3A_136 : i32 to index
      %get3A_138 = tpu.vector_load %arg7[%get3A_137] {strides = array<i32>} : memref<13056xf32, #tpu.memory_space<vmem>>, vector<16xf32>,
      %get3A_139 = vector.shape_cast %get3A_138 : vector<16xf32> to vector<16xf32>
      %add3A_140 = arith.addf %get3A_139, %get3A_15 : vector<16xf32>
      %swap3A_141 = arith.index_cast %add3A_136 : i32 to index
      %swap3A_142 = tpu.vector_load %arg7[%swap3A_141] {strides = array<i32>} : memref<13056xf32, #tpu.memory_space<vmem>>, vector<16xf32>,
      %swap3A_143 = vector.shape_cast %swap3A_142 : vector<16xf32> to vector<16xf32>
      %swap3A_144 = vector.shape_cast %add3A_140 : vector<16xf32> to vector<16xf32>
      tpu.vector_store %arg7[%swap3A_141], %swap3A_144 {strides = array<i32>} : memref<13056xf32, #tpu.memory_space<vmem>>, vector<16xf32>,
    }
    %scan3A_47 = arith.constant 200 : i32
    %get3A_48 = arith.constant 12800 : index
    %get3A_49 = tpu.vector_load %arg7[%get3A_48] {strides = array<i32>} : memref<13056xf32, #tpu.memory_space<vmem>>, vector<16xf32>,
    %get3A_50 = vector.shape_cast %get3A_49 : vector<16xf32> to vector<16xf32>
    %add3A_51 = arith.addf %get3A_50, %get3A_30 : vector<16xf32>
    %swap3A = arith.constant 12800 : index
    %swap3A_52 = tpu.vector_load %arg7[%swap3A] {strides = array<i32>} : memref<13056xf32, #tpu.memory_space<vmem>>, vector<16xf32>,
    %swap3A_53 = vector.shape_cast %swap3A_52 : vector<16xf32> to vector<16xf32>
    %swap3A_54 = vector.shape_cast %add3A_51 : vector<16xf32> to vector<16xf32>
    tpu.vector_store %arg7[%swap3A], %swap3A_54 {strides = array<i32>} : memref<13056xf32, #tpu.memory_space<vmem>>, vector<16xf32>,
    %get3A_55 = arith.constant 12816 : index
    %get3A_56 = tpu.vector_load %arg7[%get3A_55] {strides = array<i32>} : memref<13056xf32, #tpu.memory_space<vmem>>, vector<16xf32>,
    %get3A_57 = vector.shape_cast %get3A_56 : vector<16xf32> to vector<16xf32>
    %add3A_58 = arith.addf %get3A_57, %get3A_33 : vector<16xf32>
    %swap3A_59 = arith.constant 12816 : index
    %swap3A_60 = tpu.vector_load %arg7[%swap3A_59] {strides = array<i32>} : memref<13056xf32, #tpu.memory_space<vmem>>, vector<16xf32>,
    %swap3A_61 = vector.shape_cast %swap3A_60 : vector<16xf32> to vector<16xf32>
    %swap3A_62 = vector.shape_cast %add3A_58 : vector<16xf32> to vector<16xf32>
    tpu.vector_store %arg7[%swap3A_59], %swap3A_62 {strides = array<i32>} : memref<13056xf32, #tpu.memory_space<vmem>>, vector<16xf32>,
    %get3A_63 = arith.constant 12832 : index
    %get3A_64 = tpu.vector_load %arg7[%get3A_63] {strides = array<i32>} : memref<13056xf32, #tpu.memory_space<vmem>>, vector<16xf32>,
    %get3A_65 = vector.shape_cast %get3A_64 : vector<16xf32> to vector<16xf32>
    %add3A_66 = arith.addf %get3A_65, %get3A_36 : vector<16xf32>
    %swap3A_67 = arith.constant 12832 : index
    %swap3A_68 = tpu.vector_load %arg7[%swap3A_67] {strides = array<i32>} : memref<13056xf32, #tpu.memory_space<vmem>>, vector<16xf32>,
    %swap3A_69 = vector.shape_cast %swap3A_68 : vector<16xf32> to vector<16xf32>
    %swap3A_70 = vector.shape_cast %add3A_66 : vector<16xf32> to vector<16xf32>
    tpu.vector_store %arg7[%swap3A_67], %swap3A_70 {strides = array<i32>} : memref<13056xf32, #tpu.memory_space<vmem>>, vector<16xf32>,
    %get3A_71 = arith.constant 12848 : index
    %get3A_72 = tpu.vector_load %arg7[%get3A_71] {strides = array<i32>} : memref<13056xf32, #tpu.memory_space<vmem>>, vector<16xf32>,
    %get3A_73 = vector.shape_cast %get3A_72 : vector<16xf32> to vector<16xf32>
    %add3A_74 = arith.addf %get3A_73, %get3A_39 : vector<16xf32>
    %swap3A_75 = arith.constant 12848 : index
    %swap3A_76 = tpu.vector_load %arg7[%swap3A_75] {strides = array<i32>} : memref<13056xf32, #tpu.memory_space<vmem>>, vector<16xf32>,
    %swap3A_77 = vector.shape_cast %swap3A_76 : vector<16xf32> to vector<16xf32>
    %swap3A_78 = vector.shape_cast %add3A_74 : vector<16xf32> to vector<16xf32>
    tpu.vector_store %arg7[%swap3A_75], %swap3A_78 {strides = array<i32>} : memref<13056xf32, #tpu.memory_space<vmem>>, vector<16xf32>,
    %scan3A_79 = arith.constant 0 : i32
    %scan3A_80 = arith.constant 0 : i32
    %scan3A_81 = arith.constant 64 : i32
    %scan3A_82 = arith.addi %scan3A_80, %scan3A_81 : i32
    %scan3A_83 = arith.constant 1 : i32
    scf.for %scan3A_96 = %scan3A_80 to %scan3A_82 step %scan3A_83  : i32 {
      %mul3A_97 = arith.constant 2 : i32
      %mul3A_98 = arith.muli %scan3A_96, %mul3A_97 : i32
      %add3A_99 = arith.constant 0 : i32
      %add3A_100 = arith.addi %mul3A_98, %add3A_99 : i32
      %gt3A = arith.constant 0 : i32
      %gt3A_101 = arith.cmpi sgt, %scan3A_96, %gt3A : i32
      %convert_element_type3A = arith.extui %gt3A_101 : i1 to i32
      %cond3A = arith.constant 0 : i32
      %cond3A_102 = arith.cmpi ne, %convert_element_type3A, %cond3A : i32
      scf.if %cond3A_102 {
        %add3A_855 = arith.addi %mul3A_2, %add3A_100 : i32
        %dma_wait3A_856 = arith.constant 0 : i32
        %dma_wait3A_857 = tpu.memref_slice %arg6[%add3A_855, %dma_wait3A_856] : memref<4096x12864xf32, #tpu.memory_space<hbm>> -> memref<1x12864xf32, #tpu.memory_space<hbm>>
        %dma_wait3A_858 = tpu.memref_squeeze %dma_wait3A_857 : memref<1x12864xf32, #tpu.memory_space<hbm>> -> memref<12864xf32, #tpu.memory_space<hbm>>
        %dma_wait3A_859 = arith.constant 0 : i32
        %dma_wait3A_860 = tpu.memref_slice %arg6[%add3A_855, %dma_wait3A_859] : memref<4096x12864xf32, #tpu.memory_space<hbm>> -> memref<1x12864xf32, #tpu.memory_space<hbm>>
        %dma_wait3A_861 = tpu.memref_squeeze %dma_wait3A_860 : memref<1x12864xf32, #tpu.memory_space<hbm>> -> memref<12864xf32, #tpu.memory_space<hbm>>
        tpu.wait_dma2 semaphore(%arg11 : memref<!tpu.dma_semaphore, #tpu.memory_space<semaphore_mem>>) src(%arg9 : memref<12864xf32, #tpu.memory_space<vmem>>) dst(%dma_wait3A_861 : memref<12864xf32, #tpu.memory_space<hbm>>)
      } else {
      }
      %mul3A_103 = arith.constant 1 : i32
      %mul3A_104 = arith.muli %add3A_100, %mul3A_103 : i32
      %add3A_105 = arith.constant 0 : i32
      %add3A_106 = arith.addi %mul3A_104, %add3A_105 : i32
      %mul3A_107 = arith.constant 200 : i32
      %mul3A_108 = arith.muli %add3A_106, %mul3A_107 : i32
      %scan3A_109 = arith.constant 0 : i32
      %scan3A_110 = arith.constant 0 : i32
      %scan3A_111 = arith.constant 12 : i32
      %scan3A_112 = arith.addi %scan3A_110, %scan3A_111 : i32
      %scan3A_113 = arith.constant 1 : i32
      scf.for %scan3A_855 = %scan3A_110 to %scan3A_112 step %scan3A_113  : i32 {
        %mul3A_856 = arith.constant 16 : i32
        %mul3A_857 = arith.muli %scan3A_855, %mul3A_856 : i32
        %add3A_858 = arith.addi %mul3A_108, %mul3A_857 : i32
        %get3A_859 = arith.index_cast %add3A_858 : i32 to index
        %get3A_860 = tpu.vector_load %arg8[%get3A_859] {strides = array<i32>} : memref<25616xi32, #tpu.memory_space<vmem>>, vector<16xi32>,
        %get3A_861 = vector.shape_cast %get3A_860 : vector<16xi32> to vector<16xi32>
        %convert_element_type3A_862 = arith.sitofp %get3A_861 : vector<16xi32> to vector<16xf32>
        %mul3A_863 = arith.constant 16 : i32
        %mul3A_864 = arith.muli %scan3A_855, %mul3A_863 : i32
        %add3A_865 = arith.constant 0 : i32
        %add3A_866 = arith.addi %mul3A_864, %add3A_865 : i32
        %mul3A_867 = arith.constant 64 : i32
        %mul3A_868 = arith.muli %add3A_866, %mul3A_867 : i32
        %add3A_869 = arith.constant 0 : i32
        %add3A_870 = arith.addi %add3A_869, %mul3A_868 : i32
        %broadcast_in_dim3A_871 = arith.constant 0 : i32
        %broadcast_in_dim3A_872 = vector.broadcast %broadcast_in_dim3A_871 : i32 to vector<16x1xi32>
        %gather3A_873 = vector.shape_cast %broadcast_in_dim3A_872 : vector<16x1xi32> to vector<16xi32>
        %gather3A_874 = tpu.dynamic_gather %convert_element_type3A_862[%gather3A_873] in [0] : vector<16xf32>, vector<16xi32> -> vector<16xf32>
        %add3A_875 = arith.constant 0 : i32
        %add3A_876 = arith.addi %mul3A_868, %add3A_875 : i32
        %get3A_877 = arith.index_cast %add3A_876 : i32 to index
        %get3A_878 = tpu.vector_load %arg7[%get3A_877] {strides = array<i32>} : memref<13056xf32, #tpu.memory_space<vmem>>, vector<16xf32>,
        %get3A_879 = vector.shape_cast %get3A_878 : vector<16xf32> to vector<16xf32>
        %mul3A_880 = arith.mulf %gather3A_874, %sub3A : vector<16xf32>
        %add3A_881 = arith.addf %get3A_879, %mul3A_880 : vector<16xf32>
        %add3A_882 = arith.constant 0 : i32
        %add3A_883 = arith.addi %add3A_870, %add3A_882 : i32
        %swap3A_884 = arith.index_cast %add3A_883 : i32 to index
        %swap3A_885 = tpu.vector_load %arg9[%swap3A_884] {strides = array<i32>} : memref<12864xf32, #tpu.memory_space<vmem>>, vector<16xf32>,
        %swap3A_886 = vector.shape_cast %swap3A_885 : vector<16xf32> to vector<16xf32>
        %swap3A_887 = vector.shape_cast %add3A_881 : vector<16xf32> to vector<16xf32>
        tpu.vector_store %arg9[%swap3A_884], %swap3A_887 {strides = array<i32>} : memref<12864xf32, #tpu.memory_space<vmem>>, vector<16xf32>,
        %add3A_888 = arith.constant 16 : i32
        %add3A_889 = arith.addi %mul3A_868, %add3A_888 : i32
        %get3A_890 = arith.index_cast %add3A_889 : i32 to index
        %get3A_891 = tpu.vector_load %arg7[%get3A_890] {strides = array<i32>} : memref<13056xf32, #tpu.memory_space<vmem>>, vector<16xf32>,
        %get3A_892 = vector.shape_cast %get3A_891 : vector<16xf32> to vector<16xf32>
        %mul3A_893 = arith.mulf %gather3A_874, %sub3A_40 : vector<16xf32>
        %add3A_894 = arith.addf %get3A_892, %mul3A_893 : vector<16xf32>
        %add3A_895 = arith.constant 16 : i32
        %add3A_896 = arith.addi %add3A_870, %add3A_895 : i32
        %swap3A_897 = arith.index_cast %add3A_896 : i32 to index
        %swap3A_898 = tpu.vector_load %arg9[%swap3A_897] {strides = array<i32>} : memref<12864xf32, #tpu.memory_space<vmem>>, vector<16xf32>,
        %swap3A_899 = vector.shape_cast %swap3A_898 : vector<16xf32> to vector<16xf32>
        %swap3A_900 = vector.shape_cast %add3A_894 : vector<16xf32> to vector<16xf32>
        tpu.vector_store %arg9[%swap3A_897], %swap3A_900 {strides = array<i32>} : memref<12864xf32, #tpu.memory_space<vmem>>, vector<16xf32>,
        %add3A_901 = arith.constant 32 : i32
        %add3A_902 = arith.addi %mul3A_868, %add3A_901 : i32
        %get3A_903 = arith.index_cast %add3A_902 : i32 to index
        %get3A_904 = tpu.vector_load %arg7[%get3A_903] {strides = array<i32>} : memref<13056xf32, #tpu.memory_space<vmem>>, vector<16xf32>,
        %get3A_905 = vector.shape_cast %get3A_904 : vector<16xf32> to vector<16xf32>
        %mul3A_906 = arith.mulf %gather3A_874, %sub3A_41 : vector<16xf32>
        %add3A_907 = arith.addf %get3A_905, %mul3A_906 : vector<16xf32>
        %add3A_908 = arith.constant 32 : i32
        %add3A_909 = arith.addi %add3A_870, %add3A_908 : i32
        %swap3A_910 = arith.index_cast %add3A_909 : i32 to index
        %swap3A_911 = tpu.vector_load %arg9[%swap3A_910] {strides = array<i32>} : memref<12864xf32, #tpu.memory_space<vmem>>, vector<16xf32>,
        %swap3A_912 = vector.shape_cast %swap3A_911 : vector<16xf32> to vector<16xf32>
        %swap3A_913 = vector.shape_cast %add3A_907 : vector<16xf32> to vector<16xf32>
        tpu.vector_store %arg9[%swap3A_910], %swap3A_913 {strides = array<i32>} : memref<12864xf32, #tpu.memory_space<vmem>>, vector<16xf32>,
        %add3A_914 = arith.constant 48 : i32
        %add3A_915 = arith.addi %mul3A_868, %add3A_914 : i32
        %get3A_916 = arith.index_cast %add3A_915 : i32 to index
        %get3A_917 = tpu.vector_load %arg7[%get3A_916] {strides = array<i32>} : memref<13056xf32, #tpu.memory_space<vmem>>, vector<16xf32>,
        %get3A_918 = vector.shape_cast %get3A_917 : vector<16xf32> to vector<16xf32>
        %mul3A_919 = arith.mulf %gather3A_874, %sub3A_42 : vector<16xf32>
        %add3A_920 = arith.addf %get3A_918, %mul3A_919 : vector<16xf32>
        %add3A_921 = arith.constant 48 : i32
        %add3A_922 = arith.addi %add3A_870, %add3A_921 : i32
        %swap3A_923 = arith.index_cast %add3A_922 : i32 to index
        %swap3A_924 = tpu.vector_load %arg9[%swap3A_923] {strides = array<i32>} : memref<12864xf32, #tpu.memory_space<vmem>>, vector<16xf32>,
        %swap3A_925 = vector.shape_cast %swap3A_924 : vector<16xf32> to vector<16xf32>
        %swap3A_926 = vector.shape_cast %add3A_920 : vector<16xf32> to vector<16xf32>
        tpu.vector_store %arg9[%swap3A_923], %swap3A_926 {strides = array<i32>} : memref<12864xf32, #tpu.memory_space<vmem>>, vector<16xf32>,
        %mul3A_927 = arith.constant 16 : i32
        %mul3A_928 = arith.muli %scan3A_855, %mul3A_927 : i32
        %add3A_929 = arith.constant 1 : i32
        %add3A_930 = arith.addi %mul3A_928, %add3A_929 : i32
        %mul3A_931 = arith.constant 64 : i32
        %mul3A_932 = arith.muli %add3A_930, %mul3A_931 : i32
        %add3A_933 = arith.constant 0 : i32
        %add3A_934 = arith.addi %add3A_933, %mul3A_932 : i32
        %broadcast_in_dim3A_935 = arith.constant 1 : i32
        %broadcast_in_dim3A_936 = vector.broadcast %broadcast_in_dim3A_935 : i32 to vector<16x1xi32>
        %gather3A_937 = vector.shape_cast %broadcast_in_dim3A_936 : vector<16x1xi32> to vector<16xi32>
        %gather3A_938 = tpu.dynamic_gather %convert_element_type3A_862[%gather3A_937] in [0] : vector<16xf32>, vector<16xi32> -> vector<16xf32>
        %add3A_939 = arith.constant 0 : i32
        %add3A_940 = arith.addi %mul3A_932, %add3A_939 : i32
        %get3A_941 = arith.index_cast %add3A_940 : i32 to index
        %get3A_942 = tpu.vector_load %arg7[%get3A_941] {strides = array<i32>} : memref<13056xf32, #tpu.memory_space<vmem>>, vector<16xf32>,
        %get3A_943 = vector.shape_cast %get3A_942 : vector<16xf32> to vector<16xf32>
        %mul3A_944 = arith.mulf %gather3A_938, %sub3A : vector<16xf32>
        %add3A_945 = arith.addf %get3A_943, %mul3A_944 : vector<16xf32>
        %add3A_946 = arith.constant 0 : i32
        %add3A_947 = arith.addi %add3A_934, %add3A_946 : i32
        %swap3A_948 = arith.index_cast %add3A_947 : i32 to index
        %swap3A_949 = tpu.vector_load %arg9[%swap3A_948] {strides = array<i32>} : memref<12864xf32, #tpu.memory_space<vmem>>, vector<16xf32>,
        %swap3A_950 = vector.shape_cast %swap3A_949 : vector<16xf32> to vector<16xf32>
        %swap3A_951 = vector.shape_cast %add3A_945 : vector<16xf32> to vector<16xf32>
        tpu.vector_store %arg9[%swap3A_948], %swap3A_951 {strides = array<i32>} : memref<12864xf32, #tpu.memory_space<vmem>>, vector<16xf32>,
        %add3A_952 = arith.constant 16 : i32
        %add3A_953 = arith.addi %mul3A_932, %add3A_952 : i32
        %get3A_954 = arith.index_cast %add3A_953 : i32 to index
        %get3A_955 = tpu.vector_load %arg7[%get3A_954] {strides = array<i32>} : memref<13056xf32, #tpu.memory_space<vmem>>, vector<16xf32>,
        %get3A_956 = vector.shape_cast %get3A_955 : vector<16xf32> to vector<16xf32>
        %mul3A_957 = arith.mulf %gather3A_938, %sub3A_40 : vector<16xf32>
        %add3A_958 = arith.addf %get3A_956, %mul3A_957 : vector<16xf32>
        %add3A_959 = arith.constant 16 : i32
        %add3A_960 = arith.addi %add3A_934, %add3A_959 : i32
        %swap3A_961 = arith.index_cast %add3A_960 : i32 to index
        %swap3A_962 = tpu.vector_load %arg9[%swap3A_961] {strides = array<i32>} : memref<12864xf32, #tpu.memory_space<vmem>>, vector<16xf32>,
        %swap3A_963 = vector.shape_cast %swap3A_962 : vector<16xf32> to vector<16xf32>
        %swap3A_964 = vector.shape_cast %add3A_958 : vector<16xf32> to vector<16xf32>
        tpu.vector_store %arg9[%swap3A_961], %swap3A_964 {strides = array<i32>} : memref<12864xf32, #tpu.memory_space<vmem>>, vector<16xf32>,
        %add3A_965 = arith.constant 32 : i32
        %add3A_966 = arith.addi %mul3A_932, %add3A_965 : i32
        %get3A_967 = arith.index_cast %add3A_966 : i32 to index
        %get3A_968 = tpu.vector_load %arg7[%get3A_967] {strides = array<i32>} : memref<13056xf32, #tpu.memory_space<vmem>>, vector<16xf32>,
        %get3A_969 = vector.shape_cast %get3A_968 : vector<16xf32> to vector<16xf32>
        %mul3A_970 = arith.mulf %gather3A_938, %sub3A_41 : vector<16xf32>
        %add3A_971 = arith.addf %get3A_969, %mul3A_970 : vector<16xf32>
        %add3A_972 = arith.constant 32 : i32
        %add3A_973 = arith.addi %add3A_934, %add3A_972 : i32
        %swap3A_974 = arith.index_cast %add3A_973 : i32 to index
        %swap3A_975 = tpu.vector_load %arg9[%swap3A_974] {strides = array<i32>} : memref<12864xf32, #tpu.memory_space<vmem>>, vector<16xf32>,
        %swap3A_976 = vector.shape_cast %swap3A_975 : vector<16xf32> to vector<16xf32>
        %swap3A_977 = vector.shape_cast %add3A_971 : vector<16xf32> to vector<16xf32>
        tpu.vector_store %arg9[%swap3A_974], %swap3A_977 {strides = array<i32>} : memref<12864xf32, #tpu.memory_space<vmem>>, vector<16xf32>,
        %add3A_978 = arith.constant 48 : i32
        %add3A_979 = arith.addi %mul3A_932, %add3A_978 : i32
        %get3A_980 = arith.index_cast %add3A_979 : i32 to index
        %get3A_981 = tpu.vector_load %arg7[%get3A_980] {strides = array<i32>} : memref<13056xf32, #tpu.memory_space<vmem>>, vector<16xf32>,
        %get3A_982 = vector.shape_cast %get3A_981 : vector<16xf32> to vector<16xf32>
        %mul3A_983 = arith.mulf %gather3A_938, %sub3A_42 : vector<16xf32>
        %add3A_984 = arith.addf %get3A_982, %mul3A_983 : vector<16xf32>
        %add3A_985 = arith.constant 48 : i32
        %add3A_986 = arith.addi %add3A_934, %add3A_985 : i32
        %swap3A_987 = arith.index_cast %add3A_986 : i32 to index
        %swap3A_988 = tpu.vector_load %arg9[%swap3A_987] {strides = array<i32>} : memref<12864xf32, #tpu.memory_space<vmem>>, vector<16xf32>,
        %swap3A_989 = vector.shape_cast %swap3A_988 : vector<16xf32> to vector<16xf32>
        %swap3A_990 = vector.shape_cast %add3A_984 : vector<16xf32> to vector<16xf32>
        tpu.vector_store %arg9[%swap3A_987], %swap3A_990 {strides = array<i32>} : memref<12864xf32, #tpu.memory_space<vmem>>, vector<16xf32>,
        %mul3A_991 = arith.constant 16 : i32
        %mul3A_992 = arith.muli %scan3A_855, %mul3A_991 : i32
        %add3A_993 = arith.constant 2 : i32
        %add3A_994 = arith.addi %mul3A_992, %add3A_993 : i32
        %mul3A_995 = arith.constant 64 : i32
        %mul3A_996 = arith.muli %add3A_994, %mul3A_995 : i32
        %add3A_997 = arith.constant 0 : i32
        %add3A_998 = arith.addi %add3A_997, %mul3A_996 : i32
        %broadcast_in_dim3A_999 = arith.constant 2 : i32
        %broadcast_in_dim3A_1000 = vector.broadcast %broadcast_in_dim3A_999 : i32 to vector<16x1xi32>
        %gather3A_1001 = vector.shape_cast %broadcast_in_dim3A_1000 : vector<16x1xi32> to vector<16xi32>
        %gather3A_1002 = tpu.dynamic_gather %convert_element_type3A_862[%gather3A_1001] in [0] : vector<16xf32>, vector<16xi32> -> vector<16xf32>
        %add3A_1003 = arith.constant 0 : i32
        %add3A_1004 = arith.addi %mul3A_996, %add3A_1003 : i32
        %get3A_1005 = arith.index_cast %add3A_1004 : i32 to index
        %get3A_1006 = tpu.vector_load %arg7[%get3A_1005] {strides = array<i32>} : memref<13056xf32, #tpu.memory_space<vmem>>, vector<16xf32>,
        %get3A_1007 = vector.shape_cast %get3A_1006 : vector<16xf32> to vector<16xf32>
        %mul3A_1008 = arith.mulf %gather3A_1002, %sub3A : vector<16xf32>
        %add3A_1009 = arith.addf %get3A_1007, %mul3A_1008 : vector<16xf32>
        %add3A_1010 = arith.constant 0 : i32
        %add3A_1011 = arith.addi %add3A_998, %add3A_1010 : i32
        %swap3A_1012 = arith.index_cast %add3A_1011 : i32 to index
        %swap3A_1013 = tpu.vector_load %arg9[%swap3A_1012] {strides = array<i32>} : memref<12864xf32, #tpu.memory_space<vmem>>, vector<16xf32>,
        %swap3A_1014 = vector.shape_cast %swap3A_1013 : vector<16xf32> to vector<16xf32>
        %swap3A_1015 = vector.shape_cast %add3A_1009 : vector<16xf32> to vector<16xf32>
        tpu.vector_store %arg9[%swap3A_1012], %swap3A_1015 {strides = array<i32>} : memref<12864xf32, #tpu.memory_space<vmem>>, vector<16xf32>,
        %add3A_1016 = arith.constant 16 : i32
        %add3A_1017 = arith.addi %mul3A_996, %add3A_1016 : i32
        %get3A_1018 = arith.index_cast %add3A_1017 : i32 to index
        %get3A_1019 = tpu.vector_load %arg7[%get3A_1018] {strides = array<i32>} : memref<13056xf32, #tpu.memory_space<vmem>>, vector<16xf32>,
        %get3A_1020 = vector.shape_cast %get3A_1019 : vector<16xf32> to vector<16xf32>
        %mul3A_1021 = arith.mulf %gather3A_1002, %sub3A_40 : vector<16xf32>
        %add3A_1022 = arith.addf %get3A_1020, %mul3A_1021 : vector<16xf32>
        %add3A_1023 = arith.constant 16 : i32
        %add3A_1024 = arith.addi %add3A_998, %add3A_1023 : i32
        %swap3A_1025 = arith.index_cast %add3A_1024 : i32 to index
        %swap3A_1026 = tpu.vector_load %arg9[%swap3A_1025] {strides = array<i32>} : memref<12864xf32, #tpu.memory_space<vmem>>, vector<16xf32>,
        %swap3A_1027 = vector.shape_cast %swap3A_1026 : vector<16xf32> to vector<16xf32>
        %swap3A_1028 = vector.shape_cast %add3A_1022 : vector<16xf32> to vector<16xf32>
        tpu.vector_store %arg9[%swap3A_1025], %swap3A_1028 {strides = array<i32>} : memref<12864xf32, #tpu.memory_space<vmem>>, vector<16xf32>,
        %add3A_1029 = arith.constant 32 : i32
        %add3A_1030 = arith.addi %mul3A_996, %add3A_1029 : i32
        %get3A_1031 = arith.index_cast %add3A_1030 : i32 to index
        %get3A_1032 = tpu.vector_load %arg7[%get3A_1031] {strides = array<i32>} : memref<13056xf32, #tpu.memory_space<vmem>>, vector<16xf32>,
        %get3A_1033 = vector.shape_cast %get3A_1032 : vector<16xf32> to vector<16xf32>
        %mul3A_1034 = arith.mulf %gather3A_1002, %sub3A_41 : vector<16xf32>
        %add3A_1035 = arith.addf %get3A_1033, %mul3A_1034 : vector<16xf32>
        %add3A_1036 = arith.constant 32 : i32
        %add3A_1037 = arith.addi %add3A_998, %add3A_1036 : i32
        %swap3A_1038 = arith.index_cast %add3A_1037 : i32 to index
        %swap3A_1039 = tpu.vector_load %arg9[%swap3A_1038] {strides = array<i32>} : memref<12864xf32, #tpu.memory_space<vmem>>, vector<16xf32>,
        %swap3A_1040 = vector.shape_cast %swap3A_1039 : vector<16xf32> to vector<16xf32>
        %swap3A_1041 = vector.shape_cast %add3A_1035 : vector<16xf32> to vector<16xf32>
        tpu.vector_store %arg9[%swap3A_1038], %swap3A_1041 {strides = array<i32>} : memref<12864xf32, #tpu.memory_space<vmem>>, vector<16xf32>,
        %add3A_1042 = arith.constant 48 : i32
        %add3A_1043 = arith.addi %mul3A_996, %add3A_1042 : i32
        %get3A_1044 = arith.index_cast %add3A_1043 : i32 to index
        %get3A_1045 = tpu.vector_load %arg7[%get3A_1044] {strides = array<i32>} : memref<13056xf32, #tpu.memory_space<vmem>>, vector<16xf32>,
        %get3A_1046 = vector.shape_cast %get3A_1045 : vector<16xf32> to vector<16xf32>
        %mul3A_1047 = arith.mulf %gather3A_1002, %sub3A_42 : vector<16xf32>
        %add3A_1048 = arith.addf %get3A_1046, %mul3A_1047 : vector<16xf32>
        %add3A_1049 = arith.constant 48 : i32
        %add3A_1050 = arith.addi %add3A_998, %add3A_1049 : i32
        %swap3A_1051 = arith.index_cast %add3A_1050 : i32 to index
        %swap3A_1052 = tpu.vector_load %arg9[%swap3A_1051] {strides = array<i32>} : memref<12864xf32, #tpu.memory_space<vmem>>, vector<16xf32>,
        %swap3A_1053 = vector.shape_cast %swap3A_1052 : vector<16xf32> to vector<16xf32>
        %swap3A_1054 = vector.shape_cast %add3A_1048 : vector<16xf32> to vector<16xf32>
        tpu.vector_store %arg9[%swap3A_1051], %swap3A_1054 {strides = array<i32>} : memref<12864xf32, #tpu.memory_space<vmem>>, vector<16xf32>,
        %mul3A_1055 = arith.constant 16 : i32
        %mul3A_1056 = arith.muli %scan3A_855, %mul3A_1055 : i32
        %add3A_1057 = arith.constant 3 : i32
        %add3A_1058 = arith.addi %mul3A_1056, %add3A_1057 : i32
        %mul3A_1059 = arith.constant 64 : i32
        %mul3A_1060 = arith.muli %add3A_1058, %mul3A_1059 : i32
        %add3A_1061 = arith.constant 0 : i32
        %add3A_1062 = arith.addi %add3A_1061, %mul3A_1060 : i32
        %broadcast_in_dim3A_1063 = arith.constant 3 : i32
        %broadcast_in_dim3A_1064 = vector.broadcast %broadcast_in_dim3A_1063 : i32 to vector<16x1xi32>
        %gather3A_1065 = vector.shape_cast %broadcast_in_dim3A_1064 : vector<16x1xi32> to vector<16xi32>
        %gather3A_1066 = tpu.dynamic_gather %convert_element_type3A_862[%gather3A_1065] in [0] : vector<16xf32>, vector<16xi32> -> vector<16xf32>
        %add3A_1067 = arith.constant 0 : i32
        %add3A_1068 = arith.addi %mul3A_1060, %add3A_1067 : i32
        %get3A_1069 = arith.index_cast %add3A_1068 : i32 to index
        %get3A_1070 = tpu.vector_load %arg7[%get3A_1069] {strides = array<i32>} : memref<13056xf32, #tpu.memory_space<vmem>>, vector<16xf32>,
        %get3A_1071 = vector.shape_cast %get3A_1070 : vector<16xf32> to vector<16xf32>
        %mul3A_1072 = arith.mulf %gather3A_1066, %sub3A : vector<16xf32>
        %add3A_1073 = arith.addf %get3A_1071, %mul3A_1072 : vector<16xf32>
        %add3A_1074 = arith.constant 0 : i32
        %add3A_1075 = arith.addi %add3A_1062, %add3A_1074 : i32
        %swap3A_1076 = arith.index_cast %add3A_1075 : i32 to index
        %swap3A_1077 = tpu.vector_load %arg9[%swap3A_1076] {strides = array<i32>} : memref<12864xf32, #tpu.memory_space<vmem>>, vector<16xf32>,
        %swap3A_1078 = vector.shape_cast %swap3A_1077 : vector<16xf32> to vector<16xf32>
        %swap3A_1079 = vector.shape_cast %add3A_1073 : vector<16xf32> to vector<16xf32>
        tpu.vector_store %arg9[%swap3A_1076], %swap3A_1079 {strides = array<i32>} : memref<12864xf32, #tpu.memory_space<vmem>>, vector<16xf32>,
        %add3A_1080 = arith.constant 16 : i32
        %add3A_1081 = arith.addi %mul3A_1060, %add3A_1080 : i32
        %get3A_1082 = arith.index_cast %add3A_1081 : i32 to index
        %get3A_1083 = tpu.vector_load %arg7[%get3A_1082] {strides = array<i32>} : memref<13056xf32, #tpu.memory_space<vmem>>, vector<16xf32>,
        %get3A_1084 = vector.shape_cast %get3A_1083 : vector<16xf32> to vector<16xf32>
        %mul3A_1085 = arith.mulf %gather3A_1066, %sub3A_40 : vector<16xf32>
        %add3A_1086 = arith.addf %get3A_1084, %mul3A_1085 : vector<16xf32>
        %add3A_1087 = arith.constant 16 : i32
        %add3A_1088 = arith.addi %add3A_1062, %add3A_1087 : i32
        %swap3A_1089 = arith.index_cast %add3A_1088 : i32 to index
        %swap3A_1090 = tpu.vector_load %arg9[%swap3A_1089] {strides = array<i32>} : memref<12864xf32, #tpu.memory_space<vmem>>, vector<16xf32>,
        %swap3A_1091 = vector.shape_cast %swap3A_1090 : vector<16xf32> to vector<16xf32>
        %swap3A_1092 = vector.shape_cast %add3A_1086 : vector<16xf32> to vector<16xf32>
        tpu.vector_store %arg9[%swap3A_1089], %swap3A_1092 {strides = array<i32>} : memref<12864xf32, #tpu.memory_space<vmem>>, vector<16xf32>,
        %add3A_1093 = arith.constant 32 : i32
        %add3A_1094 = arith.addi %mul3A_1060, %add3A_1093 : i32
        %get3A_1095 = arith.index_cast %add3A_1094 : i32 to index
        %get3A_1096 = tpu.vector_load %arg7[%get3A_1095] {strides = array<i32>} : memref<13056xf32, #tpu.memory_space<vmem>>, vector<16xf32>,
        %get3A_1097 = vector.shape_cast %get3A_1096 : vector<16xf32> to vector<16xf32>
        %mul3A_1098 = arith.mulf %gather3A_1066, %sub3A_41 : vector<16xf32>
        %add3A_1099 = arith.addf %get3A_1097, %mul3A_1098 : vector<16xf32>
        %add3A_1100 = arith.constant 32 : i32
        %add3A_1101 = arith.addi %add3A_1062, %add3A_1100 : i32
        %swap3A_1102 = arith.index_cast %add3A_1101 : i32 to index
        %swap3A_1103 = tpu.vector_load %arg9[%swap3A_1102] {strides = array<i32>} : memref<12864xf32, #tpu.memory_space<vmem>>, vector<16xf32>,
        %swap3A_1104 = vector.shape_cast %swap3A_1103 : vector<16xf32> to vector<16xf32>
        %swap3A_1105 = vector.shape_cast %add3A_1099 : vector<16xf32> to vector<16xf32>
        tpu.vector_store %arg9[%swap3A_1102], %swap3A_1105 {strides = array<i32>} : memref<12864xf32, #tpu.memory_space<vmem>>, vector<16xf32>,
        %add3A_1106 = arith.constant 48 : i32
        %add3A_1107 = arith.addi %mul3A_1060, %add3A_1106 : i32
        %get3A_1108 = arith.index_cast %add3A_1107 : i32 to index
        %get3A_1109 = tpu.vector_load %arg7[%get3A_1108] {strides = array<i32>} : memref<13056xf32, #tpu.memory_space<vmem>>, vector<16xf32>,
        %get3A_1110 = vector.shape_cast %get3A_1109 : vector<16xf32> to vector<16xf32>
        %mul3A_1111 = arith.mulf %gather3A_1066, %sub3A_42 : vector<16xf32>
        %add3A_1112 = arith.addf %get3A_1110, %mul3A_1111 : vector<16xf32>
        %add3A_1113 = arith.constant 48 : i32
        %add3A_1114 = arith.addi %add3A_1062, %add3A_1113 : i32
        %swap3A_1115 = arith.index_cast %add3A_1114 : i32 to index
        %swap3A_1116 = tpu.vector_load %arg9[%swap3A_1115] {strides = array<i32>} : memref<12864xf32, #tpu.memory_space<vmem>>, vector<16xf32>,
        %swap3A_1117 = vector.shape_cast %swap3A_1116 : vector<16xf32> to vector<16xf32>
        %swap3A_1118 = vector.shape_cast %add3A_1112 : vector<16xf32> to vector<16xf32>
        tpu.vector_store %arg9[%swap3A_1115], %swap3A_1118 {strides = array<i32>} : memref<12864xf32, #tpu.memory_space<vmem>>, vector<16xf32>,
        %mul3A_1119 = arith.constant 16 : i32
        %mul3A_1120 = arith.muli %scan3A_855, %mul3A_1119 : i32
        %add3A_1121 = arith.constant 4 : i32
        %add3A_1122 = arith.addi %mul3A_1120, %add3A_1121 : i32
        %mul3A_1123 = arith.constant 64 : i32
        %mul3A_1124 = arith.muli %add3A_1122, %mul3A_1123 : i32
        %add3A_1125 = arith.constant 0 : i32
        %add3A_1126 = arith.addi %add3A_1125, %mul3A_1124 : i32
        %broadcast_in_dim3A_1127 = arith.constant 4 : i32
        %broadcast_in_dim3A_1128 = vector.broadcast %broadcast_in_dim3A_1127 : i32 to vector<16x1xi32>
        %gather3A_1129 = vector.shape_cast %broadcast_in_dim3A_1128 : vector<16x1xi32> to vector<16xi32>
        %gather3A_1130 = tpu.dynamic_gather %convert_element_type3A_862[%gather3A_1129] in [0] : vector<16xf32>, vector<16xi32> -> vector<16xf32>
        %add3A_1131 = arith.constant 0 : i32
        %add3A_1132 = arith.addi %mul3A_1124, %add3A_1131 : i32
        %get3A_1133 = arith.index_cast %add3A_1132 : i32 to index
        %get3A_1134 = tpu.vector_load %arg7[%get3A_1133] {strides = array<i32>} : memref<13056xf32, #tpu.memory_space<vmem>>, vector<16xf32>,
        %get3A_1135 = vector.shape_cast %get3A_1134 : vector<16xf32> to vector<16xf32>
        %mul3A_1136 = arith.mulf %gather3A_1130, %sub3A : vector<16xf32>
        %add3A_1137 = arith.addf %get3A_1135, %mul3A_1136 : vector<16xf32>
        %add3A_1138 = arith.constant 0 : i32
        %add3A_1139 = arith.addi %add3A_1126, %add3A_1138 : i32
        %swap3A_1140 = arith.index_cast %add3A_1139 : i32 to index
        %swap3A_1141 = tpu.vector_load %arg9[%swap3A_1140] {strides = array<i32>} : memref<12864xf32, #tpu.memory_space<vmem>>, vector<16xf32>,
        %swap3A_1142 = vector.shape_cast %swap3A_1141 : vector<16xf32> to vector<16xf32>
        %swap3A_1143 = vector.shape_cast %add3A_1137 : vector<16xf32> to vector<16xf32>
        tpu.vector_store %arg9[%swap3A_1140], %swap3A_1143 {strides = array<i32>} : memref<12864xf32, #tpu.memory_space<vmem>>, vector<16xf32>,
        %add3A_1144 = arith.constant 16 : i32
        %add3A_1145 = arith.addi %mul3A_1124, %add3A_1144 : i32
        %get3A_1146 = arith.index_cast %add3A_1145 : i32 to index
        %get3A_1147 = tpu.vector_load %arg7[%get3A_1146] {strides = array<i32>} : memref<13056xf32, #tpu.memory_space<vmem>>, vector<16xf32>,
        %get3A_1148 = vector.shape_cast %get3A_1147 : vector<16xf32> to vector<16xf32>
        %mul3A_1149 = arith.mulf %gather3A_1130, %sub3A_40 : vector<16xf32>
        %add3A_1150 = arith.addf %get3A_1148, %mul3A_1149 : vector<16xf32>
        %add3A_1151 = arith.constant 16 : i32
        %add3A_1152 = arith.addi %add3A_1126, %add3A_1151 : i32
        %swap3A_1153 = arith.index_cast %add3A_1152 : i32 to index
        %swap3A_1154 = tpu.vector_load %arg9[%swap3A_1153] {strides = array<i32>} : memref<12864xf32, #tpu.memory_space<vmem>>, vector<16xf32>,
        %swap3A_1155 = vector.shape_cast %swap3A_1154 : vector<16xf32> to vector<16xf32>
        %swap3A_1156 = vector.shape_cast %add3A_1150 : vector<16xf32> to vector<16xf32>
        tpu.vector_store %arg9[%swap3A_1153], %swap3A_1156 {strides = array<i32>} : memref<12864xf32, #tpu.memory_space<vmem>>, vector<16xf32>,
        %add3A_1157 = arith.constant 32 : i32
        %add3A_1158 = arith.addi %mul3A_1124, %add3A_1157 : i32
        %get3A_1159 = arith.index_cast %add3A_1158 : i32 to index
        %get3A_1160 = tpu.vector_load %arg7[%get3A_1159] {strides = array<i32>} : memref<13056xf32, #tpu.memory_space<vmem>>, vector<16xf32>,
        %get3A_1161 = vector.shape_cast %get3A_1160 : vector<16xf32> to vector<16xf32>
        %mul3A_1162 = arith.mulf %gather3A_1130, %sub3A_41 : vector<16xf32>
        %add3A_1163 = arith.addf %get3A_1161, %mul3A_1162 : vector<16xf32>
        %add3A_1164 = arith.constant 32 : i32
        %add3A_1165 = arith.addi %add3A_1126, %add3A_1164 : i32
        %swap3A_1166 = arith.index_cast %add3A_1165 : i32 to index
        %swap3A_1167 = tpu.vector_load %arg9[%swap3A_1166] {strides = array<i32>} : memref<12864xf32, #tpu.memory_space<vmem>>, vector<16xf32>,
        %swap3A_1168 = vector.shape_cast %swap3A_1167 : vector<16xf32> to vector<16xf32>
        %swap3A_1169 = vector.shape_cast %add3A_1163 : vector<16xf32> to vector<16xf32>
        tpu.vector_store %arg9[%swap3A_1166], %swap3A_1169 {strides = array<i32>} : memref<12864xf32, #tpu.memory_space<vmem>>, vector<16xf32>,
        %add3A_1170 = arith.constant 48 : i32
        %add3A_1171 = arith.addi %mul3A_1124, %add3A_1170 : i32
        %get3A_1172 = arith.index_cast %add3A_1171 : i32 to index
        %get3A_1173 = tpu.vector_load %arg7[%get3A_1172] {strides = array<i32>} : memref<13056xf32, #tpu.memory_space<vmem>>, vector<16xf32>,
        %get3A_1174 = vector.shape_cast %get3A_1173 : vector<16xf32> to vector<16xf32>
        %mul3A_1175 = arith.mulf %gather3A_1130, %sub3A_42 : vector<16xf32>
        %add3A_1176 = arith.addf %get3A_1174, %mul3A_1175 : vector<16xf32>
        %add3A_1177 = arith.constant 48 : i32
        %add3A_1178 = arith.addi %add3A_1126, %add3A_1177 : i32
        %swap3A_1179 = arith.index_cast %add3A_1178 : i32 to index
        %swap3A_1180 = tpu.vector_load %arg9[%swap3A_1179] {strides = array<i32>} : memref<12864xf32, #tpu.memory_space<vmem>>, vector<16xf32>,
        %swap3A_1181 = vector.shape_cast %swap3A_1180 : vector<16xf32> to vector<16xf32>
        %swap3A_1182 = vector.shape_cast %add3A_1176 : vector<16xf32> to vector<16xf32>
        tpu.vector_store %arg9[%swap3A_1179], %swap3A_1182 {strides = array<i32>} : memref<12864xf32, #tpu.memory_space<vmem>>, vector<16xf32>,
        %mul3A_1183 = arith.constant 16 : i32
        %mul3A_1184 = arith.muli %scan3A_855, %mul3A_1183 : i32
        %add3A_1185 = arith.constant 5 : i32
        %add3A_1186 = arith.addi %mul3A_1184, %add3A_1185 : i32
        %mul3A_1187 = arith.constant 64 : i32
        %mul3A_1188 = arith.muli %add3A_1186, %mul3A_1187 : i32
        %add3A_1189 = arith.constant 0 : i32
        %add3A_1190 = arith.addi %add3A_1189, %mul3A_1188 : i32
        %broadcast_in_dim3A_1191 = arith.constant 5 : i32
        %broadcast_in_dim3A_1192 = vector.broadcast %broadcast_in_dim3A_1191 : i32 to vector<16x1xi32>
        %gather3A_1193 = vector.shape_cast %broadcast_in_dim3A_1192 : vector<16x1xi32> to vector<16xi32>
        %gather3A_1194 = tpu.dynamic_gather %convert_element_type3A_862[%gather3A_1193] in [0] : vector<16xf32>, vector<16xi32> -> vector<16xf32>
        %add3A_1195 = arith.constant 0 : i32
        %add3A_1196 = arith.addi %mul3A_1188, %add3A_1195 : i32
        %get3A_1197 = arith.index_cast %add3A_1196 : i32 to index
        %get3A_1198 = tpu.vector_load %arg7[%get3A_1197] {strides = array<i32>} : memref<13056xf32, #tpu.memory_space<vmem>>, vector<16xf32>,
        %get3A_1199 = vector.shape_cast %get3A_1198 : vector<16xf32> to vector<16xf32>
        %mul3A_1200 = arith.mulf %gather3A_1194, %sub3A : vector<16xf32>
        %add3A_1201 = arith.addf %get3A_1199, %mul3A_1200 : vector<16xf32>
        %add3A_1202 = arith.constant 0 : i32
        %add3A_1203 = arith.addi %add3A_1190, %add3A_1202 : i32
        %swap3A_1204 = arith.index_cast %add3A_1203 : i32 to index
        %swap3A_1205 = tpu.vector_load %arg9[%swap3A_1204] {strides = array<i32>} : memref<12864xf32, #tpu.memory_space<vmem>>, vector<16xf32>,
        %swap3A_1206 = vector.shape_cast %swap3A_1205 : vector<16xf32> to vector<16xf32>
        %swap3A_1207 = vector.shape_cast %add3A_1201 : vector<16xf32> to vector<16xf32>
        tpu.vector_store %arg9[%swap3A_1204], %swap3A_1207 {strides = array<i32>} : memref<12864xf32, #tpu.memory_space<vmem>>, vector<16xf32>,
        %add3A_1208 = arith.constant 16 : i32
        %add3A_1209 = arith.addi %mul3A_1188, %add3A_1208 : i32
        %get3A_1210 = arith.index_cast %add3A_1209 : i32 to index
        %get3A_1211 = tpu.vector_load %arg7[%get3A_1210] {strides = array<i32>} : memref<13056xf32, #tpu.memory_space<vmem>>, vector<16xf32>,
        %get3A_1212 = vector.shape_cast %get3A_1211 : vector<16xf32> to vector<16xf32>
        %mul3A_1213 = arith.mulf %gather3A_1194, %sub3A_40 : vector<16xf32>
        %add3A_1214 = arith.addf %get3A_1212, %mul3A_1213 : vector<16xf32>
        %add3A_1215 = arith.constant 16 : i32
        %add3A_1216 = arith.addi %add3A_1190, %add3A_1215 : i32
        %swap3A_1217 = arith.index_cast %add3A_1216 : i32 to index
        %swap3A_1218 = tpu.vector_load %arg9[%swap3A_1217] {strides = array<i32>} : memref<12864xf32, #tpu.memory_space<vmem>>, vector<16xf32>,
        %swap3A_1219 = vector.shape_cast %swap3A_1218 : vector<16xf32> to vector<16xf32>
        %swap3A_1220 = vector.shape_cast %add3A_1214 : vector<16xf32> to vector<16xf32>
        tpu.vector_store %arg9[%swap3A_1217], %swap3A_1220 {strides = array<i32>} : memref<12864xf32, #tpu.memory_space<vmem>>, vector<16xf32>,
        %add3A_1221 = arith.constant 32 : i32
        %add3A_1222 = arith.addi %mul3A_1188, %add3A_1221 : i32
        %get3A_1223 = arith.index_cast %add3A_1222 : i32 to index
        %get3A_1224 = tpu.vector_load %arg7[%get3A_1223] {strides = array<i32>} : memref<13056xf32, #tpu.memory_space<vmem>>, vector<16xf32>,
        %get3A_1225 = vector.shape_cast %get3A_1224 : vector<16xf32> to vector<16xf32>
        %mul3A_1226 = arith.mulf %gather3A_1194, %sub3A_41 : vector<16xf32>
        %add3A_1227 = arith.addf %get3A_1225, %mul3A_1226 : vector<16xf32>
        %add3A_1228 = arith.constant 32 : i32
        %add3A_1229 = arith.addi %add3A_1190, %add3A_1228 : i32
        %swap3A_1230 = arith.index_cast %add3A_1229 : i32 to index
        %swap3A_1231 = tpu.vector_load %arg9[%swap3A_1230] {strides = array<i32>} : memref<12864xf32, #tpu.memory_space<vmem>>, vector<16xf32>,
        %swap3A_1232 = vector.shape_cast %swap3A_1231 : vector<16xf32> to vector<16xf32>
        %swap3A_1233 = vector.shape_cast %add3A_1227 : vector<16xf32> to vector<16xf32>
        tpu.vector_store %arg9[%swap3A_1230], %swap3A_1233 {strides = array<i32>} : memref<12864xf32, #tpu.memory_space<vmem>>, vector<16xf32>,
        %add3A_1234 = arith.constant 48 : i32
        %add3A_1235 = arith.addi %mul3A_1188, %add3A_1234 : i32
        %get3A_1236 = arith.index_cast %add3A_1235 : i32 to index
        %get3A_1237 = tpu.vector_load %arg7[%get3A_1236] {strides = array<i32>} : memref<13056xf32, #tpu.memory_space<vmem>>, vector<16xf32>,
        %get3A_1238 = vector.shape_cast %get3A_1237 : vector<16xf32> to vector<16xf32>
        %mul3A_1239 = arith.mulf %gather3A_1194, %sub3A_42 : vector<16xf32>
        %add3A_1240 = arith.addf %get3A_1238, %mul3A_1239 : vector<16xf32>
        %add3A_1241 = arith.constant 48 : i32
        %add3A_1242 = arith.addi %add3A_1190, %add3A_1241 : i32
        %swap3A_1243 = arith.index_cast %add3A_1242 : i32 to index
        %swap3A_1244 = tpu.vector_load %arg9[%swap3A_1243] {strides = array<i32>} : memref<12864xf32, #tpu.memory_space<vmem>>, vector<16xf32>,
        %swap3A_1245 = vector.shape_cast %swap3A_1244 : vector<16xf32> to vector<16xf32>
        %swap3A_1246 = vector.shape_cast %add3A_1240 : vector<16xf32> to vector<16xf32>
        tpu.vector_store %arg9[%swap3A_1243], %swap3A_1246 {strides = array<i32>} : memref<12864xf32, #tpu.memory_space<vmem>>, vector<16xf32>,
        %mul3A_1247 = arith.constant 16 : i32
        %mul3A_1248 = arith.muli %scan3A_855, %mul3A_1247 : i32
        %add3A_1249 = arith.constant 6 : i32
        %add3A_1250 = arith.addi %mul3A_1248, %add3A_1249 : i32
        %mul3A_1251 = arith.constant 64 : i32
        %mul3A_1252 = arith.muli %add3A_1250, %mul3A_1251 : i32
        %add3A_1253 = arith.constant 0 : i32
        %add3A_1254 = arith.addi %add3A_1253, %mul3A_1252 : i32
        %broadcast_in_dim3A_1255 = arith.constant 6 : i32
        %broadcast_in_dim3A_1256 = vector.broadcast %broadcast_in_dim3A_1255 : i32 to vector<16x1xi32>
        %gather3A_1257 = vector.shape_cast %broadcast_in_dim3A_1256 : vector<16x1xi32> to vector<16xi32>
        %gather3A_1258 = tpu.dynamic_gather %convert_element_type3A_862[%gather3A_1257] in [0] : vector<16xf32>, vector<16xi32> -> vector<16xf32>
        %add3A_1259 = arith.constant 0 : i32
        %add3A_1260 = arith.addi %mul3A_1252, %add3A_1259 : i32
        %get3A_1261 = arith.index_cast %add3A_1260 : i32 to index
        %get3A_1262 = tpu.vector_load %arg7[%get3A_1261] {strides = array<i32>} : memref<13056xf32, #tpu.memory_space<vmem>>, vector<16xf32>,
        %get3A_1263 = vector.shape_cast %get3A_1262 : vector<16xf32> to vector<16xf32>
        %mul3A_1264 = arith.mulf %gather3A_1258, %sub3A : vector<16xf32>
        %add3A_1265 = arith.addf %get3A_1263, %mul3A_1264 : vector<16xf32>
        %add3A_1266 = arith.constant 0 : i32
        %add3A_1267 = arith.addi %add3A_1254, %add3A_1266 : i32
        %swap3A_1268 = arith.index_cast %add3A_1267 : i32 to index
        %swap3A_1269 = tpu.vector_load %arg9[%swap3A_1268] {strides = array<i32>} : memref<12864xf32, #tpu.memory_space<vmem>>, vector<16xf32>,
        %swap3A_1270 = vector.shape_cast %swap3A_1269 : vector<16xf32> to vector<16xf32>
        %swap3A_1271 = vector.shape_cast %add3A_1265 : vector<16xf32> to vector<16xf32>
        tpu.vector_store %arg9[%swap3A_1268], %swap3A_1271 {strides = array<i32>} : memref<12864xf32, #tpu.memory_space<vmem>>, vector<16xf32>,
        %add3A_1272 = arith.constant 16 : i32
        %add3A_1273 = arith.addi %mul3A_1252, %add3A_1272 : i32
        %get3A_1274 = arith.index_cast %add3A_1273 : i32 to index
        %get3A_1275 = tpu.vector_load %arg7[%get3A_1274] {strides = array<i32>} : memref<13056xf32, #tpu.memory_space<vmem>>, vector<16xf32>,
        %get3A_1276 = vector.shape_cast %get3A_1275 : vector<16xf32> to vector<16xf32>
        %mul3A_1277 = arith.mulf %gather3A_1258, %sub3A_40 : vector<16xf32>
        %add3A_1278 = arith.addf %get3A_1276, %mul3A_1277 : vector<16xf32>
        %add3A_1279 = arith.constant 16 : i32
        %add3A_1280 = arith.addi %add3A_1254, %add3A_1279 : i32
        %swap3A_1281 = arith.index_cast %add3A_1280 : i32 to index
        %swap3A_1282 = tpu.vector_load %arg9[%swap3A_1281] {strides = array<i32>} : memref<12864xf32, #tpu.memory_space<vmem>>, vector<16xf32>,
        %swap3A_1283 = vector.shape_cast %swap3A_1282 : vector<16xf32> to vector<16xf32>
        %swap3A_1284 = vector.shape_cast %add3A_1278 : vector<16xf32> to vector<16xf32>
        tpu.vector_store %arg9[%swap3A_1281], %swap3A_1284 {strides = array<i32>} : memref<12864xf32, #tpu.memory_space<vmem>>, vector<16xf32>,
        %add3A_1285 = arith.constant 32 : i32
        %add3A_1286 = arith.addi %mul3A_1252, %add3A_1285 : i32
        %get3A_1287 = arith.index_cast %add3A_1286 : i32 to index
        %get3A_1288 = tpu.vector_load %arg7[%get3A_1287] {strides = array<i32>} : memref<13056xf32, #tpu.memory_space<vmem>>, vector<16xf32>,
        %get3A_1289 = vector.shape_cast %get3A_1288 : vector<16xf32> to vector<16xf32>
        %mul3A_1290 = arith.mulf %gather3A_1258, %sub3A_41 : vector<16xf32>
        %add3A_1291 = arith.addf %get3A_1289, %mul3A_1290 : vector<16xf32>
        %add3A_1292 = arith.constant 32 : i32
        %add3A_1293 = arith.addi %add3A_1254, %add3A_1292 : i32
        %swap3A_1294 = arith.index_cast %add3A_1293 : i32 to index
        %swap3A_1295 = tpu.vector_load %arg9[%swap3A_1294] {strides = array<i32>} : memref<12864xf32, #tpu.memory_space<vmem>>, vector<16xf32>,
        %swap3A_1296 = vector.shape_cast %swap3A_1295 : vector<16xf32> to vector<16xf32>
        %swap3A_1297 = vector.shape_cast %add3A_1291 : vector<16xf32> to vector<16xf32>
        tpu.vector_store %arg9[%swap3A_1294], %swap3A_1297 {strides = array<i32>} : memref<12864xf32, #tpu.memory_space<vmem>>, vector<16xf32>,
        %add3A_1298 = arith.constant 48 : i32
        %add3A_1299 = arith.addi %mul3A_1252, %add3A_1298 : i32
        %get3A_1300 = arith.index_cast %add3A_1299 : i32 to index
        %get3A_1301 = tpu.vector_load %arg7[%get3A_1300] {strides = array<i32>} : memref<13056xf32, #tpu.memory_space<vmem>>, vector<16xf32>,
        %get3A_1302 = vector.shape_cast %get3A_1301 : vector<16xf32> to vector<16xf32>
        %mul3A_1303 = arith.mulf %gather3A_1258, %sub3A_42 : vector<16xf32>
        %add3A_1304 = arith.addf %get3A_1302, %mul3A_1303 : vector<16xf32>
        %add3A_1305 = arith.constant 48 : i32
        %add3A_1306 = arith.addi %add3A_1254, %add3A_1305 : i32
        %swap3A_1307 = arith.index_cast %add3A_1306 : i32 to index
        %swap3A_1308 = tpu.vector_load %arg9[%swap3A_1307] {strides = array<i32>} : memref<12864xf32, #tpu.memory_space<vmem>>, vector<16xf32>,
        %swap3A_1309 = vector.shape_cast %swap3A_1308 : vector<16xf32> to vector<16xf32>
        %swap3A_1310 = vector.shape_cast %add3A_1304 : vector<16xf32> to vector<16xf32>
        tpu.vector_store %arg9[%swap3A_1307], %swap3A_1310 {strides = array<i32>} : memref<12864xf32, #tpu.memory_space<vmem>>, vector<16xf32>,
        %mul3A_1311 = arith.constant 16 : i32
        %mul3A_1312 = arith.muli %scan3A_855, %mul3A_1311 : i32
        %add3A_1313 = arith.constant 7 : i32
        %add3A_1314 = arith.addi %mul3A_1312, %add3A_1313 : i32
        %mul3A_1315 = arith.constant 64 : i32
        %mul3A_1316 = arith.muli %add3A_1314, %mul3A_1315 : i32
        %add3A_1317 = arith.constant 0 : i32
        %add3A_1318 = arith.addi %add3A_1317, %mul3A_1316 : i32
        %broadcast_in_dim3A_1319 = arith.constant 7 : i32
        %broadcast_in_dim3A_1320 = vector.broadcast %broadcast_in_dim3A_1319 : i32 to vector<16x1xi32>
        %gather3A_1321 = vector.shape_cast %broadcast_in_dim3A_1320 : vector<16x1xi32> to vector<16xi32>
        %gather3A_1322 = tpu.dynamic_gather %convert_element_type3A_862[%gather3A_1321] in [0] : vector<16xf32>, vector<16xi32> -> vector<16xf32>
        %add3A_1323 = arith.constant 0 : i32
        %add3A_1324 = arith.addi %mul3A_1316, %add3A_1323 : i32
        %get3A_1325 = arith.index_cast %add3A_1324 : i32 to index
        %get3A_1326 = tpu.vector_load %arg7[%get3A_1325] {strides = array<i32>} : memref<13056xf32, #tpu.memory_space<vmem>>, vector<16xf32>,
        %get3A_1327 = vector.shape_cast %get3A_1326 : vector<16xf32> to vector<16xf32>
        %mul3A_1328 = arith.mulf %gather3A_1322, %sub3A : vector<16xf32>
        %add3A_1329 = arith.addf %get3A_1327, %mul3A_1328 : vector<16xf32>
        %add3A_1330 = arith.constant 0 : i32
        %add3A_1331 = arith.addi %add3A_1318, %add3A_1330 : i32
        %swap3A_1332 = arith.index_cast %add3A_1331 : i32 to index
        %swap3A_1333 = tpu.vector_load %arg9[%swap3A_1332] {strides = array<i32>} : memref<12864xf32, #tpu.memory_space<vmem>>, vector<16xf32>,
        %swap3A_1334 = vector.shape_cast %swap3A_1333 : vector<16xf32> to vector<16xf32>
        %swap3A_1335 = vector.shape_cast %add3A_1329 : vector<16xf32> to vector<16xf32>
        tpu.vector_store %arg9[%swap3A_1332], %swap3A_1335 {strides = array<i32>} : memref<12864xf32, #tpu.memory_space<vmem>>, vector<16xf32>,
        %add3A_1336 = arith.constant 16 : i32
        %add3A_1337 = arith.addi %mul3A_1316, %add3A_1336 : i32
        %get3A_1338 = arith.index_cast %add3A_1337 : i32 to index
        %get3A_1339 = tpu.vector_load %arg7[%get3A_1338] {strides = array<i32>} : memref<13056xf32, #tpu.memory_space<vmem>>, vector<16xf32>,
        %get3A_1340 = vector.shape_cast %get3A_1339 : vector<16xf32> to vector<16xf32>
        %mul3A_1341 = arith.mulf %gather3A_1322, %sub3A_40 : vector<16xf32>
        %add3A_1342 = arith.addf %get3A_1340, %mul3A_1341 : vector<16xf32>
        %add3A_1343 = arith.constant 16 : i32
        %add3A_1344 = arith.addi %add3A_1318, %add3A_1343 : i32
        %swap3A_1345 = arith.index_cast %add3A_1344 : i32 to index
        %swap3A_1346 = tpu.vector_load %arg9[%swap3A_1345] {strides = array<i32>} : memref<12864xf32, #tpu.memory_space<vmem>>, vector<16xf32>,
        %swap3A_1347 = vector.shape_cast %swap3A_1346 : vector<16xf32> to vector<16xf32>
        %swap3A_1348 = vector.shape_cast %add3A_1342 : vector<16xf32> to vector<16xf32>
        tpu.vector_store %arg9[%swap3A_1345], %swap3A_1348 {strides = array<i32>} : memref<12864xf32, #tpu.memory_space<vmem>>, vector<16xf32>,
        %add3A_1349 = arith.constant 32 : i32
        %add3A_1350 = arith.addi %mul3A_1316, %add3A_1349 : i32
        %get3A_1351 = arith.index_cast %add3A_1350 : i32 to index
        %get3A_1352 = tpu.vector_load %arg7[%get3A_1351] {strides = array<i32>} : memref<13056xf32, #tpu.memory_space<vmem>>, vector<16xf32>,
        %get3A_1353 = vector.shape_cast %get3A_1352 : vector<16xf32> to vector<16xf32>
        %mul3A_1354 = arith.mulf %gather3A_1322, %sub3A_41 : vector<16xf32>
        %add3A_1355 = arith.addf %get3A_1353, %mul3A_1354 : vector<16xf32>
        %add3A_1356 = arith.constant 32 : i32
        %add3A_1357 = arith.addi %add3A_1318, %add3A_1356 : i32
        %swap3A_1358 = arith.index_cast %add3A_1357 : i32 to index
        %swap3A_1359 = tpu.vector_load %arg9[%swap3A_1358] {strides = array<i32>} : memref<12864xf32, #tpu.memory_space<vmem>>, vector<16xf32>,
        %swap3A_1360 = vector.shape_cast %swap3A_1359 : vector<16xf32> to vector<16xf32>
        %swap3A_1361 = vector.shape_cast %add3A_1355 : vector<16xf32> to vector<16xf32>
        tpu.vector_store %arg9[%swap3A_1358], %swap3A_1361 {strides = array<i32>} : memref<12864xf32, #tpu.memory_space<vmem>>, vector<16xf32>,
        %add3A_1362 = arith.constant 48 : i32
        %add3A_1363 = arith.addi %mul3A_1316, %add3A_1362 : i32
        %get3A_1364 = arith.index_cast %add3A_1363 : i32 to index
        %get3A_1365 = tpu.vector_load %arg7[%get3A_1364] {strides = array<i32>} : memref<13056xf32, #tpu.memory_space<vmem>>, vector<16xf32>,
        %get3A_1366 = vector.shape_cast %get3A_1365 : vector<16xf32> to vector<16xf32>
        %mul3A_1367 = arith.mulf %gather3A_1322, %sub3A_42 : vector<16xf32>
        %add3A_1368 = arith.addf %get3A_1366, %mul3A_1367 : vector<16xf32>
        %add3A_1369 = arith.constant 48 : i32
        %add3A_1370 = arith.addi %add3A_1318, %add3A_1369 : i32
        %swap3A_1371 = arith.index_cast %add3A_1370 : i32 to index
        %swap3A_1372 = tpu.vector_load %arg9[%swap3A_1371] {strides = array<i32>} : memref<12864xf32, #tpu.memory_space<vmem>>, vector<16xf32>,
        %swap3A_1373 = vector.shape_cast %swap3A_1372 : vector<16xf32> to vector<16xf32>
        %swap3A_1374 = vector.shape_cast %add3A_1368 : vector<16xf32> to vector<16xf32>
        tpu.vector_store %arg9[%swap3A_1371], %swap3A_1374 {strides = array<i32>} : memref<12864xf32, #tpu.memory_space<vmem>>, vector<16xf32>,
        %mul3A_1375 = arith.constant 16 : i32
        %mul3A_1376 = arith.muli %scan3A_855, %mul3A_1375 : i32
        %add3A_1377 = arith.constant 8 : i32
        %add3A_1378 = arith.addi %mul3A_1376, %add3A_1377 : i32
        %mul3A_1379 = arith.constant 64 : i32
        %mul3A_1380 = arith.muli %add3A_1378, %mul3A_1379 : i32
        %add3A_1381 = arith.constant 0 : i32
        %add3A_1382 = arith.addi %add3A_1381, %mul3A_1380 : i32
        %broadcast_in_dim3A_1383 = arith.constant 8 : i32
        %broadcast_in_dim3A_1384 = vector.broadcast %broadcast_in_dim3A_1383 : i32 to vector<16x1xi32>
        %gather3A_1385 = vector.shape_cast %broadcast_in_dim3A_1384 : vector<16x1xi32> to vector<16xi32>
        %gather3A_1386 = tpu.dynamic_gather %convert_element_type3A_862[%gather3A_1385] in [0] : vector<16xf32>, vector<16xi32> -> vector<16xf32>
        %add3A_1387 = arith.constant 0 : i32
        %add3A_1388 = arith.addi %mul3A_1380, %add3A_1387 : i32
        %get3A_1389 = arith.index_cast %add3A_1388 : i32 to index
        %get3A_1390 = tpu.vector_load %arg7[%get3A_1389] {strides = array<i32>} : memref<13056xf32, #tpu.memory_space<vmem>>, vector<16xf32>,
        %get3A_1391 = vector.shape_cast %get3A_1390 : vector<16xf32> to vector<16xf32>
        %mul3A_1392 = arith.mulf %gather3A_1386, %sub3A : vector<16xf32>
        %add3A_1393 = arith.addf %get3A_1391, %mul3A_1392 : vector<16xf32>
        %add3A_1394 = arith.constant 0 : i32
        %add3A_1395 = arith.addi %add3A_1382, %add3A_1394 : i32
        %swap3A_1396 = arith.index_cast %add3A_1395 : i32 to index
        %swap3A_1397 = tpu.vector_load %arg9[%swap3A_1396] {strides = array<i32>} : memref<12864xf32, #tpu.memory_space<vmem>>, vector<16xf32>,
        %swap3A_1398 = vector.shape_cast %swap3A_1397 : vector<16xf32> to vector<16xf32>
        %swap3A_1399 = vector.shape_cast %add3A_1393 : vector<16xf32> to vector<16xf32>
        tpu.vector_store %arg9[%swap3A_1396], %swap3A_1399 {strides = array<i32>} : memref<12864xf32, #tpu.memory_space<vmem>>, vector<16xf32>,
        %add3A_1400 = arith.constant 16 : i32
        %add3A_1401 = arith.addi %mul3A_1380, %add3A_1400 : i32
        %get3A_1402 = arith.index_cast %add3A_1401 : i32 to index
        %get3A_1403 = tpu.vector_load %arg7[%get3A_1402] {strides = array<i32>} : memref<13056xf32, #tpu.memory_space<vmem>>, vector<16xf32>,
        %get3A_1404 = vector.shape_cast %get3A_1403 : vector<16xf32> to vector<16xf32>
        %mul3A_1405 = arith.mulf %gather3A_1386, %sub3A_40 : vector<16xf32>
        %add3A_1406 = arith.addf %get3A_1404, %mul3A_1405 : vector<16xf32>
        %add3A_1407 = arith.constant 16 : i32
        %add3A_1408 = arith.addi %add3A_1382, %add3A_1407 : i32
        %swap3A_1409 = arith.index_cast %add3A_1408 : i32 to index
        %swap3A_1410 = tpu.vector_load %arg9[%swap3A_1409] {strides = array<i32>} : memref<12864xf32, #tpu.memory_space<vmem>>, vector<16xf32>,
        %swap3A_1411 = vector.shape_cast %swap3A_1410 : vector<16xf32> to vector<16xf32>
        %swap3A_1412 = vector.shape_cast %add3A_1406 : vector<16xf32> to vector<16xf32>
        tpu.vector_store %arg9[%swap3A_1409], %swap3A_1412 {strides = array<i32>} : memref<12864xf32, #tpu.memory_space<vmem>>, vector<16xf32>,
        %add3A_1413 = arith.constant 32 : i32
        %add3A_1414 = arith.addi %mul3A_1380, %add3A_1413 : i32
        %get3A_1415 = arith.index_cast %add3A_1414 : i32 to index
        %get3A_1416 = tpu.vector_load %arg7[%get3A_1415] {strides = array<i32>} : memref<13056xf32, #tpu.memory_space<vmem>>, vector<16xf32>,
        %get3A_1417 = vector.shape_cast %get3A_1416 : vector<16xf32> to vector<16xf32>
        %mul3A_1418 = arith.mulf %gather3A_1386, %sub3A_41 : vector<16xf32>
        %add3A_1419 = arith.addf %get3A_1417, %mul3A_1418 : vector<16xf32>
        %add3A_1420 = arith.constant 32 : i32
        %add3A_1421 = arith.addi %add3A_1382, %add3A_1420 : i32
        %swap3A_1422 = arith.index_cast %add3A_1421 : i32 to index
        %swap3A_1423 = tpu.vector_load %arg9[%swap3A_1422] {strides = array<i32>} : memref<12864xf32, #tpu.memory_space<vmem>>, vector<16xf32>,
        %swap3A_1424 = vector.shape_cast %swap3A_1423 : vector<16xf32> to vector<16xf32>
        %swap3A_1425 = vector.shape_cast %add3A_1419 : vector<16xf32> to vector<16xf32>
        tpu.vector_store %arg9[%swap3A_1422], %swap3A_1425 {strides = array<i32>} : memref<12864xf32, #tpu.memory_space<vmem>>, vector<16xf32>,
        %add3A_1426 = arith.constant 48 : i32
        %add3A_1427 = arith.addi %mul3A_1380, %add3A_1426 : i32
        %get3A_1428 = arith.index_cast %add3A_1427 : i32 to index
        %get3A_1429 = tpu.vector_load %arg7[%get3A_1428] {strides = array<i32>} : memref<13056xf32, #tpu.memory_space<vmem>>, vector<16xf32>,
        %get3A_1430 = vector.shape_cast %get3A_1429 : vector<16xf32> to vector<16xf32>
        %mul3A_1431 = arith.mulf %gather3A_1386, %sub3A_42 : vector<16xf32>
        %add3A_1432 = arith.addf %get3A_1430, %mul3A_1431 : vector<16xf32>
        %add3A_1433 = arith.constant 48 : i32
        %add3A_1434 = arith.addi %add3A_1382, %add3A_1433 : i32
        %swap3A_1435 = arith.index_cast %add3A_1434 : i32 to index
        %swap3A_1436 = tpu.vector_load %arg9[%swap3A_1435] {strides = array<i32>} : memref<12864xf32, #tpu.memory_space<vmem>>, vector<16xf32>,
        %swap3A_1437 = vector.shape_cast %swap3A_1436 : vector<16xf32> to vector<16xf32>
        %swap3A_1438 = vector.shape_cast %add3A_1432 : vector<16xf32> to vector<16xf32>
        tpu.vector_store %arg9[%swap3A_1435], %swap3A_1438 {strides = array<i32>} : memref<12864xf32, #tpu.memory_space<vmem>>, vector<16xf32>,
        %mul3A_1439 = arith.constant 16 : i32
        %mul3A_1440 = arith.muli %scan3A_855, %mul3A_1439 : i32
        %add3A_1441 = arith.constant 9 : i32
        %add3A_1442 = arith.addi %mul3A_1440, %add3A_1441 : i32
        %mul3A_1443 = arith.constant 64 : i32
        %mul3A_1444 = arith.muli %add3A_1442, %mul3A_1443 : i32
        %add3A_1445 = arith.constant 0 : i32
        %add3A_1446 = arith.addi %add3A_1445, %mul3A_1444 : i32
        %broadcast_in_dim3A_1447 = arith.constant 9 : i32
        %broadcast_in_dim3A_1448 = vector.broadcast %broadcast_in_dim3A_1447 : i32 to vector<16x1xi32>
        %gather3A_1449 = vector.shape_cast %broadcast_in_dim3A_1448 : vector<16x1xi32> to vector<16xi32>
        %gather3A_1450 = tpu.dynamic_gather %convert_element_type3A_862[%gather3A_1449] in [0] : vector<16xf32>, vector<16xi32> -> vector<16xf32>
        %add3A_1451 = arith.constant 0 : i32
        %add3A_1452 = arith.addi %mul3A_1444, %add3A_1451 : i32
        %get3A_1453 = arith.index_cast %add3A_1452 : i32 to index
        %get3A_1454 = tpu.vector_load %arg7[%get3A_1453] {strides = array<i32>} : memref<13056xf32, #tpu.memory_space<vmem>>, vector<16xf32>,
        %get3A_1455 = vector.shape_cast %get3A_1454 : vector<16xf32> to vector<16xf32>
        %mul3A_1456 = arith.mulf %gather3A_1450, %sub3A : vector<16xf32>
        %add3A_1457 = arith.addf %get3A_1455, %mul3A_1456 : vector<16xf32>
        %add3A_1458 = arith.constant 0 : i32
        %add3A_1459 = arith.addi %add3A_1446, %add3A_1458 : i32
        %swap3A_1460 = arith.index_cast %add3A_1459 : i32 to index
        %swap3A_1461 = tpu.vector_load %arg9[%swap3A_1460] {strides = array<i32>} : memref<12864xf32, #tpu.memory_space<vmem>>, vector<16xf32>,
        %swap3A_1462 = vector.shape_cast %swap3A_1461 : vector<16xf32> to vector<16xf32>
        %swap3A_1463 = vector.shape_cast %add3A_1457 : vector<16xf32> to vector<16xf32>
        tpu.vector_store %arg9[%swap3A_1460], %swap3A_1463 {strides = array<i32>} : memref<12864xf32, #tpu.memory_space<vmem>>, vector<16xf32>,
        %add3A_1464 = arith.constant 16 : i32
        %add3A_1465 = arith.addi %mul3A_1444, %add3A_1464 : i32
        %get3A_1466 = arith.index_cast %add3A_1465 : i32 to index
        %get3A_1467 = tpu.vector_load %arg7[%get3A_1466] {strides = array<i32>} : memref<13056xf32, #tpu.memory_space<vmem>>, vector<16xf32>,
        %get3A_1468 = vector.shape_cast %get3A_1467 : vector<16xf32> to vector<16xf32>
        %mul3A_1469 = arith.mulf %gather3A_1450, %sub3A_40 : vector<16xf32>
        %add3A_1470 = arith.addf %get3A_1468, %mul3A_1469 : vector<16xf32>
        %add3A_1471 = arith.constant 16 : i32
        %add3A_1472 = arith.addi %add3A_1446, %add3A_1471 : i32
        %swap3A_1473 = arith.index_cast %add3A_1472 : i32 to index
        %swap3A_1474 = tpu.vector_load %arg9[%swap3A_1473] {strides = array<i32>} : memref<12864xf32, #tpu.memory_space<vmem>>, vector<16xf32>,
        %swap3A_1475 = vector.shape_cast %swap3A_1474 : vector<16xf32> to vector<16xf32>
        %swap3A_1476 = vector.shape_cast %add3A_1470 : vector<16xf32> to vector<16xf32>
        tpu.vector_store %arg9[%swap3A_1473], %swap3A_1476 {strides = array<i32>} : memref<12864xf32, #tpu.memory_space<vmem>>, vector<16xf32>,
        %add3A_1477 = arith.constant 32 : i32
        %add3A_1478 = arith.addi %mul3A_1444, %add3A_1477 : i32
        %get3A_1479 = arith.index_cast %add3A_1478 : i32 to index
        %get3A_1480 = tpu.vector_load %arg7[%get3A_1479] {strides = array<i32>} : memref<13056xf32, #tpu.memory_space<vmem>>, vector<16xf32>,
        %get3A_1481 = vector.shape_cast %get3A_1480 : vector<16xf32> to vector<16xf32>
        %mul3A_1482 = arith.mulf %gather3A_1450, %sub3A_41 : vector<16xf32>
        %add3A_1483 = arith.addf %get3A_1481, %mul3A_1482 : vector<16xf32>
        %add3A_1484 = arith.constant 32 : i32
        %add3A_1485 = arith.addi %add3A_1446, %add3A_1484 : i32
        %swap3A_1486 = arith.index_cast %add3A_1485 : i32 to index
        %swap3A_1487 = tpu.vector_load %arg9[%swap3A_1486] {strides = array<i32>} : memref<12864xf32, #tpu.memory_space<vmem>>, vector<16xf32>,
        %swap3A_1488 = vector.shape_cast %swap3A_1487 : vector<16xf32> to vector<16xf32>
        %swap3A_1489 = vector.shape_cast %add3A_1483 : vector<16xf32> to vector<16xf32>
        tpu.vector_store %arg9[%swap3A_1486], %swap3A_1489 {strides = array<i32>} : memref<12864xf32, #tpu.memory_space<vmem>>, vector<16xf32>,
        %add3A_1490 = arith.constant 48 : i32
        %add3A_1491 = arith.addi %mul3A_1444, %add3A_1490 : i32
        %get3A_1492 = arith.index_cast %add3A_1491 : i32 to index
        %get3A_1493 = tpu.vector_load %arg7[%get3A_1492] {strides = array<i32>} : memref<13056xf32, #tpu.memory_space<vmem>>, vector<16xf32>,
        %get3A_1494 = vector.shape_cast %get3A_1493 : vector<16xf32> to vector<16xf32>
        %mul3A_1495 = arith.mulf %gather3A_1450, %sub3A_42 : vector<16xf32>
        %add3A_1496 = arith.addf %get3A_1494, %mul3A_1495 : vector<16xf32>
        %add3A_1497 = arith.constant 48 : i32
        %add3A_1498 = arith.addi %add3A_1446, %add3A_1497 : i32
        %swap3A_1499 = arith.index_cast %add3A_1498 : i32 to index
        %swap3A_1500 = tpu.vector_load %arg9[%swap3A_1499] {strides = array<i32>} : memref<12864xf32, #tpu.memory_space<vmem>>, vector<16xf32>,
        %swap3A_1501 = vector.shape_cast %swap3A_1500 : vector<16xf32> to vector<16xf32>
        %swap3A_1502 = vector.shape_cast %add3A_1496 : vector<16xf32> to vector<16xf32>
        tpu.vector_store %arg9[%swap3A_1499], %swap3A_1502 {strides = array<i32>} : memref<12864xf32, #tpu.memory_space<vmem>>, vector<16xf32>,
        %mul3A_1503 = arith.constant 16 : i32
        %mul3A_1504 = arith.muli %scan3A_855, %mul3A_1503 : i32
        %add3A_1505 = arith.constant 10 : i32
        %add3A_1506 = arith.addi %mul3A_1504, %add3A_1505 : i32
        %mul3A_1507 = arith.constant 64 : i32
        %mul3A_1508 = arith.muli %add3A_1506, %mul3A_1507 : i32
        %add3A_1509 = arith.constant 0 : i32
        %add3A_1510 = arith.addi %add3A_1509, %mul3A_1508 : i32
        %broadcast_in_dim3A_1511 = arith.constant 10 : i32
        %broadcast_in_dim3A_1512 = vector.broadcast %broadcast_in_dim3A_1511 : i32 to vector<16x1xi32>
        %gather3A_1513 = vector.shape_cast %broadcast_in_dim3A_1512 : vector<16x1xi32> to vector<16xi32>
        %gather3A_1514 = tpu.dynamic_gather %convert_element_type3A_862[%gather3A_1513] in [0] : vector<16xf32>, vector<16xi32> -> vector<16xf32>
        %add3A_1515 = arith.constant 0 : i32
        %add3A_1516 = arith.addi %mul3A_1508, %add3A_1515 : i32
        %get3A_1517 = arith.index_cast %add3A_1516 : i32 to index
        %get3A_1518 = tpu.vector_load %arg7[%get3A_1517] {strides = array<i32>} : memref<13056xf32, #tpu.memory_space<vmem>>, vector<16xf32>,
        %get3A_1519 = vector.shape_cast %get3A_1518 : vector<16xf32> to vector<16xf32>
        %mul3A_1520 = arith.mulf %gather3A_1514, %sub3A : vector<16xf32>
        %add3A_1521 = arith.addf %get3A_1519, %mul3A_1520 : vector<16xf32>
        %add3A_1522 = arith.constant 0 : i32
        %add3A_1523 = arith.addi %add3A_1510, %add3A_1522 : i32
        %swap3A_1524 = arith.index_cast %add3A_1523 : i32 to index
        %swap3A_1525 = tpu.vector_load %arg9[%swap3A_1524] {strides = array<i32>} : memref<12864xf32, #tpu.memory_space<vmem>>, vector<16xf32>,
        %swap3A_1526 = vector.shape_cast %swap3A_1525 : vector<16xf32> to vector<16xf32>
        %swap3A_1527 = vector.shape_cast %add3A_1521 : vector<16xf32> to vector<16xf32>
        tpu.vector_store %arg9[%swap3A_1524], %swap3A_1527 {strides = array<i32>} : memref<12864xf32, #tpu.memory_space<vmem>>, vector<16xf32>,
        %add3A_1528 = arith.constant 16 : i32
        %add3A_1529 = arith.addi %mul3A_1508, %add3A_1528 : i32
        %get3A_1530 = arith.index_cast %add3A_1529 : i32 to index
        %get3A_1531 = tpu.vector_load %arg7[%get3A_1530] {strides = array<i32>} : memref<13056xf32, #tpu.memory_space<vmem>>, vector<16xf32>,
        %get3A_1532 = vector.shape_cast %get3A_1531 : vector<16xf32> to vector<16xf32>
        %mul3A_1533 = arith.mulf %gather3A_1514, %sub3A_40 : vector<16xf32>
        %add3A_1534 = arith.addf %get3A_1532, %mul3A_1533 : vector<16xf32>
        %add3A_1535 = arith.constant 16 : i32
        %add3A_1536 = arith.addi %add3A_1510, %add3A_1535 : i32
        %swap3A_1537 = arith.index_cast %add3A_1536 : i32 to index
        %swap3A_1538 = tpu.vector_load %arg9[%swap3A_1537] {strides = array<i32>} : memref<12864xf32, #tpu.memory_space<vmem>>, vector<16xf32>,
        %swap3A_1539 = vector.shape_cast %swap3A_1538 : vector<16xf32> to vector<16xf32>
        %swap3A_1540 = vector.shape_cast %add3A_1534 : vector<16xf32> to vector<16xf32>
        tpu.vector_store %arg9[%swap3A_1537], %swap3A_1540 {strides = array<i32>} : memref<12864xf32, #tpu.memory_space<vmem>>, vector<16xf32>,
        %add3A_1541 = arith.constant 32 : i32
        %add3A_1542 = arith.addi %mul3A_1508, %add3A_1541 : i32
        %get3A_1543 = arith.index_cast %add3A_1542 : i32 to index
        %get3A_1544 = tpu.vector_load %arg7[%get3A_1543] {strides = array<i32>} : memref<13056xf32, #tpu.memory_space<vmem>>, vector<16xf32>,
        %get3A_1545 = vector.shape_cast %get3A_1544 : vector<16xf32> to vector<16xf32>
        %mul3A_1546 = arith.mulf %gather3A_1514, %sub3A_41 : vector<16xf32>
        %add3A_1547 = arith.addf %get3A_1545, %mul3A_1546 : vector<16xf32>
        %add3A_1548 = arith.constant 32 : i32
        %add3A_1549 = arith.addi %add3A_1510, %add3A_1548 : i32
        %swap3A_1550 = arith.index_cast %add3A_1549 : i32 to index
        %swap3A_1551 = tpu.vector_load %arg9[%swap3A_1550] {strides = array<i32>} : memref<12864xf32, #tpu.memory_space<vmem>>, vector<16xf32>,
        %swap3A_1552 = vector.shape_cast %swap3A_1551 : vector<16xf32> to vector<16xf32>
        %swap3A_1553 = vector.shape_cast %add3A_1547 : vector<16xf32> to vector<16xf32>
        tpu.vector_store %arg9[%swap3A_1550], %swap3A_1553 {strides = array<i32>} : memref<12864xf32, #tpu.memory_space<vmem>>, vector<16xf32>,
        %add3A_1554 = arith.constant 48 : i32
        %add3A_1555 = arith.addi %mul3A_1508, %add3A_1554 : i32
        %get3A_1556 = arith.index_cast %add3A_1555 : i32 to index
        %get3A_1557 = tpu.vector_load %arg7[%get3A_1556] {strides = array<i32>} : memref<13056xf32, #tpu.memory_space<vmem>>, vector<16xf32>,
        %get3A_1558 = vector.shape_cast %get3A_1557 : vector<16xf32> to vector<16xf32>
        %mul3A_1559 = arith.mulf %gather3A_1514, %sub3A_42 : vector<16xf32>
        %add3A_1560 = arith.addf %get3A_1558, %mul3A_1559 : vector<16xf32>
        %add3A_1561 = arith.constant 48 : i32
        %add3A_1562 = arith.addi %add3A_1510, %add3A_1561 : i32
        %swap3A_1563 = arith.index_cast %add3A_1562 : i32 to index
        %swap3A_1564 = tpu.vector_load %arg9[%swap3A_1563] {strides = array<i32>} : memref<12864xf32, #tpu.memory_space<vmem>>, vector<16xf32>,
        %swap3A_1565 = vector.shape_cast %swap3A_1564 : vector<16xf32> to vector<16xf32>
        %swap3A_1566 = vector.shape_cast %add3A_1560 : vector<16xf32> to vector<16xf32>
        tpu.vector_store %arg9[%swap3A_1563], %swap3A_1566 {strides = array<i32>} : memref<12864xf32, #tpu.memory_space<vmem>>, vector<16xf32>,
        %mul3A_1567 = arith.constant 16 : i32
        %mul3A_1568 = arith.muli %scan3A_855, %mul3A_1567 : i32
        %add3A_1569 = arith.constant 11 : i32
        %add3A_1570 = arith.addi %mul3A_1568, %add3A_1569 : i32
        %mul3A_1571 = arith.constant 64 : i32
        %mul3A_1572 = arith.muli %add3A_1570, %mul3A_1571 : i32
        %add3A_1573 = arith.constant 0 : i32
        %add3A_1574 = arith.addi %add3A_1573, %mul3A_1572 : i32
        %broadcast_in_dim3A_1575 = arith.constant 11 : i32
        %broadcast_in_dim3A_1576 = vector.broadcast %broadcast_in_dim3A_1575 : i32 to vector<16x1xi32>
        %gather3A_1577 = vector.shape_cast %broadcast_in_dim3A_1576 : vector<16x1xi32> to vector<16xi32>
        %gather3A_1578 = tpu.dynamic_gather %convert_element_type3A_862[%gather3A_1577] in [0] : vector<16xf32>, vector<16xi32> -> vector<16xf32>
        %add3A_1579 = arith.constant 0 : i32
        %add3A_1580 = arith.addi %mul3A_1572, %add3A_1579 : i32
        %get3A_1581 = arith.index_cast %add3A_1580 : i32 to index
        %get3A_1582 = tpu.vector_load %arg7[%get3A_1581] {strides = array<i32>} : memref<13056xf32, #tpu.memory_space<vmem>>, vector<16xf32>,
        %get3A_1583 = vector.shape_cast %get3A_1582 : vector<16xf32> to vector<16xf32>
        %mul3A_1584 = arith.mulf %gather3A_1578, %sub3A : vector<16xf32>
        %add3A_1585 = arith.addf %get3A_1583, %mul3A_1584 : vector<16xf32>
        %add3A_1586 = arith.constant 0 : i32
        %add3A_1587 = arith.addi %add3A_1574, %add3A_1586 : i32
        %swap3A_1588 = arith.index_cast %add3A_1587 : i32 to index
        %swap3A_1589 = tpu.vector_load %arg9[%swap3A_1588] {strides = array<i32>} : memref<12864xf32, #tpu.memory_space<vmem>>, vector<16xf32>,
        %swap3A_1590 = vector.shape_cast %swap3A_1589 : vector<16xf32> to vector<16xf32>
        %swap3A_1591 = vector.shape_cast %add3A_1585 : vector<16xf32> to vector<16xf32>
        tpu.vector_store %arg9[%swap3A_1588], %swap3A_1591 {strides = array<i32>} : memref<12864xf32, #tpu.memory_space<vmem>>, vector<16xf32>,
        %add3A_1592 = arith.constant 16 : i32
        %add3A_1593 = arith.addi %mul3A_1572, %add3A_1592 : i32
        %get3A_1594 = arith.index_cast %add3A_1593 : i32 to index
        %get3A_1595 = tpu.vector_load %arg7[%get3A_1594] {strides = array<i32>} : memref<13056xf32, #tpu.memory_space<vmem>>, vector<16xf32>,
        %get3A_1596 = vector.shape_cast %get3A_1595 : vector<16xf32> to vector<16xf32>
        %mul3A_1597 = arith.mulf %gather3A_1578, %sub3A_40 : vector<16xf32>
        %add3A_1598 = arith.addf %get3A_1596, %mul3A_1597 : vector<16xf32>
        %add3A_1599 = arith.constant 16 : i32
        %add3A_1600 = arith.addi %add3A_1574, %add3A_1599 : i32
        %swap3A_1601 = arith.index_cast %add3A_1600 : i32 to index
        %swap3A_1602 = tpu.vector_load %arg9[%swap3A_1601] {strides = array<i32>} : memref<12864xf32, #tpu.memory_space<vmem>>, vector<16xf32>,
        %swap3A_1603 = vector.shape_cast %swap3A_1602 : vector<16xf32> to vector<16xf32>
        %swap3A_1604 = vector.shape_cast %add3A_1598 : vector<16xf32> to vector<16xf32>
        tpu.vector_store %arg9[%swap3A_1601], %swap3A_1604 {strides = array<i32>} : memref<12864xf32, #tpu.memory_space<vmem>>, vector<16xf32>,
        %add3A_1605 = arith.constant 32 : i32
        %add3A_1606 = arith.addi %mul3A_1572, %add3A_1605 : i32
        %get3A_1607 = arith.index_cast %add3A_1606 : i32 to index
        %get3A_1608 = tpu.vector_load %arg7[%get3A_1607] {strides = array<i32>} : memref<13056xf32, #tpu.memory_space<vmem>>, vector<16xf32>,
        %get3A_1609 = vector.shape_cast %get3A_1608 : vector<16xf32> to vector<16xf32>
        %mul3A_1610 = arith.mulf %gather3A_1578, %sub3A_41 : vector<16xf32>
        %add3A_1611 = arith.addf %get3A_1609, %mul3A_1610 : vector<16xf32>
        %add3A_1612 = arith.constant 32 : i32
        %add3A_1613 = arith.addi %add3A_1574, %add3A_1612 : i32
        %swap3A_1614 = arith.index_cast %add3A_1613 : i32 to index
        %swap3A_1615 = tpu.vector_load %arg9[%swap3A_1614] {strides = array<i32>} : memref<12864xf32, #tpu.memory_space<vmem>>, vector<16xf32>,
        %swap3A_1616 = vector.shape_cast %swap3A_1615 : vector<16xf32> to vector<16xf32>
        %swap3A_1617 = vector.shape_cast %add3A_1611 : vector<16xf32> to vector<16xf32>
        tpu.vector_store %arg9[%swap3A_1614], %swap3A_1617 {strides = array<i32>} : memref<12864xf32, #tpu.memory_space<vmem>>, vector<16xf32>,
        %add3A_1618 = arith.constant 48 : i32
        %add3A_1619 = arith.addi %mul3A_1572, %add3A_1618 : i32
        %get3A_1620 = arith.index_cast %add3A_1619 : i32 to index
        %get3A_1621 = tpu.vector_load %arg7[%get3A_1620] {strides = array<i32>} : memref<13056xf32, #tpu.memory_space<vmem>>, vector<16xf32>,
        %get3A_1622 = vector.shape_cast %get3A_1621 : vector<16xf32> to vector<16xf32>
        %mul3A_1623 = arith.mulf %gather3A_1578, %sub3A_42 : vector<16xf32>
        %add3A_1624 = arith.addf %get3A_1622, %mul3A_1623 : vector<16xf32>
        %add3A_1625 = arith.constant 48 : i32
        %add3A_1626 = arith.addi %add3A_1574, %add3A_1625 : i32
        %swap3A_1627 = arith.index_cast %add3A_1626 : i32 to index
        %swap3A_1628 = tpu.vector_load %arg9[%swap3A_1627] {strides = array<i32>} : memref<12864xf32, #tpu.memory_space<vmem>>, vector<16xf32>,
        %swap3A_1629 = vector.shape_cast %swap3A_1628 : vector<16xf32> to vector<16xf32>
        %swap3A_1630 = vector.shape_cast %add3A_1624 : vector<16xf32> to vector<16xf32>
        tpu.vector_store %arg9[%swap3A_1627], %swap3A_1630 {strides = array<i32>} : memref<12864xf32, #tpu.memory_space<vmem>>, vector<16xf32>,
        %mul3A_1631 = arith.constant 16 : i32
        %mul3A_1632 = arith.muli %scan3A_855, %mul3A_1631 : i32
        %add3A_1633 = arith.constant 12 : i32
        %add3A_1634 = arith.addi %mul3A_1632, %add3A_1633 : i32
        %mul3A_1635 = arith.constant 64 : i32
        %mul3A_1636 = arith.muli %add3A_1634, %mul3A_1635 : i32
        %add3A_1637 = arith.constant 0 : i32
        %add3A_1638 = arith.addi %add3A_1637, %mul3A_1636 : i32
        %broadcast_in_dim3A_1639 = arith.constant 12 : i32
        %broadcast_in_dim3A_1640 = vector.broadcast %broadcast_in_dim3A_1639 : i32 to vector<16x1xi32>
        %gather3A_1641 = vector.shape_cast %broadcast_in_dim3A_1640 : vector<16x1xi32> to vector<16xi32>
        %gather3A_1642 = tpu.dynamic_gather %convert_element_type3A_862[%gather3A_1641] in [0] : vector<16xf32>, vector<16xi32> -> vector<16xf32>
        %add3A_1643 = arith.constant 0 : i32
        %add3A_1644 = arith.addi %mul3A_1636, %add3A_1643 : i32
        %get3A_1645 = arith.index_cast %add3A_1644 : i32 to index
        %get3A_1646 = tpu.vector_load %arg7[%get3A_1645] {strides = array<i32>} : memref<13056xf32, #tpu.memory_space<vmem>>, vector<16xf32>,
        %get3A_1647 = vector.shape_cast %get3A_1646 : vector<16xf32> to vector<16xf32>
        %mul3A_1648 = arith.mulf %gather3A_1642, %sub3A : vector<16xf32>
        %add3A_1649 = arith.addf %get3A_1647, %mul3A_1648 : vector<16xf32>
        %add3A_1650 = arith.constant 0 : i32
        %add3A_1651 = arith.addi %add3A_1638, %add3A_1650 : i32
        %swap3A_1652 = arith.index_cast %add3A_1651 : i32 to index
        %swap3A_1653 = tpu.vector_load %arg9[%swap3A_1652] {strides = array<i32>} : memref<12864xf32, #tpu.memory_space<vmem>>, vector<16xf32>,
        %swap3A_1654 = vector.shape_cast %swap3A_1653 : vector<16xf32> to vector<16xf32>
        %swap3A_1655 = vector.shape_cast %add3A_1649 : vector<16xf32> to vector<16xf32>
        tpu.vector_store %arg9[%swap3A_1652], %swap3A_1655 {strides = array<i32>} : memref<12864xf32, #tpu.memory_space<vmem>>, vector<16xf32>,
        %add3A_1656 = arith.constant 16 : i32
        %add3A_1657 = arith.addi %mul3A_1636, %add3A_1656 : i32
        %get3A_1658 = arith.index_cast %add3A_1657 : i32 to index
        %get3A_1659 = tpu.vector_load %arg7[%get3A_1658] {strides = array<i32>} : memref<13056xf32, #tpu.memory_space<vmem>>, vector<16xf32>,
        %get3A_1660 = vector.shape_cast %get3A_1659 : vector<16xf32> to vector<16xf32>
        %mul3A_1661 = arith.mulf %gather3A_1642, %sub3A_40 : vector<16xf32>
        %add3A_1662 = arith.addf %get3A_1660, %mul3A_1661 : vector<16xf32>
        %add3A_1663 = arith.constant 16 : i32
        %add3A_1664 = arith.addi %add3A_1638, %add3A_1663 : i32
        %swap3A_1665 = arith.index_cast %add3A_1664 : i32 to index
        %swap3A_1666 = tpu.vector_load %arg9[%swap3A_1665] {strides = array<i32>} : memref<12864xf32, #tpu.memory_space<vmem>>, vector<16xf32>,
        %swap3A_1667 = vector.shape_cast %swap3A_1666 : vector<16xf32> to vector<16xf32>
        %swap3A_1668 = vector.shape_cast %add3A_1662 : vector<16xf32> to vector<16xf32>
        tpu.vector_store %arg9[%swap3A_1665], %swap3A_1668 {strides = array<i32>} : memref<12864xf32, #tpu.memory_space<vmem>>, vector<16xf32>,
        %add3A_1669 = arith.constant 32 : i32
        %add3A_1670 = arith.addi %mul3A_1636, %add3A_1669 : i32
        %get3A_1671 = arith.index_cast %add3A_1670 : i32 to index
        %get3A_1672 = tpu.vector_load %arg7[%get3A_1671] {strides = array<i32>} : memref<13056xf32, #tpu.memory_space<vmem>>, vector<16xf32>,
        %get3A_1673 = vector.shape_cast %get3A_1672 : vector<16xf32> to vector<16xf32>
        %mul3A_1674 = arith.mulf %gather3A_1642, %sub3A_41 : vector<16xf32>
        %add3A_1675 = arith.addf %get3A_1673, %mul3A_1674 : vector<16xf32>
        %add3A_1676 = arith.constant 32 : i32
        %add3A_1677 = arith.addi %add3A_1638, %add3A_1676 : i32
        %swap3A_1678 = arith.index_cast %add3A_1677 : i32 to index
        %swap3A_1679 = tpu.vector_load %arg9[%swap3A_1678] {strides = array<i32>} : memref<12864xf32, #tpu.memory_space<vmem>>, vector<16xf32>,
        %swap3A_1680 = vector.shape_cast %swap3A_1679 : vector<16xf32> to vector<16xf32>
        %swap3A_1681 = vector.shape_cast %add3A_1675 : vector<16xf32> to vector<16xf32>
        tpu.vector_store %arg9[%swap3A_1678], %swap3A_1681 {strides = array<i32>} : memref<12864xf32, #tpu.memory_space<vmem>>, vector<16xf32>,
        %add3A_1682 = arith.constant 48 : i32
        %add3A_1683 = arith.addi %mul3A_1636, %add3A_1682 : i32
        %get3A_1684 = arith.index_cast %add3A_1683 : i32 to index
        %get3A_1685 = tpu.vector_load %arg7[%get3A_1684] {strides = array<i32>} : memref<13056xf32, #tpu.memory_space<vmem>>, vector<16xf32>,
        %get3A_1686 = vector.shape_cast %get3A_1685 : vector<16xf32> to vector<16xf32>
        %mul3A_1687 = arith.mulf %gather3A_1642, %sub3A_42 : vector<16xf32>
        %add3A_1688 = arith.addf %get3A_1686, %mul3A_1687 : vector<16xf32>
        %add3A_1689 = arith.constant 48 : i32
        %add3A_1690 = arith.addi %add3A_1638, %add3A_1689 : i32
        %swap3A_1691 = arith.index_cast %add3A_1690 : i32 to index
        %swap3A_1692 = tpu.vector_load %arg9[%swap3A_1691] {strides = array<i32>} : memref<12864xf32, #tpu.memory_space<vmem>>, vector<16xf32>,
        %swap3A_1693 = vector.shape_cast %swap3A_1692 : vector<16xf32> to vector<16xf32>
        %swap3A_1694 = vector.shape_cast %add3A_1688 : vector<16xf32> to vector<16xf32>
        tpu.vector_store %arg9[%swap3A_1691], %swap3A_1694 {strides = array<i32>} : memref<12864xf32, #tpu.memory_space<vmem>>, vector<16xf32>,
        %mul3A_1695 = arith.constant 16 : i32
        %mul3A_1696 = arith.muli %scan3A_855, %mul3A_1695 : i32
        %add3A_1697 = arith.constant 13 : i32
        %add3A_1698 = arith.addi %mul3A_1696, %add3A_1697 : i32
        %mul3A_1699 = arith.constant 64 : i32
        %mul3A_1700 = arith.muli %add3A_1698, %mul3A_1699 : i32
        %add3A_1701 = arith.constant 0 : i32
        %add3A_1702 = arith.addi %add3A_1701, %mul3A_1700 : i32
        %broadcast_in_dim3A_1703 = arith.constant 13 : i32
        %broadcast_in_dim3A_1704 = vector.broadcast %broadcast_in_dim3A_1703 : i32 to vector<16x1xi32>
        %gather3A_1705 = vector.shape_cast %broadcast_in_dim3A_1704 : vector<16x1xi32> to vector<16xi32>
        %gather3A_1706 = tpu.dynamic_gather %convert_element_type3A_862[%gather3A_1705] in [0] : vector<16xf32>, vector<16xi32> -> vector<16xf32>
        %add3A_1707 = arith.constant 0 : i32
        %add3A_1708 = arith.addi %mul3A_1700, %add3A_1707 : i32
        %get3A_1709 = arith.index_cast %add3A_1708 : i32 to index
        %get3A_1710 = tpu.vector_load %arg7[%get3A_1709] {strides = array<i32>} : memref<13056xf32, #tpu.memory_space<vmem>>, vector<16xf32>,
        %get3A_1711 = vector.shape_cast %get3A_1710 : vector<16xf32> to vector<16xf32>
        %mul3A_1712 = arith.mulf %gather3A_1706, %sub3A : vector<16xf32>
        %add3A_1713 = arith.addf %get3A_1711, %mul3A_1712 : vector<16xf32>
        %add3A_1714 = arith.constant 0 : i32
        %add3A_1715 = arith.addi %add3A_1702, %add3A_1714 : i32
        %swap3A_1716 = arith.index_cast %add3A_1715 : i32 to index
        %swap3A_1717 = tpu.vector_load %arg9[%swap3A_1716] {strides = array<i32>} : memref<12864xf32, #tpu.memory_space<vmem>>, vector<16xf32>,
        %swap3A_1718 = vector.shape_cast %swap3A_1717 : vector<16xf32> to vector<16xf32>
        %swap3A_1719 = vector.shape_cast %add3A_1713 : vector<16xf32> to vector<16xf32>
        tpu.vector_store %arg9[%swap3A_1716], %swap3A_1719 {strides = array<i32>} : memref<12864xf32, #tpu.memory_space<vmem>>, vector<16xf32>,
        %add3A_1720 = arith.constant 16 : i32
        %add3A_1721 = arith.addi %mul3A_1700, %add3A_1720 : i32
        %get3A_1722 = arith.index_cast %add3A_1721 : i32 to index
        %get3A_1723 = tpu.vector_load %arg7[%get3A_1722] {strides = array<i32>} : memref<13056xf32, #tpu.memory_space<vmem>>, vector<16xf32>,
        %get3A_1724 = vector.shape_cast %get3A_1723 : vector<16xf32> to vector<16xf32>
        %mul3A_1725 = arith.mulf %gather3A_1706, %sub3A_40 : vector<16xf32>
        %add3A_1726 = arith.addf %get3A_1724, %mul3A_1725 : vector<16xf32>
        %add3A_1727 = arith.constant 16 : i32
        %add3A_1728 = arith.addi %add3A_1702, %add3A_1727 : i32
        %swap3A_1729 = arith.index_cast %add3A_1728 : i32 to index
        %swap3A_1730 = tpu.vector_load %arg9[%swap3A_1729] {strides = array<i32>} : memref<12864xf32, #tpu.memory_space<vmem>>, vector<16xf32>,
        %swap3A_1731 = vector.shape_cast %swap3A_1730 : vector<16xf32> to vector<16xf32>
        %swap3A_1732 = vector.shape_cast %add3A_1726 : vector<16xf32> to vector<16xf32>
        tpu.vector_store %arg9[%swap3A_1729], %swap3A_1732 {strides = array<i32>} : memref<12864xf32, #tpu.memory_space<vmem>>, vector<16xf32>,
        %add3A_1733 = arith.constant 32 : i32
        %add3A_1734 = arith.addi %mul3A_1700, %add3A_1733 : i32
        %get3A_1735 = arith.index_cast %add3A_1734 : i32 to index
        %get3A_1736 = tpu.vector_load %arg7[%get3A_1735] {strides = array<i32>} : memref<13056xf32, #tpu.memory_space<vmem>>, vector<16xf32>,
        %get3A_1737 = vector.shape_cast %get3A_1736 : vector<16xf32> to vector<16xf32>
        %mul3A_1738 = arith.mulf %gather3A_1706, %sub3A_41 : vector<16xf32>
        %add3A_1739 = arith.addf %get3A_1737, %mul3A_1738 : vector<16xf32>
        %add3A_1740 = arith.constant 32 : i32
        %add3A_1741 = arith.addi %add3A_1702, %add3A_1740 : i32
        %swap3A_1742 = arith.index_cast %add3A_1741 : i32 to index
        %swap3A_1743 = tpu.vector_load %arg9[%swap3A_1742] {strides = array<i32>} : memref<12864xf32, #tpu.memory_space<vmem>>, vector<16xf32>,
        %swap3A_1744 = vector.shape_cast %swap3A_1743 : vector<16xf32> to vector<16xf32>
        %swap3A_1745 = vector.shape_cast %add3A_1739 : vector<16xf32> to vector<16xf32>
        tpu.vector_store %arg9[%swap3A_1742], %swap3A_1745 {strides = array<i32>} : memref<12864xf32, #tpu.memory_space<vmem>>, vector<16xf32>,
        %add3A_1746 = arith.constant 48 : i32
        %add3A_1747 = arith.addi %mul3A_1700, %add3A_1746 : i32
        %get3A_1748 = arith.index_cast %add3A_1747 : i32 to index
        %get3A_1749 = tpu.vector_load %arg7[%get3A_1748] {strides = array<i32>} : memref<13056xf32, #tpu.memory_space<vmem>>, vector<16xf32>,
        %get3A_1750 = vector.shape_cast %get3A_1749 : vector<16xf32> to vector<16xf32>
        %mul3A_1751 = arith.mulf %gather3A_1706, %sub3A_42 : vector<16xf32>
        %add3A_1752 = arith.addf %get3A_1750, %mul3A_1751 : vector<16xf32>
        %add3A_1753 = arith.constant 48 : i32
        %add3A_1754 = arith.addi %add3A_1702, %add3A_1753 : i32
        %swap3A_1755 = arith.index_cast %add3A_1754 : i32 to index
        %swap3A_1756 = tpu.vector_load %arg9[%swap3A_1755] {strides = array<i32>} : memref<12864xf32, #tpu.memory_space<vmem>>, vector<16xf32>,
        %swap3A_1757 = vector.shape_cast %swap3A_1756 : vector<16xf32> to vector<16xf32>
        %swap3A_1758 = vector.shape_cast %add3A_1752 : vector<16xf32> to vector<16xf32>
        tpu.vector_store %arg9[%swap3A_1755], %swap3A_1758 {strides = array<i32>} : memref<12864xf32, #tpu.memory_space<vmem>>, vector<16xf32>,
        %mul3A_1759 = arith.constant 16 : i32
        %mul3A_1760 = arith.muli %scan3A_855, %mul3A_1759 : i32
        %add3A_1761 = arith.constant 14 : i32
        %add3A_1762 = arith.addi %mul3A_1760, %add3A_1761 : i32
        %mul3A_1763 = arith.constant 64 : i32
        %mul3A_1764 = arith.muli %add3A_1762, %mul3A_1763 : i32
        %add3A_1765 = arith.constant 0 : i32
        %add3A_1766 = arith.addi %add3A_1765, %mul3A_1764 : i32
        %broadcast_in_dim3A_1767 = arith.constant 14 : i32
        %broadcast_in_dim3A_1768 = vector.broadcast %broadcast_in_dim3A_1767 : i32 to vector<16x1xi32>
        %gather3A_1769 = vector.shape_cast %broadcast_in_dim3A_1768 : vector<16x1xi32> to vector<16xi32>
        %gather3A_1770 = tpu.dynamic_gather %convert_element_type3A_862[%gather3A_1769] in [0] : vector<16xf32>, vector<16xi32> -> vector<16xf32>
        %add3A_1771 = arith.constant 0 : i32
        %add3A_1772 = arith.addi %mul3A_1764, %add3A_1771 : i32
        %get3A_1773 = arith.index_cast %add3A_1772 : i32 to index
        %get3A_1774 = tpu.vector_load %arg7[%get3A_1773] {strides = array<i32>} : memref<13056xf32, #tpu.memory_space<vmem>>, vector<16xf32>,
        %get3A_1775 = vector.shape_cast %get3A_1774 : vector<16xf32> to vector<16xf32>
        %mul3A_1776 = arith.mulf %gather3A_1770, %sub3A : vector<16xf32>
        %add3A_1777 = arith.addf %get3A_1775, %mul3A_1776 : vector<16xf32>
        %add3A_1778 = arith.constant 0 : i32
        %add3A_1779 = arith.addi %add3A_1766, %add3A_1778 : i32
        %swap3A_1780 = arith.index_cast %add3A_1779 : i32 to index
        %swap3A_1781 = tpu.vector_load %arg9[%swap3A_1780] {strides = array<i32>} : memref<12864xf32, #tpu.memory_space<vmem>>, vector<16xf32>,
        %swap3A_1782 = vector.shape_cast %swap3A_1781 : vector<16xf32> to vector<16xf32>
        %swap3A_1783 = vector.shape_cast %add3A_1777 : vector<16xf32> to vector<16xf32>
        tpu.vector_store %arg9[%swap3A_1780], %swap3A_1783 {strides = array<i32>} : memref<12864xf32, #tpu.memory_space<vmem>>, vector<16xf32>,
        %add3A_1784 = arith.constant 16 : i32
        %add3A_1785 = arith.addi %mul3A_1764, %add3A_1784 : i32
        %get3A_1786 = arith.index_cast %add3A_1785 : i32 to index
        %get3A_1787 = tpu.vector_load %arg7[%get3A_1786] {strides = array<i32>} : memref<13056xf32, #tpu.memory_space<vmem>>, vector<16xf32>,
        %get3A_1788 = vector.shape_cast %get3A_1787 : vector<16xf32> to vector<16xf32>
        %mul3A_1789 = arith.mulf %gather3A_1770, %sub3A_40 : vector<16xf32>
        %add3A_1790 = arith.addf %get3A_1788, %mul3A_1789 : vector<16xf32>
        %add3A_1791 = arith.constant 16 : i32
        %add3A_1792 = arith.addi %add3A_1766, %add3A_1791 : i32
        %swap3A_1793 = arith.index_cast %add3A_1792 : i32 to index
        %swap3A_1794 = tpu.vector_load %arg9[%swap3A_1793] {strides = array<i32>} : memref<12864xf32, #tpu.memory_space<vmem>>, vector<16xf32>,
        %swap3A_1795 = vector.shape_cast %swap3A_1794 : vector<16xf32> to vector<16xf32>
        %swap3A_1796 = vector.shape_cast %add3A_1790 : vector<16xf32> to vector<16xf32>
        tpu.vector_store %arg9[%swap3A_1793], %swap3A_1796 {strides = array<i32>} : memref<12864xf32, #tpu.memory_space<vmem>>, vector<16xf32>,
        %add3A_1797 = arith.constant 32 : i32
        %add3A_1798 = arith.addi %mul3A_1764, %add3A_1797 : i32
        %get3A_1799 = arith.index_cast %add3A_1798 : i32 to index
        %get3A_1800 = tpu.vector_load %arg7[%get3A_1799] {strides = array<i32>} : memref<13056xf32, #tpu.memory_space<vmem>>, vector<16xf32>,
        %get3A_1801 = vector.shape_cast %get3A_1800 : vector<16xf32> to vector<16xf32>
        %mul3A_1802 = arith.mulf %gather3A_1770, %sub3A_41 : vector<16xf32>
        %add3A_1803 = arith.addf %get3A_1801, %mul3A_1802 : vector<16xf32>
        %add3A_1804 = arith.constant 32 : i32
        %add3A_1805 = arith.addi %add3A_1766, %add3A_1804 : i32
        %swap3A_1806 = arith.index_cast %add3A_1805 : i32 to index
        %swap3A_1807 = tpu.vector_load %arg9[%swap3A_1806] {strides = array<i32>} : memref<12864xf32, #tpu.memory_space<vmem>>, vector<16xf32>,
        %swap3A_1808 = vector.shape_cast %swap3A_1807 : vector<16xf32> to vector<16xf32>
        %swap3A_1809 = vector.shape_cast %add3A_1803 : vector<16xf32> to vector<16xf32>
        tpu.vector_store %arg9[%swap3A_1806], %swap3A_1809 {strides = array<i32>} : memref<12864xf32, #tpu.memory_space<vmem>>, vector<16xf32>,
        %add3A_1810 = arith.constant 48 : i32
        %add3A_1811 = arith.addi %mul3A_1764, %add3A_1810 : i32
        %get3A_1812 = arith.index_cast %add3A_1811 : i32 to index
        %get3A_1813 = tpu.vector_load %arg7[%get3A_1812] {strides = array<i32>} : memref<13056xf32, #tpu.memory_space<vmem>>, vector<16xf32>,
        %get3A_1814 = vector.shape_cast %get3A_1813 : vector<16xf32> to vector<16xf32>
        %mul3A_1815 = arith.mulf %gather3A_1770, %sub3A_42 : vector<16xf32>
        %add3A_1816 = arith.addf %get3A_1814, %mul3A_1815 : vector<16xf32>
        %add3A_1817 = arith.constant 48 : i32
        %add3A_1818 = arith.addi %add3A_1766, %add3A_1817 : i32
        %swap3A_1819 = arith.index_cast %add3A_1818 : i32 to index
        %swap3A_1820 = tpu.vector_load %arg9[%swap3A_1819] {strides = array<i32>} : memref<12864xf32, #tpu.memory_space<vmem>>, vector<16xf32>,
        %swap3A_1821 = vector.shape_cast %swap3A_1820 : vector<16xf32> to vector<16xf32>
        %swap3A_1822 = vector.shape_cast %add3A_1816 : vector<16xf32> to vector<16xf32>
        tpu.vector_store %arg9[%swap3A_1819], %swap3A_1822 {strides = array<i32>} : memref<12864xf32, #tpu.memory_space<vmem>>, vector<16xf32>,
        %mul3A_1823 = arith.constant 16 : i32
        %mul3A_1824 = arith.muli %scan3A_855, %mul3A_1823 : i32
        %add3A_1825 = arith.constant 15 : i32
        %add3A_1826 = arith.addi %mul3A_1824, %add3A_1825 : i32
        %mul3A_1827 = arith.constant 64 : i32
        %mul3A_1828 = arith.muli %add3A_1826, %mul3A_1827 : i32
        %add3A_1829 = arith.constant 0 : i32
        %add3A_1830 = arith.addi %add3A_1829, %mul3A_1828 : i32
        %broadcast_in_dim3A_1831 = arith.constant 15 : i32
        %broadcast_in_dim3A_1832 = vector.broadcast %broadcast_in_dim3A_1831 : i32 to vector<16x1xi32>
        %gather3A_1833 = vector.shape_cast %broadcast_in_dim3A_1832 : vector<16x1xi32> to vector<16xi32>
        %gather3A_1834 = tpu.dynamic_gather %convert_element_type3A_862[%gather3A_1833] in [0] : vector<16xf32>, vector<16xi32> -> vector<16xf32>
        %add3A_1835 = arith.constant 0 : i32
        %add3A_1836 = arith.addi %mul3A_1828, %add3A_1835 : i32
        %get3A_1837 = arith.index_cast %add3A_1836 : i32 to index
        %get3A_1838 = tpu.vector_load %arg7[%get3A_1837] {strides = array<i32>} : memref<13056xf32, #tpu.memory_space<vmem>>, vector<16xf32>,
        %get3A_1839 = vector.shape_cast %get3A_1838 : vector<16xf32> to vector<16xf32>
        %mul3A_1840 = arith.mulf %gather3A_1834, %sub3A : vector<16xf32>
        %add3A_1841 = arith.addf %get3A_1839, %mul3A_1840 : vector<16xf32>
        %add3A_1842 = arith.constant 0 : i32
        %add3A_1843 = arith.addi %add3A_1830, %add3A_1842 : i32
        %swap3A_1844 = arith.index_cast %add3A_1843 : i32 to index
        %swap3A_1845 = tpu.vector_load %arg9[%swap3A_1844] {strides = array<i32>} : memref<12864xf32, #tpu.memory_space<vmem>>, vector<16xf32>,
        %swap3A_1846 = vector.shape_cast %swap3A_1845 : vector<16xf32> to vector<16xf32>
        %swap3A_1847 = vector.shape_cast %add3A_1841 : vector<16xf32> to vector<16xf32>
        tpu.vector_store %arg9[%swap3A_1844], %swap3A_1847 {strides = array<i32>} : memref<12864xf32, #tpu.memory_space<vmem>>, vector<16xf32>,
        %add3A_1848 = arith.constant 16 : i32
        %add3A_1849 = arith.addi %mul3A_1828, %add3A_1848 : i32
        %get3A_1850 = arith.index_cast %add3A_1849 : i32 to index
        %get3A_1851 = tpu.vector_load %arg7[%get3A_1850] {strides = array<i32>} : memref<13056xf32, #tpu.memory_space<vmem>>, vector<16xf32>,
        %get3A_1852 = vector.shape_cast %get3A_1851 : vector<16xf32> to vector<16xf32>
        %mul3A_1853 = arith.mulf %gather3A_1834, %sub3A_40 : vector<16xf32>
        %add3A_1854 = arith.addf %get3A_1852, %mul3A_1853 : vector<16xf32>
        %add3A_1855 = arith.constant 16 : i32
        %add3A_1856 = arith.addi %add3A_1830, %add3A_1855 : i32
        %swap3A_1857 = arith.index_cast %add3A_1856 : i32 to index
        %swap3A_1858 = tpu.vector_load %arg9[%swap3A_1857] {strides = array<i32>} : memref<12864xf32, #tpu.memory_space<vmem>>, vector<16xf32>,
        %swap3A_1859 = vector.shape_cast %swap3A_1858 : vector<16xf32> to vector<16xf32>
        %swap3A_1860 = vector.shape_cast %add3A_1854 : vector<16xf32> to vector<16xf32>
        tpu.vector_store %arg9[%swap3A_1857], %swap3A_1860 {strides = array<i32>} : memref<12864xf32, #tpu.memory_space<vmem>>, vector<16xf32>,
        %add3A_1861 = arith.constant 32 : i32
        %add3A_1862 = arith.addi %mul3A_1828, %add3A_1861 : i32
        %get3A_1863 = arith.index_cast %add3A_1862 : i32 to index
        %get3A_1864 = tpu.vector_load %arg7[%get3A_1863] {strides = array<i32>} : memref<13056xf32, #tpu.memory_space<vmem>>, vector<16xf32>,
        %get3A_1865 = vector.shape_cast %get3A_1864 : vector<16xf32> to vector<16xf32>
        %mul3A_1866 = arith.mulf %gather3A_1834, %sub3A_41 : vector<16xf32>
        %add3A_1867 = arith.addf %get3A_1865, %mul3A_1866 : vector<16xf32>
        %add3A_1868 = arith.constant 32 : i32
        %add3A_1869 = arith.addi %add3A_1830, %add3A_1868 : i32
        %swap3A_1870 = arith.index_cast %add3A_1869 : i32 to index
        %swap3A_1871 = tpu.vector_load %arg9[%swap3A_1870] {strides = array<i32>} : memref<12864xf32, #tpu.memory_space<vmem>>, vector<16xf32>,
        %swap3A_1872 = vector.shape_cast %swap3A_1871 : vector<16xf32> to vector<16xf32>
        %swap3A_1873 = vector.shape_cast %add3A_1867 : vector<16xf32> to vector<16xf32>
        tpu.vector_store %arg9[%swap3A_1870], %swap3A_1873 {strides = array<i32>} : memref<12864xf32, #tpu.memory_space<vmem>>, vector<16xf32>,
        %add3A_1874 = arith.constant 48 : i32
        %add3A_1875 = arith.addi %mul3A_1828, %add3A_1874 : i32
        %get3A_1876 = arith.index_cast %add3A_1875 : i32 to index
        %get3A_1877 = tpu.vector_load %arg7[%get3A_1876] {strides = array<i32>} : memref<13056xf32, #tpu.memory_space<vmem>>, vector<16xf32>,
        %get3A_1878 = vector.shape_cast %get3A_1877 : vector<16xf32> to vector<16xf32>
        %mul3A_1879 = arith.mulf %gather3A_1834, %sub3A_42 : vector<16xf32>
        %add3A_1880 = arith.addf %get3A_1878, %mul3A_1879 : vector<16xf32>
        %add3A_1881 = arith.constant 48 : i32
        %add3A_1882 = arith.addi %add3A_1830, %add3A_1881 : i32
        %swap3A_1883 = arith.index_cast %add3A_1882 : i32 to index
        %swap3A_1884 = tpu.vector_load %arg9[%swap3A_1883] {strides = array<i32>} : memref<12864xf32, #tpu.memory_space<vmem>>, vector<16xf32>,
        %swap3A_1885 = vector.shape_cast %swap3A_1884 : vector<16xf32> to vector<16xf32>
        %swap3A_1886 = vector.shape_cast %add3A_1880 : vector<16xf32> to vector<16xf32>
        tpu.vector_store %arg9[%swap3A_1883], %swap3A_1886 {strides = array<i32>} : memref<12864xf32, #tpu.memory_space<vmem>>, vector<16xf32>,
      }
      %scan3A_114 = arith.constant 12 : i32
      %add3A_115 = arith.constant 192 : i32
      %add3A_116 = arith.addi %mul3A_108, %add3A_115 : i32
      %get3A_117 = arith.index_cast %add3A_116 : i32 to index
      %get3A_118 = tpu.vector_load %arg8[%get3A_117] {strides = array<i32>} : memref<25616xi32, #tpu.memory_space<vmem>>, vector<16xi32>,
      %get3A_119 = vector.shape_cast %get3A_118 : vector<16xi32> to vector<16xi32>
      %convert_element_type3A_120 = arith.sitofp %get3A_119 : vector<16xi32> to vector<16xf32>
      %broadcast_in_dim3A = arith.constant 0 : i32
      %broadcast_in_dim3A_121 = vector.broadcast %broadcast_in_dim3A : i32 to vector<16x1xi32>
      %gather3A = vector.shape_cast %broadcast_in_dim3A_121 : vector<16x1xi32> to vector<16xi32>
      %gather3A_122 = tpu.dynamic_gather %convert_element_type3A_120[%gather3A] in [0] : vector<16xf32>, vector<16xi32> -> vector<16xf32>
      %get3A_123 = arith.constant 12288 : index
      %get3A_124 = tpu.vector_load %arg7[%get3A_123] {strides = array<i32>} : memref<13056xf32, #tpu.memory_space<vmem>>, vector<16xf32>,
      %get3A_125 = vector.shape_cast %get3A_124 : vector<16xf32> to vector<16xf32>
      %mul3A_126 = arith.mulf %gather3A_122, %sub3A : vector<16xf32>
      %add3A_127 = arith.addf %get3A_125, %mul3A_126 : vector<16xf32>
      %swap3A_128 = arith.constant 12288 : index
      %swap3A_129 = tpu.vector_load %arg9[%swap3A_128] {strides = array<i32>} : memref<12864xf32, #tpu.memory_space<vmem>>, vector<16xf32>,
      %swap3A_130 = vector.shape_cast %swap3A_129 : vector<16xf32> to vector<16xf32>
      %swap3A_131 = vector.shape_cast %add3A_127 : vector<16xf32> to vector<16xf32>
      tpu.vector_store %arg9[%swap3A_128], %swap3A_131 {strides = array<i32>} : memref<12864xf32, #tpu.memory_space<vmem>>, vector<16xf32>,
      %get3A_132 = arith.constant 12304 : index
      %get3A_133 = tpu.vector_load %arg7[%get3A_132] {strides = array<i32>} : memref<13056xf32, #tpu.memory_space<vmem>>, vector<16xf32>,
      %get3A_134 = vector.shape_cast %get3A_133 : vector<16xf32> to vector<16xf32>
      %mul3A_135 = arith.mulf %gather3A_122, %sub3A_40 : vector<16xf32>
      %add3A_136 = arith.addf %get3A_134, %mul3A_135 : vector<16xf32>
      %swap3A_137 = arith.constant 12304 : index
      %swap3A_138 = tpu.vector_load %arg9[%swap3A_137] {strides = array<i32>} : memref<12864xf32, #tpu.memory_space<vmem>>, vector<16xf32>,
      %swap3A_139 = vector.shape_cast %swap3A_138 : vector<16xf32> to vector<16xf32>
      %swap3A_140 = vector.shape_cast %add3A_136 : vector<16xf32> to vector<16xf32>
      tpu.vector_store %arg9[%swap3A_137], %swap3A_140 {strides = array<i32>} : memref<12864xf32, #tpu.memory_space<vmem>>, vector<16xf32>,
      %get3A_141 = arith.constant 12320 : index
      %get3A_142 = tpu.vector_load %arg7[%get3A_141] {strides = array<i32>} : memref<13056xf32, #tpu.memory_space<vmem>>, vector<16xf32>,
      %get3A_143 = vector.shape_cast %get3A_142 : vector<16xf32> to vector<16xf32>
      %mul3A_144 = arith.mulf %gather3A_122, %sub3A_41 : vector<16xf32>
      %add3A_145 = arith.addf %get3A_143, %mul3A_144 : vector<16xf32>
      %swap3A_146 = arith.constant 12320 : index
      %swap3A_147 = tpu.vector_load %arg9[%swap3A_146] {strides = array<i32>} : memref<12864xf32, #tpu.memory_space<vmem>>, vector<16xf32>,
      %swap3A_148 = vector.shape_cast %swap3A_147 : vector<16xf32> to vector<16xf32>
      %swap3A_149 = vector.shape_cast %add3A_145 : vector<16xf32> to vector<16xf32>
      tpu.vector_store %arg9[%swap3A_146], %swap3A_149 {strides = array<i32>} : memref<12864xf32, #tpu.memory_space<vmem>>, vector<16xf32>,
      %get3A_150 = arith.constant 12336 : index
      %get3A_151 = tpu.vector_load %arg7[%get3A_150] {strides = array<i32>} : memref<13056xf32, #tpu.memory_space<vmem>>, vector<16xf32>,
      %get3A_152 = vector.shape_cast %get3A_151 : vector<16xf32> to vector<16xf32>
      %mul3A_153 = arith.mulf %gather3A_122, %sub3A_42 : vector<16xf32>
      %add3A_154 = arith.addf %get3A_152, %mul3A_153 : vector<16xf32>
      %swap3A_155 = arith.constant 12336 : index
      %swap3A_156 = tpu.vector_load %arg9[%swap3A_155] {strides = array<i32>} : memref<12864xf32, #tpu.memory_space<vmem>>, vector<16xf32>,
      %swap3A_157 = vector.shape_cast %swap3A_156 : vector<16xf32> to vector<16xf32>
      %swap3A_158 = vector.shape_cast %add3A_154 : vector<16xf32> to vector<16xf32>
      tpu.vector_store %arg9[%swap3A_155], %swap3A_158 {strides = array<i32>} : memref<12864xf32, #tpu.memory_space<vmem>>, vector<16xf32>,
      %broadcast_in_dim3A_159 = arith.constant 1 : i32
      %broadcast_in_dim3A_160 = vector.broadcast %broadcast_in_dim3A_159 : i32 to vector<16x1xi32>
      %gather3A_161 = vector.shape_cast %broadcast_in_dim3A_160 : vector<16x1xi32> to vector<16xi32>
      %gather3A_162 = tpu.dynamic_gather %convert_element_type3A_120[%gather3A_161] in [0] : vector<16xf32>, vector<16xi32> -> vector<16xf32>
      %get3A_163 = arith.constant 12352 : index
      %get3A_164 = tpu.vector_load %arg7[%get3A_163] {strides = array<i32>} : memref<13056xf32, #tpu.memory_space<vmem>>, vector<16xf32>,
      %get3A_165 = vector.shape_cast %get3A_164 : vector<16xf32> to vector<16xf32>
      %mul3A_166 = arith.mulf %gather3A_162, %sub3A : vector<16xf32>
      %add3A_167 = arith.addf %get3A_165, %mul3A_166 : vector<16xf32>
      %swap3A_168 = arith.constant 12352 : index
      %swap3A_169 = tpu.vector_load %arg9[%swap3A_168] {strides = array<i32>} : memref<12864xf32, #tpu.memory_space<vmem>>, vector<16xf32>,
      %swap3A_170 = vector.shape_cast %swap3A_169 : vector<16xf32> to vector<16xf32>
      %swap3A_171 = vector.shape_cast %add3A_167 : vector<16xf32> to vector<16xf32>
      tpu.vector_store %arg9[%swap3A_168], %swap3A_171 {strides = array<i32>} : memref<12864xf32, #tpu.memory_space<vmem>>, vector<16xf32>,
      %get3A_172 = arith.constant 12368 : index
      %get3A_173 = tpu.vector_load %arg7[%get3A_172] {strides = array<i32>} : memref<13056xf32, #tpu.memory_space<vmem>>, vector<16xf32>,
      %get3A_174 = vector.shape_cast %get3A_173 : vector<16xf32> to vector<16xf32>
      %mul3A_175 = arith.mulf %gather3A_162, %sub3A_40 : vector<16xf32>
      %add3A_176 = arith.addf %get3A_174, %mul3A_175 : vector<16xf32>
      %swap3A_177 = arith.constant 12368 : index
      %swap3A_178 = tpu.vector_load %arg9[%swap3A_177] {strides = array<i32>} : memref<12864xf32, #tpu.memory_space<vmem>>, vector<16xf32>,
      %swap3A_179 = vector.shape_cast %swap3A_178 : vector<16xf32> to vector<16xf32>
      %swap3A_180 = vector.shape_cast %add3A_176 : vector<16xf32> to vector<16xf32>
      tpu.vector_store %arg9[%swap3A_177], %swap3A_180 {strides = array<i32>} : memref<12864xf32, #tpu.memory_space<vmem>>, vector<16xf32>,
      %get3A_181 = arith.constant 12384 : index
      %get3A_182 = tpu.vector_load %arg7[%get3A_181] {strides = array<i32>} : memref<13056xf32, #tpu.memory_space<vmem>>, vector<16xf32>,
      %get3A_183 = vector.shape_cast %get3A_182 : vector<16xf32> to vector<16xf32>
      %mul3A_184 = arith.mulf %gather3A_162, %sub3A_41 : vector<16xf32>
      %add3A_185 = arith.addf %get3A_183, %mul3A_184 : vector<16xf32>
      %swap3A_186 = arith.constant 12384 : index
      %swap3A_187 = tpu.vector_load %arg9[%swap3A_186] {strides = array<i32>} : memref<12864xf32, #tpu.memory_space<vmem>>, vector<16xf32>,
      %swap3A_188 = vector.shape_cast %swap3A_187 : vector<16xf32> to vector<16xf32>
      %swap3A_189 = vector.shape_cast %add3A_185 : vector<16xf32> to vector<16xf32>
      tpu.vector_store %arg9[%swap3A_186], %swap3A_189 {strides = array<i32>} : memref<12864xf32, #tpu.memory_space<vmem>>, vector<16xf32>,
      %get3A_190 = arith.constant 12400 : index
      %get3A_191 = tpu.vector_load %arg7[%get3A_190] {strides = array<i32>} : memref<13056xf32, #tpu.memory_space<vmem>>, vector<16xf32>,
      %get3A_192 = vector.shape_cast %get3A_191 : vector<16xf32> to vector<16xf32>
      %mul3A_193 = arith.mulf %gather3A_162, %sub3A_42 : vector<16xf32>
      %add3A_194 = arith.addf %get3A_192, %mul3A_193 : vector<16xf32>
      %swap3A_195 = arith.constant 12400 : index
      %swap3A_196 = tpu.vector_load %arg9[%swap3A_195] {strides = array<i32>} : memref<12864xf32, #tpu.memory_space<vmem>>, vector<16xf32>,
      %swap3A_197 = vector.shape_cast %swap3A_196 : vector<16xf32> to vector<16xf32>
      %swap3A_198 = vector.shape_cast %add3A_194 : vector<16xf32> to vector<16xf32>
      tpu.vector_store %arg9[%swap3A_195], %swap3A_198 {strides = array<i32>} : memref<12864xf32, #tpu.memory_space<vmem>>, vector<16xf32>,
      %broadcast_in_dim3A_199 = arith.constant 2 : i32
      %broadcast_in_dim3A_200 = vector.broadcast %broadcast_in_dim3A_199 : i32 to vector<16x1xi32>
      %gather3A_201 = vector.shape_cast %broadcast_in_dim3A_200 : vector<16x1xi32> to vector<16xi32>
      %gather3A_202 = tpu.dynamic_gather %convert_element_type3A_120[%gather3A_201] in [0] : vector<16xf32>, vector<16xi32> -> vector<16xf32>
      %get3A_203 = arith.constant 12416 : index
      %get3A_204 = tpu.vector_load %arg7[%get3A_203] {strides = array<i32>} : memref<13056xf32, #tpu.memory_space<vmem>>, vector<16xf32>,
      %get3A_205 = vector.shape_cast %get3A_204 : vector<16xf32> to vector<16xf32>
      %mul3A_206 = arith.mulf %gather3A_202, %sub3A : vector<16xf32>
      %add3A_207 = arith.addf %get3A_205, %mul3A_206 : vector<16xf32>
      %swap3A_208 = arith.constant 12416 : index
      %swap3A_209 = tpu.vector_load %arg9[%swap3A_208] {strides = array<i32>} : memref<12864xf32, #tpu.memory_space<vmem>>, vector<16xf32>,
      %swap3A_210 = vector.shape_cast %swap3A_209 : vector<16xf32> to vector<16xf32>
      %swap3A_211 = vector.shape_cast %add3A_207 : vector<16xf32> to vector<16xf32>
      tpu.vector_store %arg9[%swap3A_208], %swap3A_211 {strides = array<i32>} : memref<12864xf32, #tpu.memory_space<vmem>>, vector<16xf32>,
      %get3A_212 = arith.constant 12432 : index
      %get3A_213 = tpu.vector_load %arg7[%get3A_212] {strides = array<i32>} : memref<13056xf32, #tpu.memory_space<vmem>>, vector<16xf32>,
      %get3A_214 = vector.shape_cast %get3A_213 : vector<16xf32> to vector<16xf32>
      %mul3A_215 = arith.mulf %gather3A_202, %sub3A_40 : vector<16xf32>
      %add3A_216 = arith.addf %get3A_214, %mul3A_215 : vector<16xf32>
      %swap3A_217 = arith.constant 12432 : index
      %swap3A_218 = tpu.vector_load %arg9[%swap3A_217] {strides = array<i32>} : memref<12864xf32, #tpu.memory_space<vmem>>, vector<16xf32>,
      %swap3A_219 = vector.shape_cast %swap3A_218 : vector<16xf32> to vector<16xf32>
      %swap3A_220 = vector.shape_cast %add3A_216 : vector<16xf32> to vector<16xf32>
      tpu.vector_store %arg9[%swap3A_217], %swap3A_220 {strides = array<i32>} : memref<12864xf32, #tpu.memory_space<vmem>>, vector<16xf32>,
      %get3A_221 = arith.constant 12448 : index
      %get3A_222 = tpu.vector_load %arg7[%get3A_221] {strides = array<i32>} : memref<13056xf32, #tpu.memory_space<vmem>>, vector<16xf32>,
      %get3A_223 = vector.shape_cast %get3A_222 : vector<16xf32> to vector<16xf32>
      %mul3A_224 = arith.mulf %gather3A_202, %sub3A_41 : vector<16xf32>
      %add3A_225 = arith.addf %get3A_223, %mul3A_224 : vector<16xf32>
      %swap3A_226 = arith.constant 12448 : index
      %swap3A_227 = tpu.vector_load %arg9[%swap3A_226] {strides = array<i32>} : memref<12864xf32, #tpu.memory_space<vmem>>, vector<16xf32>,
      %swap3A_228 = vector.shape_cast %swap3A_227 : vector<16xf32> to vector<16xf32>
      %swap3A_229 = vector.shape_cast %add3A_225 : vector<16xf32> to vector<16xf32>
      tpu.vector_store %arg9[%swap3A_226], %swap3A_229 {strides = array<i32>} : memref<12864xf32, #tpu.memory_space<vmem>>, vector<16xf32>,
      %get3A_230 = arith.constant 12464 : index
      %get3A_231 = tpu.vector_load %arg7[%get3A_230] {strides = array<i32>} : memref<13056xf32, #tpu.memory_space<vmem>>, vector<16xf32>,
      %get3A_232 = vector.shape_cast %get3A_231 : vector<16xf32> to vector<16xf32>
      %mul3A_233 = arith.mulf %gather3A_202, %sub3A_42 : vector<16xf32>
      %add3A_234 = arith.addf %get3A_232, %mul3A_233 : vector<16xf32>
      %swap3A_235 = arith.constant 12464 : index
      %swap3A_236 = tpu.vector_load %arg9[%swap3A_235] {strides = array<i32>} : memref<12864xf32, #tpu.memory_space<vmem>>, vector<16xf32>,
      %swap3A_237 = vector.shape_cast %swap3A_236 : vector<16xf32> to vector<16xf32>
      %swap3A_238 = vector.shape_cast %add3A_234 : vector<16xf32> to vector<16xf32>
      tpu.vector_store %arg9[%swap3A_235], %swap3A_238 {strides = array<i32>} : memref<12864xf32, #tpu.memory_space<vmem>>, vector<16xf32>,
      %broadcast_in_dim3A_239 = arith.constant 3 : i32
      %broadcast_in_dim3A_240 = vector.broadcast %broadcast_in_dim3A_239 : i32 to vector<16x1xi32>
      %gather3A_241 = vector.shape_cast %broadcast_in_dim3A_240 : vector<16x1xi32> to vector<16xi32>
      %gather3A_242 = tpu.dynamic_gather %convert_element_type3A_120[%gather3A_241] in [0] : vector<16xf32>, vector<16xi32> -> vector<16xf32>
      %get3A_243 = arith.constant 12480 : index
      %get3A_244 = tpu.vector_load %arg7[%get3A_243] {strides = array<i32>} : memref<13056xf32, #tpu.memory_space<vmem>>, vector<16xf32>,
      %get3A_245 = vector.shape_cast %get3A_244 : vector<16xf32> to vector<16xf32>
      %mul3A_246 = arith.mulf %gather3A_242, %sub3A : vector<16xf32>
      %add3A_247 = arith.addf %get3A_245, %mul3A_246 : vector<16xf32>
      %swap3A_248 = arith.constant 12480 : index
      %swap3A_249 = tpu.vector_load %arg9[%swap3A_248] {strides = array<i32>} : memref<12864xf32, #tpu.memory_space<vmem>>, vector<16xf32>,
      %swap3A_250 = vector.shape_cast %swap3A_249 : vector<16xf32> to vector<16xf32>
      %swap3A_251 = vector.shape_cast %add3A_247 : vector<16xf32> to vector<16xf32>
      tpu.vector_store %arg9[%swap3A_248], %swap3A_251 {strides = array<i32>} : memref<12864xf32, #tpu.memory_space<vmem>>, vector<16xf32>,
      %get3A_252 = arith.constant 12496 : index
      %get3A_253 = tpu.vector_load %arg7[%get3A_252] {strides = array<i32>} : memref<13056xf32, #tpu.memory_space<vmem>>, vector<16xf32>,
      %get3A_254 = vector.shape_cast %get3A_253 : vector<16xf32> to vector<16xf32>
      %mul3A_255 = arith.mulf %gather3A_242, %sub3A_40 : vector<16xf32>
      %add3A_256 = arith.addf %get3A_254, %mul3A_255 : vector<16xf32>
      %swap3A_257 = arith.constant 12496 : index
      %swap3A_258 = tpu.vector_load %arg9[%swap3A_257] {strides = array<i32>} : memref<12864xf32, #tpu.memory_space<vmem>>, vector<16xf32>,
      %swap3A_259 = vector.shape_cast %swap3A_258 : vector<16xf32> to vector<16xf32>
      %swap3A_260 = vector.shape_cast %add3A_256 : vector<16xf32> to vector<16xf32>
      tpu.vector_store %arg9[%swap3A_257], %swap3A_260 {strides = array<i32>} : memref<12864xf32, #tpu.memory_space<vmem>>, vector<16xf32>,
      %get3A_261 = arith.constant 12512 : index
      %get3A_262 = tpu.vector_load %arg7[%get3A_261] {strides = array<i32>} : memref<13056xf32, #tpu.memory_space<vmem>>, vector<16xf32>,
      %get3A_263 = vector.shape_cast %get3A_262 : vector<16xf32> to vector<16xf32>
      %mul3A_264 = arith.mulf %gather3A_242, %sub3A_41 : vector<16xf32>
      %add3A_265 = arith.addf %get3A_263, %mul3A_264 : vector<16xf32>
      %swap3A_266 = arith.constant 12512 : index
      %swap3A_267 = tpu.vector_load %arg9[%swap3A_266] {strides = array<i32>} : memref<12864xf32, #tpu.memory_space<vmem>>, vector<16xf32>,
      %swap3A_268 = vector.shape_cast %swap3A_267 : vector<16xf32> to vector<16xf32>
      %swap3A_269 = vector.shape_cast %add3A_265 : vector<16xf32> to vector<16xf32>
      tpu.vector_store %arg9[%swap3A_266], %swap3A_269 {strides = array<i32>} : memref<12864xf32, #tpu.memory_space<vmem>>, vector<16xf32>,
      %get3A_270 = arith.constant 12528 : index
      %get3A_271 = tpu.vector_load %arg7[%get3A_270] {strides = array<i32>} : memref<13056xf32, #tpu.memory_space<vmem>>, vector<16xf32>,
      %get3A_272 = vector.shape_cast %get3A_271 : vector<16xf32> to vector<16xf32>
      %mul3A_273 = arith.mulf %gather3A_242, %sub3A_42 : vector<16xf32>
      %add3A_274 = arith.addf %get3A_272, %mul3A_273 : vector<16xf32>
      %swap3A_275 = arith.constant 12528 : index
      %swap3A_276 = tpu.vector_load %arg9[%swap3A_275] {strides = array<i32>} : memref<12864xf32, #tpu.memory_space<vmem>>, vector<16xf32>,
      %swap3A_277 = vector.shape_cast %swap3A_276 : vector<16xf32> to vector<16xf32>
      %swap3A_278 = vector.shape_cast %add3A_274 : vector<16xf32> to vector<16xf32>
      tpu.vector_store %arg9[%swap3A_275], %swap3A_278 {strides = array<i32>} : memref<12864xf32, #tpu.memory_space<vmem>>, vector<16xf32>,
      %broadcast_in_dim3A_279 = arith.constant 4 : i32
      %broadcast_in_dim3A_280 = vector.broadcast %broadcast_in_dim3A_279 : i32 to vector<16x1xi32>
      %gather3A_281 = vector.shape_cast %broadcast_in_dim3A_280 : vector<16x1xi32> to vector<16xi32>
      %gather3A_282 = tpu.dynamic_gather %convert_element_type3A_120[%gather3A_281] in [0] : vector<16xf32>, vector<16xi32> -> vector<16xf32>
      %get3A_283 = arith.constant 12544 : index
      %get3A_284 = tpu.vector_load %arg7[%get3A_283] {strides = array<i32>} : memref<13056xf32, #tpu.memory_space<vmem>>, vector<16xf32>,
      %get3A_285 = vector.shape_cast %get3A_284 : vector<16xf32> to vector<16xf32>
      %mul3A_286 = arith.mulf %gather3A_282, %sub3A : vector<16xf32>
      %add3A_287 = arith.addf %get3A_285, %mul3A_286 : vector<16xf32>
      %swap3A_288 = arith.constant 12544 : index
      %swap3A_289 = tpu.vector_load %arg9[%swap3A_288] {strides = array<i32>} : memref<12864xf32, #tpu.memory_space<vmem>>, vector<16xf32>,
      %swap3A_290 = vector.shape_cast %swap3A_289 : vector<16xf32> to vector<16xf32>
      %swap3A_291 = vector.shape_cast %add3A_287 : vector<16xf32> to vector<16xf32>
      tpu.vector_store %arg9[%swap3A_288], %swap3A_291 {strides = array<i32>} : memref<12864xf32, #tpu.memory_space<vmem>>, vector<16xf32>,
      %get3A_292 = arith.constant 12560 : index
      %get3A_293 = tpu.vector_load %arg7[%get3A_292] {strides = array<i32>} : memref<13056xf32, #tpu.memory_space<vmem>>, vector<16xf32>,
      %get3A_294 = vector.shape_cast %get3A_293 : vector<16xf32> to vector<16xf32>
      %mul3A_295 = arith.mulf %gather3A_282, %sub3A_40 : vector<16xf32>
      %add3A_296 = arith.addf %get3A_294, %mul3A_295 : vector<16xf32>
      %swap3A_297 = arith.constant 12560 : index
      %swap3A_298 = tpu.vector_load %arg9[%swap3A_297] {strides = array<i32>} : memref<12864xf32, #tpu.memory_space<vmem>>, vector<16xf32>,
      %swap3A_299 = vector.shape_cast %swap3A_298 : vector<16xf32> to vector<16xf32>
      %swap3A_300 = vector.shape_cast %add3A_296 : vector<16xf32> to vector<16xf32>
      tpu.vector_store %arg9[%swap3A_297], %swap3A_300 {strides = array<i32>} : memref<12864xf32, #tpu.memory_space<vmem>>, vector<16xf32>,
      %get3A_301 = arith.constant 12576 : index
      %get3A_302 = tpu.vector_load %arg7[%get3A_301] {strides = array<i32>} : memref<13056xf32, #tpu.memory_space<vmem>>, vector<16xf32>,
      %get3A_303 = vector.shape_cast %get3A_302 : vector<16xf32> to vector<16xf32>
      %mul3A_304 = arith.mulf %gather3A_282, %sub3A_41 : vector<16xf32>
      %add3A_305 = arith.addf %get3A_303, %mul3A_304 : vector<16xf32>
      %swap3A_306 = arith.constant 12576 : index
      %swap3A_307 = tpu.vector_load %arg9[%swap3A_306] {strides = array<i32>} : memref<12864xf32, #tpu.memory_space<vmem>>, vector<16xf32>,
      %swap3A_308 = vector.shape_cast %swap3A_307 : vector<16xf32> to vector<16xf32>
      %swap3A_309 = vector.shape_cast %add3A_305 : vector<16xf32> to vector<16xf32>
      tpu.vector_store %arg9[%swap3A_306], %swap3A_309 {strides = array<i32>} : memref<12864xf32, #tpu.memory_space<vmem>>, vector<16xf32>,
      %get3A_310 = arith.constant 12592 : index
      %get3A_311 = tpu.vector_load %arg7[%get3A_310] {strides = array<i32>} : memref<13056xf32, #tpu.memory_space<vmem>>, vector<16xf32>,
      %get3A_312 = vector.shape_cast %get3A_311 : vector<16xf32> to vector<16xf32>
      %mul3A_313 = arith.mulf %gather3A_282, %sub3A_42 : vector<16xf32>
      %add3A_314 = arith.addf %get3A_312, %mul3A_313 : vector<16xf32>
      %swap3A_315 = arith.constant 12592 : index
      %swap3A_316 = tpu.vector_load %arg9[%swap3A_315] {strides = array<i32>} : memref<12864xf32, #tpu.memory_space<vmem>>, vector<16xf32>,
      %swap3A_317 = vector.shape_cast %swap3A_316 : vector<16xf32> to vector<16xf32>
      %swap3A_318 = vector.shape_cast %add3A_314 : vector<16xf32> to vector<16xf32>
      tpu.vector_store %arg9[%swap3A_315], %swap3A_318 {strides = array<i32>} : memref<12864xf32, #tpu.memory_space<vmem>>, vector<16xf32>,
      %broadcast_in_dim3A_319 = arith.constant 5 : i32
      %broadcast_in_dim3A_320 = vector.broadcast %broadcast_in_dim3A_319 : i32 to vector<16x1xi32>
      %gather3A_321 = vector.shape_cast %broadcast_in_dim3A_320 : vector<16x1xi32> to vector<16xi32>
      %gather3A_322 = tpu.dynamic_gather %convert_element_type3A_120[%gather3A_321] in [0] : vector<16xf32>, vector<16xi32> -> vector<16xf32>
      %get3A_323 = arith.constant 12608 : index
      %get3A_324 = tpu.vector_load %arg7[%get3A_323] {strides = array<i32>} : memref<13056xf32, #tpu.memory_space<vmem>>, vector<16xf32>,
      %get3A_325 = vector.shape_cast %get3A_324 : vector<16xf32> to vector<16xf32>
      %mul3A_326 = arith.mulf %gather3A_322, %sub3A : vector<16xf32>
      %add3A_327 = arith.addf %get3A_325, %mul3A_326 : vector<16xf32>
      %swap3A_328 = arith.constant 12608 : index
      %swap3A_329 = tpu.vector_load %arg9[%swap3A_328] {strides = array<i32>} : memref<12864xf32, #tpu.memory_space<vmem>>, vector<16xf32>,
      %swap3A_330 = vector.shape_cast %swap3A_329 : vector<16xf32> to vector<16xf32>
      %swap3A_331 = vector.shape_cast %add3A_327 : vector<16xf32> to vector<16xf32>
      tpu.vector_store %arg9[%swap3A_328], %swap3A_331 {strides = array<i32>} : memref<12864xf32, #tpu.memory_space<vmem>>, vector<16xf32>,
      %get3A_332 = arith.constant 12624 : index
      %get3A_333 = tpu.vector_load %arg7[%get3A_332] {strides = array<i32>} : memref<13056xf32, #tpu.memory_space<vmem>>, vector<16xf32>,
      %get3A_334 = vector.shape_cast %get3A_333 : vector<16xf32> to vector<16xf32>
      %mul3A_335 = arith.mulf %gather3A_322, %sub3A_40 : vector<16xf32>
      %add3A_336 = arith.addf %get3A_334, %mul3A_335 : vector<16xf32>
      %swap3A_337 = arith.constant 12624 : index
      %swap3A_338 = tpu.vector_load %arg9[%swap3A_337] {strides = array<i32>} : memref<12864xf32, #tpu.memory_space<vmem>>, vector<16xf32>,
      %swap3A_339 = vector.shape_cast %swap3A_338 : vector<16xf32> to vector<16xf32>
      %swap3A_340 = vector.shape_cast %add3A_336 : vector<16xf32> to vector<16xf32>
      tpu.vector_store %arg9[%swap3A_337], %swap3A_340 {strides = array<i32>} : memref<12864xf32, #tpu.memory_space<vmem>>, vector<16xf32>,
      %get3A_341 = arith.constant 12640 : index
      %get3A_342 = tpu.vector_load %arg7[%get3A_341] {strides = array<i32>} : memref<13056xf32, #tpu.memory_space<vmem>>, vector<16xf32>,
      %get3A_343 = vector.shape_cast %get3A_342 : vector<16xf32> to vector<16xf32>
      %mul3A_344 = arith.mulf %gather3A_322, %sub3A_41 : vector<16xf32>
      %add3A_345 = arith.addf %get3A_343, %mul3A_344 : vector<16xf32>
      %swap3A_346 = arith.constant 12640 : index
      %swap3A_347 = tpu.vector_load %arg9[%swap3A_346] {strides = array<i32>} : memref<12864xf32, #tpu.memory_space<vmem>>, vector<16xf32>,
      %swap3A_348 = vector.shape_cast %swap3A_347 : vector<16xf32> to vector<16xf32>
      %swap3A_349 = vector.shape_cast %add3A_345 : vector<16xf32> to vector<16xf32>
      tpu.vector_store %arg9[%swap3A_346], %swap3A_349 {strides = array<i32>} : memref<12864xf32, #tpu.memory_space<vmem>>, vector<16xf32>,
      %get3A_350 = arith.constant 12656 : index
      %get3A_351 = tpu.vector_load %arg7[%get3A_350] {strides = array<i32>} : memref<13056xf32, #tpu.memory_space<vmem>>, vector<16xf32>,
      %get3A_352 = vector.shape_cast %get3A_351 : vector<16xf32> to vector<16xf32>
      %mul3A_353 = arith.mulf %gather3A_322, %sub3A_42 : vector<16xf32>
      %add3A_354 = arith.addf %get3A_352, %mul3A_353 : vector<16xf32>
      %swap3A_355 = arith.constant 12656 : index
      %swap3A_356 = tpu.vector_load %arg9[%swap3A_355] {strides = array<i32>} : memref<12864xf32, #tpu.memory_space<vmem>>, vector<16xf32>,
      %swap3A_357 = vector.shape_cast %swap3A_356 : vector<16xf32> to vector<16xf32>
      %swap3A_358 = vector.shape_cast %add3A_354 : vector<16xf32> to vector<16xf32>
      tpu.vector_store %arg9[%swap3A_355], %swap3A_358 {strides = array<i32>} : memref<12864xf32, #tpu.memory_space<vmem>>, vector<16xf32>,
      %broadcast_in_dim3A_359 = arith.constant 6 : i32
      %broadcast_in_dim3A_360 = vector.broadcast %broadcast_in_dim3A_359 : i32 to vector<16x1xi32>
      %gather3A_361 = vector.shape_cast %broadcast_in_dim3A_360 : vector<16x1xi32> to vector<16xi32>
      %gather3A_362 = tpu.dynamic_gather %convert_element_type3A_120[%gather3A_361] in [0] : vector<16xf32>, vector<16xi32> -> vector<16xf32>
      %get3A_363 = arith.constant 12672 : index
      %get3A_364 = tpu.vector_load %arg7[%get3A_363] {strides = array<i32>} : memref<13056xf32, #tpu.memory_space<vmem>>, vector<16xf32>,
      %get3A_365 = vector.shape_cast %get3A_364 : vector<16xf32> to vector<16xf32>
      %mul3A_366 = arith.mulf %gather3A_362, %sub3A : vector<16xf32>
      %add3A_367 = arith.addf %get3A_365, %mul3A_366 : vector<16xf32>
      %swap3A_368 = arith.constant 12672 : index
      %swap3A_369 = tpu.vector_load %arg9[%swap3A_368] {strides = array<i32>} : memref<12864xf32, #tpu.memory_space<vmem>>, vector<16xf32>,
      %swap3A_370 = vector.shape_cast %swap3A_369 : vector<16xf32> to vector<16xf32>
      %swap3A_371 = vector.shape_cast %add3A_367 : vector<16xf32> to vector<16xf32>
      tpu.vector_store %arg9[%swap3A_368], %swap3A_371 {strides = array<i32>} : memref<12864xf32, #tpu.memory_space<vmem>>, vector<16xf32>,
      %get3A_372 = arith.constant 12688 : index
      %get3A_373 = tpu.vector_load %arg7[%get3A_372] {strides = array<i32>} : memref<13056xf32, #tpu.memory_space<vmem>>, vector<16xf32>,
      %get3A_374 = vector.shape_cast %get3A_373 : vector<16xf32> to vector<16xf32>
      %mul3A_375 = arith.mulf %gather3A_362, %sub3A_40 : vector<16xf32>
      %add3A_376 = arith.addf %get3A_374, %mul3A_375 : vector<16xf32>
      %swap3A_377 = arith.constant 12688 : index
      %swap3A_378 = tpu.vector_load %arg9[%swap3A_377] {strides = array<i32>} : memref<12864xf32, #tpu.memory_space<vmem>>, vector<16xf32>,
      %swap3A_379 = vector.shape_cast %swap3A_378 : vector<16xf32> to vector<16xf32>
      %swap3A_380 = vector.shape_cast %add3A_376 : vector<16xf32> to vector<16xf32>
      tpu.vector_store %arg9[%swap3A_377], %swap3A_380 {strides = array<i32>} : memref<12864xf32, #tpu.memory_space<vmem>>, vector<16xf32>,
      %get3A_381 = arith.constant 12704 : index
      %get3A_382 = tpu.vector_load %arg7[%get3A_381] {strides = array<i32>} : memref<13056xf32, #tpu.memory_space<vmem>>, vector<16xf32>,
      %get3A_383 = vector.shape_cast %get3A_382 : vector<16xf32> to vector<16xf32>
      %mul3A_384 = arith.mulf %gather3A_362, %sub3A_41 : vector<16xf32>
      %add3A_385 = arith.addf %get3A_383, %mul3A_384 : vector<16xf32>
      %swap3A_386 = arith.constant 12704 : index
      %swap3A_387 = tpu.vector_load %arg9[%swap3A_386] {strides = array<i32>} : memref<12864xf32, #tpu.memory_space<vmem>>, vector<16xf32>,
      %swap3A_388 = vector.shape_cast %swap3A_387 : vector<16xf32> to vector<16xf32>
      %swap3A_389 = vector.shape_cast %add3A_385 : vector<16xf32> to vector<16xf32>
      tpu.vector_store %arg9[%swap3A_386], %swap3A_389 {strides = array<i32>} : memref<12864xf32, #tpu.memory_space<vmem>>, vector<16xf32>,
      %get3A_390 = arith.constant 12720 : index
      %get3A_391 = tpu.vector_load %arg7[%get3A_390] {strides = array<i32>} : memref<13056xf32, #tpu.memory_space<vmem>>, vector<16xf32>,
      %get3A_392 = vector.shape_cast %get3A_391 : vector<16xf32> to vector<16xf32>
      %mul3A_393 = arith.mulf %gather3A_362, %sub3A_42 : vector<16xf32>
      %add3A_394 = arith.addf %get3A_392, %mul3A_393 : vector<16xf32>
      %swap3A_395 = arith.constant 12720 : index
      %swap3A_396 = tpu.vector_load %arg9[%swap3A_395] {strides = array<i32>} : memref<12864xf32, #tpu.memory_space<vmem>>, vector<16xf32>,
      %swap3A_397 = vector.shape_cast %swap3A_396 : vector<16xf32> to vector<16xf32>
      %swap3A_398 = vector.shape_cast %add3A_394 : vector<16xf32> to vector<16xf32>
      tpu.vector_store %arg9[%swap3A_395], %swap3A_398 {strides = array<i32>} : memref<12864xf32, #tpu.memory_space<vmem>>, vector<16xf32>,
      %broadcast_in_dim3A_399 = arith.constant 7 : i32
      %broadcast_in_dim3A_400 = vector.broadcast %broadcast_in_dim3A_399 : i32 to vector<16x1xi32>
      %gather3A_401 = vector.shape_cast %broadcast_in_dim3A_400 : vector<16x1xi32> to vector<16xi32>
      %gather3A_402 = tpu.dynamic_gather %convert_element_type3A_120[%gather3A_401] in [0] : vector<16xf32>, vector<16xi32> -> vector<16xf32>
      %get3A_403 = arith.constant 12736 : index
      %get3A_404 = tpu.vector_load %arg7[%get3A_403] {strides = array<i32>} : memref<13056xf32, #tpu.memory_space<vmem>>, vector<16xf32>,
      %get3A_405 = vector.shape_cast %get3A_404 : vector<16xf32> to vector<16xf32>
      %mul3A_406 = arith.mulf %gather3A_402, %sub3A : vector<16xf32>
      %add3A_407 = arith.addf %get3A_405, %mul3A_406 : vector<16xf32>
      %swap3A_408 = arith.constant 12736 : index
      %swap3A_409 = tpu.vector_load %arg9[%swap3A_408] {strides = array<i32>} : memref<12864xf32, #tpu.memory_space<vmem>>, vector<16xf32>,
      %swap3A_410 = vector.shape_cast %swap3A_409 : vector<16xf32> to vector<16xf32>
      %swap3A_411 = vector.shape_cast %add3A_407 : vector<16xf32> to vector<16xf32>
      tpu.vector_store %arg9[%swap3A_408], %swap3A_411 {strides = array<i32>} : memref<12864xf32, #tpu.memory_space<vmem>>, vector<16xf32>,
      %get3A_412 = arith.constant 12752 : index
      %get3A_413 = tpu.vector_load %arg7[%get3A_412] {strides = array<i32>} : memref<13056xf32, #tpu.memory_space<vmem>>, vector<16xf32>,
      %get3A_414 = vector.shape_cast %get3A_413 : vector<16xf32> to vector<16xf32>
      %mul3A_415 = arith.mulf %gather3A_402, %sub3A_40 : vector<16xf32>
      %add3A_416 = arith.addf %get3A_414, %mul3A_415 : vector<16xf32>
      %swap3A_417 = arith.constant 12752 : index
      %swap3A_418 = tpu.vector_load %arg9[%swap3A_417] {strides = array<i32>} : memref<12864xf32, #tpu.memory_space<vmem>>, vector<16xf32>,
      %swap3A_419 = vector.shape_cast %swap3A_418 : vector<16xf32> to vector<16xf32>
      %swap3A_420 = vector.shape_cast %add3A_416 : vector<16xf32> to vector<16xf32>
      tpu.vector_store %arg9[%swap3A_417], %swap3A_420 {strides = array<i32>} : memref<12864xf32, #tpu.memory_space<vmem>>, vector<16xf32>,
      %get3A_421 = arith.constant 12768 : index
      %get3A_422 = tpu.vector_load %arg7[%get3A_421] {strides = array<i32>} : memref<13056xf32, #tpu.memory_space<vmem>>, vector<16xf32>,
      %get3A_423 = vector.shape_cast %get3A_422 : vector<16xf32> to vector<16xf32>
      %mul3A_424 = arith.mulf %gather3A_402, %sub3A_41 : vector<16xf32>
      %add3A_425 = arith.addf %get3A_423, %mul3A_424 : vector<16xf32>
      %swap3A_426 = arith.constant 12768 : index
      %swap3A_427 = tpu.vector_load %arg9[%swap3A_426] {strides = array<i32>} : memref<12864xf32, #tpu.memory_space<vmem>>, vector<16xf32>,
      %swap3A_428 = vector.shape_cast %swap3A_427 : vector<16xf32> to vector<16xf32>
      %swap3A_429 = vector.shape_cast %add3A_425 : vector<16xf32> to vector<16xf32>
      tpu.vector_store %arg9[%swap3A_426], %swap3A_429 {strides = array<i32>} : memref<12864xf32, #tpu.memory_space<vmem>>, vector<16xf32>,
      %get3A_430 = arith.constant 12784 : index
      %get3A_431 = tpu.vector_load %arg7[%get3A_430] {strides = array<i32>} : memref<13056xf32, #tpu.memory_space<vmem>>, vector<16xf32>,
      %get3A_432 = vector.shape_cast %get3A_431 : vector<16xf32> to vector<16xf32>
      %mul3A_433 = arith.mulf %gather3A_402, %sub3A_42 : vector<16xf32>
      %add3A_434 = arith.addf %get3A_432, %mul3A_433 : vector<16xf32>
      %swap3A_435 = arith.constant 12784 : index
      %swap3A_436 = tpu.vector_load %arg9[%swap3A_435] {strides = array<i32>} : memref<12864xf32, #tpu.memory_space<vmem>>, vector<16xf32>,
      %swap3A_437 = vector.shape_cast %swap3A_436 : vector<16xf32> to vector<16xf32>
      %swap3A_438 = vector.shape_cast %add3A_434 : vector<16xf32> to vector<16xf32>
      tpu.vector_store %arg9[%swap3A_435], %swap3A_438 {strides = array<i32>} : memref<12864xf32, #tpu.memory_space<vmem>>, vector<16xf32>,
      %get3A_439 = arith.constant 12800 : index
      %get3A_440 = tpu.vector_load %arg7[%get3A_439] {strides = array<i32>} : memref<13056xf32, #tpu.memory_space<vmem>>, vector<16xf32>,
      %get3A_441 = vector.shape_cast %get3A_440 : vector<16xf32> to vector<16xf32>
      %swap3A_442 = arith.constant 12800 : index
      %swap3A_443 = tpu.vector_load %arg9[%swap3A_442] {strides = array<i32>} : memref<12864xf32, #tpu.memory_space<vmem>>, vector<16xf32>,
      %swap3A_444 = vector.shape_cast %swap3A_443 : vector<16xf32> to vector<16xf32>
      %swap3A_445 = vector.shape_cast %get3A_441 : vector<16xf32> to vector<16xf32>
      tpu.vector_store %arg9[%swap3A_442], %swap3A_445 {strides = array<i32>} : memref<12864xf32, #tpu.memory_space<vmem>>, vector<16xf32>,
      %get3A_446 = arith.constant 12816 : index
      %get3A_447 = tpu.vector_load %arg7[%get3A_446] {strides = array<i32>} : memref<13056xf32, #tpu.memory_space<vmem>>, vector<16xf32>,
      %get3A_448 = vector.shape_cast %get3A_447 : vector<16xf32> to vector<16xf32>
      %swap3A_449 = arith.constant 12816 : index
      %swap3A_450 = tpu.vector_load %arg9[%swap3A_449] {strides = array<i32>} : memref<12864xf32, #tpu.memory_space<vmem>>, vector<16xf32>,
      %swap3A_451 = vector.shape_cast %swap3A_450 : vector<16xf32> to vector<16xf32>
      %swap3A_452 = vector.shape_cast %get3A_448 : vector<16xf32> to vector<16xf32>
      tpu.vector_store %arg9[%swap3A_449], %swap3A_452 {strides = array<i32>} : memref<12864xf32, #tpu.memory_space<vmem>>, vector<16xf32>,
      %get3A_453 = arith.constant 12832 : index
      %get3A_454 = tpu.vector_load %arg7[%get3A_453] {strides = array<i32>} : memref<13056xf32, #tpu.memory_space<vmem>>, vector<16xf32>,
      %get3A_455 = vector.shape_cast %get3A_454 : vector<16xf32> to vector<16xf32>
      %swap3A_456 = arith.constant 12832 : index
      %swap3A_457 = tpu.vector_load %arg9[%swap3A_456] {strides = array<i32>} : memref<12864xf32, #tpu.memory_space<vmem>>, vector<16xf32>,
      %swap3A_458 = vector.shape_cast %swap3A_457 : vector<16xf32> to vector<16xf32>
      %swap3A_459 = vector.shape_cast %get3A_455 : vector<16xf32> to vector<16xf32>
      tpu.vector_store %arg9[%swap3A_456], %swap3A_459 {strides = array<i32>} : memref<12864xf32, #tpu.memory_space<vmem>>, vector<16xf32>,
      %get3A_460 = arith.constant 12848 : index
      %get3A_461 = tpu.vector_load %arg7[%get3A_460] {strides = array<i32>} : memref<13056xf32, #tpu.memory_space<vmem>>, vector<16xf32>,
      %get3A_462 = vector.shape_cast %get3A_461 : vector<16xf32> to vector<16xf32>
      %swap3A_463 = arith.constant 12848 : index
      %swap3A_464 = tpu.vector_load %arg9[%swap3A_463] {strides = array<i32>} : memref<12864xf32, #tpu.memory_space<vmem>>, vector<16xf32>,
      %swap3A_465 = vector.shape_cast %swap3A_464 : vector<16xf32> to vector<16xf32>
      %swap3A_466 = vector.shape_cast %get3A_462 : vector<16xf32> to vector<16xf32>
      tpu.vector_store %arg9[%swap3A_463], %swap3A_466 {strides = array<i32>} : memref<12864xf32, #tpu.memory_space<vmem>>, vector<16xf32>,
      %add3A_467 = arith.addi %mul3A_2, %add3A_100 : i32
      %dma_start3A = arith.constant 0 : i32
      %dma_start3A_468 = tpu.memref_slice %arg6[%add3A_467, %dma_start3A] : memref<4096x12864xf32, #tpu.memory_space<hbm>> -> memref<1x12864xf32, #tpu.memory_space<hbm>>
      %dma_start3A_469 = tpu.memref_squeeze %dma_start3A_468 : memref<1x12864xf32, #tpu.memory_space<hbm>> -> memref<12864xf32, #tpu.memory_space<hbm>>
      %dma_start3A_470 = arith.constant 0 : i32
      %dma_start3A_471 = tpu.memref_slice %arg6[%add3A_467, %dma_start3A_470] : memref<4096x12864xf32, #tpu.memory_space<hbm>> -> memref<1x12864xf32, #tpu.memory_space<hbm>>
      %dma_start3A_472 = tpu.memref_squeeze %dma_start3A_471 : memref<1x12864xf32, #tpu.memory_space<hbm>> -> memref<12864xf32, #tpu.memory_space<hbm>>
      tpu.enqueue_dma source(%arg9 : memref<12864xf32, #tpu.memory_space<vmem>>) target(%dma_start3A_472 : memref<12864xf32, #tpu.memory_space<hbm>>) target_semaphore(%arg11 : memref<!tpu.dma_semaphore, #tpu.memory_space<semaphore_mem>>)
      %mul3A_473 = arith.constant 2 : i32
      %mul3A_474 = arith.muli %scan3A_96, %mul3A_473 : i32
      %add3A_475 = arith.constant 1 : i32
      %add3A_476 = arith.addi %mul3A_474, %add3A_475 : i32
      %gt3A_477 = arith.constant 0 : i32
      %gt3A_478 = arith.cmpi sgt, %scan3A_96, %gt3A_477 : i32
      %convert_element_type3A_479 = arith.extui %gt3A_478 : i1 to i32
      %cond3A_480 = arith.constant 0 : i32
      %cond3A_481 = arith.cmpi ne, %convert_element_type3A_479, %cond3A_480 : i32
      scf.if %cond3A_481 {
        %add3A_855 = arith.addi %mul3A_2, %add3A_476 : i32
        %dma_wait3A_856 = arith.constant 0 : i32
        %dma_wait3A_857 = tpu.memref_slice %arg6[%add3A_855, %dma_wait3A_856] : memref<4096x12864xf32, #tpu.memory_space<hbm>> -> memref<1x12864xf32, #tpu.memory_space<hbm>>
        %dma_wait3A_858 = tpu.memref_squeeze %dma_wait3A_857 : memref<1x12864xf32, #tpu.memory_space<hbm>> -> memref<12864xf32, #tpu.memory_space<hbm>>
        %dma_wait3A_859 = arith.constant 0 : i32
        %dma_wait3A_860 = tpu.memref_slice %arg6[%add3A_855, %dma_wait3A_859] : memref<4096x12864xf32, #tpu.memory_space<hbm>> -> memref<1x12864xf32, #tpu.memory_space<hbm>>
        %dma_wait3A_861 = tpu.memref_squeeze %dma_wait3A_860 : memref<1x12864xf32, #tpu.memory_space<hbm>> -> memref<12864xf32, #tpu.memory_space<hbm>>
        tpu.wait_dma2 semaphore(%arg12 : memref<!tpu.dma_semaphore, #tpu.memory_space<semaphore_mem>>) src(%arg10 : memref<12864xf32, #tpu.memory_space<vmem>>) dst(%dma_wait3A_861 : memref<12864xf32, #tpu.memory_space<hbm>>)
      } else {
      }
      %mul3A_482 = arith.constant 1 : i32
      %mul3A_483 = arith.muli %add3A_476, %mul3A_482 : i32
      %add3A_484 = arith.constant 0 : i32
      %add3A_485 = arith.addi %mul3A_483, %add3A_484 : i32
      %mul3A_486 = arith.constant 200 : i32
      %mul3A_487 = arith.muli %add3A_485, %mul3A_486 : i32
      %scan3A_488 = arith.constant 0 : i32
      %scan3A_489 = arith.constant 0 : i32
      %scan3A_490 = arith.constant 12 : i32
      %scan3A_491 = arith.addi %scan3A_489, %scan3A_490 : i32
      %scan3A_492 = arith.constant 1 : i32
      scf.for %scan3A_855 = %scan3A_489 to %scan3A_491 step %scan3A_492  : i32 {
        %mul3A_856 = arith.constant 16 : i32
        %mul3A_857 = arith.muli %scan3A_855, %mul3A_856 : i32
        %add3A_858 = arith.addi %mul3A_487, %mul3A_857 : i32
        %get3A_859 = arith.index_cast %add3A_858 : i32 to index
        %get3A_860 = tpu.vector_load %arg8[%get3A_859] {strides = array<i32>} : memref<25616xi32, #tpu.memory_space<vmem>>, vector<16xi32>,
        %get3A_861 = vector.shape_cast %get3A_860 : vector<16xi32> to vector<16xi32>
        %convert_element_type3A_862 = arith.sitofp %get3A_861 : vector<16xi32> to vector<16xf32>
        %mul3A_863 = arith.constant 16 : i32
        %mul3A_864 = arith.muli %scan3A_855, %mul3A_863 : i32
        %add3A_865 = arith.constant 0 : i32
        %add3A_866 = arith.addi %mul3A_864, %add3A_865 : i32
        %mul3A_867 = arith.constant 64 : i32
        %mul3A_868 = arith.muli %add3A_866, %mul3A_867 : i32
        %add3A_869 = arith.constant 0 : i32
        %add3A_870 = arith.addi %add3A_869, %mul3A_868 : i32
        %broadcast_in_dim3A_871 = arith.constant 0 : i32
        %broadcast_in_dim3A_872 = vector.broadcast %broadcast_in_dim3A_871 : i32 to vector<16x1xi32>
        %gather3A_873 = vector.shape_cast %broadcast_in_dim3A_872 : vector<16x1xi32> to vector<16xi32>
        %gather3A_874 = tpu.dynamic_gather %convert_element_type3A_862[%gather3A_873] in [0] : vector<16xf32>, vector<16xi32> -> vector<16xf32>
        %add3A_875 = arith.constant 0 : i32
        %add3A_876 = arith.addi %mul3A_868, %add3A_875 : i32
        %get3A_877 = arith.index_cast %add3A_876 : i32 to index
        %get3A_878 = tpu.vector_load %arg7[%get3A_877] {strides = array<i32>} : memref<13056xf32, #tpu.memory_space<vmem>>, vector<16xf32>,
        %get3A_879 = vector.shape_cast %get3A_878 : vector<16xf32> to vector<16xf32>
        %mul3A_880 = arith.mulf %gather3A_874, %sub3A : vector<16xf32>
        %add3A_881 = arith.addf %get3A_879, %mul3A_880 : vector<16xf32>
        %add3A_882 = arith.constant 0 : i32
        %add3A_883 = arith.addi %add3A_870, %add3A_882 : i32
        %swap3A_884 = arith.index_cast %add3A_883 : i32 to index
        %swap3A_885 = tpu.vector_load %arg10[%swap3A_884] {strides = array<i32>} : memref<12864xf32, #tpu.memory_space<vmem>>, vector<16xf32>,
        %swap3A_886 = vector.shape_cast %swap3A_885 : vector<16xf32> to vector<16xf32>
        %swap3A_887 = vector.shape_cast %add3A_881 : vector<16xf32> to vector<16xf32>
        tpu.vector_store %arg10[%swap3A_884], %swap3A_887 {strides = array<i32>} : memref<12864xf32, #tpu.memory_space<vmem>>, vector<16xf32>,
        %add3A_888 = arith.constant 16 : i32
        %add3A_889 = arith.addi %mul3A_868, %add3A_888 : i32
        %get3A_890 = arith.index_cast %add3A_889 : i32 to index
        %get3A_891 = tpu.vector_load %arg7[%get3A_890] {strides = array<i32>} : memref<13056xf32, #tpu.memory_space<vmem>>, vector<16xf32>,
        %get3A_892 = vector.shape_cast %get3A_891 : vector<16xf32> to vector<16xf32>
        %mul3A_893 = arith.mulf %gather3A_874, %sub3A_40 : vector<16xf32>
        %add3A_894 = arith.addf %get3A_892, %mul3A_893 : vector<16xf32>
        %add3A_895 = arith.constant 16 : i32
        %add3A_896 = arith.addi %add3A_870, %add3A_895 : i32
        %swap3A_897 = arith.index_cast %add3A_896 : i32 to index
        %swap3A_898 = tpu.vector_load %arg10[%swap3A_897] {strides = array<i32>} : memref<12864xf32, #tpu.memory_space<vmem>>, vector<16xf32>,
        %swap3A_899 = vector.shape_cast %swap3A_898 : vector<16xf32> to vector<16xf32>
        %swap3A_900 = vector.shape_cast %add3A_894 : vector<16xf32> to vector<16xf32>
        tpu.vector_store %arg10[%swap3A_897], %swap3A_900 {strides = array<i32>} : memref<12864xf32, #tpu.memory_space<vmem>>, vector<16xf32>,
        %add3A_901 = arith.constant 32 : i32
        %add3A_902 = arith.addi %mul3A_868, %add3A_901 : i32
        %get3A_903 = arith.index_cast %add3A_902 : i32 to index
        %get3A_904 = tpu.vector_load %arg7[%get3A_903] {strides = array<i32>} : memref<13056xf32, #tpu.memory_space<vmem>>, vector<16xf32>,
        %get3A_905 = vector.shape_cast %get3A_904 : vector<16xf32> to vector<16xf32>
        %mul3A_906 = arith.mulf %gather3A_874, %sub3A_41 : vector<16xf32>
        %add3A_907 = arith.addf %get3A_905, %mul3A_906 : vector<16xf32>
        %add3A_908 = arith.constant 32 : i32
        %add3A_909 = arith.addi %add3A_870, %add3A_908 : i32
        %swap3A_910 = arith.index_cast %add3A_909 : i32 to index
        %swap3A_911 = tpu.vector_load %arg10[%swap3A_910] {strides = array<i32>} : memref<12864xf32, #tpu.memory_space<vmem>>, vector<16xf32>,
        %swap3A_912 = vector.shape_cast %swap3A_911 : vector<16xf32> to vector<16xf32>
        %swap3A_913 = vector.shape_cast %add3A_907 : vector<16xf32> to vector<16xf32>
        tpu.vector_store %arg10[%swap3A_910], %swap3A_913 {strides = array<i32>} : memref<12864xf32, #tpu.memory_space<vmem>>, vector<16xf32>,
        %add3A_914 = arith.constant 48 : i32
        %add3A_915 = arith.addi %mul3A_868, %add3A_914 : i32
        %get3A_916 = arith.index_cast %add3A_915 : i32 to index
        %get3A_917 = tpu.vector_load %arg7[%get3A_916] {strides = array<i32>} : memref<13056xf32, #tpu.memory_space<vmem>>, vector<16xf32>,
        %get3A_918 = vector.shape_cast %get3A_917 : vector<16xf32> to vector<16xf32>
        %mul3A_919 = arith.mulf %gather3A_874, %sub3A_42 : vector<16xf32>
        %add3A_920 = arith.addf %get3A_918, %mul3A_919 : vector<16xf32>
        %add3A_921 = arith.constant 48 : i32
        %add3A_922 = arith.addi %add3A_870, %add3A_921 : i32
        %swap3A_923 = arith.index_cast %add3A_922 : i32 to index
        %swap3A_924 = tpu.vector_load %arg10[%swap3A_923] {strides = array<i32>} : memref<12864xf32, #tpu.memory_space<vmem>>, vector<16xf32>,
        %swap3A_925 = vector.shape_cast %swap3A_924 : vector<16xf32> to vector<16xf32>
        %swap3A_926 = vector.shape_cast %add3A_920 : vector<16xf32> to vector<16xf32>
        tpu.vector_store %arg10[%swap3A_923], %swap3A_926 {strides = array<i32>} : memref<12864xf32, #tpu.memory_space<vmem>>, vector<16xf32>,
        %mul3A_927 = arith.constant 16 : i32
        %mul3A_928 = arith.muli %scan3A_855, %mul3A_927 : i32
        %add3A_929 = arith.constant 1 : i32
        %add3A_930 = arith.addi %mul3A_928, %add3A_929 : i32
        %mul3A_931 = arith.constant 64 : i32
        %mul3A_932 = arith.muli %add3A_930, %mul3A_931 : i32
        %add3A_933 = arith.constant 0 : i32
        %add3A_934 = arith.addi %add3A_933, %mul3A_932 : i32
        %broadcast_in_dim3A_935 = arith.constant 1 : i32
        %broadcast_in_dim3A_936 = vector.broadcast %broadcast_in_dim3A_935 : i32 to vector<16x1xi32>
        %gather3A_937 = vector.shape_cast %broadcast_in_dim3A_936 : vector<16x1xi32> to vector<16xi32>
        %gather3A_938 = tpu.dynamic_gather %convert_element_type3A_862[%gather3A_937] in [0] : vector<16xf32>, vector<16xi32> -> vector<16xf32>
        %add3A_939 = arith.constant 0 : i32
        %add3A_940 = arith.addi %mul3A_932, %add3A_939 : i32
        %get3A_941 = arith.index_cast %add3A_940 : i32 to index
        %get3A_942 = tpu.vector_load %arg7[%get3A_941] {strides = array<i32>} : memref<13056xf32, #tpu.memory_space<vmem>>, vector<16xf32>,
        %get3A_943 = vector.shape_cast %get3A_942 : vector<16xf32> to vector<16xf32>
        %mul3A_944 = arith.mulf %gather3A_938, %sub3A : vector<16xf32>
        %add3A_945 = arith.addf %get3A_943, %mul3A_944 : vector<16xf32>
        %add3A_946 = arith.constant 0 : i32
        %add3A_947 = arith.addi %add3A_934, %add3A_946 : i32
        %swap3A_948 = arith.index_cast %add3A_947 : i32 to index
        %swap3A_949 = tpu.vector_load %arg10[%swap3A_948] {strides = array<i32>} : memref<12864xf32, #tpu.memory_space<vmem>>, vector<16xf32>,
        %swap3A_950 = vector.shape_cast %swap3A_949 : vector<16xf32> to vector<16xf32>
        %swap3A_951 = vector.shape_cast %add3A_945 : vector<16xf32> to vector<16xf32>
        tpu.vector_store %arg10[%swap3A_948], %swap3A_951 {strides = array<i32>} : memref<12864xf32, #tpu.memory_space<vmem>>, vector<16xf32>,
        %add3A_952 = arith.constant 16 : i32
        %add3A_953 = arith.addi %mul3A_932, %add3A_952 : i32
        %get3A_954 = arith.index_cast %add3A_953 : i32 to index
        %get3A_955 = tpu.vector_load %arg7[%get3A_954] {strides = array<i32>} : memref<13056xf32, #tpu.memory_space<vmem>>, vector<16xf32>,
        %get3A_956 = vector.shape_cast %get3A_955 : vector<16xf32> to vector<16xf32>
        %mul3A_957 = arith.mulf %gather3A_938, %sub3A_40 : vector<16xf32>
        %add3A_958 = arith.addf %get3A_956, %mul3A_957 : vector<16xf32>
        %add3A_959 = arith.constant 16 : i32
        %add3A_960 = arith.addi %add3A_934, %add3A_959 : i32
        %swap3A_961 = arith.index_cast %add3A_960 : i32 to index
        %swap3A_962 = tpu.vector_load %arg10[%swap3A_961] {strides = array<i32>} : memref<12864xf32, #tpu.memory_space<vmem>>, vector<16xf32>,
        %swap3A_963 = vector.shape_cast %swap3A_962 : vector<16xf32> to vector<16xf32>
        %swap3A_964 = vector.shape_cast %add3A_958 : vector<16xf32> to vector<16xf32>
        tpu.vector_store %arg10[%swap3A_961], %swap3A_964 {strides = array<i32>} : memref<12864xf32, #tpu.memory_space<vmem>>, vector<16xf32>,
        %add3A_965 = arith.constant 32 : i32
        %add3A_966 = arith.addi %mul3A_932, %add3A_965 : i32
        %get3A_967 = arith.index_cast %add3A_966 : i32 to index
        %get3A_968 = tpu.vector_load %arg7[%get3A_967] {strides = array<i32>} : memref<13056xf32, #tpu.memory_space<vmem>>, vector<16xf32>,
        %get3A_969 = vector.shape_cast %get3A_968 : vector<16xf32> to vector<16xf32>
        %mul3A_970 = arith.mulf %gather3A_938, %sub3A_41 : vector<16xf32>
        %add3A_971 = arith.addf %get3A_969, %mul3A_970 : vector<16xf32>
        %add3A_972 = arith.constant 32 : i32
        %add3A_973 = arith.addi %add3A_934, %add3A_972 : i32
        %swap3A_974 = arith.index_cast %add3A_973 : i32 to index
        %swap3A_975 = tpu.vector_load %arg10[%swap3A_974] {strides = array<i32>} : memref<12864xf32, #tpu.memory_space<vmem>>, vector<16xf32>,
        %swap3A_976 = vector.shape_cast %swap3A_975 : vector<16xf32> to vector<16xf32>
        %swap3A_977 = vector.shape_cast %add3A_971 : vector<16xf32> to vector<16xf32>
        tpu.vector_store %arg10[%swap3A_974], %swap3A_977 {strides = array<i32>} : memref<12864xf32, #tpu.memory_space<vmem>>, vector<16xf32>,
        %add3A_978 = arith.constant 48 : i32
        %add3A_979 = arith.addi %mul3A_932, %add3A_978 : i32
        %get3A_980 = arith.index_cast %add3A_979 : i32 to index
        %get3A_981 = tpu.vector_load %arg7[%get3A_980] {strides = array<i32>} : memref<13056xf32, #tpu.memory_space<vmem>>, vector<16xf32>,
        %get3A_982 = vector.shape_cast %get3A_981 : vector<16xf32> to vector<16xf32>
        %mul3A_983 = arith.mulf %gather3A_938, %sub3A_42 : vector<16xf32>
        %add3A_984 = arith.addf %get3A_982, %mul3A_983 : vector<16xf32>
        %add3A_985 = arith.constant 48 : i32
        %add3A_986 = arith.addi %add3A_934, %add3A_985 : i32
        %swap3A_987 = arith.index_cast %add3A_986 : i32 to index
        %swap3A_988 = tpu.vector_load %arg10[%swap3A_987] {strides = array<i32>} : memref<12864xf32, #tpu.memory_space<vmem>>, vector<16xf32>,
        %swap3A_989 = vector.shape_cast %swap3A_988 : vector<16xf32> to vector<16xf32>
        %swap3A_990 = vector.shape_cast %add3A_984 : vector<16xf32> to vector<16xf32>
        tpu.vector_store %arg10[%swap3A_987], %swap3A_990 {strides = array<i32>} : memref<12864xf32, #tpu.memory_space<vmem>>, vector<16xf32>,
        %mul3A_991 = arith.constant 16 : i32
        %mul3A_992 = arith.muli %scan3A_855, %mul3A_991 : i32
        %add3A_993 = arith.constant 2 : i32
        %add3A_994 = arith.addi %mul3A_992, %add3A_993 : i32
        %mul3A_995 = arith.constant 64 : i32
        %mul3A_996 = arith.muli %add3A_994, %mul3A_995 : i32
        %add3A_997 = arith.constant 0 : i32
        %add3A_998 = arith.addi %add3A_997, %mul3A_996 : i32
        %broadcast_in_dim3A_999 = arith.constant 2 : i32
        %broadcast_in_dim3A_1000 = vector.broadcast %broadcast_in_dim3A_999 : i32 to vector<16x1xi32>
        %gather3A_1001 = vector.shape_cast %broadcast_in_dim3A_1000 : vector<16x1xi32> to vector<16xi32>
        %gather3A_1002 = tpu.dynamic_gather %convert_element_type3A_862[%gather3A_1001] in [0] : vector<16xf32>, vector<16xi32> -> vector<16xf32>
        %add3A_1003 = arith.constant 0 : i32
        %add3A_1004 = arith.addi %mul3A_996, %add3A_1003 : i32
        %get3A_1005 = arith.index_cast %add3A_1004 : i32 to index
        %get3A_1006 = tpu.vector_load %arg7[%get3A_1005] {strides = array<i32>} : memref<13056xf32, #tpu.memory_space<vmem>>, vector<16xf32>,
        %get3A_1007 = vector.shape_cast %get3A_1006 : vector<16xf32> to vector<16xf32>
        %mul3A_1008 = arith.mulf %gather3A_1002, %sub3A : vector<16xf32>
        %add3A_1009 = arith.addf %get3A_1007, %mul3A_1008 : vector<16xf32>
        %add3A_1010 = arith.constant 0 : i32
        %add3A_1011 = arith.addi %add3A_998, %add3A_1010 : i32
        %swap3A_1012 = arith.index_cast %add3A_1011 : i32 to index
        %swap3A_1013 = tpu.vector_load %arg10[%swap3A_1012] {strides = array<i32>} : memref<12864xf32, #tpu.memory_space<vmem>>, vector<16xf32>,
        %swap3A_1014 = vector.shape_cast %swap3A_1013 : vector<16xf32> to vector<16xf32>
        %swap3A_1015 = vector.shape_cast %add3A_1009 : vector<16xf32> to vector<16xf32>
        tpu.vector_store %arg10[%swap3A_1012], %swap3A_1015 {strides = array<i32>} : memref<12864xf32, #tpu.memory_space<vmem>>, vector<16xf32>,
        %add3A_1016 = arith.constant 16 : i32
        %add3A_1017 = arith.addi %mul3A_996, %add3A_1016 : i32
        %get3A_1018 = arith.index_cast %add3A_1017 : i32 to index
        %get3A_1019 = tpu.vector_load %arg7[%get3A_1018] {strides = array<i32>} : memref<13056xf32, #tpu.memory_space<vmem>>, vector<16xf32>,
        %get3A_1020 = vector.shape_cast %get3A_1019 : vector<16xf32> to vector<16xf32>
        %mul3A_1021 = arith.mulf %gather3A_1002, %sub3A_40 : vector<16xf32>
        %add3A_1022 = arith.addf %get3A_1020, %mul3A_1021 : vector<16xf32>
        %add3A_1023 = arith.constant 16 : i32
        %add3A_1024 = arith.addi %add3A_998, %add3A_1023 : i32
        %swap3A_1025 = arith.index_cast %add3A_1024 : i32 to index
        %swap3A_1026 = tpu.vector_load %arg10[%swap3A_1025] {strides = array<i32>} : memref<12864xf32, #tpu.memory_space<vmem>>, vector<16xf32>,
        %swap3A_1027 = vector.shape_cast %swap3A_1026 : vector<16xf32> to vector<16xf32>
        %swap3A_1028 = vector.shape_cast %add3A_1022 : vector<16xf32> to vector<16xf32>
        tpu.vector_store %arg10[%swap3A_1025], %swap3A_1028 {strides = array<i32>} : memref<12864xf32, #tpu.memory_space<vmem>>, vector<16xf32>,
        %add3A_1029 = arith.constant 32 : i32
        %add3A_1030 = arith.addi %mul3A_996, %add3A_1029 : i32
        %get3A_1031 = arith.index_cast %add3A_1030 : i32 to index
        %get3A_1032 = tpu.vector_load %arg7[%get3A_1031] {strides = array<i32>} : memref<13056xf32, #tpu.memory_space<vmem>>, vector<16xf32>,
        %get3A_1033 = vector.shape_cast %get3A_1032 : vector<16xf32> to vector<16xf32>
        %mul3A_1034 = arith.mulf %gather3A_1002, %sub3A_41 : vector<16xf32>
        %add3A_1035 = arith.addf %get3A_1033, %mul3A_1034 : vector<16xf32>
        %add3A_1036 = arith.constant 32 : i32
        %add3A_1037 = arith.addi %add3A_998, %add3A_1036 : i32
        %swap3A_1038 = arith.index_cast %add3A_1037 : i32 to index
        %swap3A_1039 = tpu.vector_load %arg10[%swap3A_1038] {strides = array<i32>} : memref<12864xf32, #tpu.memory_space<vmem>>, vector<16xf32>,
        %swap3A_1040 = vector.shape_cast %swap3A_1039 : vector<16xf32> to vector<16xf32>
        %swap3A_1041 = vector.shape_cast %add3A_1035 : vector<16xf32> to vector<16xf32>
        tpu.vector_store %arg10[%swap3A_1038], %swap3A_1041 {strides = array<i32>} : memref<12864xf32, #tpu.memory_space<vmem>>, vector<16xf32>,
        %add3A_1042 = arith.constant 48 : i32
        %add3A_1043 = arith.addi %mul3A_996, %add3A_1042 : i32
        %get3A_1044 = arith.index_cast %add3A_1043 : i32 to index
        %get3A_1045 = tpu.vector_load %arg7[%get3A_1044] {strides = array<i32>} : memref<13056xf32, #tpu.memory_space<vmem>>, vector<16xf32>,
        %get3A_1046 = vector.shape_cast %get3A_1045 : vector<16xf32> to vector<16xf32>
        %mul3A_1047 = arith.mulf %gather3A_1002, %sub3A_42 : vector<16xf32>
        %add3A_1048 = arith.addf %get3A_1046, %mul3A_1047 : vector<16xf32>
        %add3A_1049 = arith.constant 48 : i32
        %add3A_1050 = arith.addi %add3A_998, %add3A_1049 : i32
        %swap3A_1051 = arith.index_cast %add3A_1050 : i32 to index
        %swap3A_1052 = tpu.vector_load %arg10[%swap3A_1051] {strides = array<i32>} : memref<12864xf32, #tpu.memory_space<vmem>>, vector<16xf32>,
        %swap3A_1053 = vector.shape_cast %swap3A_1052 : vector<16xf32> to vector<16xf32>
        %swap3A_1054 = vector.shape_cast %add3A_1048 : vector<16xf32> to vector<16xf32>
        tpu.vector_store %arg10[%swap3A_1051], %swap3A_1054 {strides = array<i32>} : memref<12864xf32, #tpu.memory_space<vmem>>, vector<16xf32>,
        %mul3A_1055 = arith.constant 16 : i32
        %mul3A_1056 = arith.muli %scan3A_855, %mul3A_1055 : i32
        %add3A_1057 = arith.constant 3 : i32
        %add3A_1058 = arith.addi %mul3A_1056, %add3A_1057 : i32
        %mul3A_1059 = arith.constant 64 : i32
        %mul3A_1060 = arith.muli %add3A_1058, %mul3A_1059 : i32
        %add3A_1061 = arith.constant 0 : i32
        %add3A_1062 = arith.addi %add3A_1061, %mul3A_1060 : i32
        %broadcast_in_dim3A_1063 = arith.constant 3 : i32
        %broadcast_in_dim3A_1064 = vector.broadcast %broadcast_in_dim3A_1063 : i32 to vector<16x1xi32>
        %gather3A_1065 = vector.shape_cast %broadcast_in_dim3A_1064 : vector<16x1xi32> to vector<16xi32>
        %gather3A_1066 = tpu.dynamic_gather %convert_element_type3A_862[%gather3A_1065] in [0] : vector<16xf32>, vector<16xi32> -> vector<16xf32>
        %add3A_1067 = arith.constant 0 : i32
        %add3A_1068 = arith.addi %mul3A_1060, %add3A_1067 : i32
        %get3A_1069 = arith.index_cast %add3A_1068 : i32 to index
        %get3A_1070 = tpu.vector_load %arg7[%get3A_1069] {strides = array<i32>} : memref<13056xf32, #tpu.memory_space<vmem>>, vector<16xf32>,
        %get3A_1071 = vector.shape_cast %get3A_1070 : vector<16xf32> to vector<16xf32>
        %mul3A_1072 = arith.mulf %gather3A_1066, %sub3A : vector<16xf32>
        %add3A_1073 = arith.addf %get3A_1071, %mul3A_1072 : vector<16xf32>
        %add3A_1074 = arith.constant 0 : i32
        %add3A_1075 = arith.addi %add3A_1062, %add3A_1074 : i32
        %swap3A_1076 = arith.index_cast %add3A_1075 : i32 to index
        %swap3A_1077 = tpu.vector_load %arg10[%swap3A_1076] {strides = array<i32>} : memref<12864xf32, #tpu.memory_space<vmem>>, vector<16xf32>,
        %swap3A_1078 = vector.shape_cast %swap3A_1077 : vector<16xf32> to vector<16xf32>
        %swap3A_1079 = vector.shape_cast %add3A_1073 : vector<16xf32> to vector<16xf32>
        tpu.vector_store %arg10[%swap3A_1076], %swap3A_1079 {strides = array<i32>} : memref<12864xf32, #tpu.memory_space<vmem>>, vector<16xf32>,
        %add3A_1080 = arith.constant 16 : i32
        %add3A_1081 = arith.addi %mul3A_1060, %add3A_1080 : i32
        %get3A_1082 = arith.index_cast %add3A_1081 : i32 to index
        %get3A_1083 = tpu.vector_load %arg7[%get3A_1082] {strides = array<i32>} : memref<13056xf32, #tpu.memory_space<vmem>>, vector<16xf32>,
        %get3A_1084 = vector.shape_cast %get3A_1083 : vector<16xf32> to vector<16xf32>
        %mul3A_1085 = arith.mulf %gather3A_1066, %sub3A_40 : vector<16xf32>
        %add3A_1086 = arith.addf %get3A_1084, %mul3A_1085 : vector<16xf32>
        %add3A_1087 = arith.constant 16 : i32
        %add3A_1088 = arith.addi %add3A_1062, %add3A_1087 : i32
        %swap3A_1089 = arith.index_cast %add3A_1088 : i32 to index
        %swap3A_1090 = tpu.vector_load %arg10[%swap3A_1089] {strides = array<i32>} : memref<12864xf32, #tpu.memory_space<vmem>>, vector<16xf32>,
        %swap3A_1091 = vector.shape_cast %swap3A_1090 : vector<16xf32> to vector<16xf32>
        %swap3A_1092 = vector.shape_cast %add3A_1086 : vector<16xf32> to vector<16xf32>
        tpu.vector_store %arg10[%swap3A_1089], %swap3A_1092 {strides = array<i32>} : memref<12864xf32, #tpu.memory_space<vmem>>, vector<16xf32>,
        %add3A_1093 = arith.constant 32 : i32
        %add3A_1094 = arith.addi %mul3A_1060, %add3A_1093 : i32
        %get3A_1095 = arith.index_cast %add3A_1094 : i32 to index
        %get3A_1096 = tpu.vector_load %arg7[%get3A_1095] {strides = array<i32>} : memref<13056xf32, #tpu.memory_space<vmem>>, vector<16xf32>,
        %get3A_1097 = vector.shape_cast %get3A_1096 : vector<16xf32> to vector<16xf32>
        %mul3A_1098 = arith.mulf %gather3A_1066, %sub3A_41 : vector<16xf32>
        %add3A_1099 = arith.addf %get3A_1097, %mul3A_1098 : vector<16xf32>
        %add3A_1100 = arith.constant 32 : i32
        %add3A_1101 = arith.addi %add3A_1062, %add3A_1100 : i32
        %swap3A_1102 = arith.index_cast %add3A_1101 : i32 to index
        %swap3A_1103 = tpu.vector_load %arg10[%swap3A_1102] {strides = array<i32>} : memref<12864xf32, #tpu.memory_space<vmem>>, vector<16xf32>,
        %swap3A_1104 = vector.shape_cast %swap3A_1103 : vector<16xf32> to vector<16xf32>
        %swap3A_1105 = vector.shape_cast %add3A_1099 : vector<16xf32> to vector<16xf32>
        tpu.vector_store %arg10[%swap3A_1102], %swap3A_1105 {strides = array<i32>} : memref<12864xf32, #tpu.memory_space<vmem>>, vector<16xf32>,
        %add3A_1106 = arith.constant 48 : i32
        %add3A_1107 = arith.addi %mul3A_1060, %add3A_1106 : i32
        %get3A_1108 = arith.index_cast %add3A_1107 : i32 to index
        %get3A_1109 = tpu.vector_load %arg7[%get3A_1108] {strides = array<i32>} : memref<13056xf32, #tpu.memory_space<vmem>>, vector<16xf32>,
        %get3A_1110 = vector.shape_cast %get3A_1109 : vector<16xf32> to vector<16xf32>
        %mul3A_1111 = arith.mulf %gather3A_1066, %sub3A_42 : vector<16xf32>
        %add3A_1112 = arith.addf %get3A_1110, %mul3A_1111 : vector<16xf32>
        %add3A_1113 = arith.constant 48 : i32
        %add3A_1114 = arith.addi %add3A_1062, %add3A_1113 : i32
        %swap3A_1115 = arith.index_cast %add3A_1114 : i32 to index
        %swap3A_1116 = tpu.vector_load %arg10[%swap3A_1115] {strides = array<i32>} : memref<12864xf32, #tpu.memory_space<vmem>>, vector<16xf32>,
        %swap3A_1117 = vector.shape_cast %swap3A_1116 : vector<16xf32> to vector<16xf32>
        %swap3A_1118 = vector.shape_cast %add3A_1112 : vector<16xf32> to vector<16xf32>
        tpu.vector_store %arg10[%swap3A_1115], %swap3A_1118 {strides = array<i32>} : memref<12864xf32, #tpu.memory_space<vmem>>, vector<16xf32>,
        %mul3A_1119 = arith.constant 16 : i32
        %mul3A_1120 = arith.muli %scan3A_855, %mul3A_1119 : i32
        %add3A_1121 = arith.constant 4 : i32
        %add3A_1122 = arith.addi %mul3A_1120, %add3A_1121 : i32
        %mul3A_1123 = arith.constant 64 : i32
        %mul3A_1124 = arith.muli %add3A_1122, %mul3A_1123 : i32
        %add3A_1125 = arith.constant 0 : i32
        %add3A_1126 = arith.addi %add3A_1125, %mul3A_1124 : i32
        %broadcast_in_dim3A_1127 = arith.constant 4 : i32
        %broadcast_in_dim3A_1128 = vector.broadcast %broadcast_in_dim3A_1127 : i32 to vector<16x1xi32>
        %gather3A_1129 = vector.shape_cast %broadcast_in_dim3A_1128 : vector<16x1xi32> to vector<16xi32>
        %gather3A_1130 = tpu.dynamic_gather %convert_element_type3A_862[%gather3A_1129] in [0] : vector<16xf32>, vector<16xi32> -> vector<16xf32>
        %add3A_1131 = arith.constant 0 : i32
        %add3A_1132 = arith.addi %mul3A_1124, %add3A_1131 : i32
        %get3A_1133 = arith.index_cast %add3A_1132 : i32 to index
        %get3A_1134 = tpu.vector_load %arg7[%get3A_1133] {strides = array<i32>} : memref<13056xf32, #tpu.memory_space<vmem>>, vector<16xf32>,
        %get3A_1135 = vector.shape_cast %get3A_1134 : vector<16xf32> to vector<16xf32>
        %mul3A_1136 = arith.mulf %gather3A_1130, %sub3A : vector<16xf32>
        %add3A_1137 = arith.addf %get3A_1135, %mul3A_1136 : vector<16xf32>
        %add3A_1138 = arith.constant 0 : i32
        %add3A_1139 = arith.addi %add3A_1126, %add3A_1138 : i32
        %swap3A_1140 = arith.index_cast %add3A_1139 : i32 to index
        %swap3A_1141 = tpu.vector_load %arg10[%swap3A_1140] {strides = array<i32>} : memref<12864xf32, #tpu.memory_space<vmem>>, vector<16xf32>,
        %swap3A_1142 = vector.shape_cast %swap3A_1141 : vector<16xf32> to vector<16xf32>
        %swap3A_1143 = vector.shape_cast %add3A_1137 : vector<16xf32> to vector<16xf32>
        tpu.vector_store %arg10[%swap3A_1140], %swap3A_1143 {strides = array<i32>} : memref<12864xf32, #tpu.memory_space<vmem>>, vector<16xf32>,
        %add3A_1144 = arith.constant 16 : i32
        %add3A_1145 = arith.addi %mul3A_1124, %add3A_1144 : i32
        %get3A_1146 = arith.index_cast %add3A_1145 : i32 to index
        %get3A_1147 = tpu.vector_load %arg7[%get3A_1146] {strides = array<i32>} : memref<13056xf32, #tpu.memory_space<vmem>>, vector<16xf32>,
        %get3A_1148 = vector.shape_cast %get3A_1147 : vector<16xf32> to vector<16xf32>
        %mul3A_1149 = arith.mulf %gather3A_1130, %sub3A_40 : vector<16xf32>
        %add3A_1150 = arith.addf %get3A_1148, %mul3A_1149 : vector<16xf32>
        %add3A_1151 = arith.constant 16 : i32
        %add3A_1152 = arith.addi %add3A_1126, %add3A_1151 : i32
        %swap3A_1153 = arith.index_cast %add3A_1152 : i32 to index
        %swap3A_1154 = tpu.vector_load %arg10[%swap3A_1153] {strides = array<i32>} : memref<12864xf32, #tpu.memory_space<vmem>>, vector<16xf32>,
        %swap3A_1155 = vector.shape_cast %swap3A_1154 : vector<16xf32> to vector<16xf32>
        %swap3A_1156 = vector.shape_cast %add3A_1150 : vector<16xf32> to vector<16xf32>
        tpu.vector_store %arg10[%swap3A_1153], %swap3A_1156 {strides = array<i32>} : memref<12864xf32, #tpu.memory_space<vmem>>, vector<16xf32>,
        %add3A_1157 = arith.constant 32 : i32
        %add3A_1158 = arith.addi %mul3A_1124, %add3A_1157 : i32
        %get3A_1159 = arith.index_cast %add3A_1158 : i32 to index
        %get3A_1160 = tpu.vector_load %arg7[%get3A_1159] {strides = array<i32>} : memref<13056xf32, #tpu.memory_space<vmem>>, vector<16xf32>,
        %get3A_1161 = vector.shape_cast %get3A_1160 : vector<16xf32> to vector<16xf32>
        %mul3A_1162 = arith.mulf %gather3A_1130, %sub3A_41 : vector<16xf32>
        %add3A_1163 = arith.addf %get3A_1161, %mul3A_1162 : vector<16xf32>
        %add3A_1164 = arith.constant 32 : i32
        %add3A_1165 = arith.addi %add3A_1126, %add3A_1164 : i32
        %swap3A_1166 = arith.index_cast %add3A_1165 : i32 to index
        %swap3A_1167 = tpu.vector_load %arg10[%swap3A_1166] {strides = array<i32>} : memref<12864xf32, #tpu.memory_space<vmem>>, vector<16xf32>,
        %swap3A_1168 = vector.shape_cast %swap3A_1167 : vector<16xf32> to vector<16xf32>
        %swap3A_1169 = vector.shape_cast %add3A_1163 : vector<16xf32> to vector<16xf32>
        tpu.vector_store %arg10[%swap3A_1166], %swap3A_1169 {strides = array<i32>} : memref<12864xf32, #tpu.memory_space<vmem>>, vector<16xf32>,
        %add3A_1170 = arith.constant 48 : i32
        %add3A_1171 = arith.addi %mul3A_1124, %add3A_1170 : i32
        %get3A_1172 = arith.index_cast %add3A_1171 : i32 to index
        %get3A_1173 = tpu.vector_load %arg7[%get3A_1172] {strides = array<i32>} : memref<13056xf32, #tpu.memory_space<vmem>>, vector<16xf32>,
        %get3A_1174 = vector.shape_cast %get3A_1173 : vector<16xf32> to vector<16xf32>
        %mul3A_1175 = arith.mulf %gather3A_1130, %sub3A_42 : vector<16xf32>
        %add3A_1176 = arith.addf %get3A_1174, %mul3A_1175 : vector<16xf32>
        %add3A_1177 = arith.constant 48 : i32
        %add3A_1178 = arith.addi %add3A_1126, %add3A_1177 : i32
        %swap3A_1179 = arith.index_cast %add3A_1178 : i32 to index
        %swap3A_1180 = tpu.vector_load %arg10[%swap3A_1179] {strides = array<i32>} : memref<12864xf32, #tpu.memory_space<vmem>>, vector<16xf32>,
        %swap3A_1181 = vector.shape_cast %swap3A_1180 : vector<16xf32> to vector<16xf32>
        %swap3A_1182 = vector.shape_cast %add3A_1176 : vector<16xf32> to vector<16xf32>
        tpu.vector_store %arg10[%swap3A_1179], %swap3A_1182 {strides = array<i32>} : memref<12864xf32, #tpu.memory_space<vmem>>, vector<16xf32>,
        %mul3A_1183 = arith.constant 16 : i32
        %mul3A_1184 = arith.muli %scan3A_855, %mul3A_1183 : i32
        %add3A_1185 = arith.constant 5 : i32
        %add3A_1186 = arith.addi %mul3A_1184, %add3A_1185 : i32
        %mul3A_1187 = arith.constant 64 : i32
        %mul3A_1188 = arith.muli %add3A_1186, %mul3A_1187 : i32
        %add3A_1189 = arith.constant 0 : i32
        %add3A_1190 = arith.addi %add3A_1189, %mul3A_1188 : i32
        %broadcast_in_dim3A_1191 = arith.constant 5 : i32
        %broadcast_in_dim3A_1192 = vector.broadcast %broadcast_in_dim3A_1191 : i32 to vector<16x1xi32>
        %gather3A_1193 = vector.shape_cast %broadcast_in_dim3A_1192 : vector<16x1xi32> to vector<16xi32>
        %gather3A_1194 = tpu.dynamic_gather %convert_element_type3A_862[%gather3A_1193] in [0] : vector<16xf32>, vector<16xi32> -> vector<16xf32>
        %add3A_1195 = arith.constant 0 : i32
        %add3A_1196 = arith.addi %mul3A_1188, %add3A_1195 : i32
        %get3A_1197 = arith.index_cast %add3A_1196 : i32 to index
        %get3A_1198 = tpu.vector_load %arg7[%get3A_1197] {strides = array<i32>} : memref<13056xf32, #tpu.memory_space<vmem>>, vector<16xf32>,
        %get3A_1199 = vector.shape_cast %get3A_1198 : vector<16xf32> to vector<16xf32>
        %mul3A_1200 = arith.mulf %gather3A_1194, %sub3A : vector<16xf32>
        %add3A_1201 = arith.addf %get3A_1199, %mul3A_1200 : vector<16xf32>
        %add3A_1202 = arith.constant 0 : i32
        %add3A_1203 = arith.addi %add3A_1190, %add3A_1202 : i32
        %swap3A_1204 = arith.index_cast %add3A_1203 : i32 to index
        %swap3A_1205 = tpu.vector_load %arg10[%swap3A_1204] {strides = array<i32>} : memref<12864xf32, #tpu.memory_space<vmem>>, vector<16xf32>,
        %swap3A_1206 = vector.shape_cast %swap3A_1205 : vector<16xf32> to vector<16xf32>
        %swap3A_1207 = vector.shape_cast %add3A_1201 : vector<16xf32> to vector<16xf32>
        tpu.vector_store %arg10[%swap3A_1204], %swap3A_1207 {strides = array<i32>} : memref<12864xf32, #tpu.memory_space<vmem>>, vector<16xf32>,
        %add3A_1208 = arith.constant 16 : i32
        %add3A_1209 = arith.addi %mul3A_1188, %add3A_1208 : i32
        %get3A_1210 = arith.index_cast %add3A_1209 : i32 to index
        %get3A_1211 = tpu.vector_load %arg7[%get3A_1210] {strides = array<i32>} : memref<13056xf32, #tpu.memory_space<vmem>>, vector<16xf32>,
        %get3A_1212 = vector.shape_cast %get3A_1211 : vector<16xf32> to vector<16xf32>
        %mul3A_1213 = arith.mulf %gather3A_1194, %sub3A_40 : vector<16xf32>
        %add3A_1214 = arith.addf %get3A_1212, %mul3A_1213 : vector<16xf32>
        %add3A_1215 = arith.constant 16 : i32
        %add3A_1216 = arith.addi %add3A_1190, %add3A_1215 : i32
        %swap3A_1217 = arith.index_cast %add3A_1216 : i32 to index
        %swap3A_1218 = tpu.vector_load %arg10[%swap3A_1217] {strides = array<i32>} : memref<12864xf32, #tpu.memory_space<vmem>>, vector<16xf32>,
        %swap3A_1219 = vector.shape_cast %swap3A_1218 : vector<16xf32> to vector<16xf32>
        %swap3A_1220 = vector.shape_cast %add3A_1214 : vector<16xf32> to vector<16xf32>
        tpu.vector_store %arg10[%swap3A_1217], %swap3A_1220 {strides = array<i32>} : memref<12864xf32, #tpu.memory_space<vmem>>, vector<16xf32>,
        %add3A_1221 = arith.constant 32 : i32
        %add3A_1222 = arith.addi %mul3A_1188, %add3A_1221 : i32
        %get3A_1223 = arith.index_cast %add3A_1222 : i32 to index
        %get3A_1224 = tpu.vector_load %arg7[%get3A_1223] {strides = array<i32>} : memref<13056xf32, #tpu.memory_space<vmem>>, vector<16xf32>,
        %get3A_1225 = vector.shape_cast %get3A_1224 : vector<16xf32> to vector<16xf32>
        %mul3A_1226 = arith.mulf %gather3A_1194, %sub3A_41 : vector<16xf32>
        %add3A_1227 = arith.addf %get3A_1225, %mul3A_1226 : vector<16xf32>
        %add3A_1228 = arith.constant 32 : i32
        %add3A_1229 = arith.addi %add3A_1190, %add3A_1228 : i32
        %swap3A_1230 = arith.index_cast %add3A_1229 : i32 to index
        %swap3A_1231 = tpu.vector_load %arg10[%swap3A_1230] {strides = array<i32>} : memref<12864xf32, #tpu.memory_space<vmem>>, vector<16xf32>,
        %swap3A_1232 = vector.shape_cast %swap3A_1231 : vector<16xf32> to vector<16xf32>
        %swap3A_1233 = vector.shape_cast %add3A_1227 : vector<16xf32> to vector<16xf32>
        tpu.vector_store %arg10[%swap3A_1230], %swap3A_1233 {strides = array<i32>} : memref<12864xf32, #tpu.memory_space<vmem>>, vector<16xf32>,
        %add3A_1234 = arith.constant 48 : i32
        %add3A_1235 = arith.addi %mul3A_1188, %add3A_1234 : i32
        %get3A_1236 = arith.index_cast %add3A_1235 : i32 to index
        %get3A_1237 = tpu.vector_load %arg7[%get3A_1236] {strides = array<i32>} : memref<13056xf32, #tpu.memory_space<vmem>>, vector<16xf32>,
        %get3A_1238 = vector.shape_cast %get3A_1237 : vector<16xf32> to vector<16xf32>
        %mul3A_1239 = arith.mulf %gather3A_1194, %sub3A_42 : vector<16xf32>
        %add3A_1240 = arith.addf %get3A_1238, %mul3A_1239 : vector<16xf32>
        %add3A_1241 = arith.constant 48 : i32
        %add3A_1242 = arith.addi %add3A_1190, %add3A_1241 : i32
        %swap3A_1243 = arith.index_cast %add3A_1242 : i32 to index
        %swap3A_1244 = tpu.vector_load %arg10[%swap3A_1243] {strides = array<i32>} : memref<12864xf32, #tpu.memory_space<vmem>>, vector<16xf32>,
        %swap3A_1245 = vector.shape_cast %swap3A_1244 : vector<16xf32> to vector<16xf32>
        %swap3A_1246 = vector.shape_cast %add3A_1240 : vector<16xf32> to vector<16xf32>
        tpu.vector_store %arg10[%swap3A_1243], %swap3A_1246 {strides = array<i32>} : memref<12864xf32, #tpu.memory_space<vmem>>, vector<16xf32>,
        %mul3A_1247 = arith.constant 16 : i32
        %mul3A_1248 = arith.muli %scan3A_855, %mul3A_1247 : i32
        %add3A_1249 = arith.constant 6 : i32
        %add3A_1250 = arith.addi %mul3A_1248, %add3A_1249 : i32
        %mul3A_1251 = arith.constant 64 : i32
        %mul3A_1252 = arith.muli %add3A_1250, %mul3A_1251 : i32
        %add3A_1253 = arith.constant 0 : i32
        %add3A_1254 = arith.addi %add3A_1253, %mul3A_1252 : i32
        %broadcast_in_dim3A_1255 = arith.constant 6 : i32
        %broadcast_in_dim3A_1256 = vector.broadcast %broadcast_in_dim3A_1255 : i32 to vector<16x1xi32>
        %gather3A_1257 = vector.shape_cast %broadcast_in_dim3A_1256 : vector<16x1xi32> to vector<16xi32>
        %gather3A_1258 = tpu.dynamic_gather %convert_element_type3A_862[%gather3A_1257] in [0] : vector<16xf32>, vector<16xi32> -> vector<16xf32>
        %add3A_1259 = arith.constant 0 : i32
        %add3A_1260 = arith.addi %mul3A_1252, %add3A_1259 : i32
        %get3A_1261 = arith.index_cast %add3A_1260 : i32 to index
        %get3A_1262 = tpu.vector_load %arg7[%get3A_1261] {strides = array<i32>} : memref<13056xf32, #tpu.memory_space<vmem>>, vector<16xf32>,
        %get3A_1263 = vector.shape_cast %get3A_1262 : vector<16xf32> to vector<16xf32>
        %mul3A_1264 = arith.mulf %gather3A_1258, %sub3A : vector<16xf32>
        %add3A_1265 = arith.addf %get3A_1263, %mul3A_1264 : vector<16xf32>
        %add3A_1266 = arith.constant 0 : i32
        %add3A_1267 = arith.addi %add3A_1254, %add3A_1266 : i32
        %swap3A_1268 = arith.index_cast %add3A_1267 : i32 to index
        %swap3A_1269 = tpu.vector_load %arg10[%swap3A_1268] {strides = array<i32>} : memref<12864xf32, #tpu.memory_space<vmem>>, vector<16xf32>,
        %swap3A_1270 = vector.shape_cast %swap3A_1269 : vector<16xf32> to vector<16xf32>
        %swap3A_1271 = vector.shape_cast %add3A_1265 : vector<16xf32> to vector<16xf32>
        tpu.vector_store %arg10[%swap3A_1268], %swap3A_1271 {strides = array<i32>} : memref<12864xf32, #tpu.memory_space<vmem>>, vector<16xf32>,
        %add3A_1272 = arith.constant 16 : i32
        %add3A_1273 = arith.addi %mul3A_1252, %add3A_1272 : i32
        %get3A_1274 = arith.index_cast %add3A_1273 : i32 to index
        %get3A_1275 = tpu.vector_load %arg7[%get3A_1274] {strides = array<i32>} : memref<13056xf32, #tpu.memory_space<vmem>>, vector<16xf32>,
        %get3A_1276 = vector.shape_cast %get3A_1275 : vector<16xf32> to vector<16xf32>
        %mul3A_1277 = arith.mulf %gather3A_1258, %sub3A_40 : vector<16xf32>
        %add3A_1278 = arith.addf %get3A_1276, %mul3A_1277 : vector<16xf32>
        %add3A_1279 = arith.constant 16 : i32
        %add3A_1280 = arith.addi %add3A_1254, %add3A_1279 : i32
        %swap3A_1281 = arith.index_cast %add3A_1280 : i32 to index
        %swap3A_1282 = tpu.vector_load %arg10[%swap3A_1281] {strides = array<i32>} : memref<12864xf32, #tpu.memory_space<vmem>>, vector<16xf32>,
        %swap3A_1283 = vector.shape_cast %swap3A_1282 : vector<16xf32> to vector<16xf32>
        %swap3A_1284 = vector.shape_cast %add3A_1278 : vector<16xf32> to vector<16xf32>
        tpu.vector_store %arg10[%swap3A_1281], %swap3A_1284 {strides = array<i32>} : memref<12864xf32, #tpu.memory_space<vmem>>, vector<16xf32>,
        %add3A_1285 = arith.constant 32 : i32
        %add3A_1286 = arith.addi %mul3A_1252, %add3A_1285 : i32
        %get3A_1287 = arith.index_cast %add3A_1286 : i32 to index
        %get3A_1288 = tpu.vector_load %arg7[%get3A_1287] {strides = array<i32>} : memref<13056xf32, #tpu.memory_space<vmem>>, vector<16xf32>,
        %get3A_1289 = vector.shape_cast %get3A_1288 : vector<16xf32> to vector<16xf32>
        %mul3A_1290 = arith.mulf %gather3A_1258, %sub3A_41 : vector<16xf32>
        %add3A_1291 = arith.addf %get3A_1289, %mul3A_1290 : vector<16xf32>
        %add3A_1292 = arith.constant 32 : i32
        %add3A_1293 = arith.addi %add3A_1254, %add3A_1292 : i32
        %swap3A_1294 = arith.index_cast %add3A_1293 : i32 to index
        %swap3A_1295 = tpu.vector_load %arg10[%swap3A_1294] {strides = array<i32>} : memref<12864xf32, #tpu.memory_space<vmem>>, vector<16xf32>,
        %swap3A_1296 = vector.shape_cast %swap3A_1295 : vector<16xf32> to vector<16xf32>
        %swap3A_1297 = vector.shape_cast %add3A_1291 : vector<16xf32> to vector<16xf32>
        tpu.vector_store %arg10[%swap3A_1294], %swap3A_1297 {strides = array<i32>} : memref<12864xf32, #tpu.memory_space<vmem>>, vector<16xf32>,
        %add3A_1298 = arith.constant 48 : i32
        %add3A_1299 = arith.addi %mul3A_1252, %add3A_1298 : i32
        %get3A_1300 = arith.index_cast %add3A_1299 : i32 to index
        %get3A_1301 = tpu.vector_load %arg7[%get3A_1300] {strides = array<i32>} : memref<13056xf32, #tpu.memory_space<vmem>>, vector<16xf32>,
        %get3A_1302 = vector.shape_cast %get3A_1301 : vector<16xf32> to vector<16xf32>
        %mul3A_1303 = arith.mulf %gather3A_1258, %sub3A_42 : vector<16xf32>
        %add3A_1304 = arith.addf %get3A_1302, %mul3A_1303 : vector<16xf32>
        %add3A_1305 = arith.constant 48 : i32
        %add3A_1306 = arith.addi %add3A_1254, %add3A_1305 : i32
        %swap3A_1307 = arith.index_cast %add3A_1306 : i32 to index
        %swap3A_1308 = tpu.vector_load %arg10[%swap3A_1307] {strides = array<i32>} : memref<12864xf32, #tpu.memory_space<vmem>>, vector<16xf32>,
        %swap3A_1309 = vector.shape_cast %swap3A_1308 : vector<16xf32> to vector<16xf32>
        %swap3A_1310 = vector.shape_cast %add3A_1304 : vector<16xf32> to vector<16xf32>
        tpu.vector_store %arg10[%swap3A_1307], %swap3A_1310 {strides = array<i32>} : memref<12864xf32, #tpu.memory_space<vmem>>, vector<16xf32>,
        %mul3A_1311 = arith.constant 16 : i32
        %mul3A_1312 = arith.muli %scan3A_855, %mul3A_1311 : i32
        %add3A_1313 = arith.constant 7 : i32
        %add3A_1314 = arith.addi %mul3A_1312, %add3A_1313 : i32
        %mul3A_1315 = arith.constant 64 : i32
        %mul3A_1316 = arith.muli %add3A_1314, %mul3A_1315 : i32
        %add3A_1317 = arith.constant 0 : i32
        %add3A_1318 = arith.addi %add3A_1317, %mul3A_1316 : i32
        %broadcast_in_dim3A_1319 = arith.constant 7 : i32
        %broadcast_in_dim3A_1320 = vector.broadcast %broadcast_in_dim3A_1319 : i32 to vector<16x1xi32>
        %gather3A_1321 = vector.shape_cast %broadcast_in_dim3A_1320 : vector<16x1xi32> to vector<16xi32>
        %gather3A_1322 = tpu.dynamic_gather %convert_element_type3A_862[%gather3A_1321] in [0] : vector<16xf32>, vector<16xi32> -> vector<16xf32>
        %add3A_1323 = arith.constant 0 : i32
        %add3A_1324 = arith.addi %mul3A_1316, %add3A_1323 : i32
        %get3A_1325 = arith.index_cast %add3A_1324 : i32 to index
        %get3A_1326 = tpu.vector_load %arg7[%get3A_1325] {strides = array<i32>} : memref<13056xf32, #tpu.memory_space<vmem>>, vector<16xf32>,
        %get3A_1327 = vector.shape_cast %get3A_1326 : vector<16xf32> to vector<16xf32>
        %mul3A_1328 = arith.mulf %gather3A_1322, %sub3A : vector<16xf32>
        %add3A_1329 = arith.addf %get3A_1327, %mul3A_1328 : vector<16xf32>
        %add3A_1330 = arith.constant 0 : i32
        %add3A_1331 = arith.addi %add3A_1318, %add3A_1330 : i32
        %swap3A_1332 = arith.index_cast %add3A_1331 : i32 to index
        %swap3A_1333 = tpu.vector_load %arg10[%swap3A_1332] {strides = array<i32>} : memref<12864xf32, #tpu.memory_space<vmem>>, vector<16xf32>,
        %swap3A_1334 = vector.shape_cast %swap3A_1333 : vector<16xf32> to vector<16xf32>
        %swap3A_1335 = vector.shape_cast %add3A_1329 : vector<16xf32> to vector<16xf32>
        tpu.vector_store %arg10[%swap3A_1332], %swap3A_1335 {strides = array<i32>} : memref<12864xf32, #tpu.memory_space<vmem>>, vector<16xf32>,
        %add3A_1336 = arith.constant 16 : i32
        %add3A_1337 = arith.addi %mul3A_1316, %add3A_1336 : i32
        %get3A_1338 = arith.index_cast %add3A_1337 : i32 to index
        %get3A_1339 = tpu.vector_load %arg7[%get3A_1338] {strides = array<i32>} : memref<13056xf32, #tpu.memory_space<vmem>>, vector<16xf32>,
        %get3A_1340 = vector.shape_cast %get3A_1339 : vector<16xf32> to vector<16xf32>
        %mul3A_1341 = arith.mulf %gather3A_1322, %sub3A_40 : vector<16xf32>
        %add3A_1342 = arith.addf %get3A_1340, %mul3A_1341 : vector<16xf32>
        %add3A_1343 = arith.constant 16 : i32
        %add3A_1344 = arith.addi %add3A_1318, %add3A_1343 : i32
        %swap3A_1345 = arith.index_cast %add3A_1344 : i32 to index
        %swap3A_1346 = tpu.vector_load %arg10[%swap3A_1345] {strides = array<i32>} : memref<12864xf32, #tpu.memory_space<vmem>>, vector<16xf32>,
        %swap3A_1347 = vector.shape_cast %swap3A_1346 : vector<16xf32> to vector<16xf32>
        %swap3A_1348 = vector.shape_cast %add3A_1342 : vector<16xf32> to vector<16xf32>
        tpu.vector_store %arg10[%swap3A_1345], %swap3A_1348 {strides = array<i32>} : memref<12864xf32, #tpu.memory_space<vmem>>, vector<16xf32>,
        %add3A_1349 = arith.constant 32 : i32
        %add3A_1350 = arith.addi %mul3A_1316, %add3A_1349 : i32
        %get3A_1351 = arith.index_cast %add3A_1350 : i32 to index
        %get3A_1352 = tpu.vector_load %arg7[%get3A_1351] {strides = array<i32>} : memref<13056xf32, #tpu.memory_space<vmem>>, vector<16xf32>,
        %get3A_1353 = vector.shape_cast %get3A_1352 : vector<16xf32> to vector<16xf32>
        %mul3A_1354 = arith.mulf %gather3A_1322, %sub3A_41 : vector<16xf32>
        %add3A_1355 = arith.addf %get3A_1353, %mul3A_1354 : vector<16xf32>
        %add3A_1356 = arith.constant 32 : i32
        %add3A_1357 = arith.addi %add3A_1318, %add3A_1356 : i32
        %swap3A_1358 = arith.index_cast %add3A_1357 : i32 to index
        %swap3A_1359 = tpu.vector_load %arg10[%swap3A_1358] {strides = array<i32>} : memref<12864xf32, #tpu.memory_space<vmem>>, vector<16xf32>,
        %swap3A_1360 = vector.shape_cast %swap3A_1359 : vector<16xf32> to vector<16xf32>
        %swap3A_1361 = vector.shape_cast %add3A_1355 : vector<16xf32> to vector<16xf32>
        tpu.vector_store %arg10[%swap3A_1358], %swap3A_1361 {strides = array<i32>} : memref<12864xf32, #tpu.memory_space<vmem>>, vector<16xf32>,
        %add3A_1362 = arith.constant 48 : i32
        %add3A_1363 = arith.addi %mul3A_1316, %add3A_1362 : i32
        %get3A_1364 = arith.index_cast %add3A_1363 : i32 to index
        %get3A_1365 = tpu.vector_load %arg7[%get3A_1364] {strides = array<i32>} : memref<13056xf32, #tpu.memory_space<vmem>>, vector<16xf32>,
        %get3A_1366 = vector.shape_cast %get3A_1365 : vector<16xf32> to vector<16xf32>
        %mul3A_1367 = arith.mulf %gather3A_1322, %sub3A_42 : vector<16xf32>
        %add3A_1368 = arith.addf %get3A_1366, %mul3A_1367 : vector<16xf32>
        %add3A_1369 = arith.constant 48 : i32
        %add3A_1370 = arith.addi %add3A_1318, %add3A_1369 : i32
        %swap3A_1371 = arith.index_cast %add3A_1370 : i32 to index
        %swap3A_1372 = tpu.vector_load %arg10[%swap3A_1371] {strides = array<i32>} : memref<12864xf32, #tpu.memory_space<vmem>>, vector<16xf32>,
        %swap3A_1373 = vector.shape_cast %swap3A_1372 : vector<16xf32> to vector<16xf32>
        %swap3A_1374 = vector.shape_cast %add3A_1368 : vector<16xf32> to vector<16xf32>
        tpu.vector_store %arg10[%swap3A_1371], %swap3A_1374 {strides = array<i32>} : memref<12864xf32, #tpu.memory_space<vmem>>, vector<16xf32>,
        %mul3A_1375 = arith.constant 16 : i32
        %mul3A_1376 = arith.muli %scan3A_855, %mul3A_1375 : i32
        %add3A_1377 = arith.constant 8 : i32
        %add3A_1378 = arith.addi %mul3A_1376, %add3A_1377 : i32
        %mul3A_1379 = arith.constant 64 : i32
        %mul3A_1380 = arith.muli %add3A_1378, %mul3A_1379 : i32
        %add3A_1381 = arith.constant 0 : i32
        %add3A_1382 = arith.addi %add3A_1381, %mul3A_1380 : i32
        %broadcast_in_dim3A_1383 = arith.constant 8 : i32
        %broadcast_in_dim3A_1384 = vector.broadcast %broadcast_in_dim3A_1383 : i32 to vector<16x1xi32>
        %gather3A_1385 = vector.shape_cast %broadcast_in_dim3A_1384 : vector<16x1xi32> to vector<16xi32>
        %gather3A_1386 = tpu.dynamic_gather %convert_element_type3A_862[%gather3A_1385] in [0] : vector<16xf32>, vector<16xi32> -> vector<16xf32>
        %add3A_1387 = arith.constant 0 : i32
        %add3A_1388 = arith.addi %mul3A_1380, %add3A_1387 : i32
        %get3A_1389 = arith.index_cast %add3A_1388 : i32 to index
        %get3A_1390 = tpu.vector_load %arg7[%get3A_1389] {strides = array<i32>} : memref<13056xf32, #tpu.memory_space<vmem>>, vector<16xf32>,
        %get3A_1391 = vector.shape_cast %get3A_1390 : vector<16xf32> to vector<16xf32>
        %mul3A_1392 = arith.mulf %gather3A_1386, %sub3A : vector<16xf32>
        %add3A_1393 = arith.addf %get3A_1391, %mul3A_1392 : vector<16xf32>
        %add3A_1394 = arith.constant 0 : i32
        %add3A_1395 = arith.addi %add3A_1382, %add3A_1394 : i32
        %swap3A_1396 = arith.index_cast %add3A_1395 : i32 to index
        %swap3A_1397 = tpu.vector_load %arg10[%swap3A_1396] {strides = array<i32>} : memref<12864xf32, #tpu.memory_space<vmem>>, vector<16xf32>,
        %swap3A_1398 = vector.shape_cast %swap3A_1397 : vector<16xf32> to vector<16xf32>
        %swap3A_1399 = vector.shape_cast %add3A_1393 : vector<16xf32> to vector<16xf32>
        tpu.vector_store %arg10[%swap3A_1396], %swap3A_1399 {strides = array<i32>} : memref<12864xf32, #tpu.memory_space<vmem>>, vector<16xf32>,
        %add3A_1400 = arith.constant 16 : i32
        %add3A_1401 = arith.addi %mul3A_1380, %add3A_1400 : i32
        %get3A_1402 = arith.index_cast %add3A_1401 : i32 to index
        %get3A_1403 = tpu.vector_load %arg7[%get3A_1402] {strides = array<i32>} : memref<13056xf32, #tpu.memory_space<vmem>>, vector<16xf32>,
        %get3A_1404 = vector.shape_cast %get3A_1403 : vector<16xf32> to vector<16xf32>
        %mul3A_1405 = arith.mulf %gather3A_1386, %sub3A_40 : vector<16xf32>
        %add3A_1406 = arith.addf %get3A_1404, %mul3A_1405 : vector<16xf32>
        %add3A_1407 = arith.constant 16 : i32
        %add3A_1408 = arith.addi %add3A_1382, %add3A_1407 : i32
        %swap3A_1409 = arith.index_cast %add3A_1408 : i32 to index
        %swap3A_1410 = tpu.vector_load %arg10[%swap3A_1409] {strides = array<i32>} : memref<12864xf32, #tpu.memory_space<vmem>>, vector<16xf32>,
        %swap3A_1411 = vector.shape_cast %swap3A_1410 : vector<16xf32> to vector<16xf32>
        %swap3A_1412 = vector.shape_cast %add3A_1406 : vector<16xf32> to vector<16xf32>
        tpu.vector_store %arg10[%swap3A_1409], %swap3A_1412 {strides = array<i32>} : memref<12864xf32, #tpu.memory_space<vmem>>, vector<16xf32>,
        %add3A_1413 = arith.constant 32 : i32
        %add3A_1414 = arith.addi %mul3A_1380, %add3A_1413 : i32
        %get3A_1415 = arith.index_cast %add3A_1414 : i32 to index
        %get3A_1416 = tpu.vector_load %arg7[%get3A_1415] {strides = array<i32>} : memref<13056xf32, #tpu.memory_space<vmem>>, vector<16xf32>,
        %get3A_1417 = vector.shape_cast %get3A_1416 : vector<16xf32> to vector<16xf32>
        %mul3A_1418 = arith.mulf %gather3A_1386, %sub3A_41 : vector<16xf32>
        %add3A_1419 = arith.addf %get3A_1417, %mul3A_1418 : vector<16xf32>
        %add3A_1420 = arith.constant 32 : i32
        %add3A_1421 = arith.addi %add3A_1382, %add3A_1420 : i32
        %swap3A_1422 = arith.index_cast %add3A_1421 : i32 to index
        %swap3A_1423 = tpu.vector_load %arg10[%swap3A_1422] {strides = array<i32>} : memref<12864xf32, #tpu.memory_space<vmem>>, vector<16xf32>,
        %swap3A_1424 = vector.shape_cast %swap3A_1423 : vector<16xf32> to vector<16xf32>
        %swap3A_1425 = vector.shape_cast %add3A_1419 : vector<16xf32> to vector<16xf32>
        tpu.vector_store %arg10[%swap3A_1422], %swap3A_1425 {strides = array<i32>} : memref<12864xf32, #tpu.memory_space<vmem>>, vector<16xf32>,
        %add3A_1426 = arith.constant 48 : i32
        %add3A_1427 = arith.addi %mul3A_1380, %add3A_1426 : i32
        %get3A_1428 = arith.index_cast %add3A_1427 : i32 to index
        %get3A_1429 = tpu.vector_load %arg7[%get3A_1428] {strides = array<i32>} : memref<13056xf32, #tpu.memory_space<vmem>>, vector<16xf32>,
        %get3A_1430 = vector.shape_cast %get3A_1429 : vector<16xf32> to vector<16xf32>
        %mul3A_1431 = arith.mulf %gather3A_1386, %sub3A_42 : vector<16xf32>
        %add3A_1432 = arith.addf %get3A_1430, %mul3A_1431 : vector<16xf32>
        %add3A_1433 = arith.constant 48 : i32
        %add3A_1434 = arith.addi %add3A_1382, %add3A_1433 : i32
        %swap3A_1435 = arith.index_cast %add3A_1434 : i32 to index
        %swap3A_1436 = tpu.vector_load %arg10[%swap3A_1435] {strides = array<i32>} : memref<12864xf32, #tpu.memory_space<vmem>>, vector<16xf32>,
        %swap3A_1437 = vector.shape_cast %swap3A_1436 : vector<16xf32> to vector<16xf32>
        %swap3A_1438 = vector.shape_cast %add3A_1432 : vector<16xf32> to vector<16xf32>
        tpu.vector_store %arg10[%swap3A_1435], %swap3A_1438 {strides = array<i32>} : memref<12864xf32, #tpu.memory_space<vmem>>, vector<16xf32>,
        %mul3A_1439 = arith.constant 16 : i32
        %mul3A_1440 = arith.muli %scan3A_855, %mul3A_1439 : i32
        %add3A_1441 = arith.constant 9 : i32
        %add3A_1442 = arith.addi %mul3A_1440, %add3A_1441 : i32
        %mul3A_1443 = arith.constant 64 : i32
        %mul3A_1444 = arith.muli %add3A_1442, %mul3A_1443 : i32
        %add3A_1445 = arith.constant 0 : i32
        %add3A_1446 = arith.addi %add3A_1445, %mul3A_1444 : i32
        %broadcast_in_dim3A_1447 = arith.constant 9 : i32
        %broadcast_in_dim3A_1448 = vector.broadcast %broadcast_in_dim3A_1447 : i32 to vector<16x1xi32>
        %gather3A_1449 = vector.shape_cast %broadcast_in_dim3A_1448 : vector<16x1xi32> to vector<16xi32>
        %gather3A_1450 = tpu.dynamic_gather %convert_element_type3A_862[%gather3A_1449] in [0] : vector<16xf32>, vector<16xi32> -> vector<16xf32>
        %add3A_1451 = arith.constant 0 : i32
        %add3A_1452 = arith.addi %mul3A_1444, %add3A_1451 : i32
        %get3A_1453 = arith.index_cast %add3A_1452 : i32 to index
        %get3A_1454 = tpu.vector_load %arg7[%get3A_1453] {strides = array<i32>} : memref<13056xf32, #tpu.memory_space<vmem>>, vector<16xf32>,
        %get3A_1455 = vector.shape_cast %get3A_1454 : vector<16xf32> to vector<16xf32>
        %mul3A_1456 = arith.mulf %gather3A_1450, %sub3A : vector<16xf32>
        %add3A_1457 = arith.addf %get3A_1455, %mul3A_1456 : vector<16xf32>
        %add3A_1458 = arith.constant 0 : i32
        %add3A_1459 = arith.addi %add3A_1446, %add3A_1458 : i32
        %swap3A_1460 = arith.index_cast %add3A_1459 : i32 to index
        %swap3A_1461 = tpu.vector_load %arg10[%swap3A_1460] {strides = array<i32>} : memref<12864xf32, #tpu.memory_space<vmem>>, vector<16xf32>,
        %swap3A_1462 = vector.shape_cast %swap3A_1461 : vector<16xf32> to vector<16xf32>
        %swap3A_1463 = vector.shape_cast %add3A_1457 : vector<16xf32> to vector<16xf32>
        tpu.vector_store %arg10[%swap3A_1460], %swap3A_1463 {strides = array<i32>} : memref<12864xf32, #tpu.memory_space<vmem>>, vector<16xf32>,
        %add3A_1464 = arith.constant 16 : i32
        %add3A_1465 = arith.addi %mul3A_1444, %add3A_1464 : i32
        %get3A_1466 = arith.index_cast %add3A_1465 : i32 to index
        %get3A_1467 = tpu.vector_load %arg7[%get3A_1466] {strides = array<i32>} : memref<13056xf32, #tpu.memory_space<vmem>>, vector<16xf32>,
        %get3A_1468 = vector.shape_cast %get3A_1467 : vector<16xf32> to vector<16xf32>
        %mul3A_1469 = arith.mulf %gather3A_1450, %sub3A_40 : vector<16xf32>
        %add3A_1470 = arith.addf %get3A_1468, %mul3A_1469 : vector<16xf32>
        %add3A_1471 = arith.constant 16 : i32
        %add3A_1472 = arith.addi %add3A_1446, %add3A_1471 : i32
        %swap3A_1473 = arith.index_cast %add3A_1472 : i32 to index
        %swap3A_1474 = tpu.vector_load %arg10[%swap3A_1473] {strides = array<i32>} : memref<12864xf32, #tpu.memory_space<vmem>>, vector<16xf32>,
        %swap3A_1475 = vector.shape_cast %swap3A_1474 : vector<16xf32> to vector<16xf32>
        %swap3A_1476 = vector.shape_cast %add3A_1470 : vector<16xf32> to vector<16xf32>
        tpu.vector_store %arg10[%swap3A_1473], %swap3A_1476 {strides = array<i32>} : memref<12864xf32, #tpu.memory_space<vmem>>, vector<16xf32>,
        %add3A_1477 = arith.constant 32 : i32
        %add3A_1478 = arith.addi %mul3A_1444, %add3A_1477 : i32
        %get3A_1479 = arith.index_cast %add3A_1478 : i32 to index
        %get3A_1480 = tpu.vector_load %arg7[%get3A_1479] {strides = array<i32>} : memref<13056xf32, #tpu.memory_space<vmem>>, vector<16xf32>,
        %get3A_1481 = vector.shape_cast %get3A_1480 : vector<16xf32> to vector<16xf32>
        %mul3A_1482 = arith.mulf %gather3A_1450, %sub3A_41 : vector<16xf32>
        %add3A_1483 = arith.addf %get3A_1481, %mul3A_1482 : vector<16xf32>
        %add3A_1484 = arith.constant 32 : i32
        %add3A_1485 = arith.addi %add3A_1446, %add3A_1484 : i32
        %swap3A_1486 = arith.index_cast %add3A_1485 : i32 to index
        %swap3A_1487 = tpu.vector_load %arg10[%swap3A_1486] {strides = array<i32>} : memref<12864xf32, #tpu.memory_space<vmem>>, vector<16xf32>,
        %swap3A_1488 = vector.shape_cast %swap3A_1487 : vector<16xf32> to vector<16xf32>
        %swap3A_1489 = vector.shape_cast %add3A_1483 : vector<16xf32> to vector<16xf32>
        tpu.vector_store %arg10[%swap3A_1486], %swap3A_1489 {strides = array<i32>} : memref<12864xf32, #tpu.memory_space<vmem>>, vector<16xf32>,
        %add3A_1490 = arith.constant 48 : i32
        %add3A_1491 = arith.addi %mul3A_1444, %add3A_1490 : i32
        %get3A_1492 = arith.index_cast %add3A_1491 : i32 to index
        %get3A_1493 = tpu.vector_load %arg7[%get3A_1492] {strides = array<i32>} : memref<13056xf32, #tpu.memory_space<vmem>>, vector<16xf32>,
        %get3A_1494 = vector.shape_cast %get3A_1493 : vector<16xf32> to vector<16xf32>
        %mul3A_1495 = arith.mulf %gather3A_1450, %sub3A_42 : vector<16xf32>
        %add3A_1496 = arith.addf %get3A_1494, %mul3A_1495 : vector<16xf32>
        %add3A_1497 = arith.constant 48 : i32
        %add3A_1498 = arith.addi %add3A_1446, %add3A_1497 : i32
        %swap3A_1499 = arith.index_cast %add3A_1498 : i32 to index
        %swap3A_1500 = tpu.vector_load %arg10[%swap3A_1499] {strides = array<i32>} : memref<12864xf32, #tpu.memory_space<vmem>>, vector<16xf32>,
        %swap3A_1501 = vector.shape_cast %swap3A_1500 : vector<16xf32> to vector<16xf32>
        %swap3A_1502 = vector.shape_cast %add3A_1496 : vector<16xf32> to vector<16xf32>
        tpu.vector_store %arg10[%swap3A_1499], %swap3A_1502 {strides = array<i32>} : memref<12864xf32, #tpu.memory_space<vmem>>, vector<16xf32>,
        %mul3A_1503 = arith.constant 16 : i32
        %mul3A_1504 = arith.muli %scan3A_855, %mul3A_1503 : i32
        %add3A_1505 = arith.constant 10 : i32
        %add3A_1506 = arith.addi %mul3A_1504, %add3A_1505 : i32
        %mul3A_1507 = arith.constant 64 : i32
        %mul3A_1508 = arith.muli %add3A_1506, %mul3A_1507 : i32
        %add3A_1509 = arith.constant 0 : i32
        %add3A_1510 = arith.addi %add3A_1509, %mul3A_1508 : i32
        %broadcast_in_dim3A_1511 = arith.constant 10 : i32
        %broadcast_in_dim3A_1512 = vector.broadcast %broadcast_in_dim3A_1511 : i32 to vector<16x1xi32>
        %gather3A_1513 = vector.shape_cast %broadcast_in_dim3A_1512 : vector<16x1xi32> to vector<16xi32>
        %gather3A_1514 = tpu.dynamic_gather %convert_element_type3A_862[%gather3A_1513] in [0] : vector<16xf32>, vector<16xi32> -> vector<16xf32>
        %add3A_1515 = arith.constant 0 : i32
        %add3A_1516 = arith.addi %mul3A_1508, %add3A_1515 : i32
        %get3A_1517 = arith.index_cast %add3A_1516 : i32 to index
        %get3A_1518 = tpu.vector_load %arg7[%get3A_1517] {strides = array<i32>} : memref<13056xf32, #tpu.memory_space<vmem>>, vector<16xf32>,
        %get3A_1519 = vector.shape_cast %get3A_1518 : vector<16xf32> to vector<16xf32>
        %mul3A_1520 = arith.mulf %gather3A_1514, %sub3A : vector<16xf32>
        %add3A_1521 = arith.addf %get3A_1519, %mul3A_1520 : vector<16xf32>
        %add3A_1522 = arith.constant 0 : i32
        %add3A_1523 = arith.addi %add3A_1510, %add3A_1522 : i32
        %swap3A_1524 = arith.index_cast %add3A_1523 : i32 to index
        %swap3A_1525 = tpu.vector_load %arg10[%swap3A_1524] {strides = array<i32>} : memref<12864xf32, #tpu.memory_space<vmem>>, vector<16xf32>,
        %swap3A_1526 = vector.shape_cast %swap3A_1525 : vector<16xf32> to vector<16xf32>
        %swap3A_1527 = vector.shape_cast %add3A_1521 : vector<16xf32> to vector<16xf32>
        tpu.vector_store %arg10[%swap3A_1524], %swap3A_1527 {strides = array<i32>} : memref<12864xf32, #tpu.memory_space<vmem>>, vector<16xf32>,
        %add3A_1528 = arith.constant 16 : i32
        %add3A_1529 = arith.addi %mul3A_1508, %add3A_1528 : i32
        %get3A_1530 = arith.index_cast %add3A_1529 : i32 to index
        %get3A_1531 = tpu.vector_load %arg7[%get3A_1530] {strides = array<i32>} : memref<13056xf32, #tpu.memory_space<vmem>>, vector<16xf32>,
        %get3A_1532 = vector.shape_cast %get3A_1531 : vector<16xf32> to vector<16xf32>
        %mul3A_1533 = arith.mulf %gather3A_1514, %sub3A_40 : vector<16xf32>
        %add3A_1534 = arith.addf %get3A_1532, %mul3A_1533 : vector<16xf32>
        %add3A_1535 = arith.constant 16 : i32
        %add3A_1536 = arith.addi %add3A_1510, %add3A_1535 : i32
        %swap3A_1537 = arith.index_cast %add3A_1536 : i32 to index
        %swap3A_1538 = tpu.vector_load %arg10[%swap3A_1537] {strides = array<i32>} : memref<12864xf32, #tpu.memory_space<vmem>>, vector<16xf32>,
        %swap3A_1539 = vector.shape_cast %swap3A_1538 : vector<16xf32> to vector<16xf32>
        %swap3A_1540 = vector.shape_cast %add3A_1534 : vector<16xf32> to vector<16xf32>
        tpu.vector_store %arg10[%swap3A_1537], %swap3A_1540 {strides = array<i32>} : memref<12864xf32, #tpu.memory_space<vmem>>, vector<16xf32>,
        %add3A_1541 = arith.constant 32 : i32
        %add3A_1542 = arith.addi %mul3A_1508, %add3A_1541 : i32
        %get3A_1543 = arith.index_cast %add3A_1542 : i32 to index
        %get3A_1544 = tpu.vector_load %arg7[%get3A_1543] {strides = array<i32>} : memref<13056xf32, #tpu.memory_space<vmem>>, vector<16xf32>,
        %get3A_1545 = vector.shape_cast %get3A_1544 : vector<16xf32> to vector<16xf32>
        %mul3A_1546 = arith.mulf %gather3A_1514, %sub3A_41 : vector<16xf32>
        %add3A_1547 = arith.addf %get3A_1545, %mul3A_1546 : vector<16xf32>
        %add3A_1548 = arith.constant 32 : i32
        %add3A_1549 = arith.addi %add3A_1510, %add3A_1548 : i32
        %swap3A_1550 = arith.index_cast %add3A_1549 : i32 to index
        %swap3A_1551 = tpu.vector_load %arg10[%swap3A_1550] {strides = array<i32>} : memref<12864xf32, #tpu.memory_space<vmem>>, vector<16xf32>,
        %swap3A_1552 = vector.shape_cast %swap3A_1551 : vector<16xf32> to vector<16xf32>
        %swap3A_1553 = vector.shape_cast %add3A_1547 : vector<16xf32> to vector<16xf32>
        tpu.vector_store %arg10[%swap3A_1550], %swap3A_1553 {strides = array<i32>} : memref<12864xf32, #tpu.memory_space<vmem>>, vector<16xf32>,
        %add3A_1554 = arith.constant 48 : i32
        %add3A_1555 = arith.addi %mul3A_1508, %add3A_1554 : i32
        %get3A_1556 = arith.index_cast %add3A_1555 : i32 to index
        %get3A_1557 = tpu.vector_load %arg7[%get3A_1556] {strides = array<i32>} : memref<13056xf32, #tpu.memory_space<vmem>>, vector<16xf32>,
        %get3A_1558 = vector.shape_cast %get3A_1557 : vector<16xf32> to vector<16xf32>
        %mul3A_1559 = arith.mulf %gather3A_1514, %sub3A_42 : vector<16xf32>
        %add3A_1560 = arith.addf %get3A_1558, %mul3A_1559 : vector<16xf32>
        %add3A_1561 = arith.constant 48 : i32
        %add3A_1562 = arith.addi %add3A_1510, %add3A_1561 : i32
        %swap3A_1563 = arith.index_cast %add3A_1562 : i32 to index
        %swap3A_1564 = tpu.vector_load %arg10[%swap3A_1563] {strides = array<i32>} : memref<12864xf32, #tpu.memory_space<vmem>>, vector<16xf32>,
        %swap3A_1565 = vector.shape_cast %swap3A_1564 : vector<16xf32> to vector<16xf32>
        %swap3A_1566 = vector.shape_cast %add3A_1560 : vector<16xf32> to vector<16xf32>
        tpu.vector_store %arg10[%swap3A_1563], %swap3A_1566 {strides = array<i32>} : memref<12864xf32, #tpu.memory_space<vmem>>, vector<16xf32>,
        %mul3A_1567 = arith.constant 16 : i32
        %mul3A_1568 = arith.muli %scan3A_855, %mul3A_1567 : i32
        %add3A_1569 = arith.constant 11 : i32
        %add3A_1570 = arith.addi %mul3A_1568, %add3A_1569 : i32
        %mul3A_1571 = arith.constant 64 : i32
        %mul3A_1572 = arith.muli %add3A_1570, %mul3A_1571 : i32
        %add3A_1573 = arith.constant 0 : i32
        %add3A_1574 = arith.addi %add3A_1573, %mul3A_1572 : i32
        %broadcast_in_dim3A_1575 = arith.constant 11 : i32
        %broadcast_in_dim3A_1576 = vector.broadcast %broadcast_in_dim3A_1575 : i32 to vector<16x1xi32>
        %gather3A_1577 = vector.shape_cast %broadcast_in_dim3A_1576 : vector<16x1xi32> to vector<16xi32>
        %gather3A_1578 = tpu.dynamic_gather %convert_element_type3A_862[%gather3A_1577] in [0] : vector<16xf32>, vector<16xi32> -> vector<16xf32>
        %add3A_1579 = arith.constant 0 : i32
        %add3A_1580 = arith.addi %mul3A_1572, %add3A_1579 : i32
        %get3A_1581 = arith.index_cast %add3A_1580 : i32 to index
        %get3A_1582 = tpu.vector_load %arg7[%get3A_1581] {strides = array<i32>} : memref<13056xf32, #tpu.memory_space<vmem>>, vector<16xf32>,
        %get3A_1583 = vector.shape_cast %get3A_1582 : vector<16xf32> to vector<16xf32>
        %mul3A_1584 = arith.mulf %gather3A_1578, %sub3A : vector<16xf32>
        %add3A_1585 = arith.addf %get3A_1583, %mul3A_1584 : vector<16xf32>
        %add3A_1586 = arith.constant 0 : i32
        %add3A_1587 = arith.addi %add3A_1574, %add3A_1586 : i32
        %swap3A_1588 = arith.index_cast %add3A_1587 : i32 to index
        %swap3A_1589 = tpu.vector_load %arg10[%swap3A_1588] {strides = array<i32>} : memref<12864xf32, #tpu.memory_space<vmem>>, vector<16xf32>,
        %swap3A_1590 = vector.shape_cast %swap3A_1589 : vector<16xf32> to vector<16xf32>
        %swap3A_1591 = vector.shape_cast %add3A_1585 : vector<16xf32> to vector<16xf32>
        tpu.vector_store %arg10[%swap3A_1588], %swap3A_1591 {strides = array<i32>} : memref<12864xf32, #tpu.memory_space<vmem>>, vector<16xf32>,
        %add3A_1592 = arith.constant 16 : i32
        %add3A_1593 = arith.addi %mul3A_1572, %add3A_1592 : i32
        %get3A_1594 = arith.index_cast %add3A_1593 : i32 to index
        %get3A_1595 = tpu.vector_load %arg7[%get3A_1594] {strides = array<i32>} : memref<13056xf32, #tpu.memory_space<vmem>>, vector<16xf32>,
        %get3A_1596 = vector.shape_cast %get3A_1595 : vector<16xf32> to vector<16xf32>
        %mul3A_1597 = arith.mulf %gather3A_1578, %sub3A_40 : vector<16xf32>
        %add3A_1598 = arith.addf %get3A_1596, %mul3A_1597 : vector<16xf32>
        %add3A_1599 = arith.constant 16 : i32
        %add3A_1600 = arith.addi %add3A_1574, %add3A_1599 : i32
        %swap3A_1601 = arith.index_cast %add3A_1600 : i32 to index
        %swap3A_1602 = tpu.vector_load %arg10[%swap3A_1601] {strides = array<i32>} : memref<12864xf32, #tpu.memory_space<vmem>>, vector<16xf32>,
        %swap3A_1603 = vector.shape_cast %swap3A_1602 : vector<16xf32> to vector<16xf32>
        %swap3A_1604 = vector.shape_cast %add3A_1598 : vector<16xf32> to vector<16xf32>
        tpu.vector_store %arg10[%swap3A_1601], %swap3A_1604 {strides = array<i32>} : memref<12864xf32, #tpu.memory_space<vmem>>, vector<16xf32>,
        %add3A_1605 = arith.constant 32 : i32
        %add3A_1606 = arith.addi %mul3A_1572, %add3A_1605 : i32
        %get3A_1607 = arith.index_cast %add3A_1606 : i32 to index
        %get3A_1608 = tpu.vector_load %arg7[%get3A_1607] {strides = array<i32>} : memref<13056xf32, #tpu.memory_space<vmem>>, vector<16xf32>,
        %get3A_1609 = vector.shape_cast %get3A_1608 : vector<16xf32> to vector<16xf32>
        %mul3A_1610 = arith.mulf %gather3A_1578, %sub3A_41 : vector<16xf32>
        %add3A_1611 = arith.addf %get3A_1609, %mul3A_1610 : vector<16xf32>
        %add3A_1612 = arith.constant 32 : i32
        %add3A_1613 = arith.addi %add3A_1574, %add3A_1612 : i32
        %swap3A_1614 = arith.index_cast %add3A_1613 : i32 to index
        %swap3A_1615 = tpu.vector_load %arg10[%swap3A_1614] {strides = array<i32>} : memref<12864xf32, #tpu.memory_space<vmem>>, vector<16xf32>,
        %swap3A_1616 = vector.shape_cast %swap3A_1615 : vector<16xf32> to vector<16xf32>
        %swap3A_1617 = vector.shape_cast %add3A_1611 : vector<16xf32> to vector<16xf32>
        tpu.vector_store %arg10[%swap3A_1614], %swap3A_1617 {strides = array<i32>} : memref<12864xf32, #tpu.memory_space<vmem>>, vector<16xf32>,
        %add3A_1618 = arith.constant 48 : i32
        %add3A_1619 = arith.addi %mul3A_1572, %add3A_1618 : i32
        %get3A_1620 = arith.index_cast %add3A_1619 : i32 to index
        %get3A_1621 = tpu.vector_load %arg7[%get3A_1620] {strides = array<i32>} : memref<13056xf32, #tpu.memory_space<vmem>>, vector<16xf32>,
        %get3A_1622 = vector.shape_cast %get3A_1621 : vector<16xf32> to vector<16xf32>
        %mul3A_1623 = arith.mulf %gather3A_1578, %sub3A_42 : vector<16xf32>
        %add3A_1624 = arith.addf %get3A_1622, %mul3A_1623 : vector<16xf32>
        %add3A_1625 = arith.constant 48 : i32
        %add3A_1626 = arith.addi %add3A_1574, %add3A_1625 : i32
        %swap3A_1627 = arith.index_cast %add3A_1626 : i32 to index
        %swap3A_1628 = tpu.vector_load %arg10[%swap3A_1627] {strides = array<i32>} : memref<12864xf32, #tpu.memory_space<vmem>>, vector<16xf32>,
        %swap3A_1629 = vector.shape_cast %swap3A_1628 : vector<16xf32> to vector<16xf32>
        %swap3A_1630 = vector.shape_cast %add3A_1624 : vector<16xf32> to vector<16xf32>
        tpu.vector_store %arg10[%swap3A_1627], %swap3A_1630 {strides = array<i32>} : memref<12864xf32, #tpu.memory_space<vmem>>, vector<16xf32>,
        %mul3A_1631 = arith.constant 16 : i32
        %mul3A_1632 = arith.muli %scan3A_855, %mul3A_1631 : i32
        %add3A_1633 = arith.constant 12 : i32
        %add3A_1634 = arith.addi %mul3A_1632, %add3A_1633 : i32
        %mul3A_1635 = arith.constant 64 : i32
        %mul3A_1636 = arith.muli %add3A_1634, %mul3A_1635 : i32
        %add3A_1637 = arith.constant 0 : i32
        %add3A_1638 = arith.addi %add3A_1637, %mul3A_1636 : i32
        %broadcast_in_dim3A_1639 = arith.constant 12 : i32
        %broadcast_in_dim3A_1640 = vector.broadcast %broadcast_in_dim3A_1639 : i32 to vector<16x1xi32>
        %gather3A_1641 = vector.shape_cast %broadcast_in_dim3A_1640 : vector<16x1xi32> to vector<16xi32>
        %gather3A_1642 = tpu.dynamic_gather %convert_element_type3A_862[%gather3A_1641] in [0] : vector<16xf32>, vector<16xi32> -> vector<16xf32>
        %add3A_1643 = arith.constant 0 : i32
        %add3A_1644 = arith.addi %mul3A_1636, %add3A_1643 : i32
        %get3A_1645 = arith.index_cast %add3A_1644 : i32 to index
        %get3A_1646 = tpu.vector_load %arg7[%get3A_1645] {strides = array<i32>} : memref<13056xf32, #tpu.memory_space<vmem>>, vector<16xf32>,
        %get3A_1647 = vector.shape_cast %get3A_1646 : vector<16xf32> to vector<16xf32>
        %mul3A_1648 = arith.mulf %gather3A_1642, %sub3A : vector<16xf32>
        %add3A_1649 = arith.addf %get3A_1647, %mul3A_1648 : vector<16xf32>
        %add3A_1650 = arith.constant 0 : i32
        %add3A_1651 = arith.addi %add3A_1638, %add3A_1650 : i32
        %swap3A_1652 = arith.index_cast %add3A_1651 : i32 to index
        %swap3A_1653 = tpu.vector_load %arg10[%swap3A_1652] {strides = array<i32>} : memref<12864xf32, #tpu.memory_space<vmem>>, vector<16xf32>,
        %swap3A_1654 = vector.shape_cast %swap3A_1653 : vector<16xf32> to vector<16xf32>
        %swap3A_1655 = vector.shape_cast %add3A_1649 : vector<16xf32> to vector<16xf32>
        tpu.vector_store %arg10[%swap3A_1652], %swap3A_1655 {strides = array<i32>} : memref<12864xf32, #tpu.memory_space<vmem>>, vector<16xf32>,
        %add3A_1656 = arith.constant 16 : i32
        %add3A_1657 = arith.addi %mul3A_1636, %add3A_1656 : i32
        %get3A_1658 = arith.index_cast %add3A_1657 : i32 to index
        %get3A_1659 = tpu.vector_load %arg7[%get3A_1658] {strides = array<i32>} : memref<13056xf32, #tpu.memory_space<vmem>>, vector<16xf32>,
        %get3A_1660 = vector.shape_cast %get3A_1659 : vector<16xf32> to vector<16xf32>
        %mul3A_1661 = arith.mulf %gather3A_1642, %sub3A_40 : vector<16xf32>
        %add3A_1662 = arith.addf %get3A_1660, %mul3A_1661 : vector<16xf32>
        %add3A_1663 = arith.constant 16 : i32
        %add3A_1664 = arith.addi %add3A_1638, %add3A_1663 : i32
        %swap3A_1665 = arith.index_cast %add3A_1664 : i32 to index
        %swap3A_1666 = tpu.vector_load %arg10[%swap3A_1665] {strides = array<i32>} : memref<12864xf32, #tpu.memory_space<vmem>>, vector<16xf32>,
        %swap3A_1667 = vector.shape_cast %swap3A_1666 : vector<16xf32> to vector<16xf32>
        %swap3A_1668 = vector.shape_cast %add3A_1662 : vector<16xf32> to vector<16xf32>
        tpu.vector_store %arg10[%swap3A_1665], %swap3A_1668 {strides = array<i32>} : memref<12864xf32, #tpu.memory_space<vmem>>, vector<16xf32>,
        %add3A_1669 = arith.constant 32 : i32
        %add3A_1670 = arith.addi %mul3A_1636, %add3A_1669 : i32
        %get3A_1671 = arith.index_cast %add3A_1670 : i32 to index
        %get3A_1672 = tpu.vector_load %arg7[%get3A_1671] {strides = array<i32>} : memref<13056xf32, #tpu.memory_space<vmem>>, vector<16xf32>,
        %get3A_1673 = vector.shape_cast %get3A_1672 : vector<16xf32> to vector<16xf32>
        %mul3A_1674 = arith.mulf %gather3A_1642, %sub3A_41 : vector<16xf32>
        %add3A_1675 = arith.addf %get3A_1673, %mul3A_1674 : vector<16xf32>
        %add3A_1676 = arith.constant 32 : i32
        %add3A_1677 = arith.addi %add3A_1638, %add3A_1676 : i32
        %swap3A_1678 = arith.index_cast %add3A_1677 : i32 to index
        %swap3A_1679 = tpu.vector_load %arg10[%swap3A_1678] {strides = array<i32>} : memref<12864xf32, #tpu.memory_space<vmem>>, vector<16xf32>,
        %swap3A_1680 = vector.shape_cast %swap3A_1679 : vector<16xf32> to vector<16xf32>
        %swap3A_1681 = vector.shape_cast %add3A_1675 : vector<16xf32> to vector<16xf32>
        tpu.vector_store %arg10[%swap3A_1678], %swap3A_1681 {strides = array<i32>} : memref<12864xf32, #tpu.memory_space<vmem>>, vector<16xf32>,
        %add3A_1682 = arith.constant 48 : i32
        %add3A_1683 = arith.addi %mul3A_1636, %add3A_1682 : i32
        %get3A_1684 = arith.index_cast %add3A_1683 : i32 to index
        %get3A_1685 = tpu.vector_load %arg7[%get3A_1684] {strides = array<i32>} : memref<13056xf32, #tpu.memory_space<vmem>>, vector<16xf32>,
        %get3A_1686 = vector.shape_cast %get3A_1685 : vector<16xf32> to vector<16xf32>
        %mul3A_1687 = arith.mulf %gather3A_1642, %sub3A_42 : vector<16xf32>
        %add3A_1688 = arith.addf %get3A_1686, %mul3A_1687 : vector<16xf32>
        %add3A_1689 = arith.constant 48 : i32
        %add3A_1690 = arith.addi %add3A_1638, %add3A_1689 : i32
        %swap3A_1691 = arith.index_cast %add3A_1690 : i32 to index
        %swap3A_1692 = tpu.vector_load %arg10[%swap3A_1691] {strides = array<i32>} : memref<12864xf32, #tpu.memory_space<vmem>>, vector<16xf32>,
        %swap3A_1693 = vector.shape_cast %swap3A_1692 : vector<16xf32> to vector<16xf32>
        %swap3A_1694 = vector.shape_cast %add3A_1688 : vector<16xf32> to vector<16xf32>
        tpu.vector_store %arg10[%swap3A_1691], %swap3A_1694 {strides = array<i32>} : memref<12864xf32, #tpu.memory_space<vmem>>, vector<16xf32>,
        %mul3A_1695 = arith.constant 16 : i32
        %mul3A_1696 = arith.muli %scan3A_855, %mul3A_1695 : i32
        %add3A_1697 = arith.constant 13 : i32
        %add3A_1698 = arith.addi %mul3A_1696, %add3A_1697 : i32
        %mul3A_1699 = arith.constant 64 : i32
        %mul3A_1700 = arith.muli %add3A_1698, %mul3A_1699 : i32
        %add3A_1701 = arith.constant 0 : i32
        %add3A_1702 = arith.addi %add3A_1701, %mul3A_1700 : i32
        %broadcast_in_dim3A_1703 = arith.constant 13 : i32
        %broadcast_in_dim3A_1704 = vector.broadcast %broadcast_in_dim3A_1703 : i32 to vector<16x1xi32>
        %gather3A_1705 = vector.shape_cast %broadcast_in_dim3A_1704 : vector<16x1xi32> to vector<16xi32>
        %gather3A_1706 = tpu.dynamic_gather %convert_element_type3A_862[%gather3A_1705] in [0] : vector<16xf32>, vector<16xi32> -> vector<16xf32>
        %add3A_1707 = arith.constant 0 : i32
        %add3A_1708 = arith.addi %mul3A_1700, %add3A_1707 : i32
        %get3A_1709 = arith.index_cast %add3A_1708 : i32 to index
        %get3A_1710 = tpu.vector_load %arg7[%get3A_1709] {strides = array<i32>} : memref<13056xf32, #tpu.memory_space<vmem>>, vector<16xf32>,
        %get3A_1711 = vector.shape_cast %get3A_1710 : vector<16xf32> to vector<16xf32>
        %mul3A_1712 = arith.mulf %gather3A_1706, %sub3A : vector<16xf32>
        %add3A_1713 = arith.addf %get3A_1711, %mul3A_1712 : vector<16xf32>
        %add3A_1714 = arith.constant 0 : i32
        %add3A_1715 = arith.addi %add3A_1702, %add3A_1714 : i32
        %swap3A_1716 = arith.index_cast %add3A_1715 : i32 to index
        %swap3A_1717 = tpu.vector_load %arg10[%swap3A_1716] {strides = array<i32>} : memref<12864xf32, #tpu.memory_space<vmem>>, vector<16xf32>,
        %swap3A_1718 = vector.shape_cast %swap3A_1717 : vector<16xf32> to vector<16xf32>
        %swap3A_1719 = vector.shape_cast %add3A_1713 : vector<16xf32> to vector<16xf32>
        tpu.vector_store %arg10[%swap3A_1716], %swap3A_1719 {strides = array<i32>} : memref<12864xf32, #tpu.memory_space<vmem>>, vector<16xf32>,
        %add3A_1720 = arith.constant 16 : i32
        %add3A_1721 = arith.addi %mul3A_1700, %add3A_1720 : i32
        %get3A_1722 = arith.index_cast %add3A_1721 : i32 to index
        %get3A_1723 = tpu.vector_load %arg7[%get3A_1722] {strides = array<i32>} : memref<13056xf32, #tpu.memory_space<vmem>>, vector<16xf32>,
        %get3A_1724 = vector.shape_cast %get3A_1723 : vector<16xf32> to vector<16xf32>
        %mul3A_1725 = arith.mulf %gather3A_1706, %sub3A_40 : vector<16xf32>
        %add3A_1726 = arith.addf %get3A_1724, %mul3A_1725 : vector<16xf32>
        %add3A_1727 = arith.constant 16 : i32
        %add3A_1728 = arith.addi %add3A_1702, %add3A_1727 : i32
        %swap3A_1729 = arith.index_cast %add3A_1728 : i32 to index
        %swap3A_1730 = tpu.vector_load %arg10[%swap3A_1729] {strides = array<i32>} : memref<12864xf32, #tpu.memory_space<vmem>>, vector<16xf32>,
        %swap3A_1731 = vector.shape_cast %swap3A_1730 : vector<16xf32> to vector<16xf32>
        %swap3A_1732 = vector.shape_cast %add3A_1726 : vector<16xf32> to vector<16xf32>
        tpu.vector_store %arg10[%swap3A_1729], %swap3A_1732 {strides = array<i32>} : memref<12864xf32, #tpu.memory_space<vmem>>, vector<16xf32>,
        %add3A_1733 = arith.constant 32 : i32
        %add3A_1734 = arith.addi %mul3A_1700, %add3A_1733 : i32
        %get3A_1735 = arith.index_cast %add3A_1734 : i32 to index
        %get3A_1736 = tpu.vector_load %arg7[%get3A_1735] {strides = array<i32>} : memref<13056xf32, #tpu.memory_space<vmem>>, vector<16xf32>,
        %get3A_1737 = vector.shape_cast %get3A_1736 : vector<16xf32> to vector<16xf32>
        %mul3A_1738 = arith.mulf %gather3A_1706, %sub3A_41 : vector<16xf32>
        %add3A_1739 = arith.addf %get3A_1737, %mul3A_1738 : vector<16xf32>
        %add3A_1740 = arith.constant 32 : i32
        %add3A_1741 = arith.addi %add3A_1702, %add3A_1740 : i32
        %swap3A_1742 = arith.index_cast %add3A_1741 : i32 to index
        %swap3A_1743 = tpu.vector_load %arg10[%swap3A_1742] {strides = array<i32>} : memref<12864xf32, #tpu.memory_space<vmem>>, vector<16xf32>,
        %swap3A_1744 = vector.shape_cast %swap3A_1743 : vector<16xf32> to vector<16xf32>
        %swap3A_1745 = vector.shape_cast %add3A_1739 : vector<16xf32> to vector<16xf32>
        tpu.vector_store %arg10[%swap3A_1742], %swap3A_1745 {strides = array<i32>} : memref<12864xf32, #tpu.memory_space<vmem>>, vector<16xf32>,
        %add3A_1746 = arith.constant 48 : i32
        %add3A_1747 = arith.addi %mul3A_1700, %add3A_1746 : i32
        %get3A_1748 = arith.index_cast %add3A_1747 : i32 to index
        %get3A_1749 = tpu.vector_load %arg7[%get3A_1748] {strides = array<i32>} : memref<13056xf32, #tpu.memory_space<vmem>>, vector<16xf32>,
        %get3A_1750 = vector.shape_cast %get3A_1749 : vector<16xf32> to vector<16xf32>
        %mul3A_1751 = arith.mulf %gather3A_1706, %sub3A_42 : vector<16xf32>
        %add3A_1752 = arith.addf %get3A_1750, %mul3A_1751 : vector<16xf32>
        %add3A_1753 = arith.constant 48 : i32
        %add3A_1754 = arith.addi %add3A_1702, %add3A_1753 : i32
        %swap3A_1755 = arith.index_cast %add3A_1754 : i32 to index
        %swap3A_1756 = tpu.vector_load %arg10[%swap3A_1755] {strides = array<i32>} : memref<12864xf32, #tpu.memory_space<vmem>>, vector<16xf32>,
        %swap3A_1757 = vector.shape_cast %swap3A_1756 : vector<16xf32> to vector<16xf32>
        %swap3A_1758 = vector.shape_cast %add3A_1752 : vector<16xf32> to vector<16xf32>
        tpu.vector_store %arg10[%swap3A_1755], %swap3A_1758 {strides = array<i32>} : memref<12864xf32, #tpu.memory_space<vmem>>, vector<16xf32>,
        %mul3A_1759 = arith.constant 16 : i32
        %mul3A_1760 = arith.muli %scan3A_855, %mul3A_1759 : i32
        %add3A_1761 = arith.constant 14 : i32
        %add3A_1762 = arith.addi %mul3A_1760, %add3A_1761 : i32
        %mul3A_1763 = arith.constant 64 : i32
        %mul3A_1764 = arith.muli %add3A_1762, %mul3A_1763 : i32
        %add3A_1765 = arith.constant 0 : i32
        %add3A_1766 = arith.addi %add3A_1765, %mul3A_1764 : i32
        %broadcast_in_dim3A_1767 = arith.constant 14 : i32
        %broadcast_in_dim3A_1768 = vector.broadcast %broadcast_in_dim3A_1767 : i32 to vector<16x1xi32>
        %gather3A_1769 = vector.shape_cast %broadcast_in_dim3A_1768 : vector<16x1xi32> to vector<16xi32>
        %gather3A_1770 = tpu.dynamic_gather %convert_element_type3A_862[%gather3A_1769] in [0] : vector<16xf32>, vector<16xi32> -> vector<16xf32>
        %add3A_1771 = arith.constant 0 : i32
        %add3A_1772 = arith.addi %mul3A_1764, %add3A_1771 : i32
        %get3A_1773 = arith.index_cast %add3A_1772 : i32 to index
        %get3A_1774 = tpu.vector_load %arg7[%get3A_1773] {strides = array<i32>} : memref<13056xf32, #tpu.memory_space<vmem>>, vector<16xf32>,
        %get3A_1775 = vector.shape_cast %get3A_1774 : vector<16xf32> to vector<16xf32>
        %mul3A_1776 = arith.mulf %gather3A_1770, %sub3A : vector<16xf32>
        %add3A_1777 = arith.addf %get3A_1775, %mul3A_1776 : vector<16xf32>
        %add3A_1778 = arith.constant 0 : i32
        %add3A_1779 = arith.addi %add3A_1766, %add3A_1778 : i32
        %swap3A_1780 = arith.index_cast %add3A_1779 : i32 to index
        %swap3A_1781 = tpu.vector_load %arg10[%swap3A_1780] {strides = array<i32>} : memref<12864xf32, #tpu.memory_space<vmem>>, vector<16xf32>,
        %swap3A_1782 = vector.shape_cast %swap3A_1781 : vector<16xf32> to vector<16xf32>
        %swap3A_1783 = vector.shape_cast %add3A_1777 : vector<16xf32> to vector<16xf32>
        tpu.vector_store %arg10[%swap3A_1780], %swap3A_1783 {strides = array<i32>} : memref<12864xf32, #tpu.memory_space<vmem>>, vector<16xf32>,
        %add3A_1784 = arith.constant 16 : i32
        %add3A_1785 = arith.addi %mul3A_1764, %add3A_1784 : i32
        %get3A_1786 = arith.index_cast %add3A_1785 : i32 to index
        %get3A_1787 = tpu.vector_load %arg7[%get3A_1786] {strides = array<i32>} : memref<13056xf32, #tpu.memory_space<vmem>>, vector<16xf32>,
        %get3A_1788 = vector.shape_cast %get3A_1787 : vector<16xf32> to vector<16xf32>
        %mul3A_1789 = arith.mulf %gather3A_1770, %sub3A_40 : vector<16xf32>
        %add3A_1790 = arith.addf %get3A_1788, %mul3A_1789 : vector<16xf32>
        %add3A_1791 = arith.constant 16 : i32
        %add3A_1792 = arith.addi %add3A_1766, %add3A_1791 : i32
        %swap3A_1793 = arith.index_cast %add3A_1792 : i32 to index
        %swap3A_1794 = tpu.vector_load %arg10[%swap3A_1793] {strides = array<i32>} : memref<12864xf32, #tpu.memory_space<vmem>>, vector<16xf32>,
        %swap3A_1795 = vector.shape_cast %swap3A_1794 : vector<16xf32> to vector<16xf32>
        %swap3A_1796 = vector.shape_cast %add3A_1790 : vector<16xf32> to vector<16xf32>
        tpu.vector_store %arg10[%swap3A_1793], %swap3A_1796 {strides = array<i32>} : memref<12864xf32, #tpu.memory_space<vmem>>, vector<16xf32>,
        %add3A_1797 = arith.constant 32 : i32
        %add3A_1798 = arith.addi %mul3A_1764, %add3A_1797 : i32
        %get3A_1799 = arith.index_cast %add3A_1798 : i32 to index
        %get3A_1800 = tpu.vector_load %arg7[%get3A_1799] {strides = array<i32>} : memref<13056xf32, #tpu.memory_space<vmem>>, vector<16xf32>,
        %get3A_1801 = vector.shape_cast %get3A_1800 : vector<16xf32> to vector<16xf32>
        %mul3A_1802 = arith.mulf %gather3A_1770, %sub3A_41 : vector<16xf32>
        %add3A_1803 = arith.addf %get3A_1801, %mul3A_1802 : vector<16xf32>
        %add3A_1804 = arith.constant 32 : i32
        %add3A_1805 = arith.addi %add3A_1766, %add3A_1804 : i32
        %swap3A_1806 = arith.index_cast %add3A_1805 : i32 to index
        %swap3A_1807 = tpu.vector_load %arg10[%swap3A_1806] {strides = array<i32>} : memref<12864xf32, #tpu.memory_space<vmem>>, vector<16xf32>,
        %swap3A_1808 = vector.shape_cast %swap3A_1807 : vector<16xf32> to vector<16xf32>
        %swap3A_1809 = vector.shape_cast %add3A_1803 : vector<16xf32> to vector<16xf32>
        tpu.vector_store %arg10[%swap3A_1806], %swap3A_1809 {strides = array<i32>} : memref<12864xf32, #tpu.memory_space<vmem>>, vector<16xf32>,
        %add3A_1810 = arith.constant 48 : i32
        %add3A_1811 = arith.addi %mul3A_1764, %add3A_1810 : i32
        %get3A_1812 = arith.index_cast %add3A_1811 : i32 to index
        %get3A_1813 = tpu.vector_load %arg7[%get3A_1812] {strides = array<i32>} : memref<13056xf32, #tpu.memory_space<vmem>>, vector<16xf32>,
        %get3A_1814 = vector.shape_cast %get3A_1813 : vector<16xf32> to vector<16xf32>
        %mul3A_1815 = arith.mulf %gather3A_1770, %sub3A_42 : vector<16xf32>
        %add3A_1816 = arith.addf %get3A_1814, %mul3A_1815 : vector<16xf32>
        %add3A_1817 = arith.constant 48 : i32
        %add3A_1818 = arith.addi %add3A_1766, %add3A_1817 : i32
        %swap3A_1819 = arith.index_cast %add3A_1818 : i32 to index
        %swap3A_1820 = tpu.vector_load %arg10[%swap3A_1819] {strides = array<i32>} : memref<12864xf32, #tpu.memory_space<vmem>>, vector<16xf32>,
        %swap3A_1821 = vector.shape_cast %swap3A_1820 : vector<16xf32> to vector<16xf32>
        %swap3A_1822 = vector.shape_cast %add3A_1816 : vector<16xf32> to vector<16xf32>
        tpu.vector_store %arg10[%swap3A_1819], %swap3A_1822 {strides = array<i32>} : memref<12864xf32, #tpu.memory_space<vmem>>, vector<16xf32>,
        %mul3A_1823 = arith.constant 16 : i32
        %mul3A_1824 = arith.muli %scan3A_855, %mul3A_1823 : i32
        %add3A_1825 = arith.constant 15 : i32
        %add3A_1826 = arith.addi %mul3A_1824, %add3A_1825 : i32
        %mul3A_1827 = arith.constant 64 : i32
        %mul3A_1828 = arith.muli %add3A_1826, %mul3A_1827 : i32
        %add3A_1829 = arith.constant 0 : i32
        %add3A_1830 = arith.addi %add3A_1829, %mul3A_1828 : i32
        %broadcast_in_dim3A_1831 = arith.constant 15 : i32
        %broadcast_in_dim3A_1832 = vector.broadcast %broadcast_in_dim3A_1831 : i32 to vector<16x1xi32>
        %gather3A_1833 = vector.shape_cast %broadcast_in_dim3A_1832 : vector<16x1xi32> to vector<16xi32>
        %gather3A_1834 = tpu.dynamic_gather %convert_element_type3A_862[%gather3A_1833] in [0] : vector<16xf32>, vector<16xi32> -> vector<16xf32>
        %add3A_1835 = arith.constant 0 : i32
        %add3A_1836 = arith.addi %mul3A_1828, %add3A_1835 : i32
        %get3A_1837 = arith.index_cast %add3A_1836 : i32 to index
        %get3A_1838 = tpu.vector_load %arg7[%get3A_1837] {strides = array<i32>} : memref<13056xf32, #tpu.memory_space<vmem>>, vector<16xf32>,
        %get3A_1839 = vector.shape_cast %get3A_1838 : vector<16xf32> to vector<16xf32>
        %mul3A_1840 = arith.mulf %gather3A_1834, %sub3A : vector<16xf32>
        %add3A_1841 = arith.addf %get3A_1839, %mul3A_1840 : vector<16xf32>
        %add3A_1842 = arith.constant 0 : i32
        %add3A_1843 = arith.addi %add3A_1830, %add3A_1842 : i32
        %swap3A_1844 = arith.index_cast %add3A_1843 : i32 to index
        %swap3A_1845 = tpu.vector_load %arg10[%swap3A_1844] {strides = array<i32>} : memref<12864xf32, #tpu.memory_space<vmem>>, vector<16xf32>,
        %swap3A_1846 = vector.shape_cast %swap3A_1845 : vector<16xf32> to vector<16xf32>
        %swap3A_1847 = vector.shape_cast %add3A_1841 : vector<16xf32> to vector<16xf32>
        tpu.vector_store %arg10[%swap3A_1844], %swap3A_1847 {strides = array<i32>} : memref<12864xf32, #tpu.memory_space<vmem>>, vector<16xf32>,
        %add3A_1848 = arith.constant 16 : i32
        %add3A_1849 = arith.addi %mul3A_1828, %add3A_1848 : i32
        %get3A_1850 = arith.index_cast %add3A_1849 : i32 to index
        %get3A_1851 = tpu.vector_load %arg7[%get3A_1850] {strides = array<i32>} : memref<13056xf32, #tpu.memory_space<vmem>>, vector<16xf32>,
        %get3A_1852 = vector.shape_cast %get3A_1851 : vector<16xf32> to vector<16xf32>
        %mul3A_1853 = arith.mulf %gather3A_1834, %sub3A_40 : vector<16xf32>
        %add3A_1854 = arith.addf %get3A_1852, %mul3A_1853 : vector<16xf32>
        %add3A_1855 = arith.constant 16 : i32
        %add3A_1856 = arith.addi %add3A_1830, %add3A_1855 : i32
        %swap3A_1857 = arith.index_cast %add3A_1856 : i32 to index
        %swap3A_1858 = tpu.vector_load %arg10[%swap3A_1857] {strides = array<i32>} : memref<12864xf32, #tpu.memory_space<vmem>>, vector<16xf32>,
        %swap3A_1859 = vector.shape_cast %swap3A_1858 : vector<16xf32> to vector<16xf32>
        %swap3A_1860 = vector.shape_cast %add3A_1854 : vector<16xf32> to vector<16xf32>
        tpu.vector_store %arg10[%swap3A_1857], %swap3A_1860 {strides = array<i32>} : memref<12864xf32, #tpu.memory_space<vmem>>, vector<16xf32>,
        %add3A_1861 = arith.constant 32 : i32
        %add3A_1862 = arith.addi %mul3A_1828, %add3A_1861 : i32
        %get3A_1863 = arith.index_cast %add3A_1862 : i32 to index
        %get3A_1864 = tpu.vector_load %arg7[%get3A_1863] {strides = array<i32>} : memref<13056xf32, #tpu.memory_space<vmem>>, vector<16xf32>,
        %get3A_1865 = vector.shape_cast %get3A_1864 : vector<16xf32> to vector<16xf32>
        %mul3A_1866 = arith.mulf %gather3A_1834, %sub3A_41 : vector<16xf32>
        %add3A_1867 = arith.addf %get3A_1865, %mul3A_1866 : vector<16xf32>
        %add3A_1868 = arith.constant 32 : i32
        %add3A_1869 = arith.addi %add3A_1830, %add3A_1868 : i32
        %swap3A_1870 = arith.index_cast %add3A_1869 : i32 to index
        %swap3A_1871 = tpu.vector_load %arg10[%swap3A_1870] {strides = array<i32>} : memref<12864xf32, #tpu.memory_space<vmem>>, vector<16xf32>,
        %swap3A_1872 = vector.shape_cast %swap3A_1871 : vector<16xf32> to vector<16xf32>
        %swap3A_1873 = vector.shape_cast %add3A_1867 : vector<16xf32> to vector<16xf32>
        tpu.vector_store %arg10[%swap3A_1870], %swap3A_1873 {strides = array<i32>} : memref<12864xf32, #tpu.memory_space<vmem>>, vector<16xf32>,
        %add3A_1874 = arith.constant 48 : i32
        %add3A_1875 = arith.addi %mul3A_1828, %add3A_1874 : i32
        %get3A_1876 = arith.index_cast %add3A_1875 : i32 to index
        %get3A_1877 = tpu.vector_load %arg7[%get3A_1876] {strides = array<i32>} : memref<13056xf32, #tpu.memory_space<vmem>>, vector<16xf32>,
        %get3A_1878 = vector.shape_cast %get3A_1877 : vector<16xf32> to vector<16xf32>
        %mul3A_1879 = arith.mulf %gather3A_1834, %sub3A_42 : vector<16xf32>
        %add3A_1880 = arith.addf %get3A_1878, %mul3A_1879 : vector<16xf32>
        %add3A_1881 = arith.constant 48 : i32
        %add3A_1882 = arith.addi %add3A_1830, %add3A_1881 : i32
        %swap3A_1883 = arith.index_cast %add3A_1882 : i32 to index
        %swap3A_1884 = tpu.vector_load %arg10[%swap3A_1883] {strides = array<i32>} : memref<12864xf32, #tpu.memory_space<vmem>>, vector<16xf32>,
        %swap3A_1885 = vector.shape_cast %swap3A_1884 : vector<16xf32> to vector<16xf32>
        %swap3A_1886 = vector.shape_cast %add3A_1880 : vector<16xf32> to vector<16xf32>
        tpu.vector_store %arg10[%swap3A_1883], %swap3A_1886 {strides = array<i32>} : memref<12864xf32, #tpu.memory_space<vmem>>, vector<16xf32>,
      }
      %scan3A_493 = arith.constant 12 : i32
      %add3A_494 = arith.constant 192 : i32
      %add3A_495 = arith.addi %mul3A_487, %add3A_494 : i32
      %get3A_496 = arith.index_cast %add3A_495 : i32 to index
      %get3A_497 = tpu.vector_load %arg8[%get3A_496] {strides = array<i32>} : memref<25616xi32, #tpu.memory_space<vmem>>, vector<16xi32>,
      %get3A_498 = vector.shape_cast %get3A_497 : vector<16xi32> to vector<16xi32>
      %convert_element_type3A_499 = arith.sitofp %get3A_498 : vector<16xi32> to vector<16xf32>
      %broadcast_in_dim3A_500 = arith.constant 0 : i32
      %broadcast_in_dim3A_501 = vector.broadcast %broadcast_in_dim3A_500 : i32 to vector<16x1xi32>
      %gather3A_502 = vector.shape_cast %broadcast_in_dim3A_501 : vector<16x1xi32> to vector<16xi32>
      %gather3A_503 = tpu.dynamic_gather %convert_element_type3A_499[%gather3A_502] in [0] : vector<16xf32>, vector<16xi32> -> vector<16xf32>
      %get3A_504 = arith.constant 12288 : index
      %get3A_505 = tpu.vector_load %arg7[%get3A_504] {strides = array<i32>} : memref<13056xf32, #tpu.memory_space<vmem>>, vector<16xf32>,
      %get3A_506 = vector.shape_cast %get3A_505 : vector<16xf32> to vector<16xf32>
      %mul3A_507 = arith.mulf %gather3A_503, %sub3A : vector<16xf32>
      %add3A_508 = arith.addf %get3A_506, %mul3A_507 : vector<16xf32>
      %swap3A_509 = arith.constant 12288 : index
      %swap3A_510 = tpu.vector_load %arg10[%swap3A_509] {strides = array<i32>} : memref<12864xf32, #tpu.memory_space<vmem>>, vector<16xf32>,
      %swap3A_511 = vector.shape_cast %swap3A_510 : vector<16xf32> to vector<16xf32>
      %swap3A_512 = vector.shape_cast %add3A_508 : vector<16xf32> to vector<16xf32>
      tpu.vector_store %arg10[%swap3A_509], %swap3A_512 {strides = array<i32>} : memref<12864xf32, #tpu.memory_space<vmem>>, vector<16xf32>,
      %get3A_513 = arith.constant 12304 : index
      %get3A_514 = tpu.vector_load %arg7[%get3A_513] {strides = array<i32>} : memref<13056xf32, #tpu.memory_space<vmem>>, vector<16xf32>,
      %get3A_515 = vector.shape_cast %get3A_514 : vector<16xf32> to vector<16xf32>
      %mul3A_516 = arith.mulf %gather3A_503, %sub3A_40 : vector<16xf32>
      %add3A_517 = arith.addf %get3A_515, %mul3A_516 : vector<16xf32>
      %swap3A_518 = arith.constant 12304 : index
      %swap3A_519 = tpu.vector_load %arg10[%swap3A_518] {strides = array<i32>} : memref<12864xf32, #tpu.memory_space<vmem>>, vector<16xf32>,
      %swap3A_520 = vector.shape_cast %swap3A_519 : vector<16xf32> to vector<16xf32>
      %swap3A_521 = vector.shape_cast %add3A_517 : vector<16xf32> to vector<16xf32>
      tpu.vector_store %arg10[%swap3A_518], %swap3A_521 {strides = array<i32>} : memref<12864xf32, #tpu.memory_space<vmem>>, vector<16xf32>,
      %get3A_522 = arith.constant 12320 : index
      %get3A_523 = tpu.vector_load %arg7[%get3A_522] {strides = array<i32>} : memref<13056xf32, #tpu.memory_space<vmem>>, vector<16xf32>,
      %get3A_524 = vector.shape_cast %get3A_523 : vector<16xf32> to vector<16xf32>
      %mul3A_525 = arith.mulf %gather3A_503, %sub3A_41 : vector<16xf32>
      %add3A_526 = arith.addf %get3A_524, %mul3A_525 : vector<16xf32>
      %swap3A_527 = arith.constant 12320 : index
      %swap3A_528 = tpu.vector_load %arg10[%swap3A_527] {strides = array<i32>} : memref<12864xf32, #tpu.memory_space<vmem>>, vector<16xf32>,
      %swap3A_529 = vector.shape_cast %swap3A_528 : vector<16xf32> to vector<16xf32>
      %swap3A_530 = vector.shape_cast %add3A_526 : vector<16xf32> to vector<16xf32>
      tpu.vector_store %arg10[%swap3A_527], %swap3A_530 {strides = array<i32>} : memref<12864xf32, #tpu.memory_space<vmem>>, vector<16xf32>,
      %get3A_531 = arith.constant 12336 : index
      %get3A_532 = tpu.vector_load %arg7[%get3A_531] {strides = array<i32>} : memref<13056xf32, #tpu.memory_space<vmem>>, vector<16xf32>,
      %get3A_533 = vector.shape_cast %get3A_532 : vector<16xf32> to vector<16xf32>
      %mul3A_534 = arith.mulf %gather3A_503, %sub3A_42 : vector<16xf32>
      %add3A_535 = arith.addf %get3A_533, %mul3A_534 : vector<16xf32>
      %swap3A_536 = arith.constant 12336 : index
      %swap3A_537 = tpu.vector_load %arg10[%swap3A_536] {strides = array<i32>} : memref<12864xf32, #tpu.memory_space<vmem>>, vector<16xf32>,
      %swap3A_538 = vector.shape_cast %swap3A_537 : vector<16xf32> to vector<16xf32>
      %swap3A_539 = vector.shape_cast %add3A_535 : vector<16xf32> to vector<16xf32>
      tpu.vector_store %arg10[%swap3A_536], %swap3A_539 {strides = array<i32>} : memref<12864xf32, #tpu.memory_space<vmem>>, vector<16xf32>,
      %broadcast_in_dim3A_540 = arith.constant 1 : i32
      %broadcast_in_dim3A_541 = vector.broadcast %broadcast_in_dim3A_540 : i32 to vector<16x1xi32>
      %gather3A_542 = vector.shape_cast %broadcast_in_dim3A_541 : vector<16x1xi32> to vector<16xi32>
      %gather3A_543 = tpu.dynamic_gather %convert_element_type3A_499[%gather3A_542] in [0] : vector<16xf32>, vector<16xi32> -> vector<16xf32>
      %get3A_544 = arith.constant 12352 : index
      %get3A_545 = tpu.vector_load %arg7[%get3A_544] {strides = array<i32>} : memref<13056xf32, #tpu.memory_space<vmem>>, vector<16xf32>,
      %get3A_546 = vector.shape_cast %get3A_545 : vector<16xf32> to vector<16xf32>
      %mul3A_547 = arith.mulf %gather3A_543, %sub3A : vector<16xf32>
      %add3A_548 = arith.addf %get3A_546, %mul3A_547 : vector<16xf32>
      %swap3A_549 = arith.constant 12352 : index
      %swap3A_550 = tpu.vector_load %arg10[%swap3A_549] {strides = array<i32>} : memref<12864xf32, #tpu.memory_space<vmem>>, vector<16xf32>,
      %swap3A_551 = vector.shape_cast %swap3A_550 : vector<16xf32> to vector<16xf32>
      %swap3A_552 = vector.shape_cast %add3A_548 : vector<16xf32> to vector<16xf32>
      tpu.vector_store %arg10[%swap3A_549], %swap3A_552 {strides = array<i32>} : memref<12864xf32, #tpu.memory_space<vmem>>, vector<16xf32>,
      %get3A_553 = arith.constant 12368 : index
      %get3A_554 = tpu.vector_load %arg7[%get3A_553] {strides = array<i32>} : memref<13056xf32, #tpu.memory_space<vmem>>, vector<16xf32>,
      %get3A_555 = vector.shape_cast %get3A_554 : vector<16xf32> to vector<16xf32>
      %mul3A_556 = arith.mulf %gather3A_543, %sub3A_40 : vector<16xf32>
      %add3A_557 = arith.addf %get3A_555, %mul3A_556 : vector<16xf32>
      %swap3A_558 = arith.constant 12368 : index
      %swap3A_559 = tpu.vector_load %arg10[%swap3A_558] {strides = array<i32>} : memref<12864xf32, #tpu.memory_space<vmem>>, vector<16xf32>,
      %swap3A_560 = vector.shape_cast %swap3A_559 : vector<16xf32> to vector<16xf32>
      %swap3A_561 = vector.shape_cast %add3A_557 : vector<16xf32> to vector<16xf32>
      tpu.vector_store %arg10[%swap3A_558], %swap3A_561 {strides = array<i32>} : memref<12864xf32, #tpu.memory_space<vmem>>, vector<16xf32>,
      %get3A_562 = arith.constant 12384 : index
      %get3A_563 = tpu.vector_load %arg7[%get3A_562] {strides = array<i32>} : memref<13056xf32, #tpu.memory_space<vmem>>, vector<16xf32>,
      %get3A_564 = vector.shape_cast %get3A_563 : vector<16xf32> to vector<16xf32>
      %mul3A_565 = arith.mulf %gather3A_543, %sub3A_41 : vector<16xf32>
      %add3A_566 = arith.addf %get3A_564, %mul3A_565 : vector<16xf32>
      %swap3A_567 = arith.constant 12384 : index
      %swap3A_568 = tpu.vector_load %arg10[%swap3A_567] {strides = array<i32>} : memref<12864xf32, #tpu.memory_space<vmem>>, vector<16xf32>,
      %swap3A_569 = vector.shape_cast %swap3A_568 : vector<16xf32> to vector<16xf32>
      %swap3A_570 = vector.shape_cast %add3A_566 : vector<16xf32> to vector<16xf32>
      tpu.vector_store %arg10[%swap3A_567], %swap3A_570 {strides = array<i32>} : memref<12864xf32, #tpu.memory_space<vmem>>, vector<16xf32>,
      %get3A_571 = arith.constant 12400 : index
      %get3A_572 = tpu.vector_load %arg7[%get3A_571] {strides = array<i32>} : memref<13056xf32, #tpu.memory_space<vmem>>, vector<16xf32>,
      %get3A_573 = vector.shape_cast %get3A_572 : vector<16xf32> to vector<16xf32>
      %mul3A_574 = arith.mulf %gather3A_543, %sub3A_42 : vector<16xf32>
      %add3A_575 = arith.addf %get3A_573, %mul3A_574 : vector<16xf32>
      %swap3A_576 = arith.constant 12400 : index
      %swap3A_577 = tpu.vector_load %arg10[%swap3A_576] {strides = array<i32>} : memref<12864xf32, #tpu.memory_space<vmem>>, vector<16xf32>,
      %swap3A_578 = vector.shape_cast %swap3A_577 : vector<16xf32> to vector<16xf32>
      %swap3A_579 = vector.shape_cast %add3A_575 : vector<16xf32> to vector<16xf32>
      tpu.vector_store %arg10[%swap3A_576], %swap3A_579 {strides = array<i32>} : memref<12864xf32, #tpu.memory_space<vmem>>, vector<16xf32>,
      %broadcast_in_dim3A_580 = arith.constant 2 : i32
      %broadcast_in_dim3A_581 = vector.broadcast %broadcast_in_dim3A_580 : i32 to vector<16x1xi32>
      %gather3A_582 = vector.shape_cast %broadcast_in_dim3A_581 : vector<16x1xi32> to vector<16xi32>
      %gather3A_583 = tpu.dynamic_gather %convert_element_type3A_499[%gather3A_582] in [0] : vector<16xf32>, vector<16xi32> -> vector<16xf32>
      %get3A_584 = arith.constant 12416 : index
      %get3A_585 = tpu.vector_load %arg7[%get3A_584] {strides = array<i32>} : memref<13056xf32, #tpu.memory_space<vmem>>, vector<16xf32>,
      %get3A_586 = vector.shape_cast %get3A_585 : vector<16xf32> to vector<16xf32>
      %mul3A_587 = arith.mulf %gather3A_583, %sub3A : vector<16xf32>
      %add3A_588 = arith.addf %get3A_586, %mul3A_587 : vector<16xf32>
      %swap3A_589 = arith.constant 12416 : index
      %swap3A_590 = tpu.vector_load %arg10[%swap3A_589] {strides = array<i32>} : memref<12864xf32, #tpu.memory_space<vmem>>, vector<16xf32>,
      %swap3A_591 = vector.shape_cast %swap3A_590 : vector<16xf32> to vector<16xf32>
      %swap3A_592 = vector.shape_cast %add3A_588 : vector<16xf32> to vector<16xf32>
      tpu.vector_store %arg10[%swap3A_589], %swap3A_592 {strides = array<i32>} : memref<12864xf32, #tpu.memory_space<vmem>>, vector<16xf32>,
      %get3A_593 = arith.constant 12432 : index
      %get3A_594 = tpu.vector_load %arg7[%get3A_593] {strides = array<i32>} : memref<13056xf32, #tpu.memory_space<vmem>>, vector<16xf32>,
      %get3A_595 = vector.shape_cast %get3A_594 : vector<16xf32> to vector<16xf32>
      %mul3A_596 = arith.mulf %gather3A_583, %sub3A_40 : vector<16xf32>
      %add3A_597 = arith.addf %get3A_595, %mul3A_596 : vector<16xf32>
      %swap3A_598 = arith.constant 12432 : index
      %swap3A_599 = tpu.vector_load %arg10[%swap3A_598] {strides = array<i32>} : memref<12864xf32, #tpu.memory_space<vmem>>, vector<16xf32>,
      %swap3A_600 = vector.shape_cast %swap3A_599 : vector<16xf32> to vector<16xf32>
      %swap3A_601 = vector.shape_cast %add3A_597 : vector<16xf32> to vector<16xf32>
      tpu.vector_store %arg10[%swap3A_598], %swap3A_601 {strides = array<i32>} : memref<12864xf32, #tpu.memory_space<vmem>>, vector<16xf32>,
      %get3A_602 = arith.constant 12448 : index
      %get3A_603 = tpu.vector_load %arg7[%get3A_602] {strides = array<i32>} : memref<13056xf32, #tpu.memory_space<vmem>>, vector<16xf32>,
      %get3A_604 = vector.shape_cast %get3A_603 : vector<16xf32> to vector<16xf32>
      %mul3A_605 = arith.mulf %gather3A_583, %sub3A_41 : vector<16xf32>
      %add3A_606 = arith.addf %get3A_604, %mul3A_605 : vector<16xf32>
      %swap3A_607 = arith.constant 12448 : index
      %swap3A_608 = tpu.vector_load %arg10[%swap3A_607] {strides = array<i32>} : memref<12864xf32, #tpu.memory_space<vmem>>, vector<16xf32>,
      %swap3A_609 = vector.shape_cast %swap3A_608 : vector<16xf32> to vector<16xf32>
      %swap3A_610 = vector.shape_cast %add3A_606 : vector<16xf32> to vector<16xf32>
      tpu.vector_store %arg10[%swap3A_607], %swap3A_610 {strides = array<i32>} : memref<12864xf32, #tpu.memory_space<vmem>>, vector<16xf32>,
      %get3A_611 = arith.constant 12464 : index
      %get3A_612 = tpu.vector_load %arg7[%get3A_611] {strides = array<i32>} : memref<13056xf32, #tpu.memory_space<vmem>>, vector<16xf32>,
      %get3A_613 = vector.shape_cast %get3A_612 : vector<16xf32> to vector<16xf32>
      %mul3A_614 = arith.mulf %gather3A_583, %sub3A_42 : vector<16xf32>
      %add3A_615 = arith.addf %get3A_613, %mul3A_614 : vector<16xf32>
      %swap3A_616 = arith.constant 12464 : index
      %swap3A_617 = tpu.vector_load %arg10[%swap3A_616] {strides = array<i32>} : memref<12864xf32, #tpu.memory_space<vmem>>, vector<16xf32>,
      %swap3A_618 = vector.shape_cast %swap3A_617 : vector<16xf32> to vector<16xf32>
      %swap3A_619 = vector.shape_cast %add3A_615 : vector<16xf32> to vector<16xf32>
      tpu.vector_store %arg10[%swap3A_616], %swap3A_619 {strides = array<i32>} : memref<12864xf32, #tpu.memory_space<vmem>>, vector<16xf32>,
      %broadcast_in_dim3A_620 = arith.constant 3 : i32
      %broadcast_in_dim3A_621 = vector.broadcast %broadcast_in_dim3A_620 : i32 to vector<16x1xi32>
      %gather3A_622 = vector.shape_cast %broadcast_in_dim3A_621 : vector<16x1xi32> to vector<16xi32>
      %gather3A_623 = tpu.dynamic_gather %convert_element_type3A_499[%gather3A_622] in [0] : vector<16xf32>, vector<16xi32> -> vector<16xf32>
      %get3A_624 = arith.constant 12480 : index
      %get3A_625 = tpu.vector_load %arg7[%get3A_624] {strides = array<i32>} : memref<13056xf32, #tpu.memory_space<vmem>>, vector<16xf32>,
      %get3A_626 = vector.shape_cast %get3A_625 : vector<16xf32> to vector<16xf32>
      %mul3A_627 = arith.mulf %gather3A_623, %sub3A : vector<16xf32>
      %add3A_628 = arith.addf %get3A_626, %mul3A_627 : vector<16xf32>
      %swap3A_629 = arith.constant 12480 : index
      %swap3A_630 = tpu.vector_load %arg10[%swap3A_629] {strides = array<i32>} : memref<12864xf32, #tpu.memory_space<vmem>>, vector<16xf32>,
      %swap3A_631 = vector.shape_cast %swap3A_630 : vector<16xf32> to vector<16xf32>
      %swap3A_632 = vector.shape_cast %add3A_628 : vector<16xf32> to vector<16xf32>
      tpu.vector_store %arg10[%swap3A_629], %swap3A_632 {strides = array<i32>} : memref<12864xf32, #tpu.memory_space<vmem>>, vector<16xf32>,
      %get3A_633 = arith.constant 12496 : index
      %get3A_634 = tpu.vector_load %arg7[%get3A_633] {strides = array<i32>} : memref<13056xf32, #tpu.memory_space<vmem>>, vector<16xf32>,
      %get3A_635 = vector.shape_cast %get3A_634 : vector<16xf32> to vector<16xf32>
      %mul3A_636 = arith.mulf %gather3A_623, %sub3A_40 : vector<16xf32>
      %add3A_637 = arith.addf %get3A_635, %mul3A_636 : vector<16xf32>
      %swap3A_638 = arith.constant 12496 : index
      %swap3A_639 = tpu.vector_load %arg10[%swap3A_638] {strides = array<i32>} : memref<12864xf32, #tpu.memory_space<vmem>>, vector<16xf32>,
      %swap3A_640 = vector.shape_cast %swap3A_639 : vector<16xf32> to vector<16xf32>
      %swap3A_641 = vector.shape_cast %add3A_637 : vector<16xf32> to vector<16xf32>
      tpu.vector_store %arg10[%swap3A_638], %swap3A_641 {strides = array<i32>} : memref<12864xf32, #tpu.memory_space<vmem>>, vector<16xf32>,
      %get3A_642 = arith.constant 12512 : index
      %get3A_643 = tpu.vector_load %arg7[%get3A_642] {strides = array<i32>} : memref<13056xf32, #tpu.memory_space<vmem>>, vector<16xf32>,
      %get3A_644 = vector.shape_cast %get3A_643 : vector<16xf32> to vector<16xf32>
      %mul3A_645 = arith.mulf %gather3A_623, %sub3A_41 : vector<16xf32>
      %add3A_646 = arith.addf %get3A_644, %mul3A_645 : vector<16xf32>
      %swap3A_647 = arith.constant 12512 : index
      %swap3A_648 = tpu.vector_load %arg10[%swap3A_647] {strides = array<i32>} : memref<12864xf32, #tpu.memory_space<vmem>>, vector<16xf32>,
      %swap3A_649 = vector.shape_cast %swap3A_648 : vector<16xf32> to vector<16xf32>
      %swap3A_650 = vector.shape_cast %add3A_646 : vector<16xf32> to vector<16xf32>
      tpu.vector_store %arg10[%swap3A_647], %swap3A_650 {strides = array<i32>} : memref<12864xf32, #tpu.memory_space<vmem>>, vector<16xf32>,
      %get3A_651 = arith.constant 12528 : index
      %get3A_652 = tpu.vector_load %arg7[%get3A_651] {strides = array<i32>} : memref<13056xf32, #tpu.memory_space<vmem>>, vector<16xf32>,
      %get3A_653 = vector.shape_cast %get3A_652 : vector<16xf32> to vector<16xf32>
      %mul3A_654 = arith.mulf %gather3A_623, %sub3A_42 : vector<16xf32>
      %add3A_655 = arith.addf %get3A_653, %mul3A_654 : vector<16xf32>
      %swap3A_656 = arith.constant 12528 : index
      %swap3A_657 = tpu.vector_load %arg10[%swap3A_656] {strides = array<i32>} : memref<12864xf32, #tpu.memory_space<vmem>>, vector<16xf32>,
      %swap3A_658 = vector.shape_cast %swap3A_657 : vector<16xf32> to vector<16xf32>
      %swap3A_659 = vector.shape_cast %add3A_655 : vector<16xf32> to vector<16xf32>
      tpu.vector_store %arg10[%swap3A_656], %swap3A_659 {strides = array<i32>} : memref<12864xf32, #tpu.memory_space<vmem>>, vector<16xf32>,
      %broadcast_in_dim3A_660 = arith.constant 4 : i32
      %broadcast_in_dim3A_661 = vector.broadcast %broadcast_in_dim3A_660 : i32 to vector<16x1xi32>
      %gather3A_662 = vector.shape_cast %broadcast_in_dim3A_661 : vector<16x1xi32> to vector<16xi32>
      %gather3A_663 = tpu.dynamic_gather %convert_element_type3A_499[%gather3A_662] in [0] : vector<16xf32>, vector<16xi32> -> vector<16xf32>
      %get3A_664 = arith.constant 12544 : index
      %get3A_665 = tpu.vector_load %arg7[%get3A_664] {strides = array<i32>} : memref<13056xf32, #tpu.memory_space<vmem>>, vector<16xf32>,
      %get3A_666 = vector.shape_cast %get3A_665 : vector<16xf32> to vector<16xf32>
      %mul3A_667 = arith.mulf %gather3A_663, %sub3A : vector<16xf32>
      %add3A_668 = arith.addf %get3A_666, %mul3A_667 : vector<16xf32>
      %swap3A_669 = arith.constant 12544 : index
      %swap3A_670 = tpu.vector_load %arg10[%swap3A_669] {strides = array<i32>} : memref<12864xf32, #tpu.memory_space<vmem>>, vector<16xf32>,
      %swap3A_671 = vector.shape_cast %swap3A_670 : vector<16xf32> to vector<16xf32>
      %swap3A_672 = vector.shape_cast %add3A_668 : vector<16xf32> to vector<16xf32>
      tpu.vector_store %arg10[%swap3A_669], %swap3A_672 {strides = array<i32>} : memref<12864xf32, #tpu.memory_space<vmem>>, vector<16xf32>,
      %get3A_673 = arith.constant 12560 : index
      %get3A_674 = tpu.vector_load %arg7[%get3A_673] {strides = array<i32>} : memref<13056xf32, #tpu.memory_space<vmem>>, vector<16xf32>,
      %get3A_675 = vector.shape_cast %get3A_674 : vector<16xf32> to vector<16xf32>
      %mul3A_676 = arith.mulf %gather3A_663, %sub3A_40 : vector<16xf32>
      %add3A_677 = arith.addf %get3A_675, %mul3A_676 : vector<16xf32>
      %swap3A_678 = arith.constant 12560 : index
      %swap3A_679 = tpu.vector_load %arg10[%swap3A_678] {strides = array<i32>} : memref<12864xf32, #tpu.memory_space<vmem>>, vector<16xf32>,
      %swap3A_680 = vector.shape_cast %swap3A_679 : vector<16xf32> to vector<16xf32>
      %swap3A_681 = vector.shape_cast %add3A_677 : vector<16xf32> to vector<16xf32>
      tpu.vector_store %arg10[%swap3A_678], %swap3A_681 {strides = array<i32>} : memref<12864xf32, #tpu.memory_space<vmem>>, vector<16xf32>,
      %get3A_682 = arith.constant 12576 : index
      %get3A_683 = tpu.vector_load %arg7[%get3A_682] {strides = array<i32>} : memref<13056xf32, #tpu.memory_space<vmem>>, vector<16xf32>,
      %get3A_684 = vector.shape_cast %get3A_683 : vector<16xf32> to vector<16xf32>
      %mul3A_685 = arith.mulf %gather3A_663, %sub3A_41 : vector<16xf32>
      %add3A_686 = arith.addf %get3A_684, %mul3A_685 : vector<16xf32>
      %swap3A_687 = arith.constant 12576 : index
      %swap3A_688 = tpu.vector_load %arg10[%swap3A_687] {strides = array<i32>} : memref<12864xf32, #tpu.memory_space<vmem>>, vector<16xf32>,
      %swap3A_689 = vector.shape_cast %swap3A_688 : vector<16xf32> to vector<16xf32>
      %swap3A_690 = vector.shape_cast %add3A_686 : vector<16xf32> to vector<16xf32>
      tpu.vector_store %arg10[%swap3A_687], %swap3A_690 {strides = array<i32>} : memref<12864xf32, #tpu.memory_space<vmem>>, vector<16xf32>,
      %get3A_691 = arith.constant 12592 : index
      %get3A_692 = tpu.vector_load %arg7[%get3A_691] {strides = array<i32>} : memref<13056xf32, #tpu.memory_space<vmem>>, vector<16xf32>,
      %get3A_693 = vector.shape_cast %get3A_692 : vector<16xf32> to vector<16xf32>
      %mul3A_694 = arith.mulf %gather3A_663, %sub3A_42 : vector<16xf32>
      %add3A_695 = arith.addf %get3A_693, %mul3A_694 : vector<16xf32>
      %swap3A_696 = arith.constant 12592 : index
      %swap3A_697 = tpu.vector_load %arg10[%swap3A_696] {strides = array<i32>} : memref<12864xf32, #tpu.memory_space<vmem>>, vector<16xf32>,
      %swap3A_698 = vector.shape_cast %swap3A_697 : vector<16xf32> to vector<16xf32>
      %swap3A_699 = vector.shape_cast %add3A_695 : vector<16xf32> to vector<16xf32>
      tpu.vector_store %arg10[%swap3A_696], %swap3A_699 {strides = array<i32>} : memref<12864xf32, #tpu.memory_space<vmem>>, vector<16xf32>,
      %broadcast_in_dim3A_700 = arith.constant 5 : i32
      %broadcast_in_dim3A_701 = vector.broadcast %broadcast_in_dim3A_700 : i32 to vector<16x1xi32>
      %gather3A_702 = vector.shape_cast %broadcast_in_dim3A_701 : vector<16x1xi32> to vector<16xi32>
      %gather3A_703 = tpu.dynamic_gather %convert_element_type3A_499[%gather3A_702] in [0] : vector<16xf32>, vector<16xi32> -> vector<16xf32>
      %get3A_704 = arith.constant 12608 : index
      %get3A_705 = tpu.vector_load %arg7[%get3A_704] {strides = array<i32>} : memref<13056xf32, #tpu.memory_space<vmem>>, vector<16xf32>,
      %get3A_706 = vector.shape_cast %get3A_705 : vector<16xf32> to vector<16xf32>
      %mul3A_707 = arith.mulf %gather3A_703, %sub3A : vector<16xf32>
      %add3A_708 = arith.addf %get3A_706, %mul3A_707 : vector<16xf32>
      %swap3A_709 = arith.constant 12608 : index
      %swap3A_710 = tpu.vector_load %arg10[%swap3A_709] {strides = array<i32>} : memref<12864xf32, #tpu.memory_space<vmem>>, vector<16xf32>,
      %swap3A_711 = vector.shape_cast %swap3A_710 : vector<16xf32> to vector<16xf32>
      %swap3A_712 = vector.shape_cast %add3A_708 : vector<16xf32> to vector<16xf32>
      tpu.vector_store %arg10[%swap3A_709], %swap3A_712 {strides = array<i32>} : memref<12864xf32, #tpu.memory_space<vmem>>, vector<16xf32>,
      %get3A_713 = arith.constant 12624 : index
      %get3A_714 = tpu.vector_load %arg7[%get3A_713] {strides = array<i32>} : memref<13056xf32, #tpu.memory_space<vmem>>, vector<16xf32>,
      %get3A_715 = vector.shape_cast %get3A_714 : vector<16xf32> to vector<16xf32>
      %mul3A_716 = arith.mulf %gather3A_703, %sub3A_40 : vector<16xf32>
      %add3A_717 = arith.addf %get3A_715, %mul3A_716 : vector<16xf32>
      %swap3A_718 = arith.constant 12624 : index
      %swap3A_719 = tpu.vector_load %arg10[%swap3A_718] {strides = array<i32>} : memref<12864xf32, #tpu.memory_space<vmem>>, vector<16xf32>,
      %swap3A_720 = vector.shape_cast %swap3A_719 : vector<16xf32> to vector<16xf32>
      %swap3A_721 = vector.shape_cast %add3A_717 : vector<16xf32> to vector<16xf32>
      tpu.vector_store %arg10[%swap3A_718], %swap3A_721 {strides = array<i32>} : memref<12864xf32, #tpu.memory_space<vmem>>, vector<16xf32>,
      %get3A_722 = arith.constant 12640 : index
      %get3A_723 = tpu.vector_load %arg7[%get3A_722] {strides = array<i32>} : memref<13056xf32, #tpu.memory_space<vmem>>, vector<16xf32>,
      %get3A_724 = vector.shape_cast %get3A_723 : vector<16xf32> to vector<16xf32>
      %mul3A_725 = arith.mulf %gather3A_703, %sub3A_41 : vector<16xf32>
      %add3A_726 = arith.addf %get3A_724, %mul3A_725 : vector<16xf32>
      %swap3A_727 = arith.constant 12640 : index
      %swap3A_728 = tpu.vector_load %arg10[%swap3A_727] {strides = array<i32>} : memref<12864xf32, #tpu.memory_space<vmem>>, vector<16xf32>,
      %swap3A_729 = vector.shape_cast %swap3A_728 : vector<16xf32> to vector<16xf32>
      %swap3A_730 = vector.shape_cast %add3A_726 : vector<16xf32> to vector<16xf32>
      tpu.vector_store %arg10[%swap3A_727], %swap3A_730 {strides = array<i32>} : memref<12864xf32, #tpu.memory_space<vmem>>, vector<16xf32>,
      %get3A_731 = arith.constant 12656 : index
      %get3A_732 = tpu.vector_load %arg7[%get3A_731] {strides = array<i32>} : memref<13056xf32, #tpu.memory_space<vmem>>, vector<16xf32>,
      %get3A_733 = vector.shape_cast %get3A_732 : vector<16xf32> to vector<16xf32>
      %mul3A_734 = arith.mulf %gather3A_703, %sub3A_42 : vector<16xf32>
      %add3A_735 = arith.addf %get3A_733, %mul3A_734 : vector<16xf32>
      %swap3A_736 = arith.constant 12656 : index
      %swap3A_737 = tpu.vector_load %arg10[%swap3A_736] {strides = array<i32>} : memref<12864xf32, #tpu.memory_space<vmem>>, vector<16xf32>,
      %swap3A_738 = vector.shape_cast %swap3A_737 : vector<16xf32> to vector<16xf32>
      %swap3A_739 = vector.shape_cast %add3A_735 : vector<16xf32> to vector<16xf32>
      tpu.vector_store %arg10[%swap3A_736], %swap3A_739 {strides = array<i32>} : memref<12864xf32, #tpu.memory_space<vmem>>, vector<16xf32>,
      %broadcast_in_dim3A_740 = arith.constant 6 : i32
      %broadcast_in_dim3A_741 = vector.broadcast %broadcast_in_dim3A_740 : i32 to vector<16x1xi32>
      %gather3A_742 = vector.shape_cast %broadcast_in_dim3A_741 : vector<16x1xi32> to vector<16xi32>
      %gather3A_743 = tpu.dynamic_gather %convert_element_type3A_499[%gather3A_742] in [0] : vector<16xf32>, vector<16xi32> -> vector<16xf32>
      %get3A_744 = arith.constant 12672 : index
      %get3A_745 = tpu.vector_load %arg7[%get3A_744] {strides = array<i32>} : memref<13056xf32, #tpu.memory_space<vmem>>, vector<16xf32>,
      %get3A_746 = vector.shape_cast %get3A_745 : vector<16xf32> to vector<16xf32>
      %mul3A_747 = arith.mulf %gather3A_743, %sub3A : vector<16xf32>
      %add3A_748 = arith.addf %get3A_746, %mul3A_747 : vector<16xf32>
      %swap3A_749 = arith.constant 12672 : index
      %swap3A_750 = tpu.vector_load %arg10[%swap3A_749] {strides = array<i32>} : memref<12864xf32, #tpu.memory_space<vmem>>, vector<16xf32>,
      %swap3A_751 = vector.shape_cast %swap3A_750 : vector<16xf32> to vector<16xf32>
      %swap3A_752 = vector.shape_cast %add3A_748 : vector<16xf32> to vector<16xf32>
      tpu.vector_store %arg10[%swap3A_749], %swap3A_752 {strides = array<i32>} : memref<12864xf32, #tpu.memory_space<vmem>>, vector<16xf32>,
      %get3A_753 = arith.constant 12688 : index
      %get3A_754 = tpu.vector_load %arg7[%get3A_753] {strides = array<i32>} : memref<13056xf32, #tpu.memory_space<vmem>>, vector<16xf32>,
      %get3A_755 = vector.shape_cast %get3A_754 : vector<16xf32> to vector<16xf32>
      %mul3A_756 = arith.mulf %gather3A_743, %sub3A_40 : vector<16xf32>
      %add3A_757 = arith.addf %get3A_755, %mul3A_756 : vector<16xf32>
      %swap3A_758 = arith.constant 12688 : index
      %swap3A_759 = tpu.vector_load %arg10[%swap3A_758] {strides = array<i32>} : memref<12864xf32, #tpu.memory_space<vmem>>, vector<16xf32>,
      %swap3A_760 = vector.shape_cast %swap3A_759 : vector<16xf32> to vector<16xf32>
      %swap3A_761 = vector.shape_cast %add3A_757 : vector<16xf32> to vector<16xf32>
      tpu.vector_store %arg10[%swap3A_758], %swap3A_761 {strides = array<i32>} : memref<12864xf32, #tpu.memory_space<vmem>>, vector<16xf32>,
      %get3A_762 = arith.constant 12704 : index
      %get3A_763 = tpu.vector_load %arg7[%get3A_762] {strides = array<i32>} : memref<13056xf32, #tpu.memory_space<vmem>>, vector<16xf32>,
      %get3A_764 = vector.shape_cast %get3A_763 : vector<16xf32> to vector<16xf32>
      %mul3A_765 = arith.mulf %gather3A_743, %sub3A_41 : vector<16xf32>
      %add3A_766 = arith.addf %get3A_764, %mul3A_765 : vector<16xf32>
      %swap3A_767 = arith.constant 12704 : index
      %swap3A_768 = tpu.vector_load %arg10[%swap3A_767] {strides = array<i32>} : memref<12864xf32, #tpu.memory_space<vmem>>, vector<16xf32>,
      %swap3A_769 = vector.shape_cast %swap3A_768 : vector<16xf32> to vector<16xf32>
      %swap3A_770 = vector.shape_cast %add3A_766 : vector<16xf32> to vector<16xf32>
      tpu.vector_store %arg10[%swap3A_767], %swap3A_770 {strides = array<i32>} : memref<12864xf32, #tpu.memory_space<vmem>>, vector<16xf32>,
      %get3A_771 = arith.constant 12720 : index
      %get3A_772 = tpu.vector_load %arg7[%get3A_771] {strides = array<i32>} : memref<13056xf32, #tpu.memory_space<vmem>>, vector<16xf32>,
      %get3A_773 = vector.shape_cast %get3A_772 : vector<16xf32> to vector<16xf32>
      %mul3A_774 = arith.mulf %gather3A_743, %sub3A_42 : vector<16xf32>
      %add3A_775 = arith.addf %get3A_773, %mul3A_774 : vector<16xf32>
      %swap3A_776 = arith.constant 12720 : index
      %swap3A_777 = tpu.vector_load %arg10[%swap3A_776] {strides = array<i32>} : memref<12864xf32, #tpu.memory_space<vmem>>, vector<16xf32>,
      %swap3A_778 = vector.shape_cast %swap3A_777 : vector<16xf32> to vector<16xf32>
      %swap3A_779 = vector.shape_cast %add3A_775 : vector<16xf32> to vector<16xf32>
      tpu.vector_store %arg10[%swap3A_776], %swap3A_779 {strides = array<i32>} : memref<12864xf32, #tpu.memory_space<vmem>>, vector<16xf32>,
      %broadcast_in_dim3A_780 = arith.constant 7 : i32
      %broadcast_in_dim3A_781 = vector.broadcast %broadcast_in_dim3A_780 : i32 to vector<16x1xi32>
      %gather3A_782 = vector.shape_cast %broadcast_in_dim3A_781 : vector<16x1xi32> to vector<16xi32>
      %gather3A_783 = tpu.dynamic_gather %convert_element_type3A_499[%gather3A_782] in [0] : vector<16xf32>, vector<16xi32> -> vector<16xf32>
      %get3A_784 = arith.constant 12736 : index
      %get3A_785 = tpu.vector_load %arg7[%get3A_784] {strides = array<i32>} : memref<13056xf32, #tpu.memory_space<vmem>>, vector<16xf32>,
      %get3A_786 = vector.shape_cast %get3A_785 : vector<16xf32> to vector<16xf32>
      %mul3A_787 = arith.mulf %gather3A_783, %sub3A : vector<16xf32>
      %add3A_788 = arith.addf %get3A_786, %mul3A_787 : vector<16xf32>
      %swap3A_789 = arith.constant 12736 : index
      %swap3A_790 = tpu.vector_load %arg10[%swap3A_789] {strides = array<i32>} : memref<12864xf32, #tpu.memory_space<vmem>>, vector<16xf32>,
      %swap3A_791 = vector.shape_cast %swap3A_790 : vector<16xf32> to vector<16xf32>
      %swap3A_792 = vector.shape_cast %add3A_788 : vector<16xf32> to vector<16xf32>
      tpu.vector_store %arg10[%swap3A_789], %swap3A_792 {strides = array<i32>} : memref<12864xf32, #tpu.memory_space<vmem>>, vector<16xf32>,
      %get3A_793 = arith.constant 12752 : index
      %get3A_794 = tpu.vector_load %arg7[%get3A_793] {strides = array<i32>} : memref<13056xf32, #tpu.memory_space<vmem>>, vector<16xf32>,
      %get3A_795 = vector.shape_cast %get3A_794 : vector<16xf32> to vector<16xf32>
      %mul3A_796 = arith.mulf %gather3A_783, %sub3A_40 : vector<16xf32>
      %add3A_797 = arith.addf %get3A_795, %mul3A_796 : vector<16xf32>
      %swap3A_798 = arith.constant 12752 : index
      %swap3A_799 = tpu.vector_load %arg10[%swap3A_798] {strides = array<i32>} : memref<12864xf32, #tpu.memory_space<vmem>>, vector<16xf32>,
      %swap3A_800 = vector.shape_cast %swap3A_799 : vector<16xf32> to vector<16xf32>
      %swap3A_801 = vector.shape_cast %add3A_797 : vector<16xf32> to vector<16xf32>
      tpu.vector_store %arg10[%swap3A_798], %swap3A_801 {strides = array<i32>} : memref<12864xf32, #tpu.memory_space<vmem>>, vector<16xf32>,
      %get3A_802 = arith.constant 12768 : index
      %get3A_803 = tpu.vector_load %arg7[%get3A_802] {strides = array<i32>} : memref<13056xf32, #tpu.memory_space<vmem>>, vector<16xf32>,
      %get3A_804 = vector.shape_cast %get3A_803 : vector<16xf32> to vector<16xf32>
      %mul3A_805 = arith.mulf %gather3A_783, %sub3A_41 : vector<16xf32>
      %add3A_806 = arith.addf %get3A_804, %mul3A_805 : vector<16xf32>
      %swap3A_807 = arith.constant 12768 : index
      %swap3A_808 = tpu.vector_load %arg10[%swap3A_807] {strides = array<i32>} : memref<12864xf32, #tpu.memory_space<vmem>>, vector<16xf32>,
      %swap3A_809 = vector.shape_cast %swap3A_808 : vector<16xf32> to vector<16xf32>
      %swap3A_810 = vector.shape_cast %add3A_806 : vector<16xf32> to vector<16xf32>
      tpu.vector_store %arg10[%swap3A_807], %swap3A_810 {strides = array<i32>} : memref<12864xf32, #tpu.memory_space<vmem>>, vector<16xf32>,
      %get3A_811 = arith.constant 12784 : index
      %get3A_812 = tpu.vector_load %arg7[%get3A_811] {strides = array<i32>} : memref<13056xf32, #tpu.memory_space<vmem>>, vector<16xf32>,
      %get3A_813 = vector.shape_cast %get3A_812 : vector<16xf32> to vector<16xf32>
      %mul3A_814 = arith.mulf %gather3A_783, %sub3A_42 : vector<16xf32>
      %add3A_815 = arith.addf %get3A_813, %mul3A_814 : vector<16xf32>
      %swap3A_816 = arith.constant 12784 : index
      %swap3A_817 = tpu.vector_load %arg10[%swap3A_816] {strides = array<i32>} : memref<12864xf32, #tpu.memory_space<vmem>>, vector<16xf32>,
      %swap3A_818 = vector.shape_cast %swap3A_817 : vector<16xf32> to vector<16xf32>
      %swap3A_819 = vector.shape_cast %add3A_815 : vector<16xf32> to vector<16xf32>
      tpu.vector_store %arg10[%swap3A_816], %swap3A_819 {strides = array<i32>} : memref<12864xf32, #tpu.memory_space<vmem>>, vector<16xf32>,
      %get3A_820 = arith.constant 12800 : index
      %get3A_821 = tpu.vector_load %arg7[%get3A_820] {strides = array<i32>} : memref<13056xf32, #tpu.memory_space<vmem>>, vector<16xf32>,
      %get3A_822 = vector.shape_cast %get3A_821 : vector<16xf32> to vector<16xf32>
      %swap3A_823 = arith.constant 12800 : index
      %swap3A_824 = tpu.vector_load %arg10[%swap3A_823] {strides = array<i32>} : memref<12864xf32, #tpu.memory_space<vmem>>, vector<16xf32>,
      %swap3A_825 = vector.shape_cast %swap3A_824 : vector<16xf32> to vector<16xf32>
      %swap3A_826 = vector.shape_cast %get3A_822 : vector<16xf32> to vector<16xf32>
      tpu.vector_store %arg10[%swap3A_823], %swap3A_826 {strides = array<i32>} : memref<12864xf32, #tpu.memory_space<vmem>>, vector<16xf32>,
      %get3A_827 = arith.constant 12816 : index
      %get3A_828 = tpu.vector_load %arg7[%get3A_827] {strides = array<i32>} : memref<13056xf32, #tpu.memory_space<vmem>>, vector<16xf32>,
      %get3A_829 = vector.shape_cast %get3A_828 : vector<16xf32> to vector<16xf32>
      %swap3A_830 = arith.constant 12816 : index
      %swap3A_831 = tpu.vector_load %arg10[%swap3A_830] {strides = array<i32>} : memref<12864xf32, #tpu.memory_space<vmem>>, vector<16xf32>,
      %swap3A_832 = vector.shape_cast %swap3A_831 : vector<16xf32> to vector<16xf32>
      %swap3A_833 = vector.shape_cast %get3A_829 : vector<16xf32> to vector<16xf32>
      tpu.vector_store %arg10[%swap3A_830], %swap3A_833 {strides = array<i32>} : memref<12864xf32, #tpu.memory_space<vmem>>, vector<16xf32>,
      %get3A_834 = arith.constant 12832 : index
      %get3A_835 = tpu.vector_load %arg7[%get3A_834] {strides = array<i32>} : memref<13056xf32, #tpu.memory_space<vmem>>, vector<16xf32>,
      %get3A_836 = vector.shape_cast %get3A_835 : vector<16xf32> to vector<16xf32>
      %swap3A_837 = arith.constant 12832 : index
      %swap3A_838 = tpu.vector_load %arg10[%swap3A_837] {strides = array<i32>} : memref<12864xf32, #tpu.memory_space<vmem>>, vector<16xf32>,
      %swap3A_839 = vector.shape_cast %swap3A_838 : vector<16xf32> to vector<16xf32>
      %swap3A_840 = vector.shape_cast %get3A_836 : vector<16xf32> to vector<16xf32>
      tpu.vector_store %arg10[%swap3A_837], %swap3A_840 {strides = array<i32>} : memref<12864xf32, #tpu.memory_space<vmem>>, vector<16xf32>,
      %get3A_841 = arith.constant 12848 : index
      %get3A_842 = tpu.vector_load %arg7[%get3A_841] {strides = array<i32>} : memref<13056xf32, #tpu.memory_space<vmem>>, vector<16xf32>,
      %get3A_843 = vector.shape_cast %get3A_842 : vector<16xf32> to vector<16xf32>
      %swap3A_844 = arith.constant 12848 : index
      %swap3A_845 = tpu.vector_load %arg10[%swap3A_844] {strides = array<i32>} : memref<12864xf32, #tpu.memory_space<vmem>>, vector<16xf32>,
      %swap3A_846 = vector.shape_cast %swap3A_845 : vector<16xf32> to vector<16xf32>
      %swap3A_847 = vector.shape_cast %get3A_843 : vector<16xf32> to vector<16xf32>
      tpu.vector_store %arg10[%swap3A_844], %swap3A_847 {strides = array<i32>} : memref<12864xf32, #tpu.memory_space<vmem>>, vector<16xf32>,
      %add3A_848 = arith.addi %mul3A_2, %add3A_476 : i32
      %dma_start3A_849 = arith.constant 0 : i32
      %dma_start3A_850 = tpu.memref_slice %arg6[%add3A_848, %dma_start3A_849] : memref<4096x12864xf32, #tpu.memory_space<hbm>> -> memref<1x12864xf32, #tpu.memory_space<hbm>>
      %dma_start3A_851 = tpu.memref_squeeze %dma_start3A_850 : memref<1x12864xf32, #tpu.memory_space<hbm>> -> memref<12864xf32, #tpu.memory_space<hbm>>
      %dma_start3A_852 = arith.constant 0 : i32
      %dma_start3A_853 = tpu.memref_slice %arg6[%add3A_848, %dma_start3A_852] : memref<4096x12864xf32, #tpu.memory_space<hbm>> -> memref<1x12864xf32, #tpu.memory_space<hbm>>
      %dma_start3A_854 = tpu.memref_squeeze %dma_start3A_853 : memref<1x12864xf32, #tpu.memory_space<hbm>> -> memref<12864xf32, #tpu.memory_space<hbm>>
      tpu.enqueue_dma source(%arg10 : memref<12864xf32, #tpu.memory_space<vmem>>) target(%dma_start3A_854 : memref<12864xf32, #tpu.memory_space<hbm>>) target_semaphore(%arg12 : memref<!tpu.dma_semaphore, #tpu.memory_space<semaphore_mem>>)
    }
    %scan3A_84 = arith.constant 64 : i32
    %dma_wait3A = arith.constant 0 : i32
    %dma_wait3A_85 = tpu.memref_slice %arg6[%mul3A_2, %dma_wait3A] : memref<4096x12864xf32, #tpu.memory_space<hbm>> -> memref<1x12864xf32, #tpu.memory_space<hbm>>
    %dma_wait3A_86 = tpu.memref_squeeze %dma_wait3A_85 : memref<1x12864xf32, #tpu.memory_space<hbm>> -> memref<12864xf32, #tpu.memory_space<hbm>>
    %dma_wait3A_87 = arith.constant 0 : i32
    %dma_wait3A_88 = tpu.memref_slice %arg6[%mul3A_2, %dma_wait3A_87] : memref<4096x12864xf32, #tpu.memory_space<hbm>> -> memref<1x12864xf32, #tpu.memory_space<hbm>>
    %dma_wait3A_89 = tpu.memref_squeeze %dma_wait3A_88 : memref<1x12864xf32, #tpu.memory_space<hbm>> -> memref<12864xf32, #tpu.memory_space<hbm>>
    tpu.wait_dma2 semaphore(%arg11 : memref<!tpu.dma_semaphore, #tpu.memory_space<semaphore_mem>>) src(%arg9 : memref<12864xf32, #tpu.memory_space<vmem>>) dst(%dma_wait3A_89 : memref<12864xf32, #tpu.memory_space<hbm>>)
    %dma_wait3A_90 = arith.constant 0 : i32
    %dma_wait3A_91 = tpu.memref_slice %arg6[%mul3A_2, %dma_wait3A_90] : memref<4096x12864xf32, #tpu.memory_space<hbm>> -> memref<1x12864xf32, #tpu.memory_space<hbm>>
    %dma_wait3A_92 = tpu.memref_squeeze %dma_wait3A_91 : memref<1x12864xf32, #tpu.memory_space<hbm>> -> memref<12864xf32, #tpu.memory_space<hbm>>
    %dma_wait3A_93 = arith.constant 0 : i32
    %dma_wait3A_94 = tpu.memref_slice %arg6[%mul3A_2, %dma_wait3A_93] : memref<4096x12864xf32, #tpu.memory_space<hbm>> -> memref<1x12864xf32, #tpu.memory_space<hbm>>
    %dma_wait3A_95 = tpu.memref_squeeze %dma_wait3A_94 : memref<1x12864xf32, #tpu.memory_space<hbm>> -> memref<12864xf32, #tpu.memory_space<hbm>>
    tpu.wait_dma2 semaphore(%arg12 : memref<!tpu.dma_semaphore, #tpu.memory_space<semaphore_mem>>) src(%arg10 : memref<12864xf32, #tpu.memory_space<vmem>>) dst(%dma_wait3A_95 : memref<12864xf32, #tpu.memory_space<hbm>>)
    return
  }
}

</mosaic_0001>

<sc_bundles>
// kernel: kernel.3.cloned.1.call-start
scs
__scs_entry_jumppad:
0x0: {  	(pc) =	sbr.rel $0x88, $3  }
0x1: {  	(tag) =	ssettag $0x0;
	lr =	simm.s32 $0x1  }
0x2: {  	[smem:$0x3F9D] =	sst lr;
	_ =	strace $0xD0000000  }
0x3: {  	_ = 	snop  }
0x4: {  	_ = 	snop  }
0x5: {  	_ = 	snop  }
0x6: {  	_ = 	snop  }
0x7: {  	_ = 	snop  }
__scs_overlays_trampoline_lowered:
0x8: {  	[smem:$0x3FAC] =	sst s0  }
0x9: {  	[smem:$0x3FAD] =	sst s1  }
0xa: {  	[smem:$0x3FAE] =	sst s2  }
0xb: {  	[smem:$0x3FAF] =	sst s3  }
0xc: {  	[smem:$0x3FB0] =	sst s4  }
0xd: {  	[smem:$0x3FB1] =	sst s5  }
0xe: {  	[smem:$0x3FB2] =	sst s6  }
0xf: {  	[smem:$0x3FB3] =	sst s7  }
0x10: {  	[smem:$0x3FB4] =	sst s8  }
0x11: {  	[smem:$0x3FB5] =	sst s9;
	s0 =	simm.s32 @!p0 $0x0  }
0x12: {  	s1 =	sld [smem:$0x3F9B];
	s0 =	simm.s32 @p0 $0x1  }
0x13: {  	[smem:$0x3FB6] =	sst s0;
	s0 =	simm.s32 @!p1 $0x0  }
0x14: {  	s2 =	sld [smem:$0x3F9A];
	s0 =	simm.s32 @p1 $0x1  }
0x15: {  	[smem:$0x3FB7] =	sst s0;
	s0 =	simm.s32 @!p2 $0x0  }
0x16: {  	s3 =	sld [smem:$0x3FDB];
	s0 =	simm.s32 @p2 $0x1  }
0x17: {  	s4 =	simm.s32 $0x1BF5;
	[smem:$0x3FB9] =	sst s0  }
0x18: {  	s0 =	sld [smem:$0x3F9C];
	_ =	swait.ge [sflag:s4], $0x0  }
0x19: {  	s7 =	sld [smem:$0x3F9D]  }
0x1a: {  	s8 =	sadd.s32 $0xFFFFE003, lr  }
0x1b: {  	s9 =	sadd.s32 $0xFFFFFEF7, lr;
	s5 =	simm.s32 $0xFFFFFFFF;
	p2 =	slt.u32 s8, $0xFFFFF086  }
0x1c: {  	p1 =	slt.u32 s9, $0xF7A;
	s5 =	simm.s32 @!p2 $0x0  }
0x1d: {  	s5 =	simm.s32 @p1 $0x1;
	p0 =	seq.s32 s7, s2  }
0x1e: {  	s7 =	smul.u32 @!p0 $0xF7A, s2;
	p2 =	seq.s32 @!p0 s5, $0x0  }
0x1f: {  	s9 =	smul.u32 $0xF7A, s1;
	s8 =	simm.s32 @!p0 $0x1BF5;
	p2 =	por !p2, p0  }
0x20: {  	[sflag:s8] =	ssyncset.s32 @!p0 $0xFFFFF086;
	s6 =	sadd.s32 @!p0 s3, s7;
	s7 =	simm.s32 @!p0 $0x108  }
0x21: {  	s3 =	sadd.s32 s3, s9;
	s6 =	sadd.s32 @!p0 $0x88, s6;
	s7 =	simm.s32 @p2 $0x1082  }
0x22: {  	[simem:s7], [sflag:s8] =	dma.local @!p0 [hbm:s6], $0xF7A  }
0x23: {  	s9 =	sor.u32 $0xD0000000, s2;
	s6 =	simm.s32 $0x108;
	_ =	swait.ge @!p0 [sflag:s8], $0x0  }
0x24: {  	s3 =	sadd.s32 $0x88, s3;
	s6 =	simm.s32 @!p1 $0x1082;
	[sflag:s4] =	ssyncset.s32 $0xFFFFF086  }
0x25: {  	[simem:s6], [sflag:s4] =	dma.local [hbm:s3], $0xF7A  }
0x26: {  	[smem:$0x3F9D] =	sst s1;
	(tag) =	ssettag s2;
	_ =	strace s9  }
0x27: {  	s1 =	sld [smem:$0x3FAD]  }
0x28: {  	s2 =	sld [smem:$0x3FAE]  }
0x29: {  	s4 =	sld [smem:$0x3FB0]  }
0x2a: {  	p0 =	seq.s32 s5, $0x0;
	s5 =	sld [smem:$0x3FB1]  }
0x2b: {  	s6 =	sld [smem:$0x3FB2]  }
0x2c: {  	s7 =	sld [smem:$0x3FB3]  }
0x2d: {  	s3 =	simm.s32 $0x108;
	s8 =	sld [smem:$0x3FB4]  }
0x2e: {  	s3 =	simm.s32 @!p0 $0x1082;
	s9 =	sld [smem:$0x3FB5]  }
0x2f: {  	lr =	sadd.s32 s0, s3;
	s0 =	sld [smem:$0x3FAC]  }
0x30: {  	s3 =	sld [smem:$0x3FAF]  }
0x31: {  	[smem:$0x3FB8] =	sst s10  }
0x32: {  	s10 =	sld [smem:$0x3FB6];
	_ =	sdelay $0x3  }
0x33: {  	p0 =	seq.s32 s10, $0x1;
	s10 =	sld [smem:$0x3FB8];
	_ =	sdelay $0x3  }
0x34: {  	[smem:$0x3FB8] =	sst s10  }
0x35: {  	s10 =	sld [smem:$0x3FB7];
	_ =	sdelay $0x3  }
0x36: {  	p1 =	seq.s32 s10, $0x1;
	s10 =	sld [smem:$0x3FB8];
	_ =	sdelay $0x3  }
0x37: {  	[smem:$0x3FB8] =	sst s10  }
0x38: {  	s10 =	sld [smem:$0x3FB9]  }
0x39: {  	_ = 	snop;
	(pc) =	sbr.ind lr, $3  }
0x3a: {  	_ = 	snop  }
0x3b: {  	_ = 	snop  }
0x3c: {  	p2 =	seq.s32 s10, $0x1;
	s10 =	sld [smem:$0x3FB8]  }
0x3d: {  	_ =	shalt  }
0x3e: {  	_ =	shalt  }
0x3f: {  	_ =	shalt  }
0x40: {  	_ =	shalt  }
0x41: {  	_ =	shalt  }
0x42: {  	_ =	shalt  }
0x43: {  	_ =	shalt  }
0x44: {  	_ =	shalt  }
0x45: {  	_ =	shalt  }
0x46: {  	_ =	shalt  }
0x47: {  	_ =	shalt  }
0x48: {  	_ =	shalt  }
0x49: {  	_ =	shalt  }
0x4a: {  	_ =	shalt  }
0x4b: {  	_ =	shalt  }
0x4c: {  	_ =	shalt  }
0x4d: {  	_ =	shalt  }
0x4e: {  	_ =	shalt  }
0x4f: {  	_ =	shalt  }
0x50: {  	_ =	shalt  }
0x51: {  	_ =	shalt  }
0x52: {  	_ =	shalt  }
0x53: {  	_ =	shalt  }
0x54: {  	_ =	shalt  }
0x55: {  	_ =	shalt  }
0x56: {  	_ =	shalt  }
0x57: {  	_ =	shalt  }
0x58: {  	_ =	shalt  }
0x59: {  	_ =	shalt  }
0x5a: {  	_ =	shalt  }
0x5b: {  	_ =	shalt  }
0x5c: {  	_ =	shalt  }
0x5d: {  	_ =	shalt  }
0x5e: {  	_ =	shalt  }
0x5f: {  	_ =	shalt  }
0x60: {  	_ =	shalt  }
0x61: {  	_ =	shalt  }
0x62: {  	_ =	shalt  }
0x63: {  	_ =	shalt  }
0x64: {  	_ =	shalt  }
0x65: {  	_ =	shalt  }
0x66: {  	_ =	shalt  }
0x67: {  	_ =	shalt  }
0x68: {  	_ =	shalt  }
0x69: {  	_ =	shalt  }
0x6a: {  	_ =	shalt  }
0x6b: {  	_ =	shalt  }
0x6c: {  	_ =	shalt  }
0x6d: {  	_ =	shalt  }
0x6e: {  	_ =	shalt  }
0x6f: {  	_ =	shalt  }
0x70: {  	_ =	shalt  }
0x71: {  	_ =	shalt  }
0x72: {  	_ =	shalt  }
0x73: {  	_ =	shalt  }
0x74: {  	_ =	shalt  }
0x75: {  	_ =	shalt  }
0x76: {  	_ =	shalt  }
0x77: {  	_ =	shalt  }
0x78: {  	_ =	shalt  }
0x79: {  	_ =	shalt  }
0x7a: {  	_ =	shalt  }
0x7b: {  	_ =	shalt  }
0x7c: {  	_ =	shalt  }
0x7d: {  	_ =	shalt  }
0x7e: {  	_ =	shalt  }
0x7f: {  	_ =	shalt  }
0x80: {  	_ =	shalt  }
0x81: {  	_ =	shalt  }
0x82: {  	_ =	shalt  }
0x83: {  	_ =	shalt  }
0x84: {  	_ =	shalt  }
0x85: {  	_ =	shalt  }
0x86: {  	_ =	shalt  }
0x87: {  	_ =	shalt  }
.Lfunc_end0:
.L_simem_size_0:
called_computation_lowered:
.L_overlay_start_0:
0x88: {  	s2 =	sld [smem:$0x3FD9]  }
0x89: {  	s3 =	sld [smem:$0x3FFE];
	_ =	sdelay $0x1  }
0x8a: {  	s1 =	srdreg.scid  }
0x8b: {  	s0 =	sand.u32 $0x1, s1  }
0x8c: {  	s17 =	sshll.u32 s0, $0xA;
	s2 =	sadd.s32 s3, s2  }
0x8d: {  	s2 =	sadd.s32 s2, s17  }
0x8e: {  	[smem:$0x3FC4] =	sst s2  }
0x8f: {  	_ = 	snop  }
0x90: {  	s2 =	sld [smem:$0x3FC7]  }
0x91: {  	s18 =	sld [smem:$0x3FD0];
	(tm) =	ssettm $0x1  }
0x92: {  	s4 =	sld [smem:$0x3FFB];
	_ =	sdelay $0x3  }
0x93: {  	_ =	strace s4  }
0x94: {  	s4 =	sld [smem:$0x3FFC];
	_ =	sdelay $0x3  }
0x95: {  	_ =	strace s4  }
0x96: {  	s4 =	sld [smem:$0x3FFD];
	_ =	sdelay $0x3  }
0x97: {  	_ =	strace s4  }
0x98: {  	_ =	strace $0x8FFFFFFF  }
0x99: {  	s19 =	sld [smem:$0x3FDB];
	_ =	sdelay $0x1  }
0x9a: {  	s5 =	simm.s32 $_scs_section_size  }
0x9b: {  	s6 =	simm.s32 $_size__tile_overlayer_lowered;
	s7 =	simm.s32 $_tile_overlayer_lowered  }
0x9c: {  	s22 =	simm.s32 $0x1BFF;
	s21 =	sshll.u32 s7, $0x1;
	s4 =	sadd.s32 s5, s19  }
0x9d: {  	s8 =	simm.s32 $0x0;
	s20 =	sshll.u32 s6, $0x1;
	s6 =	sadd.s32 s21, s4  }
0x9e: {  	[timem:s8], [sflag:s22] =	dma.local [hbm:s6], s20  }
0x9f: {  	_ =	swait.ge [sflag:s22], s20  }
0xa0: {  	s5 =	ssub.s32 $0x0, s20;
	[sflag:s22] =	ssyncset.done $0x0  }
0xa1: {  	[sflag:s22] =	ssyncadd.s32 s5;
	_ =	sdelay $0x1  }
0xa2: {  	s23 =	simm.s32 $0x1B8B  }
0xa3: {  	_ =	swait.ge [sflag:s23], $0x1  }
0xa4: {  	[sflag:s23] =	ssyncset.done $0x0  }
0xa5: {  	s25 =	simm.s32 $0x1B8E;
	s24 =	sld [smem:$0x3FFE];
	[sflag:s23] =	ssyncadd.s32 $0xFFFFFFFF  }
0xa6: {  	s26 =	simm.s32 $execute0_lowered;
	[smem:$0x3FD2] =	sst s25  }
0xa7: {  	s6 =	sshll.u32 s26, $0x1;
	_ =	strace $0x80000046;
	[dreg:$0x1] =	wrdreg $0xFFFFFFFF  }
0xa8: {  	s28 =	simm.s32 $_size_execute0_lowered;
	s4 =	sadd.s32 s4, s6;
	[dreg:$0x0] =	wrdreg $0x0  }
0xa9: {  	s6 =	sshll.u32 s28, $0x1;
	[dreg:$0x2] =	wrdreg s4  }
0xaa: {  	[dreg:$0x3] =	wrdreg s6  }
0xab: {  	[dreg:$0x4] =	wrdreg $0xC0  }
0xac: {  	_ =	task [dreg:s8], $0x5FFFF  }
0xad: {  	[dreg:$0x1] =	wrdreg $0xFFFFFFFF  }
0xae: {  	[dreg:$0x0] =	wrdreg $0x60  }
0xaf: {  	[dreg:$0x2] =	wrdreg s18  }
0xb0: {  	[dreg:$0x3] =	wrdreg s24  }
0xb1: {  	[dreg:$0x4] =	wrdreg s2  }
0xb2: {  	[dreg:$0x5] =	wrdreg $0x9  }
0xb3: {  	_ =	task.clear_ibuf [dreg:s8], $0x6FFFF;
	_ =	strace $0x90000046  }
0xb4: {  	s29 =	simm.s32 $0x9;
	_ =	strace $0x80000048  }
0xb5: {  	_ =	swait.ge [sflag:s29], $0x1  }
0xb6: {  	[sflag:s29] =	ssyncadd.s32 $0xFFFFFFFF  }
0xb7: {  	_ =	strace $0x90000048  }
0xb8: {  	_ =	sfence  }
0xb9: {  	s30 =	sld [smem:$0x0];
	_ =	sdelay $0x2  }
0xba: {  	s31 =	sshll.u32 s1, $0xD;
	s1 =	sshrl.u32 s1, $0x2  }
0xbb: {  	s3 =	sand.u32 $0x4000, s31;
	s1 =	sadd.s32 s1, s30  }
0xbc: {  	s0 =	sor.u32 s3, s0;
	s1 =	sshll.u32 s1, $0x11  }
0xbd: {  	s0 =	sor.u32 s1, s0  }
0xbe: {  	s0 =	sadd.s32 $0x8F2B, s0  }
0xbf: {  	[sflag:s0] =	ssyncadd.remote.s32 $0x1  }
0xc0: {  	_ =	sfence.sel $0xFFFF  }
0xc1: {  	[dreg:$0x0] =	wrdreg $0xFFFFFFFF;
	(pc) =	sbr.abs _section_cstart, $3  }
0xc2: {  	[dreg:$0x1] =	wrdreg $0xFFFFFFFF  }
0xc3: {  	_ =	task.clear_ibuf [dreg:s8], $0x2FFFF;
	_ =	strace $0x9FFFFFFF  }
0xc4: {  	(tm) =	ssettm $0x7FFFFFFF  }
0xc5: {  	_ =	shalt  }
tec
execute0_lowered:
.L_overlay_start_1:
0x0: {  	(tag) =	ssettag $0x1  }
0x1: {  	s8 =	rddreg [dreg:$0x0]  }
0x2: {  	s6 =	rddreg [dreg:$0x1]  }
0x3: {  	s2 =	rddreg [dreg:$0x2]  }
0x4: {  	s0 =	rddreg [dreg:$0x3];
	s3 =	simm.s32 $0x0;
	s4 =	srdreg.scid  }
0x5: {  	s1 =	stileid.u32;
	s12 =	simm.s32 $0x32C0;
	s13 =	simm.s32 $0x3300  }
0x6: {  	s14 =	simm.s32 $0x80;
	s15 =	simm.s32 $0x400;
	s16 =	simm.s32 $0x9780  }
0x7: {  	s17 =	simm.s32 $0xCA00;
	s18 =	simm.s32 $0x1;
	s19 =	simm.s32 $0x2  }
0x8: {  	v0 =	vimm.s32 $0x0;
	s20 =	simm.s32 $0x0;
	[smem:$0x7FF] =	sst s3;
	s5 =	sand.u32 $0x1, s4  }
0x9: {  	v1 =	vimm.s32 $0x1;
	v2 =	vimm.s32 $0x2;
	v3 =	vimm.s32 $0x3;
	s31 =	sshll.u32 s1, $0x1;
	s4 =	sadd.s32 $0x400, s6;
	_ =	strace $0x80000047  }
0xa: {  	v4 =	vimm.s32 $0x4;
	v5 =	vimm.s32 $0x5;
	v6 =	vimm.s32 $0x6;
	s7 =	sor.u32 s5, s31;
	s9 =	ssub.s32 $0x2, s5;
	s5 =	sadd.s32 $0x600, s6  }
0xb: {  	v7 =	vimm.s32 $0x7;
	v8 =	vimm.s32 $0x8;
	v9 =	vimm.s32 $0x9;
	s6 =	sadd.s32 $0xE00, s6;
	s10 =	smul.u32 $0xC80, s7;
	s11 =	sshrl.u32 s9, $0x1  }
0xc: {  	v10 =	vimm.s32 $0xA;
	v11 =	vimm.s32 $0xB;
	v12 =	vimm.s32 $0xC;
	s7 =	sshll.u32 s7, $0x7;
	s9 =	ssub.s32 s9, s11;
	s11 =	simm.s32 $0x3240  }
0xd: {  	v13 =	vimm.s32 $0xD;
	v14 =	vimm.s32 $0xE;
	v15 =	vimm.s32 $0xF;
	s8 =	sadd.s32 s8, s10;
	s9 =	smax.u32 s9, $0x1;
	s10 =	simm.s32 $0x3  }
.LBB2_1:
0xe: {  	[tilespmem:s3], [sflag:$0x3] =	stream.linear.gather [hbm4b:s5+s3], $0x3240, $0x38;
	[tilespmem:$0xFC80] =	vst v63  }
0xf: {  	_ =	swait.ge [sflag:s10], $0x3240  }
0x10: {  	[sflag:s10] =	ssyncset.done $0x0  }
0x11: {  	[sflag:s10] =	ssyncadd.s32 $0xFFFFCDC0  }
0x12: {  	[tilespmem:s11], [sflag:$0x3] =	stream.linear.gather [hbm4b:s4+s3], $0x80, $0x38;
	[tilespmem:$0xFC80] =	vst v63  }
0x13: {  	_ =	swait.ge [sflag:s10], $0x80  }
0x14: {  	[sflag:s10] =	ssyncset.done $0x0  }
0x15: {  	[sflag:s10] =	ssyncadd.s32 $0xFFFFFF80  }
0x16: {  	[tilespmem:s12], [sflag:$0x3] =	stream.linear.gather [hbm4b:s2+s3], $0x40, $0x38;
	[tilespmem:$0xFC80] =	vst v63  }
0x17: {  	_ =	swait.ge [sflag:s10], $0x40  }
0x18: {  	[sflag:s10] =	ssyncset.done $0x0  }
0x19: {  	[sflag:s10] =	ssyncadd.s32 $0xFFFFFFC0  }
0x1a: {  	[tilespmem:s13], [sflag:$0x3] =	stream.linear.gather [hbm4b:s8+s3], $0x6400, $0x38;
	[tilespmem:$0xFC80] =	vst v63  }
0x1b: {  	_ =	swait.ge [sflag:s10], $0x6400  }
0x1c: {  	[sflag:s10] =	ssyncset.done $0x0  }
0x1d: {  	[sflag:s10] =	ssyncadd.s32 $0xFFFF9C00  }
0x1e: {  	v16 =	vld [tilespmem:$0x3240]  }
0x1f: {  	v17 =	vld [tilespmem:$0x3250]  }
0x20: {  	v18 =	vld [tilespmem:$0x3260]  }
0x21: {  	v19 =	vld [tilespmem:$0x3270]  }
0x22: {  	v22 =	vld [tilespmem:$0x3280]  }
0x23: {  	v23 =	vld [tilespmem:$0x3290]  }
0x24: {  	v20 =	vld [tilespmem:$0x32A0]  }
0x25: {  	v21 =	vld [tilespmem:$0x32B0]  }
0x26: {  	v26 =	vld [tilespmem:$0x32C0]  }
0x27: {  	v27 =	vld [tilespmem:$0x32D0]  }
0x28: {  	v25 =	vld [tilespmem:$0x32E0]  }
0x29: {  	s21 =	simm.s32 $0x0;
	v24 =	vld [tilespmem:$0x32F0]  }
0x2a: {  	v28 =	vld [tilespmem:s21+$0x0]  }
0x2b: {  	v30 =	vld [tilespmem:s21+$0x10]  }
0x2c: {  	s22 =	simm.s32 $0x100;
	v29 =	vld [tilespmem:s21+$0x20]  }
.LBB2_2:
0x2d: {  	p0 =	sne.s32 s22, $0xC700;
	v31 =	vld [tilespmem:s21+$0x30];
	_ =	sdelay $0x1  }
0x2e: {  	v28 =	vadd.f32 v28, v16  }
.Ltmp0:
0x2f: {  	v30 =	vadd.f32 v30, v17;
	(pc) =	sbr.rel @p0 .LBB2_2-.Ltmp0, $4  }
0x30: {  	s23 =	sshra.s32 s22, $0x2;
	[tilespmem:s21+$0x0] =	vst v28;
	v29 =	vadd.f32 v29, v18  }
0x31: {  	v28 =	vld [tilespmem:s23+$0x0];
	[tilespmem:s21+$0x10] =	vst v30;
	v31 =	vadd.f32 v31, v19  }
0x32: {  	v30 =	vld [tilespmem:s23+$0x10];
	[tilespmem:s21+$0x20] =	vst v29  }
0x33: {  	s22 =	sadd.s32 $0x100, s22;
	v29 =	vld [tilespmem:s23+$0x20];
	[tilespmem:s21+$0x30] =	vst v31;
	s21 =	smov.u32 s23  }
0x34: {  	v31 =	vld [tilespmem:s21+$0x30];
	_ =	sdelay $0x1  }
0x35: {  	v28 =	vadd.f32 v28, v16  }
0x36: {  	v30 =	vadd.f32 v30, v17  }
0x37: {  	[tilespmem:s21+$0x0] =	vst v28;
	v61 =	vadd.f32 v29, v18  }
0x38: {  	[tilespmem:s21+$0x10] =	vst v30;
	v62 =	vadd.f32 v31, v19  }
0x39: {  	[tilespmem:s21+$0x20] =	vst v61  }
0x3a: {  	[tilespmem:s21+$0x30] =	vst v62  }
0x3b: {  	v28 =	vld [tilespmem:$0x3200]  }
0x3c: {  	v29 =	vld [tilespmem:$0x3210]  }
0x3d: {  	v30 =	vld [tilespmem:$0x3220]  }
0x3e: {  	v63 =	vld [tilespmem:$0x3230];
	_ =	sdelay $0x1  }
0x3f: {  	v26 =	vadd.f32 v28, v26  }
0x40: {  	v27 =	vadd.f32 v29, v27  }
0x41: {  	v25 =	vadd.f32 v30, v25;
	[tilespmem:$0x3200] =	vst v26  }
0x42: {  	v24 =	vadd.f32 v63, v24;
	[tilespmem:$0x3210] =	vst v27  }
0x43: {  	v16 =	vsub.f32 v22, v16;
	v17 =	vsub.f32 v23, v17;
	[tilespmem:$0x3220] =	vst v25  }
0x44: {  	s22 =	simm.s32 $0x3300;
	s23 =	simm.s32 $0x33C8;
	v18 =	vsub.f32 v20, v18;
	v19 =	vsub.f32 v21, v19;
	s21 =	simm.s32 $0x0;
	[tilespmem:$0x3230] =	vst v24  }
.LBB2_4:
0x45: {  	p0 =	seq.s32 s21, $0x0  }
0x46: {  	s24 =	simm.s32 @!p0 $0x1  }
0x47: {  	_ =	swait.ge @!p0 [sflag:s24], $0x3280  }
0x48: {  	[sflag:s24] =	ssyncset.done @!p0 $0x0  }
0x49: {  	[sflag:s24] =	ssyncadd.s32 @!p0 $0xFFFFCD80;
	s24 =	simm.s32 $0x3F0  }
0x4a: {  	v29 =	vld [tilespmem:s24+$0xFFFFFC10]  }
0x4b: {  	v28 =	vld [tilespmem:s24+$0xFFFFFC20]  }
0x4c: {  	v27 =	vld [tilespmem:s24+$0xFFFFFC30]  }
0x4d: {  	v26 =	vld [tilespmem:s24+$0xFFFFFC40]  }
0x4e: {  	v25 =	vld [tilespmem:s24+$0xFFFFFC50]  }
0x4f: {  	v24 =	vld [tilespmem:s24+$0xFFFFFC60]  }
0x50: {  	v22 =	vld [tilespmem:s24+$0xFFFFFC70]  }
0x51: {  	s26 =	smul.u32 $0x640, s21;
	v23 =	vld [tilespmem:s24+$0xFFFFFC80]  }
0x52: {  	s25 =	sshll.u32 s21, $0x1;
	v21 =	vld [tilespmem:s24+$0xFFFFFC90]  }
0x53: {  	s28 =	simm.s32 $0x1FC0;
	s29 =	smov.u32 s22;
	s26 =	sshra.s32 s26, $0x2;
	v20 =	vld [tilespmem:s22+$0x0]  }
.LBB2_5:
0x54: {  	p1 =	sne.s32 s28, $0xBFC0;
	v30 =	vld [tilespmem:s24+$0xFFFFFCA0]  }
0x55: {  	v31 =	vld [tilespmem:s24+$0xFFFFFCB0]  }
0x56: {  	v32 =	vld [tilespmem:s24+$0xFFFFFCC0]  }
0x57: {  	v33 =	vld [tilespmem:s24+$0xFFFFFCD0]  }
0x58: {  	v20 =	vcvt.s32.f32 v20;
	v34 =	vld [tilespmem:s24+$0xFFFFFCE0]  }
0x59: {  	v35 =	vld [tilespmem:s24+$0xFFFFFCF0]  }
0x5a: {  	v36 =	vperm.xlane v20, v0;
	v37 =	vperm.xlane v20, v1;
	v38 =	vld [tilespmem:s24+$0xFFFFFD00]  }
0x5b: {  	v39 =	vperm.xlane v20, v2;
	v40 =	vperm.xlane v20, v3;
	v41 =	vld [tilespmem:s24+$0xFFFFFD10]  }
0x5c: {  	v42 =	vmul.f32 v36, v16;
	v43 =	vmul.f32 v36, v17;
	v44 =	vld [tilespmem:s24+$0xFFFFFD20]  }
0x5d: {  	v45 =	vmul.f32 v36, v18;
	v36 =	vmul.f32 v36, v19;
	v46 =	vld [tilespmem:s24+$0xFFFFFD30]  }
0x5e: {  	v29 =	vadd.f32 v42, v29;
	v28 =	vadd.f32 v28, v43;
	v42 =	vmul.f32 v37, v16;
	v43 =	vld [tilespmem:s24+$0xFFFFFD40]  }
0x5f: {  	v27 =	vadd.f32 v27, v45;
	v26 =	vadd.f32 v26, v36;
	v36 =	vmul.f32 v37, v17;
	v45 =	vld [tilespmem:s24+$0xFFFFFD50]  }
0x60: {  	[tilespmem:s24+$0x9390] =	vst v29;
	v25 =	vadd.f32 v42, v25;
	v29 =	vmul.f32 v37, v18;
	v37 =	vmul.f32 v37, v19;
	v42 =	vld [tilespmem:s24+$0xFFFFFD60]  }
0x61: {  	v24 =	vadd.f32 v24, v36;
	v36 =	vmul.f32 v39, v17;
	[tilespmem:s24+$0x93A0] =	vst v28;
	v28 =	vmul.f32 v39, v16;
	v47 =	vld [tilespmem:s24+$0xFFFFFD70]  }
0x62: {  	[tilespmem:s24+$0x93B0] =	vst v27;
	v22 =	vadd.f32 v22, v29;
	v23 =	vadd.f32 v23, v37;
	v27 =	vmul.f32 v39, v18;
	v29 =	vld [tilespmem:s24+$0xFFFFFD80]  }
0x63: {  	[tilespmem:s24+$0x93C0] =	vst v26;
	v21 =	vadd.f32 v28, v21;
	v26 =	vadd.f32 v30, v36;
	v28 =	vmul.f32 v39, v19;
	v30 =	vld [tilespmem:s24+$0xFFFFFD90]  }
0x64: {  	[tilespmem:s24+$0x93D0] =	vst v25;
	v25 =	vadd.f32 v31, v27;
	v27 =	vmul.f32 v40, v16;
	v31 =	vmul.f32 v40, v17;
	v36 =	vld [tilespmem:s24+$0xFFFFFDA0]  }
0x65: {  	[tilespmem:s24+$0x93E0] =	vst v24;
	v24 =	vadd.f32 v32, v28;
	v28 =	vmul.f32 v40, v18;
	v32 =	vmul.f32 v40, v19;
	v37 =	vld [tilespmem:s24+$0xFFFFFDB0]  }
0x66: {  	[tilespmem:s24+$0x93F0] =	vst v22;
	v22 =	vadd.f32 v27, v33;
	v27 =	vadd.f32 v34, v31;
	v31 =	vperm.xlane v20, v4;
	v33 =	vld [tilespmem:s24+$0xFFFFFDC0]  }
0x67: {  	[tilespmem:s24+$0x9400] =	vst v23;
	v23 =	vadd.f32 v35, v28;
	v28 =	vadd.f32 v38, v32;
	v32 =	vperm.xlane v20, v5;
	v34 =	vld [tilespmem:s24+$0xFFFFFDD0]  }
0x68: {  	[tilespmem:s24+$0x9410] =	vst v21;
	v21 =	vmul.f32 v31, v16;
	v35 =	vmul.f32 v31, v17;
	v38 =	vld [tilespmem:s24+$0xFFFFFDE0]  }
0x69: {  	[tilespmem:s24+$0x9420] =	vst v26;
	v26 =	vmul.f32 v31, v18;
	v31 =	vmul.f32 v31, v19;
	v39 =	vld [tilespmem:s24+$0xFFFFFDF0]  }
0x6a: {  	[tilespmem:s24+$0x9430] =	vst v25;
	v21 =	vadd.f32 v21, v41;
	v25 =	vadd.f32 v44, v35;
	v35 =	vmul.f32 v32, v16;
	v40 =	vld [tilespmem:s24+$0xFFFFFE00]  }
0x6b: {  	[tilespmem:s24+$0x9440] =	vst v24;
	v24 =	vadd.f32 v46, v26;
	v26 =	vadd.f32 v43, v31;
	v31 =	vmul.f32 v32, v17;
	v41 =	vld [tilespmem:s24+$0xFFFFFE10]  }
0x6c: {  	[tilespmem:s24+$0x9450] =	vst v22;
	v22 =	vadd.f32 v35, v45;
	v35 =	vmul.f32 v32, v18;
	v32 =	vmul.f32 v32, v19;
	v43 =	vld [tilespmem:s24+$0xFFFFFE20]  }
0x6d: {  	[tilespmem:s24+$0x9460] =	vst v27;
	v27 =	vadd.f32 v42, v31;
	v31 =	vperm.xlane v20, v6;
	v42 =	vperm.xlane v20, v7;
	v44 =	vld [tilespmem:s24+$0xFFFFFE30]  }
0x6e: {  	[tilespmem:s24+$0x9470] =	vst v23;
	v23 =	vadd.f32 v47, v35;
	v29 =	vadd.f32 v29, v32;
	v32 =	vperm.xlane v20, v8;
	v35 =	vld [tilespmem:s24+$0xFFFFFE40]  }
0x6f: {  	[tilespmem:s24+$0x9480] =	vst v28;
	v28 =	vmul.f32 v31, v16;
	v45 =	vmul.f32 v31, v17;
	v46 =	vld [tilespmem:s24+$0xFFFFFE50]  }
0x70: {  	[tilespmem:s24+$0x9490] =	vst v21;
	v21 =	vmul.f32 v31, v18;
	v31 =	vmul.f32 v31, v19;
	v47 =	vld [tilespmem:s24+$0xFFFFFE60]  }
0x71: {  	[tilespmem:s24+$0x94A0] =	vst v25;
	v25 =	vadd.f32 v28, v30;
	v28 =	vadd.f32 v36, v45;
	v30 =	vmul.f32 v42, v16;
	v36 =	vld [tilespmem:s24+$0xFFFFFE70]  }
0x72: {  	[tilespmem:s24+$0x94B0] =	vst v24;
	v21 =	vadd.f32 v37, v21;
	v24 =	vadd.f32 v33, v31;
	v31 =	vmul.f32 v42, v17;
	v33 =	vld [tilespmem:s24+$0xFFFFFE80]  }
0x73: {  	[tilespmem:s24+$0x94C0] =	vst v26;
	v26 =	vadd.f32 v30, v34;
	v30 =	vmul.f32 v42, v18;
	v34 =	vmul.f32 v42, v19;
	v37 =	vld [tilespmem:s24+$0xFFFFFE90]  }
0x74: {  	[tilespmem:s24+$0x94D0] =	vst v22;
	v22 =	vadd.f32 v38, v31;
	v31 =	vmul.f32 v32, v16;
	v38 =	vmul.f32 v32, v17;
	v42 =	vld [tilespmem:s24+$0xFFFFFEA0]  }
0x75: {  	[tilespmem:s24+$0x94E0] =	vst v27;
	v27 =	vadd.f32 v39, v30;
	v30 =	vadd.f32 v40, v34;
	v34 =	vmul.f32 v32, v18;
	v39 =	vld [tilespmem:s24+$0xFFFFFEB0]  }
0x76: {  	v32 =	vmul.f32 v32, v19;
	[tilespmem:s24+$0x94F0] =	vst v23;
	v23 =	vadd.f32 v31, v41;
	v31 =	vadd.f32 v43, v38;
	v38 =	vld [tilespmem:s24+$0xFFFFFEC0]  }
0x77: {  	v40 =	vperm.xlane v20, v10;
	[tilespmem:s24+$0x9500] =	vst v29;
	v29 =	vadd.f32 v44, v34;
	v34 =	vperm.xlane v20, v9;
	v41 =	vld [tilespmem:s24+$0xFFFFFED0]  }
0x78: {  	v43 =	vperm.xlane v20, v12;
	[tilespmem:s24+$0x9510] =	vst v25;
	v25 =	vadd.f32 v35, v32;
	v32 =	vperm.xlane v20, v11;
	v35 =	vld [tilespmem:s24+$0xFFFFFEE0]  }
0x79: {  	[tilespmem:s24+$0x9520] =	vst v28;
	v28 =	vmul.f32 v34, v16;
	v44 =	vmul.f32 v34, v17;
	v45 =	vld [tilespmem:s24+$0xFFFFFEF0]  }
0x7a: {  	[tilespmem:s24+$0x9530] =	vst v21;
	v21 =	vmul.f32 v34, v18;
	v34 =	vmul.f32 v34, v19;
	v48 =	vld [tilespmem:s24+$0xFFFFFF00]  }
0x7b: {  	[tilespmem:s24+$0x9540] =	vst v24;
	v24 =	vadd.f32 v28, v46;
	v28 =	vadd.f32 v47, v44;
	v44 =	vmul.f32 v40, v16;
	v46 =	vld [tilespmem:s24+$0xFFFFFF10]  }
0x7c: {  	[tilespmem:s24+$0x9550] =	vst v26;
	v21 =	vadd.f32 v36, v21;
	v26 =	vadd.f32 v33, v34;
	v33 =	vmul.f32 v40, v17;
	v34 =	vld [tilespmem:s24+$0xFFFFFF20]  }
0x7d: {  	v36 =	vmul.f32 v40, v18;
	[tilespmem:s24+$0x9560] =	vst v22;
	v22 =	vadd.f32 v44, v37;
	v37 =	vmul.f32 v40, v19;
	v40 =	vld [tilespmem:s24+$0xFFFFFF30]  }
0x7e: {  	[tilespmem:s24+$0x9570] =	vst v27;
	v27 =	vadd.f32 v42, v33;
	v33 =	vmul.f32 v32, v16;
	v42 =	vmul.f32 v32, v17;
	v44 =	vld [tilespmem:s24+$0xFFFFFF40]  }
0x7f: {  	[tilespmem:s24+$0x9580] =	vst v30;
	v30 =	vadd.f32 v39, v36;
	v36 =	vadd.f32 v38, v37;
	v37 =	vmul.f32 v32, v18;
	v38 =	vld [tilespmem:s24+$0xFFFFFF50]  }
0x80: {  	v32 =	vmul.f32 v32, v19;
	[tilespmem:s24+$0x9590] =	vst v23;
	v23 =	vadd.f32 v33, v41;
	v33 =	vadd.f32 v35, v42;
	v35 =	vld [tilespmem:s24+$0xFFFFFF60]  }
0x81: {  	v39 =	vmul.f32 v43, v17;
	[tilespmem:s24+$0x95A0] =	vst v31;
	v31 =	vadd.f32 v45, v37;
	v37 =	vmul.f32 v43, v16;
	v41 =	vld [tilespmem:s24+$0xFFFFFF70]  }
0x82: {  	v42 =	vmul.f32 v43, v19;
	[tilespmem:s24+$0x95B0] =	vst v29;
	v29 =	vadd.f32 v48, v32;
	v32 =	vmul.f32 v43, v18;
	v43 =	vld [tilespmem:s24+$0xFFFFFF80]  }
0x83: {  	v34 =	vadd.f32 v34, v39;
	[tilespmem:s24+$0x95C0] =	vst v25;
	v25 =	vadd.f32 v37, v46;
	v37 =	vperm.xlane v20, v13;
	v39 =	vld [tilespmem:s24+$0xFFFFFF90]  }
0x84: {  	[tilespmem:s24+$0x95D0] =	vst v24;
	v24 =	vadd.f32 v40, v32;
	v32 =	vadd.f32 v44, v42;
	v40 =	vperm.xlane v20, v14;
	v42 =	vld [tilespmem:s24+$0xFFFFFFA0]  }
0x85: {  	[tilespmem:s24+$0x95E0] =	vst v28;
	v28 =	vmul.f32 v37, v16;
	v44 =	vmul.f32 v37, v17;
	v45 =	vld [tilespmem:s24+$0xFFFFFFB0]  }
0x86: {  	[tilespmem:s24+$0x95F0] =	vst v21;
	v21 =	vmul.f32 v37, v18;
	v37 =	vmul.f32 v37, v19;
	v46 =	vld [tilespmem:s24+$0xFFFFFFC0]  }
0x87: {  	[tilespmem:s24+$0x9600] =	vst v26;
	v26 =	vadd.f32 v28, v38;
	v28 =	vadd.f32 v35, v44;
	v35 =	vmul.f32 v40, v16;
	v38 =	vld [tilespmem:s24+$0xFFFFFFD0]  }
0x88: {  	[tilespmem:s24+$0x9610] =	vst v22;
	v21 =	vadd.f32 v41, v21;
	v22 =	vadd.f32 v43, v37;
	v37 =	vmul.f32 v40, v17;
	v41 =	vld [tilespmem:s24+$0xFFFFFFE0]  }
0x89: {  	[tilespmem:s24+$0x9620] =	vst v27;
	v27 =	vadd.f32 v35, v39;
	v35 =	vmul.f32 v40, v18;
	v39 =	vmul.f32 v40, v19;
	v40 =	vld [tilespmem:s24+$0xFFFFFFF0]  }
0x8a: {  	v20 =	vperm.xlane v20, v15;
	[tilespmem:s24+$0x9630] =	vst v30;
	v30 =	vadd.f32 v42, v37;
	v37 =	vld [tilespmem:s24+$0x0]  }
0x8b: {  	[tilespmem:s24+$0x9640] =	vst v36;
	v35 =	vadd.f32 v45, v35;
	v36 =	vadd.f32 v46, v39  }
0x8c: {  	v39 =	vmul.f32 v20, v17;
	[tilespmem:s24+$0x9650] =	vst v23;
	v23 =	vmul.f32 v20, v16  }
0x8d: {  	[tilespmem:s24+$0x9660] =	vst v33;
	v33 =	vmul.f32 v20, v18;
	v20 =	vmul.f32 v20, v19  }
0x8e: {  	[tilespmem:s24+$0x9670] =	vst v31;
	v23 =	vadd.f32 v23, v38;
	v31 =	vadd.f32 v41, v39  }
0x8f: {  	[tilespmem:s24+$0x9680] =	vst v29;
	v33 =	vadd.f32 v40, v33;
	v20 =	vadd.f32 v37, v20  }
0x90: {  	[tilespmem:s24+$0x9690] =	vst v25  }
0x91: {  	[tilespmem:s24+$0x96A0] =	vst v34  }
0x92: {  	[tilespmem:s24+$0x96B0] =	vst v24  }
0x93: {  	[tilespmem:s24+$0x96C0] =	vst v32  }
0x94: {  	[tilespmem:s24+$0x96D0] =	vst v26  }
0x95: {  	[tilespmem:s24+$0x96E0] =	vst v28  }
0x96: {  	s30 =	sshra.s32 s28, $0x2;
	[tilespmem:s24+$0x96F0] =	vst v21  }
0x97: {  	v29 =	vld [tilespmem:s30+$0xFFFFFC10];
	[tilespmem:s24+$0x9700] =	vst v22  }
0x98: {  	v28 =	vld [tilespmem:s30+$0xFFFFFC20];
	[tilespmem:s24+$0x9710] =	vst v27  }
0x99: {  	v27 =	vld [tilespmem:s30+$0xFFFFFC30];
	[tilespmem:s24+$0x9720] =	vst v30  }
0x9a: {  	v26 =	vld [tilespmem:s30+$0xFFFFFC40];
	[tilespmem:s24+$0x9730] =	vst v35  }
0x9b: {  	v25 =	vld [tilespmem:s30+$0xFFFFFC50];
	[tilespmem:s24+$0x9740] =	vst v36  }
.Ltmp1:
0x9c: {  	v24 =	vld [tilespmem:s30+$0xFFFFFC60];
	[tilespmem:s24+$0x9750] =	vst v23;
	(pc) =	sbr.rel @p1 .LBB2_5-.Ltmp1, $4  }
0x9d: {  	v22 =	vld [tilespmem:s30+$0xFFFFFC70];
	[tilespmem:s24+$0x9760] =	vst v31  }
0x9e: {  	v23 =	vld [tilespmem:s30+$0xFFFFFC80];
	[tilespmem:s24+$0x9770] =	vst v33  }
0x9f: {  	s29 =	sadd.s32 $0x10, s29;
	v21 =	vld [tilespmem:s30+$0xFFFFFC90];
	[tilespmem:s24+$0x9780] =	vst v20;
	s24 =	smov.u32 s30  }
0xa0: {  	s28 =	sadd.s32 $0x1000, s28;
	v20 =	vld [tilespmem:s29+$0x0]  }
0xa1: {  	_ =	sdelay $0x3  }
0xa2: {  	v20 =	vcvt.s32.f32 v20;
	_ =	sdelay $0x1  }
0xa3: {  	v36 =	vperm.xlane v20, v0;
	_ =	sdelay $0x1  }
0xa4: {  	v39 =	vmul.f32 v36, v16  }
0xa5: {  	v42 =	vmul.f32 v36, v17  }
0xa6: {  	v58 =	vperm.xlane v20, v1;
	v44 =	vmul.f32 v36, v18;
	v29 =	vadd.f32 v39, v29  }
0xa7: {  	v36 =	vmul.f32 v36, v19;
	v28 =	vadd.f32 v28, v42  }
0xa8: {  	v59 =	vmul.f32 v58, v16;
	v27 =	vadd.f32 v27, v44;
	[tilespmem:s24+$0x9390] =	vst v29  }
0xa9: {  	v30 =	vld [tilespmem:s24+$0xFFFFFCA0];
	v62 =	vperm.xlane v20, v2;
	v60 =	vmul.f32 v58, v17;
	v26 =	vadd.f32 v26, v36;
	[tilespmem:s24+$0x93A0] =	vst v28  }
0xaa: {  	v31 =	vld [tilespmem:s24+$0xFFFFFCB0];
	v61 =	vmul.f32 v58, v18;
	v25 =	vadd.f32 v59, v25;
	[tilespmem:s24+$0x93B0] =	vst v27  }
0xab: {  	v33 =	vld [tilespmem:s24+$0xFFFFFCD0];
	v63 =	vmul.f32 v62, v16;
	v24 =	vadd.f32 v24, v60;
	[tilespmem:s24+$0x93C0] =	vst v26  }
0xac: {  	v34 =	vld [tilespmem:s24+$0xFFFFFCE0];
	v50 =	vperm.xlane v20, v3;
	v48 =	vmul.f32 v62, v17;
	v22 =	vadd.f32 v22, v61;
	[tilespmem:s24+$0x93D0] =	vst v25  }
0xad: {  	v35 =	vld [tilespmem:s24+$0xFFFFFCF0];
	v49 =	vmul.f32 v62, v18;
	v21 =	vadd.f32 v63, v21;
	[tilespmem:s24+$0x93E0] =	vst v24  }
0xae: {  	v40 =	vld [tilespmem:s24+$0xFFFFFD20];
	v51 =	vmul.f32 v50, v16;
	v30 =	vadd.f32 v30, v48;
	[tilespmem:s24+$0x93F0] =	vst v22  }
0xaf: {  	v55 =	vperm.xlane v20, v4;
	v52 =	vmul.f32 v50, v17;
	v31 =	vadd.f32 v31, v49;
	[tilespmem:s24+$0x9410] =	vst v21  }
0xb0: {  	v32 =	vld [tilespmem:s24+$0xFFFFFCC0];
	v53 =	vmul.f32 v50, v18;
	v33 =	vadd.f32 v51, v33;
	[tilespmem:s24+$0x9420] =	vst v30  }
0xb1: {  	v37 =	vld [tilespmem:s24+$0xFFFFFD00];
	v57 =	vmul.f32 v55, v17;
	v34 =	vadd.f32 v34, v52;
	[tilespmem:s24+$0x9430] =	vst v31  }
0xb2: {  	v38 =	vld [tilespmem:s24+$0xFFFFFD10];
	v42 =	vmul.f32 v58, v19;
	v35 =	vadd.f32 v35, v53;
	[tilespmem:s24+$0x9450] =	vst v33  }
0xb3: {  	v41 =	vld [tilespmem:s24+$0xFFFFFD30];
	v36 =	vmul.f32 v62, v19;
	v40 =	vadd.f32 v40, v57;
	[tilespmem:s24+$0x9460] =	vst v34  }
0xb4: {  	v43 =	vld [tilespmem:s24+$0xFFFFFD50];
	v54 =	vmul.f32 v50, v19;
	v23 =	vadd.f32 v23, v42;
	[tilespmem:s24+$0x9470] =	vst v35  }
0xb5: {  	v56 =	vmul.f32 v55, v16;
	v39 =	vld [tilespmem:s24+$0xFFFFFD40];
	v59 =	vperm.xlane v20, v5;
	v32 =	vadd.f32 v32, v36;
	[tilespmem:s24+$0x94A0] =	vst v40  }
0xb6: {  	v58 =	vmul.f32 v55, v18;
	v29 =	vld [tilespmem:s24+$0xFFFFFD60];
	v36 =	vadd.f32 v37, v54;
	[tilespmem:s24+$0x9400] =	vst v23  }
0xb7: {  	v28 =	vld [tilespmem:s24+$0xFFFFFD70];
	v37 =	vadd.f32 v56, v38;
	v60 =	vmul.f32 v59, v16;
	[tilespmem:s24+$0x9440] =	vst v32  }
0xb8: {  	v27 =	vld [tilespmem:s24+$0xFFFFFD80];
	v42 =	vmul.f32 v55, v19;
	v38 =	vadd.f32 v41, v58;
	[tilespmem:s24+$0x9480] =	vst v36  }
0xb9: {  	v26 =	vld [tilespmem:s24+$0xFFFFFD90];
	v61 =	vmul.f32 v59, v17;
	[tilespmem:s24+$0x9490] =	vst v37;
	v41 =	vadd.f32 v60, v43  }
0xba: {  	v48 =	vperm.xlane v20, v6;
	v25 =	vld [tilespmem:s24+$0xFFFFFDA0];
	v62 =	vmul.f32 v59, v18;
	[tilespmem:s24+$0x94B0] =	vst v38;
	v39 =	vadd.f32 v39, v42  }
0xbb: {  	v24 =	vld [tilespmem:s24+$0xFFFFFDB0];
	v63 =	vmul.f32 v59, v19;
	[tilespmem:s24+$0x94D0] =	vst v41;
	v29 =	vadd.f32 v29, v61  }
0xbc: {  	v22 =	vld [tilespmem:s24+$0xFFFFFDC0];
	v49 =	vmul.f32 v48, v16;
	[tilespmem:s24+$0x94C0] =	vst v39;
	v28 =	vadd.f32 v28, v62  }
0xbd: {  	v21 =	vld [tilespmem:s24+$0xFFFFFDE0];
	v50 =	vmul.f32 v48, v17;
	v27 =	vadd.f32 v27, v63;
	[tilespmem:s24+$0x94E0] =	vst v29  }
0xbe: {  	v52 =	vperm.xlane v20, v7;
	v30 =	vld [tilespmem:s24+$0xFFFFFDF0];
	v51 =	vmul.f32 v48, v18;
	v26 =	vadd.f32 v49, v26;
	[tilespmem:s24+$0x94F0] =	vst v28  }
0xbf: {  	v31 =	vld [tilespmem:s24+$0xFFFFFE00];
	v44 =	vmul.f32 v48, v19;
	v25 =	vadd.f32 v25, v50;
	[tilespmem:s24+$0x9500] =	vst v27  }
0xc0: {  	v33 =	vld [tilespmem:s24+$0xFFFFFE20];
	v54 =	vmul.f32 v52, v17;
	v24 =	vadd.f32 v24, v51;
	[tilespmem:s24+$0x9510] =	vst v26  }
0xc1: {  	v34 =	vld [tilespmem:s24+$0xFFFFFE30];
	v55 =	vmul.f32 v52, v18;
	v56 =	vperm.xlane v20, v8;
	v22 =	vadd.f32 v22, v44;
	[tilespmem:s24+$0x9520] =	vst v25  }
0xc2: {  	v35 =	vld [tilespmem:s24+$0xFFFFFE40];
	v43 =	vmul.f32 v52, v19;
	v21 =	vadd.f32 v21, v54;
	[tilespmem:s24+$0x9530] =	vst v24  }
0xc3: {  	v23 =	vld [tilespmem:s24+$0xFFFFFDD0];
	v58 =	vmul.f32 v56, v17;
	v30 =	vadd.f32 v30, v55;
	[tilespmem:s24+$0x9540] =	vst v22  }
0xc4: {  	v32 =	vld [tilespmem:s24+$0xFFFFFE10];
	v59 =	vmul.f32 v56, v18;
	v31 =	vadd.f32 v31, v43;
	[tilespmem:s24+$0x9560] =	vst v21  }
0xc5: {  	v36 =	vld [tilespmem:s24+$0xFFFFFE50];
	v60 =	vmul.f32 v56, v19;
	v33 =	vadd.f32 v33, v58;
	[tilespmem:s24+$0x9570] =	vst v30  }
0xc6: {  	v53 =	vmul.f32 v52, v16;
	v37 =	vld [tilespmem:s24+$0xFFFFFE60];
	v34 =	vadd.f32 v34, v59;
	v61 =	vperm.xlane v20, v9;
	[tilespmem:s24+$0x9580] =	vst v31  }
0xc7: {  	v40 =	vld [tilespmem:s24+$0xFFFFFE70];
	v57 =	vmul.f32 v56, v16;
	v35 =	vadd.f32 v35, v60;
	[tilespmem:s24+$0x95A0] =	vst v33  }
0xc8: {  	v38 =	vld [tilespmem:s24+$0xFFFFFE80];
	v23 =	vadd.f32 v53, v23;
	v62 =	vmul.f32 v61, v16;
	[tilespmem:s24+$0x95B0] =	vst v34  }
0xc9: {  	v41 =	vld [tilespmem:s24+$0xFFFFFEA0];
	v32 =	vadd.f32 v57, v32;
	v63 =	vmul.f32 v61, v17;
	[tilespmem:s24+$0x95C0] =	vst v35  }
0xca: {  	v39 =	vld [tilespmem:s24+$0xFFFFFE90];
	v51 =	vperm.xlane v20, v10;
	v49 =	vmul.f32 v61, v18;
	[tilespmem:s24+$0x9550] =	vst v23;
	v36 =	vadd.f32 v62, v36  }
0xcb: {  	v29 =	vld [tilespmem:s24+$0xFFFFFEB0];
	v42 =	vmul.f32 v61, v19;
	[tilespmem:s24+$0x9590] =	vst v32;
	v37 =	vadd.f32 v37, v63  }
0xcc: {  	v28 =	vld [tilespmem:s24+$0xFFFFFEC0];
	v55 =	vmul.f32 v51, v17;
	v40 =	vadd.f32 v40, v49;
	[tilespmem:s24+$0x95D0] =	vst v36  }
0xcd: {  	v27 =	vld [tilespmem:s24+$0xFFFFFED0];
	v53 =	vmul.f32 v51, v16;
	v38 =	vadd.f32 v38, v42;
	[tilespmem:s24+$0x95E0] =	vst v37  }
0xce: {  	v58 =	vperm.xlane v20, v11;
	v26 =	vld [tilespmem:s24+$0xFFFFFEE0];
	v57 =	vmul.f32 v51, v18;
	v41 =	vadd.f32 v41, v55;
	[tilespmem:s24+$0x95F0] =	vst v40  }
0xcf: {  	v25 =	vld [tilespmem:s24+$0xFFFFFEF0];
	v44 =	vmul.f32 v51, v19;
	v39 =	vadd.f32 v53, v39;
	[tilespmem:s24+$0x9600] =	vst v38  }
0xd0: {  	v24 =	vld [tilespmem:s24+$0xFFFFFF00];
	v60 =	vmul.f32 v58, v16;
	[tilespmem:s24+$0x9620] =	vst v41;
	v29 =	vadd.f32 v29, v57  }
0xd1: {  	v22 =	vld [tilespmem:s24+$0xFFFFFF10];
	v45 =	vmul.f32 v58, v17;
	[tilespmem:s24+$0x9610] =	vst v39;
	v28 =	vadd.f32 v28, v44  }
0xd2: {  	v23 =	vld [tilespmem:s24+$0xFFFFFF20];
	v62 =	vmul.f32 v58, v18;
	v27 =	vadd.f32 v60, v27;
	[tilespmem:s24+$0x9630] =	vst v29;
	v29 =	vperm.xlane v20, v12  }
0xd3: {  	v21 =	vld [tilespmem:s24+$0xFFFFFF30];
	v26 =	vadd.f32 v26, v45;
	v39 =	vmul.f32 v58, v19;
	[tilespmem:s24+$0x9640] =	vst v28  }
0xd4: {  	v30 =	vld [tilespmem:s24+$0xFFFFFF40];
	v25 =	vadd.f32 v25, v62;
	[tilespmem:s24+$0x9650] =	vst v27;
	v28 =	vmul.f32 v29, v16  }
0xd5: {  	v31 =	vld [tilespmem:s24+$0xFFFFFF50];
	v24 =	vadd.f32 v24, v39;
	[tilespmem:s24+$0x9660] =	vst v26;
	v27 =	vmul.f32 v29, v17  }
0xd6: {  	v32 =	vld [tilespmem:s24+$0xFFFFFF60];
	[tilespmem:s24+$0x9670] =	vst v25;
	v26 =	vmul.f32 v29, v18;
	v22 =	vadd.f32 v28, v22;
	v28 =	vperm.xlane v20, v13  }
0xd7: {  	v33 =	vld [tilespmem:s24+$0xFFFFFF70];
	v25 =	vmul.f32 v29, v19;
	[tilespmem:s24+$0x9680] =	vst v24;
	v23 =	vadd.f32 v23, v27  }
0xd8: {  	v34 =	vld [tilespmem:s24+$0xFFFFFF80];
	v21 =	vadd.f32 v21, v26;
	v24 =	vmul.f32 v28, v16;
	[tilespmem:s24+$0x9690] =	vst v22  }
0xd9: {  	v48 =	vld [tilespmem:s24+$0xFFFFFF90];
	v22 =	vadd.f32 v30, v25;
	v25 =	vmul.f32 v28, v17;
	[tilespmem:s24+$0x96A0] =	vst v23  }
0xda: {  	v50 =	vld [tilespmem:s24+$0xFFFFFFA0];
	v23 =	vperm.xlane v20, v14;
	v26 =	vmul.f32 v28, v18;
	[tilespmem:s24+$0x96B0] =	vst v21;
	v24 =	vadd.f32 v24, v31  }
0xdb: {  	v52 =	vld [tilespmem:s24+$0xFFFFFFB0];
	v21 =	vmul.f32 v28, v19;
	v25 =	vadd.f32 v32, v25;
	[tilespmem:s24+$0x96C0] =	vst v22  }
0xdc: {  	v54 =	vld [tilespmem:s24+$0xFFFFFFC0];
	v22 =	vmul.f32 v23, v16;
	v26 =	vadd.f32 v33, v26;
	[tilespmem:s24+$0x96D0] =	vst v24  }
0xdd: {  	v56 =	vld [tilespmem:s24+$0xFFFFFFD0];
	v21 =	vadd.f32 v34, v21;
	v24 =	vmul.f32 v23, v17;
	[tilespmem:s24+$0x96E0] =	vst v25  }
0xde: {  	v59 =	vld [tilespmem:s24+$0xFFFFFFE0];
	v20 =	vperm.xlane v20, v15;
	v22 =	vadd.f32 v22, v48;
	v25 =	vmul.f32 v23, v18;
	[tilespmem:s24+$0x96F0] =	vst v26  }
0xdf: {  	v61 =	vld [tilespmem:s24+$0xFFFFFFF0];
	v23 =	vmul.f32 v23, v19;
	[tilespmem:s24+$0x9700] =	vst v21;
	v24 =	vadd.f32 v50, v24  }
0xe0: {  	v63 =	vld [tilespmem:s24+$0x0];
	v21 =	vadd.f32 v52, v25;
	v25 =	vmul.f32 v20, v16;
	[tilespmem:s24+$0x9710] =	vst v22  }
0xe1: {  	v22 =	vadd.f32 v54, v23;
	v23 =	vmul.f32 v20, v17;
	[tilespmem:s24+$0x9720] =	vst v24  }
0xe2: {  	v24 =	vmul.f32 v20, v18;
	v25 =	vadd.f32 v25, v56;
	[tilespmem:s24+$0x9730] =	vst v21  }
0xe3: {  	v20 =	vmul.f32 v20, v19;
	v21 =	vadd.f32 v59, v23;
	[tilespmem:s24+$0x9740] =	vst v22  }
0xe4: {  	v22 =	vadd.f32 v61, v24;
	[tilespmem:s24+$0x9750] =	vst v25  }
0xe5: {  	v20 =	vadd.f32 v63, v20;
	[tilespmem:s24+$0x9760] =	vst v21  }
0xe6: {  	[tilespmem:s24+$0x9770] =	vst v22  }
0xe7: {  	[tilespmem:s24+$0x9780] =	vst v20  }
0xe8: {  	v20 =	vld [tilespmem:s26+$0x33C0];
	_ =	sdelay $0x4  }
0xe9: {  	v20 =	vcvt.s32.f32 v20  }
0xea: {  	v21 =	vld [tilespmem:$0x3000]  }
0xeb: {  	v23 =	vld [tilespmem:$0x3010];
	v22 =	vperm.xlane v20, v0  }
0xec: {  	v24 =	vld [tilespmem:$0x3020]  }
0xed: {  	v26 =	vld [tilespmem:$0x3030];
	v25 =	vmul.f32 v22, v16  }
0xee: {  	v28 =	vld [tilespmem:$0x3040];
	v27 =	vmul.f32 v22, v17  }
0xef: {  	v30 =	vld [tilespmem:$0x3050];
	v29 =	vperm.xlane v20, v1;
	v21 =	vadd.f32 v25, v21;
	v25 =	vmul.f32 v22, v18  }
0xf0: {  	v23 =	vadd.f32 v23, v27;
	v22 =	vmul.f32 v22, v19;
	v27 =	vld [tilespmem:$0x3060]  }
0xf1: {  	[tilespmem:$0xC780] =	vst v21;
	v21 =	vadd.f32 v24, v25;
	v24 =	vmul.f32 v29, v16;
	v25 =	vld [tilespmem:$0x3070]  }
0xf2: {  	[tilespmem:$0xC790] =	vst v23;
	v22 =	vadd.f32 v26, v22;
	v23 =	vmul.f32 v29, v17;
	v26 =	vld [tilespmem:$0x3080]  }
0xf3: {  	v31 =	vld [tilespmem:$0x3090];
	[tilespmem:$0xC7A0] =	vst v21;
	v21 =	vadd.f32 v24, v28;
	v24 =	vmul.f32 v29, v18;
	v28 =	vperm.xlane v20, v2  }
0xf4: {  	[tilespmem:$0xC7B0] =	vst v22;
	v22 =	vadd.f32 v30, v23;
	v23 =	vmul.f32 v29, v19;
	v29 =	vld [tilespmem:$0x30A0]  }
0xf5: {  	[tilespmem:$0xC7C0] =	vst v21;
	v21 =	vadd.f32 v27, v24;
	v24 =	vmul.f32 v28, v16;
	v27 =	vld [tilespmem:$0x30B0]  }
0xf6: {  	[tilespmem:$0xC7D0] =	vst v22;
	v22 =	vadd.f32 v25, v23;
	v23 =	vmul.f32 v28, v17;
	v25 =	vld [tilespmem:$0x30C0]  }
0xf7: {  	v30 =	vld [tilespmem:$0x30D0];
	[tilespmem:$0xC7E0] =	vst v21;
	v21 =	vadd.f32 v24, v26;
	v24 =	vmul.f32 v28, v18;
	v26 =	vperm.xlane v20, v3  }
0xf8: {  	[tilespmem:$0xC7F0] =	vst v22;
	v22 =	vadd.f32 v31, v23;
	v23 =	vmul.f32 v28, v19;
	v28 =	vld [tilespmem:$0x30E0]  }
0xf9: {  	[tilespmem:$0xC800] =	vst v21;
	v21 =	vadd.f32 v29, v24;
	v24 =	vmul.f32 v26, v16;
	v29 =	vld [tilespmem:$0x30F0]  }
0xfa: {  	[tilespmem:$0xC810] =	vst v22;
	v22 =	vadd.f32 v27, v23;
	v23 =	vmul.f32 v26, v17;
	v27 =	vld [tilespmem:$0x3100]  }
0xfb: {  	v31 =	vld [tilespmem:$0x3110];
	[tilespmem:$0xC820] =	vst v21;
	v21 =	vadd.f32 v24, v25;
	v24 =	vmul.f32 v26, v18;
	v25 =	vperm.xlane v20, v4  }
0xfc: {  	[tilespmem:$0xC830] =	vst v22;
	v22 =	vadd.f32 v30, v23;
	v23 =	vmul.f32 v26, v19;
	v26 =	vld [tilespmem:$0x3120]  }
0xfd: {  	[tilespmem:$0xC840] =	vst v21;
	v21 =	vadd.f32 v28, v24;
	v24 =	vmul.f32 v25, v16;
	v28 =	vld [tilespmem:$0x3130]  }
0xfe: {  	[tilespmem:$0xC850] =	vst v22;
	v22 =	vadd.f32 v29, v23;
	v23 =	vmul.f32 v25, v17;
	v29 =	vld [tilespmem:$0x3140]  }
0xff: {  	v30 =	vld [tilespmem:$0x3150];
	[tilespmem:$0xC860] =	vst v21;
	v21 =	vadd.f32 v24, v27;
	v24 =	vmul.f32 v25, v18;
	v27 =	vperm.xlane v20, v5  }
0x100: {  	[tilespmem:$0xC870] =	vst v22;
	v22 =	vadd.f32 v31, v23;
	v23 =	vmul.f32 v25, v19;
	v25 =	vld [tilespmem:$0x3160]  }
0x101: {  	[tilespmem:$0xC880] =	vst v21;
	v21 =	vadd.f32 v26, v24;
	v24 =	vmul.f32 v27, v16;
	v26 =	vld [tilespmem:$0x3170]  }
0x102: {  	[tilespmem:$0xC890] =	vst v22;
	v22 =	vadd.f32 v28, v23;
	v23 =	vmul.f32 v27, v17;
	v28 =	vld [tilespmem:$0x3180]  }
0x103: {  	v31 =	vld [tilespmem:$0x3190];
	[tilespmem:$0xC8A0] =	vst v21;
	v21 =	vadd.f32 v24, v29;
	v24 =	vmul.f32 v27, v18;
	v29 =	vperm.xlane v20, v6  }
0x104: {  	[tilespmem:$0xC8B0] =	vst v22;
	v22 =	vadd.f32 v30, v23;
	v23 =	vmul.f32 v27, v19;
	v27 =	vld [tilespmem:$0x31A0]  }
0x105: {  	[tilespmem:$0xC8C0] =	vst v21;
	v21 =	vadd.f32 v25, v24;
	v24 =	vmul.f32 v29, v16;
	v25 =	vld [tilespmem:$0x31B0]  }
0x106: {  	[tilespmem:$0xC8D0] =	vst v22;
	v22 =	vadd.f32 v26, v23;
	v23 =	vmul.f32 v29, v17;
	v26 =	vld [tilespmem:$0x31C0]  }
0x107: {  	v20 =	vperm.xlane v20, v7;
	[tilespmem:$0xC8E0] =	vst v21;
	v21 =	vadd.f32 v24, v28;
	v24 =	vmul.f32 v29, v18;
	v28 =	vld [tilespmem:$0x31D0]  }
0x108: {  	[tilespmem:$0xC8F0] =	vst v22;
	v22 =	vadd.f32 v31, v23;
	v23 =	vmul.f32 v29, v19;
	v29 =	vld [tilespmem:$0x31E0]  }
0x109: {  	[tilespmem:$0xC900] =	vst v21;
	v21 =	vadd.f32 v27, v24;
	v24 =	vmul.f32 v20, v16;
	v27 =	vld [tilespmem:$0x31F0]  }
0x10a: {  	[tilespmem:$0xC910] =	vst v22;
	v22 =	vadd.f32 v25, v23;
	v23 =	vmul.f32 v20, v17  }
0x10b: {  	[tilespmem:$0xC920] =	vst v21;
	v21 =	vadd.f32 v24, v26;
	v24 =	vmul.f32 v20, v18  }
0x10c: {  	v20 =	vmul.f32 v20, v19;
	[tilespmem:$0xC930] =	vst v22;
	v22 =	vadd.f32 v28, v23;
	v23 =	vld [tilespmem:$0x3200]  }
0x10d: {  	[tilespmem:$0xC940] =	vst v21;
	v21 =	vadd.f32 v29, v24;
	v24 =	vld [tilespmem:$0x3210]  }
0x10e: {  	s26 =	sadd.s32 s7, s25;
	[tilespmem:$0xC950] =	vst v22;
	v20 =	vadd.f32 v27, v20;
	v22 =	vld [tilespmem:$0x3220]  }
0x10f: {  	s24 =	sshrl.u32 s26, $0x3;
	[tilespmem:$0xC960] =	vst v21;
	v21 =	vld [tilespmem:$0x3230]  }
0x110: {  	s31 =	sshll.u32 s21, $0x8;
	s24 =	smul.u32 $0x19400, s24;
	[tilespmem:$0xC970] =	vst v20  }
0x111: {  	s26 =	sand.u32 $0x300, s31;
	[tilespmem:$0xC980] =	vst v23  }
0x112: {  	s26 =	sor.u32 s26, s24;
	[tilespmem:$0xC990] =	vst v24  }
0x113: {  	s26 =	sshrl.u32 s26, $0x3;
	[tilespmem:$0xC9A0] =	vst v22  }
0x114: {  	s26 =	sadd.s32 s6, s26;
	[tilespmem:$0xC9B0] =	vst v21  }
0x115: {  	[hbm4b:s26+s14] =	stream.strided.scatter [tilespmem:s16], [sflag:$0x1], $0x3280, s15, s14, $0x38;
	[tilespmem:$0xFC80] =	vst v63  }
0x116: {  	s26 =	simm.s32 @!p0 $0x2  }
0x117: {  	_ =	swait.ge @!p0 [sflag:s26], $0x3280  }
0x118: {  	[sflag:s26] =	ssyncset.done @!p0 $0x0  }
0x119: {  	[sflag:s26] =	ssyncadd.s32 @!p0 $0xFFFFCD80;
	s26 =	simm.s32 $0x3F0  }
0x11a: {  	v29 =	vld [tilespmem:s26+$0xFFFFFC10]  }
0x11b: {  	v28 =	vld [tilespmem:s26+$0xFFFFFC20]  }
0x11c: {  	v27 =	vld [tilespmem:s26+$0xFFFFFC30]  }
0x11d: {  	v26 =	vld [tilespmem:s26+$0xFFFFFC40]  }
0x11e: {  	v25 =	vld [tilespmem:s26+$0xFFFFFC50]  }
0x11f: {  	v24 =	vld [tilespmem:s26+$0xFFFFFC60]  }
0x120: {  	s25 =	sor.u32 $0x1, s25;
	v22 =	vld [tilespmem:s26+$0xFFFFFC70]  }
0x121: {  	s28 =	smul.u32 $0x320, s25;
	v23 =	vld [tilespmem:s26+$0xFFFFFC80]  }
0x122: {  	v21 =	vld [tilespmem:s26+$0xFFFFFC90]  }
0x123: {  	s29 =	simm.s32 $0x1FC0;
	s30 =	smov.u32 s23;
	s28 =	sshra.s32 s28, $0x2;
	v20 =	vld [tilespmem:s23+$0x0]  }
.LBB2_7:
0x124: {  	p0 =	sne.s32 s29, $0xBFC0;
	v30 =	vld [tilespmem:s26+$0xFFFFFCA0]  }
0x125: {  	v31 =	vld [tilespmem:s26+$0xFFFFFCB0]  }
0x126: {  	v32 =	vld [tilespmem:s26+$0xFFFFFCC0]  }
0x127: {  	v33 =	vld [tilespmem:s26+$0xFFFFFCD0]  }
0x128: {  	v20 =	vcvt.s32.f32 v20;
	v34 =	vld [tilespmem:s26+$0xFFFFFCE0]  }
0x129: {  	v35 =	vld [tilespmem:s26+$0xFFFFFCF0]  }
0x12a: {  	v36 =	vperm.xlane v20, v0;
	v37 =	vperm.xlane v20, v1;
	v38 =	vld [tilespmem:s26+$0xFFFFFD00]  }
0x12b: {  	v39 =	vperm.xlane v20, v2;
	v40 =	vperm.xlane v20, v3;
	v41 =	vld [tilespmem:s26+$0xFFFFFD10]  }
0x12c: {  	v42 =	vmul.f32 v36, v16;
	v43 =	vmul.f32 v36, v17;
	v44 =	vld [tilespmem:s26+$0xFFFFFD20]  }
0x12d: {  	v45 =	vmul.f32 v36, v18;
	v36 =	vmul.f32 v36, v19;
	v46 =	vld [tilespmem:s26+$0xFFFFFD30]  }
0x12e: {  	v29 =	vadd.f32 v42, v29;
	v28 =	vadd.f32 v28, v43;
	v42 =	vmul.f32 v37, v16;
	v43 =	vld [tilespmem:s26+$0xFFFFFD40]  }
0x12f: {  	v27 =	vadd.f32 v27, v45;
	v26 =	vadd.f32 v26, v36;
	v36 =	vmul.f32 v37, v17;
	v45 =	vld [tilespmem:s26+$0xFFFFFD50]  }
0x130: {  	[tilespmem:s26+$0xC610] =	vst v29;
	v25 =	vadd.f32 v42, v25;
	v29 =	vmul.f32 v37, v18;
	v37 =	vmul.f32 v37, v19;
	v42 =	vld [tilespmem:s26+$0xFFFFFD60]  }
0x131: {  	v24 =	vadd.f32 v24, v36;
	v36 =	vmul.f32 v39, v17;
	[tilespmem:s26+$0xC620] =	vst v28;
	v28 =	vmul.f32 v39, v16;
	v47 =	vld [tilespmem:s26+$0xFFFFFD70]  }
0x132: {  	[tilespmem:s26+$0xC630] =	vst v27;
	v22 =	vadd.f32 v22, v29;
	v23 =	vadd.f32 v23, v37;
	v27 =	vmul.f32 v39, v18;
	v29 =	vld [tilespmem:s26+$0xFFFFFD80]  }
0x133: {  	[tilespmem:s26+$0xC640] =	vst v26;
	v21 =	vadd.f32 v28, v21;
	v26 =	vadd.f32 v30, v36;
	v28 =	vmul.f32 v39, v19;
	v30 =	vld [tilespmem:s26+$0xFFFFFD90]  }
0x134: {  	[tilespmem:s26+$0xC650] =	vst v25;
	v25 =	vadd.f32 v31, v27;
	v27 =	vmul.f32 v40, v16;
	v31 =	vmul.f32 v40, v17;
	v36 =	vld [tilespmem:s26+$0xFFFFFDA0]  }
0x135: {  	[tilespmem:s26+$0xC660] =	vst v24;
	v24 =	vadd.f32 v32, v28;
	v28 =	vmul.f32 v40, v18;
	v32 =	vmul.f32 v40, v19;
	v37 =	vld [tilespmem:s26+$0xFFFFFDB0]  }
0x136: {  	[tilespmem:s26+$0xC670] =	vst v22;
	v22 =	vadd.f32 v27, v33;
	v27 =	vadd.f32 v34, v31;
	v31 =	vperm.xlane v20, v4;
	v33 =	vld [tilespmem:s26+$0xFFFFFDC0]  }
0x137: {  	[tilespmem:s26+$0xC680] =	vst v23;
	v23 =	vadd.f32 v35, v28;
	v28 =	vadd.f32 v38, v32;
	v32 =	vperm.xlane v20, v5;
	v34 =	vld [tilespmem:s26+$0xFFFFFDD0]  }
0x138: {  	[tilespmem:s26+$0xC690] =	vst v21;
	v21 =	vmul.f32 v31, v16;
	v35 =	vmul.f32 v31, v17;
	v38 =	vld [tilespmem:s26+$0xFFFFFDE0]  }
0x139: {  	[tilespmem:s26+$0xC6A0] =	vst v26;
	v26 =	vmul.f32 v31, v18;
	v31 =	vmul.f32 v31, v19;
	v39 =	vld [tilespmem:s26+$0xFFFFFDF0]  }
0x13a: {  	[tilespmem:s26+$0xC6B0] =	vst v25;
	v21 =	vadd.f32 v21, v41;
	v25 =	vadd.f32 v44, v35;
	v35 =	vmul.f32 v32, v16;
	v40 =	vld [tilespmem:s26+$0xFFFFFE00]  }
0x13b: {  	[tilespmem:s26+$0xC6C0] =	vst v24;
	v24 =	vadd.f32 v46, v26;
	v26 =	vadd.f32 v43, v31;
	v31 =	vmul.f32 v32, v17;
	v41 =	vld [tilespmem:s26+$0xFFFFFE10]  }
0x13c: {  	[tilespmem:s26+$0xC6D0] =	vst v22;
	v22 =	vadd.f32 v35, v45;
	v35 =	vmul.f32 v32, v18;
	v32 =	vmul.f32 v32, v19;
	v43 =	vld [tilespmem:s26+$0xFFFFFE20]  }
0x13d: {  	[tilespmem:s26+$0xC6E0] =	vst v27;
	v27 =	vadd.f32 v42, v31;
	v31 =	vperm.xlane v20, v6;
	v42 =	vperm.xlane v20, v7;
	v44 =	vld [tilespmem:s26+$0xFFFFFE30]  }
0x13e: {  	[tilespmem:s26+$0xC6F0] =	vst v23;
	v23 =	vadd.f32 v47, v35;
	v29 =	vadd.f32 v29, v32;
	v32 =	vperm.xlane v20, v8;
	v35 =	vld [tilespmem:s26+$0xFFFFFE40]  }
0x13f: {  	[tilespmem:s26+$0xC700] =	vst v28;
	v28 =	vmul.f32 v31, v16;
	v45 =	vmul.f32 v31, v17;
	v46 =	vld [tilespmem:s26+$0xFFFFFE50]  }
0x140: {  	[tilespmem:s26+$0xC710] =	vst v21;
	v21 =	vmul.f32 v31, v18;
	v31 =	vmul.f32 v31, v19;
	v47 =	vld [tilespmem:s26+$0xFFFFFE60]  }
0x141: {  	[tilespmem:s26+$0xC720] =	vst v25;
	v25 =	vadd.f32 v28, v30;
	v28 =	vadd.f32 v36, v45;
	v30 =	vmul.f32 v42, v16;
	v36 =	vld [tilespmem:s26+$0xFFFFFE70]  }
0x142: {  	[tilespmem:s26+$0xC730] =	vst v24;
	v21 =	vadd.f32 v37, v21;
	v24 =	vadd.f32 v33, v31;
	v31 =	vmul.f32 v42, v17;
	v33 =	vld [tilespmem:s26+$0xFFFFFE80]  }
0x143: {  	[tilespmem:s26+$0xC740] =	vst v26;
	v26 =	vadd.f32 v30, v34;
	v30 =	vmul.f32 v42, v18;
	v34 =	vmul.f32 v42, v19;
	v37 =	vld [tilespmem:s26+$0xFFFFFE90]  }
0x144: {  	[tilespmem:s26+$0xC750] =	vst v22;
	v22 =	vadd.f32 v38, v31;
	v31 =	vmul.f32 v32, v16;
	v38 =	vmul.f32 v32, v17;
	v42 =	vld [tilespmem:s26+$0xFFFFFEA0]  }
0x145: {  	[tilespmem:s26+$0xC760] =	vst v27;
	v27 =	vadd.f32 v39, v30;
	v30 =	vadd.f32 v40, v34;
	v34 =	vmul.f32 v32, v18;
	v39 =	vld [tilespmem:s26+$0xFFFFFEB0]  }
0x146: {  	v32 =	vmul.f32 v32, v19;
	[tilespmem:s26+$0xC770] =	vst v23;
	v23 =	vadd.f32 v31, v41;
	v31 =	vadd.f32 v43, v38;
	v38 =	vld [tilespmem:s26+$0xFFFFFEC0]  }
0x147: {  	v40 =	vperm.xlane v20, v10;
	[tilespmem:s26+$0xC780] =	vst v29;
	v29 =	vadd.f32 v44, v34;
	v34 =	vperm.xlane v20, v9;
	v41 =	vld [tilespmem:s26+$0xFFFFFED0]  }
0x148: {  	v43 =	vperm.xlane v20, v12;
	[tilespmem:s26+$0xC790] =	vst v25;
	v25 =	vadd.f32 v35, v32;
	v32 =	vperm.xlane v20, v11;
	v35 =	vld [tilespmem:s26+$0xFFFFFEE0]  }
0x149: {  	[tilespmem:s26+$0xC7A0] =	vst v28;
	v28 =	vmul.f32 v34, v16;
	v44 =	vmul.f32 v34, v17;
	v45 =	vld [tilespmem:s26+$0xFFFFFEF0]  }
0x14a: {  	[tilespmem:s26+$0xC7B0] =	vst v21;
	v21 =	vmul.f32 v34, v18;
	v34 =	vmul.f32 v34, v19;
	v48 =	vld [tilespmem:s26+$0xFFFFFF00]  }
0x14b: {  	[tilespmem:s26+$0xC7C0] =	vst v24;
	v24 =	vadd.f32 v28, v46;
	v28 =	vadd.f32 v47, v44;
	v44 =	vmul.f32 v40, v16;
	v46 =	vld [tilespmem:s26+$0xFFFFFF10]  }
0x14c: {  	[tilespmem:s26+$0xC7D0] =	vst v26;
	v21 =	vadd.f32 v36, v21;
	v26 =	vadd.f32 v33, v34;
	v33 =	vmul.f32 v40, v17;
	v34 =	vld [tilespmem:s26+$0xFFFFFF20]  }
0x14d: {  	v36 =	vmul.f32 v40, v18;
	[tilespmem:s26+$0xC7E0] =	vst v22;
	v22 =	vadd.f32 v44, v37;
	v37 =	vmul.f32 v40, v19;
	v40 =	vld [tilespmem:s26+$0xFFFFFF30]  }
0x14e: {  	[tilespmem:s26+$0xC7F0] =	vst v27;
	v27 =	vadd.f32 v42, v33;
	v33 =	vmul.f32 v32, v16;
	v42 =	vmul.f32 v32, v17;
	v44 =	vld [tilespmem:s26+$0xFFFFFF40]  }
0x14f: {  	[tilespmem:s26+$0xC800] =	vst v30;
	v30 =	vadd.f32 v39, v36;
	v36 =	vadd.f32 v38, v37;
	v37 =	vmul.f32 v32, v18;
	v38 =	vld [tilespmem:s26+$0xFFFFFF50]  }
0x150: {  	v32 =	vmul.f32 v32, v19;
	[tilespmem:s26+$0xC810] =	vst v23;
	v23 =	vadd.f32 v33, v41;
	v33 =	vadd.f32 v35, v42;
	v35 =	vld [tilespmem:s26+$0xFFFFFF60]  }
0x151: {  	v39 =	vmul.f32 v43, v17;
	[tilespmem:s26+$0xC820] =	vst v31;
	v31 =	vadd.f32 v45, v37;
	v37 =	vmul.f32 v43, v16;
	v41 =	vld [tilespmem:s26+$0xFFFFFF70]  }
0x152: {  	v42 =	vmul.f32 v43, v19;
	[tilespmem:s26+$0xC830] =	vst v29;
	v29 =	vadd.f32 v48, v32;
	v32 =	vmul.f32 v43, v18;
	v43 =	vld [tilespmem:s26+$0xFFFFFF80]  }
0x153: {  	v34 =	vadd.f32 v34, v39;
	[tilespmem:s26+$0xC840] =	vst v25;
	v25 =	vadd.f32 v37, v46;
	v37 =	vperm.xlane v20, v13;
	v39 =	vld [tilespmem:s26+$0xFFFFFF90]  }
0x154: {  	[tilespmem:s26+$0xC850] =	vst v24;
	v24 =	vadd.f32 v40, v32;
	v32 =	vadd.f32 v44, v42;
	v40 =	vperm.xlane v20, v14;
	v42 =	vld [tilespmem:s26+$0xFFFFFFA0]  }
0x155: {  	[tilespmem:s26+$0xC860] =	vst v28;
	v28 =	vmul.f32 v37, v16;
	v44 =	vmul.f32 v37, v17;
	v45 =	vld [tilespmem:s26+$0xFFFFFFB0]  }
0x156: {  	[tilespmem:s26+$0xC870] =	vst v21;
	v21 =	vmul.f32 v37, v18;
	v37 =	vmul.f32 v37, v19;
	v46 =	vld [tilespmem:s26+$0xFFFFFFC0]  }
0x157: {  	[tilespmem:s26+$0xC880] =	vst v26;
	v26 =	vadd.f32 v28, v38;
	v28 =	vadd.f32 v35, v44;
	v35 =	vmul.f32 v40, v16;
	v38 =	vld [tilespmem:s26+$0xFFFFFFD0]  }
0x158: {  	[tilespmem:s26+$0xC890] =	vst v22;
	v21 =	vadd.f32 v41, v21;
	v22 =	vadd.f32 v43, v37;
	v37 =	vmul.f32 v40, v17;
	v41 =	vld [tilespmem:s26+$0xFFFFFFE0]  }
0x159: {  	[tilespmem:s26+$0xC8A0] =	vst v27;
	v27 =	vadd.f32 v35, v39;
	v35 =	vmul.f32 v40, v18;
	v39 =	vmul.f32 v40, v19;
	v40 =	vld [tilespmem:s26+$0xFFFFFFF0]  }
0x15a: {  	v20 =	vperm.xlane v20, v15;
	[tilespmem:s26+$0xC8B0] =	vst v30;
	v30 =	vadd.f32 v42, v37;
	v37 =	vld [tilespmem:s26+$0x0]  }
0x15b: {  	[tilespmem:s26+$0xC8C0] =	vst v36;
	v35 =	vadd.f32 v45, v35;
	v36 =	vadd.f32 v46, v39  }
0x15c: {  	v39 =	vmul.f32 v20, v17;
	[tilespmem:s26+$0xC8D0] =	vst v23;
	v23 =	vmul.f32 v20, v16  }
0x15d: {  	[tilespmem:s26+$0xC8E0] =	vst v33;
	v33 =	vmul.f32 v20, v18;
	v20 =	vmul.f32 v20, v19  }
0x15e: {  	[tilespmem:s26+$0xC8F0] =	vst v31;
	v23 =	vadd.f32 v23, v38;
	v31 =	vadd.f32 v41, v39  }
0x15f: {  	[tilespmem:s26+$0xC900] =	vst v29;
	v33 =	vadd.f32 v40, v33;
	v20 =	vadd.f32 v37, v20  }
0x160: {  	[tilespmem:s26+$0xC910] =	vst v25  }
0x161: {  	[tilespmem:s26+$0xC920] =	vst v34  }
0x162: {  	[tilespmem:s26+$0xC930] =	vst v24  }
0x163: {  	[tilespmem:s26+$0xC940] =	vst v32  }
0x164: {  	[tilespmem:s26+$0xC950] =	vst v26  }
0x165: {  	[tilespmem:s26+$0xC960] =	vst v28  }
0x166: {  	s31 =	sshra.s32 s29, $0x2;
	[tilespmem:s26+$0xC970] =	vst v21  }
0x167: {  	v29 =	vld [tilespmem:s31+$0xFFFFFC10];
	[tilespmem:s26+$0xC980] =	vst v22  }
0x168: {  	v28 =	vld [tilespmem:s31+$0xFFFFFC20];
	[tilespmem:s26+$0xC990] =	vst v27  }
0x169: {  	v27 =	vld [tilespmem:s31+$0xFFFFFC30];
	[tilespmem:s26+$0xC9A0] =	vst v30  }
0x16a: {  	v26 =	vld [tilespmem:s31+$0xFFFFFC40];
	[tilespmem:s26+$0xC9B0] =	vst v35  }
0x16b: {  	v25 =	vld [tilespmem:s31+$0xFFFFFC50];
	[tilespmem:s26+$0xC9C0] =	vst v36  }
.Ltmp2:
0x16c: {  	v24 =	vld [tilespmem:s31+$0xFFFFFC60];
	[tilespmem:s26+$0xC9D0] =	vst v23;
	(pc) =	sbr.rel @p0 .LBB2_7-.Ltmp2, $4  }
0x16d: {  	v22 =	vld [tilespmem:s31+$0xFFFFFC70];
	[tilespmem:s26+$0xC9E0] =	vst v31  }
0x16e: {  	v23 =	vld [tilespmem:s31+$0xFFFFFC80];
	[tilespmem:s26+$0xC9F0] =	vst v33  }
0x16f: {  	s30 =	sadd.s32 $0x10, s30;
	v21 =	vld [tilespmem:s31+$0xFFFFFC90];
	[tilespmem:s26+$0xCA00] =	vst v20;
	s26 =	smov.u32 s31  }
0x170: {  	s29 =	sadd.s32 $0x1000, s29;
	v20 =	vld [tilespmem:s30+$0x0]  }
0x171: {  	_ =	sdelay $0x3  }
0x172: {  	v20 =	vcvt.s32.f32 v20;
	_ =	sdelay $0x1  }
0x173: {  	v36 =	vperm.xlane v20, v0;
	_ =	sdelay $0x1  }
0x174: {  	v39 =	vmul.f32 v36, v16  }
0x175: {  	v42 =	vmul.f32 v36, v17  }
0x176: {  	v62 =	vperm.xlane v20, v1;
	v44 =	vmul.f32 v36, v18;
	v29 =	vadd.f32 v39, v29  }
0x177: {  	v36 =	vmul.f32 v36, v19;
	v28 =	vadd.f32 v28, v42  }
0x178: {  	v63 =	vmul.f32 v62, v16;
	v27 =	vadd.f32 v27, v44;
	[tilespmem:s26+$0xC610] =	vst v29  }
0x179: {  	v30 =	vld [tilespmem:s26+$0xFFFFFCA0];
	v50 =	vperm.xlane v20, v2;
	v48 =	vmul.f32 v62, v17;
	v26 =	vadd.f32 v26, v36;
	[tilespmem:s26+$0xC620] =	vst v28  }
0x17a: {  	v31 =	vld [tilespmem:s26+$0xFFFFFCB0];
	v49 =	vmul.f32 v62, v18;
	v25 =	vadd.f32 v63, v25;
	[tilespmem:s26+$0xC630] =	vst v27  }
0x17b: {  	v33 =	vld [tilespmem:s26+$0xFFFFFCD0];
	v51 =	vmul.f32 v50, v16;
	v24 =	vadd.f32 v24, v48;
	[tilespmem:s26+$0xC640] =	vst v26  }
0x17c: {  	v34 =	vld [tilespmem:s26+$0xFFFFFCE0];
	v54 =	vperm.xlane v20, v3;
	v52 =	vmul.f32 v50, v17;
	v22 =	vadd.f32 v22, v49;
	[tilespmem:s26+$0xC650] =	vst v25  }
0x17d: {  	v35 =	vld [tilespmem:s26+$0xFFFFFCF0];
	v53 =	vmul.f32 v50, v18;
	v21 =	vadd.f32 v51, v21;
	[tilespmem:s26+$0xC660] =	vst v24  }
0x17e: {  	v40 =	vld [tilespmem:s26+$0xFFFFFD20];
	v55 =	vmul.f32 v54, v16;
	v30 =	vadd.f32 v30, v52;
	[tilespmem:s26+$0xC670] =	vst v22  }
0x17f: {  	v59 =	vperm.xlane v20, v4;
	v56 =	vmul.f32 v54, v17;
	v31 =	vadd.f32 v31, v53;
	[tilespmem:s26+$0xC690] =	vst v21  }
0x180: {  	v32 =	vld [tilespmem:s26+$0xFFFFFCC0];
	v57 =	vmul.f32 v54, v18;
	v33 =	vadd.f32 v55, v33;
	[tilespmem:s26+$0xC6A0] =	vst v30  }
0x181: {  	v37 =	vld [tilespmem:s26+$0xFFFFFD00];
	v61 =	vmul.f32 v59, v17;
	v34 =	vadd.f32 v34, v56;
	[tilespmem:s26+$0xC6B0] =	vst v31  }
0x182: {  	v38 =	vld [tilespmem:s26+$0xFFFFFD10];
	v42 =	vmul.f32 v62, v19;
	v35 =	vadd.f32 v35, v57;
	[tilespmem:s26+$0xC6D0] =	vst v33  }
0x183: {  	v41 =	vld [tilespmem:s26+$0xFFFFFD30];
	v36 =	vmul.f32 v50, v19;
	v40 =	vadd.f32 v40, v61;
	[tilespmem:s26+$0xC6E0] =	vst v34  }
0x184: {  	v43 =	vld [tilespmem:s26+$0xFFFFFD50];
	v58 =	vmul.f32 v54, v19;
	v23 =	vadd.f32 v23, v42;
	[tilespmem:s26+$0xC6F0] =	vst v35  }
0x185: {  	v60 =	vmul.f32 v59, v16;
	v39 =	vld [tilespmem:s26+$0xFFFFFD40];
	v63 =	vperm.xlane v20, v5;
	v32 =	vadd.f32 v32, v36;
	[tilespmem:s26+$0xC720] =	vst v40  }
0x186: {  	v62 =	vmul.f32 v59, v18;
	v29 =	vld [tilespmem:s26+$0xFFFFFD60];
	v36 =	vadd.f32 v37, v58;
	[tilespmem:s26+$0xC680] =	vst v23  }
0x187: {  	v28 =	vld [tilespmem:s26+$0xFFFFFD70];
	v37 =	vadd.f32 v60, v38;
	v46 =	vmul.f32 v63, v16;
	[tilespmem:s26+$0xC6C0] =	vst v32  }
0x188: {  	v27 =	vld [tilespmem:s26+$0xFFFFFD80];
	v42 =	vmul.f32 v59, v19;
	v38 =	vadd.f32 v41, v62;
	[tilespmem:s26+$0xC700] =	vst v36  }
0x189: {  	v26 =	vld [tilespmem:s26+$0xFFFFFD90];
	v47 =	vmul.f32 v63, v17;
	[tilespmem:s26+$0xC710] =	vst v37;
	v41 =	vadd.f32 v46, v43  }
0x18a: {  	v50 =	vperm.xlane v20, v6;
	v25 =	vld [tilespmem:s26+$0xFFFFFDA0];
	v48 =	vmul.f32 v63, v18;
	[tilespmem:s26+$0xC730] =	vst v38;
	v39 =	vadd.f32 v39, v42  }
0x18b: {  	v24 =	vld [tilespmem:s26+$0xFFFFFDB0];
	v49 =	vmul.f32 v63, v19;
	[tilespmem:s26+$0xC750] =	vst v41;
	v29 =	vadd.f32 v29, v47  }
0x18c: {  	v22 =	vld [tilespmem:s26+$0xFFFFFDC0];
	v51 =	vmul.f32 v50, v16;
	[tilespmem:s26+$0xC740] =	vst v39;
	v28 =	vadd.f32 v28, v48  }
0x18d: {  	v21 =	vld [tilespmem:s26+$0xFFFFFDE0];
	v52 =	vmul.f32 v50, v17;
	v27 =	vadd.f32 v27, v49;
	[tilespmem:s26+$0xC760] =	vst v29  }
0x18e: {  	v54 =	vperm.xlane v20, v7;
	v30 =	vld [tilespmem:s26+$0xFFFFFDF0];
	v53 =	vmul.f32 v50, v18;
	v26 =	vadd.f32 v51, v26;
	[tilespmem:s26+$0xC770] =	vst v28  }
0x18f: {  	v31 =	vld [tilespmem:s26+$0xFFFFFE00];
	v44 =	vmul.f32 v50, v19;
	v25 =	vadd.f32 v25, v52;
	[tilespmem:s26+$0xC780] =	vst v27  }
0x190: {  	v56 =	vmul.f32 v54, v17;
	v33 =	vld [tilespmem:s26+$0xFFFFFE20];
	v24 =	vadd.f32 v24, v53;
	[tilespmem:s26+$0xC790] =	vst v26  }
0x191: {  	v57 =	vmul.f32 v54, v18;
	v34 =	vld [tilespmem:s26+$0xFFFFFE30];
	v58 =	vperm.xlane v20, v8;
	v22 =	vadd.f32 v22, v44;
	[tilespmem:s26+$0xC7A0] =	vst v25  }
0x192: {  	v35 =	vld [tilespmem:s26+$0xFFFFFE40];
	v43 =	vmul.f32 v54, v19;
	v21 =	vadd.f32 v21, v56;
	[tilespmem:s26+$0xC7B0] =	vst v24  }
0x193: {  	v40 =	vld [tilespmem:s26+$0xFFFFFE70];
	v60 =	vmul.f32 v58, v17;
	v30 =	vadd.f32 v30, v57;
	[tilespmem:s26+$0xC7C0] =	vst v22  }
0x194: {  	v63 =	vperm.xlane v20, v9;
	v23 =	vld [tilespmem:s26+$0xFFFFFDD0];
	v61 =	vmul.f32 v58, v18;
	v31 =	vadd.f32 v31, v43;
	[tilespmem:s26+$0xC7E0] =	vst v21  }
0x195: {  	v32 =	vld [tilespmem:s26+$0xFFFFFE10];
	v62 =	vmul.f32 v58, v19;
	v33 =	vadd.f32 v33, v60;
	[tilespmem:s26+$0xC7F0] =	vst v30  }
0x196: {  	v36 =	vld [tilespmem:s26+$0xFFFFFE50];
	v50 =	vmul.f32 v63, v18;
	v34 =	vadd.f32 v34, v61;
	[tilespmem:s26+$0xC800] =	vst v31  }
0x197: {  	v55 =	vmul.f32 v54, v16;
	v37 =	vld [tilespmem:s26+$0xFFFFFE60];
	v35 =	vadd.f32 v35, v62;
	[tilespmem:s26+$0xC820] =	vst v33  }
0x198: {  	v38 =	vld [tilespmem:s26+$0xFFFFFE80];
	v59 =	vmul.f32 v58, v16;
	v40 =	vadd.f32 v40, v50;
	[tilespmem:s26+$0xC830] =	vst v34  }
0x199: {  	v41 =	vld [tilespmem:s26+$0xFFFFFEA0];
	v48 =	vmul.f32 v63, v16;
	v23 =	vadd.f32 v55, v23;
	[tilespmem:s26+$0xC840] =	vst v35  }
0x19a: {  	v39 =	vld [tilespmem:s26+$0xFFFFFE90];
	v49 =	vmul.f32 v63, v17;
	v51 =	vperm.xlane v20, v10;
	v32 =	vadd.f32 v59, v32;
	[tilespmem:s26+$0xC870] =	vst v40  }
0x19b: {  	v42 =	vmul.f32 v63, v19;
	v29 =	vld [tilespmem:s26+$0xFFFFFEB0];
	v36 =	vadd.f32 v48, v36;
	[tilespmem:s26+$0xC7D0] =	vst v23  }
0x19c: {  	v28 =	vld [tilespmem:s26+$0xFFFFFEC0];
	v37 =	vadd.f32 v37, v49;
	v53 =	vmul.f32 v51, v17;
	[tilespmem:s26+$0xC810] =	vst v32  }
0x19d: {  	v27 =	vld [tilespmem:s26+$0xFFFFFED0];
	v52 =	vmul.f32 v51, v16;
	v38 =	vadd.f32 v38, v42;
	[tilespmem:s26+$0xC850] =	vst v36  }
0x19e: {  	v26 =	vld [tilespmem:s26+$0xFFFFFEE0];
	v54 =	vmul.f32 v51, v18;
	v55 =	vperm.xlane v20, v11;
	[tilespmem:s26+$0xC860] =	vst v37;
	v41 =	vadd.f32 v41, v53  }
0x19f: {  	v25 =	vld [tilespmem:s26+$0xFFFFFEF0];
	v44 =	vmul.f32 v51, v19;
	[tilespmem:s26+$0xC880] =	vst v38;
	v39 =	vadd.f32 v52, v39  }
0x1a0: {  	v22 =	vld [tilespmem:s26+$0xFFFFFF10];
	v56 =	vmul.f32 v55, v16;
	[tilespmem:s26+$0xC8A0] =	vst v41;
	v29 =	vadd.f32 v29, v54  }
0x1a1: {  	v57 =	vperm.xlane v20, v12;
	v21 =	vld [tilespmem:s26+$0xFFFFFF30];
	v45 =	vmul.f32 v55, v17;
	[tilespmem:s26+$0xC890] =	vst v39;
	v28 =	vadd.f32 v28, v44  }
0x1a2: {  	v24 =	vld [tilespmem:s26+$0xFFFFFF00];
	v58 =	vmul.f32 v55, v18;
	v27 =	vadd.f32 v56, v27;
	[tilespmem:s26+$0xC8B0] =	vst v29  }
0x1a3: {  	v60 =	vmul.f32 v57, v16;
	v23 =	vld [tilespmem:s26+$0xFFFFFF20];
	v26 =	vadd.f32 v26, v45;
	[tilespmem:s26+$0xC8C0] =	vst v28  }
0x1a4: {  	v62 =	vmul.f32 v57, v18;
	v32 =	vld [tilespmem:s26+$0xFFFFFF60];
	v25 =	vadd.f32 v25, v58;
	[tilespmem:s26+$0xC8D0] =	vst v27  }
0x1a5: {  	v63 =	vperm.xlane v20, v13;
	v33 =	vld [tilespmem:s26+$0xFFFFFF70];
	v39 =	vmul.f32 v55, v19;
	v22 =	vadd.f32 v60, v22;
	[tilespmem:s26+$0xC8E0] =	vst v26  }
0x1a6: {  	v34 =	vld [tilespmem:s26+$0xFFFFFF80];
	v61 =	vmul.f32 v57, v17;
	v21 =	vadd.f32 v21, v62;
	[tilespmem:s26+$0xC8F0] =	vst v25  }
0x1a7: {  	v35 =	vld [tilespmem:s26+$0xFFFFFF90];
	v45 =	vmul.f32 v63, v17;
	v24 =	vadd.f32 v24, v39;
	[tilespmem:s26+$0xC910] =	vst v22  }
0x1a8: {  	v46 =	vperm.xlane v20, v14;
	v47 =	vmul.f32 v63, v18;
	v37 =	vld [tilespmem:s26+$0xFFFFFFB0];
	v23 =	vadd.f32 v23, v61;
	[tilespmem:s26+$0xC930] =	vst v21  }
0x1a9: {  	v42 =	vld [tilespmem:s26+$0xFFFFFFE0];
	v48 =	vmul.f32 v63, v19;
	v25 =	vadd.f32 v32, v45;
	[tilespmem:s26+$0xC900] =	vst v24  }
0x1aa: {  	v43 =	vld [tilespmem:s26+$0xFFFFFFF0];
	v49 =	vmul.f32 v46, v16;
	v20 =	vperm.xlane v20, v15;
	v26 =	vadd.f32 v33, v47;
	[tilespmem:s26+$0xC920] =	vst v23  }
0x1ab: {  	v59 =	vld [tilespmem:s26+$0x0];
	v51 =	vmul.f32 v46, v18;
	v21 =	vadd.f32 v34, v48;
	[tilespmem:s26+$0xC960] =	vst v25  }
0x1ac: {  	v30 =	vld [tilespmem:s26+$0xFFFFFF40];
	v55 =	vmul.f32 v20, v17;
	v22 =	vadd.f32 v49, v35;
	[tilespmem:s26+$0xC970] =	vst v26  }
0x1ad: {  	v31 =	vld [tilespmem:s26+$0xFFFFFF50];
	v53 =	vmul.f32 v20, v16;
	v56 =	vmul.f32 v20, v18;
	v52 =	vadd.f32 v37, v51;
	[tilespmem:s26+$0xC980] =	vst v21  }
0x1ae: {  	v38 =	vld [tilespmem:s26+$0xFFFFFFD0];
	v20 =	vmul.f32 v20, v19;
	v29 =	vmul.f32 v57, v19;
	v57 =	vadd.f32 v42, v55;
	[tilespmem:s26+$0xC990] =	vst v22  }
0x1af: {  	v36 =	vld [tilespmem:s26+$0xFFFFFFA0];
	v58 =	vadd.f32 v43, v56;
	[tilespmem:s26+$0xC9B0] =	vst v52  }
0x1b0: {  	v40 =	vld [tilespmem:s26+$0xFFFFFFC0];
	v39 =	vmul.f32 v63, v16;
	v20 =	vadd.f32 v59, v20;
	[tilespmem:s26+$0xC9E0] =	vst v57  }
0x1b1: {  	v44 =	vadd.f32 v30, v29;
	[tilespmem:s26+$0xC9F0] =	vst v58  }
0x1b2: {  	v50 =	vmul.f32 v46, v17;
	v24 =	vadd.f32 v39, v31;
	[tilespmem:s26+$0xCA00] =	vst v20  }
0x1b3: {  	v23 =	vmul.f32 v46, v19;
	v25 =	vadd.f32 v53, v38;
	[tilespmem:s26+$0xC940] =	vst v44  }
0x1b4: {  	[tilespmem:s26+$0xC950] =	vst v24;
	v24 =	vadd.f32 v36, v50  }
0x1b5: {  	v54 =	vadd.f32 v40, v23;
	[tilespmem:s26+$0xC9D0] =	vst v25  }
0x1b6: {  	[tilespmem:s26+$0xC9A0] =	vst v24  }
0x1b7: {  	[tilespmem:s26+$0xC9C0] =	vst v54  }
0x1b8: {  	v20 =	vld [tilespmem:s28+$0x33C0];
	_ =	sdelay $0x4  }
0x1b9: {  	v20 =	vcvt.s32.f32 v20  }
0x1ba: {  	v21 =	vld [tilespmem:$0x3000]  }
0x1bb: {  	v60 =	vld [tilespmem:$0x3010];
	v59 =	vperm.xlane v20, v0  }
0x1bc: {  	v61 =	vld [tilespmem:$0x3020]  }
0x1bd: {  	v26 =	vld [tilespmem:$0x3030];
	v62 =	vmul.f32 v59, v16  }
0x1be: {  	v33 =	vld [tilespmem:$0x3040];
	v63 =	vmul.f32 v59, v17  }
0x1bf: {  	v36 =	vld [tilespmem:$0x3050];
	v35 =	vperm.xlane v20, v1;
	v34 =	vmul.f32 v59, v18;
	v21 =	vadd.f32 v62, v21  }
0x1c0: {  	v37 =	vld [tilespmem:$0x3060];
	v22 =	vmul.f32 v59, v19;
	v23 =	vadd.f32 v60, v63  }
0x1c1: {  	v40 =	vld [tilespmem:$0x3070];
	v39 =	vmul.f32 v35, v16;
	v38 =	vadd.f32 v61, v34;
	[tilespmem:$0xFA00] =	vst v21  }
0x1c2: {  	v42 =	vld [tilespmem:$0x3080];
	v41 =	vmul.f32 v35, v17;
	v22 =	vadd.f32 v26, v22;
	[tilespmem:$0xFA10] =	vst v23  }
0x1c3: {  	v46 =	vld [tilespmem:$0x3090];
	v45 =	vperm.xlane v20, v2;
	v44 =	vmul.f32 v35, v18;
	v43 =	vadd.f32 v39, v33;
	[tilespmem:$0xFA20] =	vst v38  }
0x1c4: {  	v49 =	vld [tilespmem:$0x30A0];
	v48 =	vmul.f32 v35, v19;
	v47 =	vadd.f32 v36, v41;
	[tilespmem:$0xFA30] =	vst v22  }
0x1c5: {  	v55 =	vld [tilespmem:$0x30C0];
	v51 =	vmul.f32 v45, v16;
	v50 =	vadd.f32 v37, v44;
	[tilespmem:$0xFA40] =	vst v43  }
0x1c6: {  	v52 =	vld [tilespmem:$0x30B0];
	v58 =	vperm.xlane v20, v3;
	v54 =	vmul.f32 v45, v17;
	v53 =	vadd.f32 v40, v48;
	[tilespmem:$0xFA50] =	vst v47  }
0x1c7: {  	v57 =	vmul.f32 v45, v18;
	v59 =	vld [tilespmem:$0x30D0];
	v56 =	vadd.f32 v51, v42;
	[tilespmem:$0xFA60] =	vst v50  }
0x1c8: {  	v32 =	vmul.f32 v58, v16;
	v60 =	vadd.f32 v46, v54;
	v62 =	vld [tilespmem:$0x30E0];
	[tilespmem:$0xFA70] =	vst v53  }
0x1c9: {  	v61 =	vmul.f32 v45, v19;
	v63 =	vadd.f32 v49, v57;
	v33 =	vld [tilespmem:$0x30F0];
	[tilespmem:$0xFA80] =	vst v56  }
0x1ca: {  	v35 =	vmul.f32 v58, v17;
	v36 =	vld [tilespmem:$0x3100];
	v37 =	vadd.f32 v32, v55;
	[tilespmem:$0xFA90] =	vst v60  }
0x1cb: {  	v39 =	vperm.xlane v20, v4;
	v40 =	vld [tilespmem:$0x3110];
	v34 =	vadd.f32 v52, v61;
	[tilespmem:$0xFAA0] =	vst v63;
	v38 =	vmul.f32 v58, v18  }
0x1cc: {  	v42 =	vmul.f32 v58, v19;
	v46 =	vld [tilespmem:$0x3130];
	[tilespmem:$0xFAC0] =	vst v37;
	v41 =	vadd.f32 v59, v35  }
0x1cd: {  	v49 =	vld [tilespmem:$0x3140];
	v45 =	vmul.f32 v39, v16;
	[tilespmem:$0xFAB0] =	vst v34;
	v44 =	vadd.f32 v62, v38  }
0x1ce: {  	v43 =	vld [tilespmem:$0x3120];
	v48 =	vmul.f32 v39, v17;
	v52 =	vperm.xlane v20, v5;
	[tilespmem:$0xFAD0] =	vst v41;
	v47 =	vadd.f32 v33, v42  }
0x1cf: {  	v53 =	vld [tilespmem:$0x3150];
	v55 =	vmul.f32 v39, v19;
	v50 =	vadd.f32 v45, v36;
	[tilespmem:$0xFAE0] =	vst v44  }
0x1d0: {  	v56 =	vld [tilespmem:$0x3160];
	v58 =	vmul.f32 v52, v16;
	v54 =	vadd.f32 v40, v48;
	[tilespmem:$0xFAF0] =	vst v47  }
0x1d1: {  	v51 =	vmul.f32 v39, v18;
	v59 =	vld [tilespmem:$0x3170];
	v60 =	vadd.f32 v46, v55;
	[tilespmem:$0xFB00] =	vst v50  }
0x1d2: {  	v35 =	vld [tilespmem:$0x3190];
	v61 =	vmul.f32 v52, v17;
	v63 =	vadd.f32 v58, v49;
	[tilespmem:$0xFB10] =	vst v54  }
0x1d3: {  	v34 =	vperm.xlane v20, v6;
	v62 =	vld [tilespmem:$0x3180];
	v33 =	vmul.f32 v52, v18;
	v57 =	vadd.f32 v43, v51;
	[tilespmem:$0xFB30] =	vst v60  }
0x1d4: {  	v37 =	vmul.f32 v52, v19;
	v38 =	vld [tilespmem:$0x31A0];
	v36 =	vadd.f32 v53, v61;
	[tilespmem:$0xFB40] =	vst v63  }
0x1d5: {  	v41 =	vld [tilespmem:$0x31B0];
	v39 =	vadd.f32 v56, v33;
	v43 =	vmul.f32 v34, v17;
	[tilespmem:$0xFB20] =	vst v57  }
0x1d6: {  	v40 =	vmul.f32 v34, v16;
	v44 =	vld [tilespmem:$0x31C0];
	v42 =	vadd.f32 v59, v37;
	[tilespmem:$0xFB50] =	vst v36  }
0x1d7: {  	v46 =	vmul.f32 v34, v18;
	v47 =	vld [tilespmem:$0x31D0];
	[tilespmem:$0xFB60] =	vst v39;
	v48 =	vadd.f32 v35, v43  }
0x1d8: {  	v49 =	vmul.f32 v34, v19;
	v61 =	vld [tilespmem:$0x3210];
	v45 =	vadd.f32 v40, v62;
	[tilespmem:$0xFB70] =	vst v42  }
0x1d9: {  	v59 =	vld [tilespmem:$0x3200];
	v51 =	vadd.f32 v38, v46;
	[tilespmem:$0xFB90] =	vst v48  }
0x1da: {  	v20 =	vperm.xlane v20, v7;
	v63 =	vld [tilespmem:$0x3230];
	v54 =	vadd.f32 v41, v49;
	[tilespmem:$0xFB80] =	vst v45  }
0x1db: {  	v50 =	vld [tilespmem:$0x31E0];
	[tilespmem:$0xFBA0] =	vst v51  }
0x1dc: {  	v52 =	vmul.f32 v20, v16;
	v53 =	vld [tilespmem:$0x31F0];
	[tilespmem:$0xFBB0] =	vst v54  }
0x1dd: {  	v55 =	vmul.f32 v20, v17;
	[tilespmem:$0xFC10] =	vst v61  }
0x1de: {  	v57 =	vmul.f32 v20, v18;
	v56 =	vadd.f32 v52, v44;
	[tilespmem:$0xFC00] =	vst v59  }
0x1df: {  	s21 =	sadd.s32 $0x1, s21;
	v20 =	vmul.f32 v20, v19;
	v62 =	vld [tilespmem:$0x3220];
	v58 =	vadd.f32 v47, v55;
	[tilespmem:$0xFC30] =	vst v63  }
0x1e0: {  	s25 =	sshll.u32 s25, $0x7;
	p0 =	sne.s32 s21, $0x40;
	v60 =	vadd.f32 v50, v57;
	[tilespmem:$0xFBC0] =	vst v56  }
.Ltmp3:
0x1e1: {  	s25 =	sand.u32 $0x380, s25;
	v20 =	vadd.f32 v53, v20;
	[tilespmem:$0xFBD0] =	vst v58;
	(pc) =	sbr.rel @p0 .LBB2_4-.Ltmp3, $4  }
0x1e2: {  	s24 =	sor.u32 s25, s24;
	[tilespmem:$0xFBE0] =	vst v60  }
0x1e3: {  	s24 =	sshrl.u32 s24, $0x3;
	[tilespmem:$0xFBF0] =	vst v20  }
0x1e4: {  	s22 =	sadd.s32 $0x190, s22;
	s23 =	sadd.s32 $0x190, s23;
	s24 =	sadd.s32 s6, s24;
	[tilespmem:$0xFC20] =	vst v62  }
0x1e5: {  	[hbm4b:s24+s14] =	stream.strided.scatter [tilespmem:s17], [sflag:$0x2], $0x3280, s15, s14, $0x38;
	[tilespmem:$0xFC80] =	vst v63  }
0x1e6: {  	s20 =	sadd.s32 $0x1, s20  }
0x1e7: {  	_ =	swait.ge [sflag:s18], $0x3280;
	p0 =	sne.s32 s20, s9  }
.Ltmp4:
0x1e8: {  	[sflag:s18] =	ssyncset.done $0x0;
	(pc) =	sbr.rel @p0 .LBB2_1-.Ltmp4, $4  }
0x1e9: {  	[sflag:s18] =	ssyncadd.s32 $0xFFFFCD80  }
0x1ea: {  	_ =	swait.ge [sflag:s19], $0x3280  }
0x1eb: {  	[sflag:s19] =	ssyncset.done $0x0  }
0x1ec: {  	[sflag:s19] =	ssyncadd.s32 $0xFFFFCD80  }
0x1ed: {  	_ =	sfence.sel $0x180000  }
0x1ee: {  	[bflag:$0x0] =	sbarrier.arrive $0xFFFF  }
0x1ef: {  	p0 =	sne.s32 s1, $0x0;
	_ =	strace $0x90000047  }
0x1f0: {  	s0 =	sadd.s32 @!p0 $0x100000, s0;
	[bflag:$0x2] =	sbarrier.arrive $0xFFFF  }
0x1f1: {  	[sflag:s0] =	ssyncadd.tile.s32 @!p0 $0x1;
	_ =	shalt  }
.Lfunc_end2:
_tile_overlayer_lowered:
.L_overlay_start_2:
0x1f2: {  	(tag) =	ssettag $0x2  }
0x1f3: {  	s0 =	rddreg [dreg:$0x0];
	s2 =	stileid.u32  }
0x1f4: {  	s1 =	rddreg [dreg:$0x1];
	p0 =	sne.s32 s2, $0x0  }
0x1f5: {  	s3 =	rddreg [dreg:$0x2];
	[bflag:$0x3] =	sbarrier.arrive $0xFFFF;
	s2 =	simm.s32 @!p0 $0x1C03  }
0x1f6: {  	[timem:s3], [sflag:s2] =	dma.local @!p0 [hbm:s0], s1  }
0x1f7: {  	s0 =	simm.s32 @!p0 $0x3  }
0x1f8: {  	_ =	swait.ge @!p0 [sflag:s0], s1  }
0x1f9: {  	s1 =	ssub.s32 @!p0 $0x0, s1;
	[sflag:s0] =	ssyncset.done @!p0 $0x0  }
0x1fa: {  	[sflag:s0] =	ssyncadd.s32 @!p0 s1  }
0x1fb: {  	[bflag:$0x3] =	sbarrier.arrive $0xFFFF  }
0x1fc: {  	_ =	shalt  }

</sc_bundles>
